<compile_context>
chip_gen: v7x
topology: tpu7x:2x2x1
jax: 0.10.2.dev20260603
libtpu: 0.0.44.dev20260713+nightly
codegen_flags: <defaults>
</compile_context>

<pallas_src>
import functools

import jax
import jax.numpy as jnp
from jax import lax
from jax.experimental import pallas as pl
from jax.experimental.pallas import tpu as pltpu
from jax.experimental.pallas import tpu_sc as plsc

N_V = 10000
N_HE = 2000
N_INC = 320000
D = 128
INV_SQRT_D = 0.08838834764831845
LOG2E = 1.4426950408889634
QSCALE = INV_SQRT_D * LOG2E

N_V_PAD = 10240
N_HE_PAD = 2048
NCELLS = N_V_PAD * N_HE_PAD

NC = 2
NS = 16
N_CHUNKS = 16
CCH = NCELLS // N_CHUNKS
SHARE = CCH // NS
ZB = 8192
SC_CH = 1024
N_INC_P = 327680
PER_SUB = N_INC_P // NS
SC_FULL = PER_SUB // SC_CH
NQ = SC_FULL // 4

BV = 512
BE = 128


def _sidx_body(node, hedge, s1_out):
    lane = lax.broadcasted_iota(jnp.int32, node.shape, 1)
    f1 = node[...] * N_HE_PAD + hedge[...]
    for k in range(N_CHUNKS):
        l1 = f1 - k * CCH
        s1_out[k] = jnp.where((l1 >= 0) & (l1 < CCH), l1, CCH + lane)


def _make_sidx():
    rows = N_INC_P // D
    br = rows // 5
    return pl.pallas_call(
        _sidx_body,
        grid=(5,),
        in_specs=[
            pl.BlockSpec((br, D), lambda i: (i, 0)),
            pl.BlockSpec((br, D), lambda i: (i, 0)),
        ],
        out_specs=pl.BlockSpec((N_CHUNKS, br, D), lambda i: (0, i, 0)),
        out_shape=jax.ShapeDtypeStruct((N_CHUNKS, rows, D), jnp.int32),
    )


def _count_body(s1_hbm, zc_hbm, ones_hbm, c1_hbm,
                ib0, ib1, ib2, ib3, ones_v, zbuf, chunk,
                is0, is1, is2, is3, ss0, ss1, ss2, ss3):
    cid = lax.axis_index("c")
    sid = lax.axis_index("s")
    woff = sid * PER_SUB
    ibs = (ib0, ib1, ib2, ib3)
    isems = (is0, is1, is2, is3)
    ssems = (ss0, ss1, ss2, ss3)

    pltpu.sync_copy(ones_hbm, ones_v)
    pltpu.sync_copy(zc_hbm, zbuf)

    for m in range(N_CHUNKS // NC):
        k = cid * (N_CHUNKS // NC) + m
        base = k * CCH

        for z in range(SHARE // ZB):
            pltpu.sync_copy(zbuf,
                            chunk.at[pl.ds(sid * SHARE + z * ZB, ZB)])
        plsc.subcore_barrier()

        def issue_idx(c, buf, sem):
            pltpu.async_copy(s1_hbm.at[k, pl.ds(woff + c * SC_CH, SC_CH)],
                             buf, sem)

        def wait_idx(c, buf, sem):
            pltpu.make_async_copy(
                s1_hbm.at[k, pl.ds(woff + c * SC_CH, SC_CH)],
                buf, sem).wait()

        for j in range(4):
            issue_idx(j, ibs[j], isems[j])

        def quad(q, _):
            c0 = 4 * q
            descs = []
            for j in range(4):
                wait_idx(c0 + j, ibs[j], isems[j])
                descs.append(pltpu.async_copy(ones_v, chunk.at[ibs[j]],
                                              ssems[j], add=True))
            for j in range(4):
                descs[j].wait()

                @pl.when(c0 + j + 4 < SC_FULL)
                def _():
                    issue_idx(c0 + j + 4, ibs[j], isems[j])
            return 0

        lax.fori_loop(0, NQ, quad, 0)

        plsc.subcore_barrier()
        pltpu.sync_copy(chunk.at[pl.ds(sid * SHARE, SHARE)],
                        c1_hbm.at[pl.ds(base + sid * SHARE, SHARE)])


_count_build = functools.partial(
    pl.kernel, _count_body,
    out_type=jax.ShapeDtypeStruct((NCELLS,), jnp.float32),
    mesh=plsc.VectorSubcoreMesh(core_axis_name="c", subcore_axis_name="s",
                                num_cores=NC, num_subcores=NS),
    scratch_types=[
        pltpu.VMEM((SC_CH,), jnp.int32),
        pltpu.VMEM((SC_CH,), jnp.int32),
        pltpu.VMEM((SC_CH,), jnp.int32),
        pltpu.VMEM((SC_CH,), jnp.int32),
        pltpu.VMEM((SC_CH,), jnp.float32),
        pltpu.VMEM((ZB,), jnp.float32),
        pltpu.VMEM_SHARED((CCH + SC_CH,), jnp.float32),
        pltpu.SemaphoreType.DMA,
        pltpu.SemaphoreType.DMA,
        pltpu.SemaphoreType.DMA,
        pltpu.SemaphoreType.DMA,
        pltpu.SemaphoreType.DMA,
        pltpu.SemaphoreType.DMA,
        pltpu.SemaphoreType.DMA,
        pltpu.SemaphoreType.DMA,
    ],
)()


def _proj_body(efeat, vfeat, W_in, b_in, W5, b5, W6, b6, W4, b4, W1, b1,
               ke_out, ve_out, qv_out, qe_out):
    fe = jnp.dot(efeat[...], W_in[...], preferred_element_type=jnp.float32) + b_in[...]
    ke = jnp.dot(fe, W5[...], preferred_element_type=jnp.float32) + b5[...]
    ve = jnp.dot(fe, W6[...], preferred_element_type=jnp.float32) + b6[...]
    qv = jnp.dot(vfeat[...], W4[...], preferred_element_type=jnp.float32) + b4[...]
    qe = jnp.dot(fe, W1[...], preferred_element_type=jnp.float32) + b1[...]
    ke_out[...] = ke.astype(jnp.bfloat16)
    ve_out[...] = ve.astype(jnp.bfloat16)
    qv_out[...] = (qv * QSCALE).astype(jnp.bfloat16)
    qe_out[...] = (qe * QSCALE).astype(jnp.bfloat16)


def _stage1_body(qv, ke, ve, c1, ones8, W2, b2, W3, b3,
                 fv_out, kv_out, vv_out):
    s = lax.dot_general(qv[...], ke[...], (((1,), (1,)), ((), ())),
                        preferred_element_type=jnp.float32)
    s = jnp.maximum(s, 0.01 * s)
    a = (jnp.exp2(s) * c1[...]).astype(jnp.bfloat16)
    num = lax.dot_general(a, ve[...], (((1,), (0,)), ((), ())),
                          preferred_element_type=jnp.float32)
    dn = lax.dot_general(a, ones8[...], (((1,), (0,)), ((), ())),
                         preferred_element_type=jnp.float32)
    den = dn[:, 0:1]
    fv = jnp.where(den > 0, num / den, 0.0)
    fv_out[...] = fv
    kv = jnp.dot(fv, W2[...], preferred_element_type=jnp.float32) + b2[...]
    vv = jnp.dot(fv, W3[...], preferred_element_type=jnp.float32) + b3[...]
    kv_out[...] = kv.astype(jnp.bfloat16)
    vv_out[...] = vv.astype(jnp.bfloat16)


def _stage2_body(qe, kv, vv, c1, ones8, fe_out):
    s = lax.dot_general(kv[...], qe[...], (((1,), (1,)), ((), ())),
                        preferred_element_type=jnp.float32)
    s = jnp.maximum(s, 0.01 * s)
    a = (jnp.exp2(s) * c1[...]).astype(jnp.bfloat16)
    num = lax.dot_general(a, vv[...], (((0,), (0,)), ((), ())),
                          preferred_element_type=jnp.float32)
    dn = lax.dot_general(a, ones8[...], (((0,), (0,)), ((), ())),
                         preferred_element_type=jnp.float32)
    den = dn[:, 0:1]
    fe_out[...] = jnp.where(den > 0, num / den, 0.0)


_stage1 = pl.pallas_call(
    _stage1_body,
    grid=(N_V_PAD // BV,),
    in_specs=[
        pl.BlockSpec((BV, D), lambda i: (i, 0)),
        pl.BlockSpec((N_HE_PAD, D), lambda i: (0, 0)),
        pl.BlockSpec((N_HE_PAD, D), lambda i: (0, 0)),
        pl.BlockSpec((BV, N_HE_PAD), lambda i: (i, 0)),
        pl.BlockSpec((N_HE_PAD, 8), lambda i: (0, 0)),
        pl.BlockSpec((D, D), lambda i: (0, 0)),
        pl.BlockSpec((1, D), lambda i: (0, 0)),
        pl.BlockSpec((D, D), lambda i: (0, 0)),
        pl.BlockSpec((1, D), lambda i: (0, 0)),
    ],
    out_specs=[
        pl.BlockSpec((BV, D), lambda i: (i, 0)),
        pl.BlockSpec((BV, D), lambda i: (i, 0)),
        pl.BlockSpec((BV, D), lambda i: (i, 0)),
    ],
    out_shape=[
        jax.ShapeDtypeStruct((N_V_PAD, D), jnp.float32),
        jax.ShapeDtypeStruct((N_V_PAD, D), jnp.bfloat16),
        jax.ShapeDtypeStruct((N_V_PAD, D), jnp.bfloat16),
    ],
)

_stage2 = pl.pallas_call(
    _stage2_body,
    grid=(N_HE_PAD // BE,),
    in_specs=[
        pl.BlockSpec((BE, D), lambda i: (i, 0)),
        pl.BlockSpec((N_V_PAD, D), lambda i: (0, 0)),
        pl.BlockSpec((N_V_PAD, D), lambda i: (0, 0)),
        pl.BlockSpec((N_V_PAD, BE), lambda i: (0, i)),
        pl.BlockSpec((N_V_PAD, 8), lambda i: (0, 0)),
    ],
    out_specs=pl.BlockSpec((BE, D), lambda i: (i, 0)),
    out_shape=jax.ShapeDtypeStruct((N_HE_PAD, D), jnp.float32),
)


def kernel(vfeat, efeat, inc_node, inc_hedge, W_in, b_in, W1, b1, W2, b2,
           W3, b3, W4, b4, W5, b5, W6, b6):
    f32 = jnp.float32
    bf16 = jnp.bfloat16
    b_in2, b1_2, b2_2, b3_2, b4_2, b5_2, b6_2 = (
        b.reshape(1, D) for b in (b_in, b1, b2, b3, b4, b5, b6))

    rows = N_INC_P // D
    inc_node_p = jnp.pad(inc_node, (0, N_INC_P - N_INC),
                         constant_values=N_V_PAD)
    inc_hedge_p = jnp.pad(inc_hedge, (0, N_INC_P - N_INC),
                          constant_values=N_HE_PAD)
    s1 = _make_sidx()(inc_node_p.reshape(rows, D),
                      inc_hedge_p.reshape(rows, D))
    s1 = s1.reshape(N_CHUNKS, N_INC_P)

    zc = jnp.zeros((ZB,), f32)
    ones128 = jnp.ones((SC_CH,), f32)
    c1f = _count_build(s1, zc, ones128)
    c1 = c1f.reshape(N_V_PAD, N_HE_PAD)

    ef_p = jnp.pad(efeat, ((0, N_HE_PAD - N_HE), (0, 0)))
    vf_p = jnp.pad(vfeat, ((0, N_V_PAD - N_V), (0, 0)))

    kebf, vebf, qvbf, qebf = pl.pallas_call(
        _proj_body,
        out_shape=[
            jax.ShapeDtypeStruct((N_HE_PAD, D), bf16),
            jax.ShapeDtypeStruct((N_HE_PAD, D), bf16),
            jax.ShapeDtypeStruct((N_V_PAD, D), bf16),
            jax.ShapeDtypeStruct((N_HE_PAD, D), bf16),
        ],
    )(ef_p, vf_p, W_in, b_in2, W5, b5_2, W6, b6_2, W4, b4_2, W1, b1_2)

    ones8e = jnp.ones((N_HE_PAD, 8), bf16)
    ones8v = jnp.ones((N_V_PAD, 8), bf16)

    feat_v, kvbf, vvbf = _stage1(qvbf, kebf, vebf, c1, ones8e,
                                 W2, b2_2, W3, b3_2)
    feat_e2 = _stage2(qebf, kvbf, vvbf, c1, ones8v)

    return feat_v[:N_V], feat_e2[:N_HE]

# --- scband reference (transcript-rebuilt; emitter-appended) ---
"""Pipeline reference for scband-seq-hy-gan-89111981457968 (READ-ONLY COPY).

The authoritative reference and input builder live on the scoring server;
editing this copy changes nothing except your own understanding.
"""

import jax, jax.numpy as jnp
import numpy as np

N_V = 10000
N_HE = 2000
N_INC = 320000
I_D = 128
V_D = 128
E_D = 128
Q_D = 128


def _lin(k, din, dout):
    k1, k2 = jax.random.split(k)
    W = jax.random.normal(k1, (din, dout), jnp.float32) * 0.02
    b = jax.random.normal(k2, (dout,), jnp.float32) * 0.02
    return W, b


def setup_inputs(seed: int = 0) -> dict:
    key = jax.random.key(seed)
    ks = jax.random.split(key, 12)
    vfeat = jax.random.normal(ks[0], (N_V, V_D), jnp.float32)
    efeat = jax.random.normal(ks[1], (N_HE, I_D), jnp.float32)
    inc_node = jax.random.randint(ks[2], (N_INC,), 0, N_V, dtype=jnp.int32)
    inc_hedge = jax.random.randint(ks[3], (N_INC,), 0, N_HE, dtype=jnp.int32)
    W_in, b_in = _lin(ks[4], I_D, V_D)
    W1, b1 = _lin(ks[5], E_D, Q_D)
    W2, b2 = _lin(ks[6], V_D, Q_D)
    W3, b3 = _lin(ks[7], V_D, E_D)
    W4, b4 = _lin(ks[8], V_D, Q_D)
    W5, b5 = _lin(ks[9], E_D, Q_D)
    W6, b6 = _lin(ks[10], E_D, V_D)
    return {"vfeat": vfeat, "efeat": efeat, "inc_node": inc_node, "inc_hedge": inc_hedge,
            "W_in": W_in, "b_in": b_in, "W1": W1, "b1": b1, "W2": W2, "b2": b2,
            "W3": W3, "b3": b3, "W4": W4, "b4": b4, "W5": W5, "b5": b5,
            "W6": W6, "b6": b6}


def _segment_softmax(scores, seg, num_segments):
    m = jax.ops.segment_max(scores, seg, num_segments=num_segments)
    m = jnp.where(jnp.isfinite(m), m, 0.0)
    e = jnp.exp(scores - m[seg])
    s = jax.ops.segment_sum(e, seg, num_segments=num_segments)
    return e / s[seg]


def reference(vfeat, efeat, inc_node, inc_hedge, W_in, b_in, W1, b1, W2, b2, W3, b3, W4, b4, W5, b5, W6, b6):
    # first_layer=True path: feat_e = first_layer_in(efeat)
    feat_e = efeat @ W_in + b_in
    # etype 'con': src = hyperedge ('edge' ntype), dst = vertex ('node' ntype)
    k_e = feat_e @ W5 + b5
    v_e = feat_e @ W6 + b6
    q_v = vfeat @ W4 + b4
    attn = jax.nn.leaky_relu(jnp.sum(k_e[inc_hedge] * q_v[inc_node], axis=-1))
    attn = attn / np.sqrt(Q_D)
    a = _segment_softmax(attn, inc_node, N_V)
    feat_v = jax.ops.segment_sum(a[:, None] * v_e[inc_hedge], inc_node, num_segments=N_V)
    # etype 'in': src = vertex, dst = hyperedge
    k_v = feat_v @ W2 + b2
    v_v = feat_v @ W3 + b3
    q_e = feat_e @ W1 + b1
    attn2 = jax.nn.leaky_relu(jnp.sum(k_v[inc_node] * q_e[inc_hedge], axis=-1))
    attn2 = attn2 / np.sqrt(Q_D)
    a2 = _segment_softmax(attn2, inc_hedge, N_HE)
    feat_e2 = jax.ops.segment_sum(a2[:, None] * v_v[inc_node], inc_hedge, num_segments=N_HE)
    # last_layer=False path: return (feat_v, feat_e); dropout treated as identity (eval)
    return feat_v, feat_e2

if __name__ == "__main__":
    import jax
    _d = setup_inputs()
    print(jax.jit(kernel)(*tuple(_d.values())))

</pallas_src>

<mosaic_0001>
#map = affine_map<(d0, d1) -> (0, 0)>
#map1 = affine_map<(d0, d1) -> (0)>
module attributes {stable_mosaic.version = 14 : i64} {
  func.func @_count_body(%arg0: i32, %arg1: i32, %arg2: memref<16x327680xi32, #tpu.memory_space<hbm>>, %arg3: memref<8192xf32, #tpu.memory_space<hbm>>, %arg4: memref<1024xf32, #tpu.memory_space<hbm>>, %arg5: memref<20971520xf32, #tpu.memory_space<hbm>>, %arg6: memref<1024xi32, #tpu.memory_space<vmem>>, %arg7: memref<1024xi32, #tpu.memory_space<vmem>>, %arg8: memref<1024xi32, #tpu.memory_space<vmem>>, %arg9: memref<1024xi32, #tpu.memory_space<vmem>>, %arg10: memref<1024xf32, #tpu.memory_space<vmem>>, %arg11: memref<8192xf32, #tpu.memory_space<vmem>>, %arg12: memref<1311744xf32, #tpu.memory_space<vmem_shared>>, %arg13: memref<!tpu.dma_semaphore, #tpu.memory_space<semaphore_mem>>, %arg14: memref<!tpu.dma_semaphore, #tpu.memory_space<semaphore_mem>>, %arg15: memref<!tpu.dma_semaphore, #tpu.memory_space<semaphore_mem>>, %arg16: memref<!tpu.dma_semaphore, #tpu.memory_space<semaphore_mem>>, %arg17: memref<!tpu.dma_semaphore, #tpu.memory_space<semaphore_mem>>, %arg18: memref<!tpu.dma_semaphore, #tpu.memory_space<semaphore_mem>>, %arg19: memref<!tpu.dma_semaphore, #tpu.memory_space<semaphore_mem>>, %arg20: memref<!tpu.dma_semaphore, #tpu.memory_space<semaphore_mem>>) attributes {dimension_semantics = [#tpu.dimension_semantics<core_parallel>, #tpu.dimension_semantics<subcore_parallel>], iteration_bounds = array<i64: 2, 16>, scalar_prefetch = 0 : i64, scratch_operands = 15 : i64, tpu.core_type = #tpu.core_type<sc_vector_subcore>, window_params = [{transform_indices = #map}, {transform_indices = #map1}, {transform_indices = #map1}, {transform_indices = #map1}]} {
    %mul3A = arith.constant 20480 : i32
    %mul3A_0 = arith.muli %arg1, %mul3A : i32
    "tpu.region"() ({
      %run_scoped3A = tpu.sem_alloc : memref<!tpu.dma_semaphore, #tpu.memory_space<semaphore_mem>>
      tpu.enqueue_dma source(%arg4 : memref<1024xf32, #tpu.memory_space<hbm>>) target(%arg10 : memref<1024xf32, #tpu.memory_space<vmem>>) target_semaphore(%run_scoped3A : memref<!tpu.dma_semaphore, #tpu.memory_space<semaphore_mem>>)
      tpu.wait_dma2 semaphore(%run_scoped3A : memref<!tpu.dma_semaphore, #tpu.memory_space<semaphore_mem>>) src(%arg4 : memref<1024xf32, #tpu.memory_space<hbm>>) dst(%arg10 : memref<1024xf32, #tpu.memory_space<vmem>>)
      tpu.yield
    }) : () -> ()
    "tpu.region"() ({
      %run_scoped3A = tpu.sem_alloc : memref<!tpu.dma_semaphore, #tpu.memory_space<semaphore_mem>>
      tpu.enqueue_dma source(%arg3 : memref<8192xf32, #tpu.memory_space<hbm>>) target(%arg11 : memref<8192xf32, #tpu.memory_space<vmem>>) target_semaphore(%run_scoped3A : memref<!tpu.dma_semaphore, #tpu.memory_space<semaphore_mem>>)
      tpu.wait_dma2 semaphore(%run_scoped3A : memref<!tpu.dma_semaphore, #tpu.memory_space<semaphore_mem>>) src(%arg3 : memref<8192xf32, #tpu.memory_space<hbm>>) dst(%arg11 : memref<8192xf32, #tpu.memory_space<vmem>>)
      tpu.yield
    }) : () -> ()
    %mul3A_1 = arith.constant 8 : i32
    %mul3A_2 = arith.muli %arg0, %mul3A_1 : i32
    %add3A = arith.constant 0 : i32
    %add3A_3 = arith.addi %mul3A_2, %add3A : i32
    %mul3A_4 = arith.constant 1310720 : i32
    %mul3A_5 = arith.muli %add3A_3, %mul3A_4 : i32
    %mul3A_6 = arith.constant 81920 : i32
    %mul3A_7 = arith.muli %arg1, %mul3A_6 : i32
    %add3A_8 = arith.constant 0 : i32
    %add3A_9 = arith.addi %mul3A_7, %add3A_8 : i32
    "tpu.region"() ({
      %run_scoped3A = tpu.sem_alloc : memref<!tpu.dma_semaphore, #tpu.memory_space<semaphore_mem>>
      %dma_start3A_669 = tpu.memref_slice %arg12[%add3A_9] : memref<1311744xf32, #tpu.memory_space<vmem_shared>> -> memref<8192xf32, #tpu.memory_space<vmem_shared>>
      %dma_start3A_670 = tpu.memref_slice %arg12[%add3A_9] : memref<1311744xf32, #tpu.memory_space<vmem_shared>> -> memref<8192xf32, #tpu.memory_space<vmem_shared>>
      tpu.enqueue_dma source(%arg11 : memref<8192xf32, #tpu.memory_space<vmem>>) target(%dma_start3A_670 : memref<8192xf32, #tpu.memory_space<vmem_shared>>) target_semaphore(%run_scoped3A : memref<!tpu.dma_semaphore, #tpu.memory_space<semaphore_mem>>)
      %dma_wait3A = tpu.memref_slice %arg12[%add3A_9] : memref<1311744xf32, #tpu.memory_space<vmem_shared>> -> memref<8192xf32, #tpu.memory_space<vmem_shared>>
      %dma_wait3A_671 = tpu.memref_slice %arg12[%add3A_9] : memref<1311744xf32, #tpu.memory_space<vmem_shared>> -> memref<8192xf32, #tpu.memory_space<vmem_shared>>
      tpu.wait_dma2 semaphore(%run_scoped3A : memref<!tpu.dma_semaphore, #tpu.memory_space<semaphore_mem>>) src(%arg11 : memref<8192xf32, #tpu.memory_space<vmem>>) dst(%dma_wait3A_671 : memref<8192xf32, #tpu.memory_space<vmem_shared>>)
      tpu.yield
    }) : () -> ()
    %mul3A_10 = arith.constant 81920 : i32
    %mul3A_11 = arith.muli %arg1, %mul3A_10 : i32
    %add3A_12 = arith.constant 8192 : i32
    %add3A_13 = arith.addi %mul3A_11, %add3A_12 : i32
    "tpu.region"() ({
      %run_scoped3A = tpu.sem_alloc : memref<!tpu.dma_semaphore, #tpu.memory_space<semaphore_mem>>
      %dma_start3A_669 = tpu.memref_slice %arg12[%add3A_13] : memref<1311744xf32, #tpu.memory_space<vmem_shared>> -> memref<8192xf32, #tpu.memory_space<vmem_shared>>
      %dma_start3A_670 = tpu.memref_slice %arg12[%add3A_13] : memref<1311744xf32, #tpu.memory_space<vmem_shared>> -> memref<8192xf32, #tpu.memory_space<vmem_shared>>
      tpu.enqueue_dma source(%arg11 : memref<8192xf32, #tpu.memory_space<vmem>>) target(%dma_start3A_670 : memref<8192xf32, #tpu.memory_space<vmem_shared>>) target_semaphore(%run_scoped3A : memref<!tpu.dma_semaphore, #tpu.memory_space<semaphore_mem>>)
      %dma_wait3A = tpu.memref_slice %arg12[%add3A_13] : memref<1311744xf32, #tpu.memory_space<vmem_shared>> -> memref<8192xf32, #tpu.memory_space<vmem_shared>>
      %dma_wait3A_671 = tpu.memref_slice %arg12[%add3A_13] : memref<1311744xf32, #tpu.memory_space<vmem_shared>> -> memref<8192xf32, #tpu.memory_space<vmem_shared>>
      tpu.wait_dma2 semaphore(%run_scoped3A : memref<!tpu.dma_semaphore, #tpu.memory_space<semaphore_mem>>) src(%arg11 : memref<8192xf32, #tpu.memory_space<vmem>>) dst(%dma_wait3A_671 : memref<8192xf32, #tpu.memory_space<vmem_shared>>)
      tpu.yield
    }) : () -> ()
    %mul3A_14 = arith.constant 81920 : i32
    %mul3A_15 = arith.muli %arg1, %mul3A_14 : i32
    %add3A_16 = arith.constant 16384 : i32
    %add3A_17 = arith.addi %mul3A_15, %add3A_16 : i32
    "tpu.region"() ({
      %run_scoped3A = tpu.sem_alloc : memref<!tpu.dma_semaphore, #tpu.memory_space<semaphore_mem>>
      %dma_start3A_669 = tpu.memref_slice %arg12[%add3A_17] : memref<1311744xf32, #tpu.memory_space<vmem_shared>> -> memref<8192xf32, #tpu.memory_space<vmem_shared>>
      %dma_start3A_670 = tpu.memref_slice %arg12[%add3A_17] : memref<1311744xf32, #tpu.memory_space<vmem_shared>> -> memref<8192xf32, #tpu.memory_space<vmem_shared>>
      tpu.enqueue_dma source(%arg11 : memref<8192xf32, #tpu.memory_space<vmem>>) target(%dma_start3A_670 : memref<8192xf32, #tpu.memory_space<vmem_shared>>) target_semaphore(%run_scoped3A : memref<!tpu.dma_semaphore, #tpu.memory_space<semaphore_mem>>)
      %dma_wait3A = tpu.memref_slice %arg12[%add3A_17] : memref<1311744xf32, #tpu.memory_space<vmem_shared>> -> memref<8192xf32, #tpu.memory_space<vmem_shared>>
      %dma_wait3A_671 = tpu.memref_slice %arg12[%add3A_17] : memref<1311744xf32, #tpu.memory_space<vmem_shared>> -> memref<8192xf32, #tpu.memory_space<vmem_shared>>
      tpu.wait_dma2 semaphore(%run_scoped3A : memref<!tpu.dma_semaphore, #tpu.memory_space<semaphore_mem>>) src(%arg11 : memref<8192xf32, #tpu.memory_space<vmem>>) dst(%dma_wait3A_671 : memref<8192xf32, #tpu.memory_space<vmem_shared>>)
      tpu.yield
    }) : () -> ()
    %mul3A_18 = arith.constant 81920 : i32
    %mul3A_19 = arith.muli %arg1, %mul3A_18 : i32
    %add3A_20 = arith.constant 24576 : i32
    %add3A_21 = arith.addi %mul3A_19, %add3A_20 : i32
    "tpu.region"() ({
      %run_scoped3A = tpu.sem_alloc : memref<!tpu.dma_semaphore, #tpu.memory_space<semaphore_mem>>
      %dma_start3A_669 = tpu.memref_slice %arg12[%add3A_21] : memref<1311744xf32, #tpu.memory_space<vmem_shared>> -> memref<8192xf32, #tpu.memory_space<vmem_shared>>
      %dma_start3A_670 = tpu.memref_slice %arg12[%add3A_21] : memref<1311744xf32, #tpu.memory_space<vmem_shared>> -> memref<8192xf32, #tpu.memory_space<vmem_shared>>
      tpu.enqueue_dma source(%arg11 : memref<8192xf32, #tpu.memory_space<vmem>>) target(%dma_start3A_670 : memref<8192xf32, #tpu.memory_space<vmem_shared>>) target_semaphore(%run_scoped3A : memref<!tpu.dma_semaphore, #tpu.memory_space<semaphore_mem>>)
      %dma_wait3A = tpu.memref_slice %arg12[%add3A_21] : memref<1311744xf32, #tpu.memory_space<vmem_shared>> -> memref<8192xf32, #tpu.memory_space<vmem_shared>>
      %dma_wait3A_671 = tpu.memref_slice %arg12[%add3A_21] : memref<1311744xf32, #tpu.memory_space<vmem_shared>> -> memref<8192xf32, #tpu.memory_space<vmem_shared>>
      tpu.wait_dma2 semaphore(%run_scoped3A : memref<!tpu.dma_semaphore, #tpu.memory_space<semaphore_mem>>) src(%arg11 : memref<8192xf32, #tpu.memory_space<vmem>>) dst(%dma_wait3A_671 : memref<8192xf32, #tpu.memory_space<vmem_shared>>)
      tpu.yield
    }) : () -> ()
    %mul3A_22 = arith.constant 81920 : i32
    %mul3A_23 = arith.muli %arg1, %mul3A_22 : i32
    %add3A_24 = arith.constant 32768 : i32
    %add3A_25 = arith.addi %mul3A_23, %add3A_24 : i32
    "tpu.region"() ({
      %run_scoped3A = tpu.sem_alloc : memref<!tpu.dma_semaphore, #tpu.memory_space<semaphore_mem>>
      %dma_start3A_669 = tpu.memref_slice %arg12[%add3A_25] : memref<1311744xf32, #tpu.memory_space<vmem_shared>> -> memref<8192xf32, #tpu.memory_space<vmem_shared>>
      %dma_start3A_670 = tpu.memref_slice %arg12[%add3A_25] : memref<1311744xf32, #tpu.memory_space<vmem_shared>> -> memref<8192xf32, #tpu.memory_space<vmem_shared>>
      tpu.enqueue_dma source(%arg11 : memref<8192xf32, #tpu.memory_space<vmem>>) target(%dma_start3A_670 : memref<8192xf32, #tpu.memory_space<vmem_shared>>) target_semaphore(%run_scoped3A : memref<!tpu.dma_semaphore, #tpu.memory_space<semaphore_mem>>)
      %dma_wait3A = tpu.memref_slice %arg12[%add3A_25] : memref<1311744xf32, #tpu.memory_space<vmem_shared>> -> memref<8192xf32, #tpu.memory_space<vmem_shared>>
      %dma_wait3A_671 = tpu.memref_slice %arg12[%add3A_25] : memref<1311744xf32, #tpu.memory_space<vmem_shared>> -> memref<8192xf32, #tpu.memory_space<vmem_shared>>
      tpu.wait_dma2 semaphore(%run_scoped3A : memref<!tpu.dma_semaphore, #tpu.memory_space<semaphore_mem>>) src(%arg11 : memref<8192xf32, #tpu.memory_space<vmem>>) dst(%dma_wait3A_671 : memref<8192xf32, #tpu.memory_space<vmem_shared>>)
      tpu.yield
    }) : () -> ()
    %mul3A_26 = arith.constant 81920 : i32
    %mul3A_27 = arith.muli %arg1, %mul3A_26 : i32
    %add3A_28 = arith.constant 40960 : i32
    %add3A_29 = arith.addi %mul3A_27, %add3A_28 : i32
    "tpu.region"() ({
      %run_scoped3A = tpu.sem_alloc : memref<!tpu.dma_semaphore, #tpu.memory_space<semaphore_mem>>
      %dma_start3A_669 = tpu.memref_slice %arg12[%add3A_29] : memref<1311744xf32, #tpu.memory_space<vmem_shared>> -> memref<8192xf32, #tpu.memory_space<vmem_shared>>
      %dma_start3A_670 = tpu.memref_slice %arg12[%add3A_29] : memref<1311744xf32, #tpu.memory_space<vmem_shared>> -> memref<8192xf32, #tpu.memory_space<vmem_shared>>
      tpu.enqueue_dma source(%arg11 : memref<8192xf32, #tpu.memory_space<vmem>>) target(%dma_start3A_670 : memref<8192xf32, #tpu.memory_space<vmem_shared>>) target_semaphore(%run_scoped3A : memref<!tpu.dma_semaphore, #tpu.memory_space<semaphore_mem>>)
      %dma_wait3A = tpu.memref_slice %arg12[%add3A_29] : memref<1311744xf32, #tpu.memory_space<vmem_shared>> -> memref<8192xf32, #tpu.memory_space<vmem_shared>>
      %dma_wait3A_671 = tpu.memref_slice %arg12[%add3A_29] : memref<1311744xf32, #tpu.memory_space<vmem_shared>> -> memref<8192xf32, #tpu.memory_space<vmem_shared>>
      tpu.wait_dma2 semaphore(%run_scoped3A : memref<!tpu.dma_semaphore, #tpu.memory_space<semaphore_mem>>) src(%arg11 : memref<8192xf32, #tpu.memory_space<vmem>>) dst(%dma_wait3A_671 : memref<8192xf32, #tpu.memory_space<vmem_shared>>)
      tpu.yield
    }) : () -> ()
    %mul3A_30 = arith.constant 81920 : i32
    %mul3A_31 = arith.muli %arg1, %mul3A_30 : i32
    %add3A_32 = arith.constant 49152 : i32
    %add3A_33 = arith.addi %mul3A_31, %add3A_32 : i32
    "tpu.region"() ({
      %run_scoped3A = tpu.sem_alloc : memref<!tpu.dma_semaphore, #tpu.memory_space<semaphore_mem>>
      %dma_start3A_669 = tpu.memref_slice %arg12[%add3A_33] : memref<1311744xf32, #tpu.memory_space<vmem_shared>> -> memref<8192xf32, #tpu.memory_space<vmem_shared>>
      %dma_start3A_670 = tpu.memref_slice %arg12[%add3A_33] : memref<1311744xf32, #tpu.memory_space<vmem_shared>> -> memref<8192xf32, #tpu.memory_space<vmem_shared>>
      tpu.enqueue_dma source(%arg11 : memref<8192xf32, #tpu.memory_space<vmem>>) target(%dma_start3A_670 : memref<8192xf32, #tpu.memory_space<vmem_shared>>) target_semaphore(%run_scoped3A : memref<!tpu.dma_semaphore, #tpu.memory_space<semaphore_mem>>)
      %dma_wait3A = tpu.memref_slice %arg12[%add3A_33] : memref<1311744xf32, #tpu.memory_space<vmem_shared>> -> memref<8192xf32, #tpu.memory_space<vmem_shared>>
      %dma_wait3A_671 = tpu.memref_slice %arg12[%add3A_33] : memref<1311744xf32, #tpu.memory_space<vmem_shared>> -> memref<8192xf32, #tpu.memory_space<vmem_shared>>
      tpu.wait_dma2 semaphore(%run_scoped3A : memref<!tpu.dma_semaphore, #tpu.memory_space<semaphore_mem>>) src(%arg11 : memref<8192xf32, #tpu.memory_space<vmem>>) dst(%dma_wait3A_671 : memref<8192xf32, #tpu.memory_space<vmem_shared>>)
      tpu.yield
    }) : () -> ()
    %mul3A_34 = arith.constant 81920 : i32
    %mul3A_35 = arith.muli %arg1, %mul3A_34 : i32
    %add3A_36 = arith.constant 57344 : i32
    %add3A_37 = arith.addi %mul3A_35, %add3A_36 : i32
    "tpu.region"() ({
      %run_scoped3A = tpu.sem_alloc : memref<!tpu.dma_semaphore, #tpu.memory_space<semaphore_mem>>
      %dma_start3A_669 = tpu.memref_slice %arg12[%add3A_37] : memref<1311744xf32, #tpu.memory_space<vmem_shared>> -> memref<8192xf32, #tpu.memory_space<vmem_shared>>
      %dma_start3A_670 = tpu.memref_slice %arg12[%add3A_37] : memref<1311744xf32, #tpu.memory_space<vmem_shared>> -> memref<8192xf32, #tpu.memory_space<vmem_shared>>
      tpu.enqueue_dma source(%arg11 : memref<8192xf32, #tpu.memory_space<vmem>>) target(%dma_start3A_670 : memref<8192xf32, #tpu.memory_space<vmem_shared>>) target_semaphore(%run_scoped3A : memref<!tpu.dma_semaphore, #tpu.memory_space<semaphore_mem>>)
      %dma_wait3A = tpu.memref_slice %arg12[%add3A_37] : memref<1311744xf32, #tpu.memory_space<vmem_shared>> -> memref<8192xf32, #tpu.memory_space<vmem_shared>>
      %dma_wait3A_671 = tpu.memref_slice %arg12[%add3A_37] : memref<1311744xf32, #tpu.memory_space<vmem_shared>> -> memref<8192xf32, #tpu.memory_space<vmem_shared>>
      tpu.wait_dma2 semaphore(%run_scoped3A : memref<!tpu.dma_semaphore, #tpu.memory_space<semaphore_mem>>) src(%arg11 : memref<8192xf32, #tpu.memory_space<vmem>>) dst(%dma_wait3A_671 : memref<8192xf32, #tpu.memory_space<vmem_shared>>)
      tpu.yield
    }) : () -> ()
    %mul3A_38 = arith.constant 81920 : i32
    %mul3A_39 = arith.muli %arg1, %mul3A_38 : i32
    %add3A_40 = arith.constant 65536 : i32
    %add3A_41 = arith.addi %mul3A_39, %add3A_40 : i32
    "tpu.region"() ({
      %run_scoped3A = tpu.sem_alloc : memref<!tpu.dma_semaphore, #tpu.memory_space<semaphore_mem>>
      %dma_start3A_669 = tpu.memref_slice %arg12[%add3A_41] : memref<1311744xf32, #tpu.memory_space<vmem_shared>> -> memref<8192xf32, #tpu.memory_space<vmem_shared>>
      %dma_start3A_670 = tpu.memref_slice %arg12[%add3A_41] : memref<1311744xf32, #tpu.memory_space<vmem_shared>> -> memref<8192xf32, #tpu.memory_space<vmem_shared>>
      tpu.enqueue_dma source(%arg11 : memref<8192xf32, #tpu.memory_space<vmem>>) target(%dma_start3A_670 : memref<8192xf32, #tpu.memory_space<vmem_shared>>) target_semaphore(%run_scoped3A : memref<!tpu.dma_semaphore, #tpu.memory_space<semaphore_mem>>)
      %dma_wait3A = tpu.memref_slice %arg12[%add3A_41] : memref<1311744xf32, #tpu.memory_space<vmem_shared>> -> memref<8192xf32, #tpu.memory_space<vmem_shared>>
      %dma_wait3A_671 = tpu.memref_slice %arg12[%add3A_41] : memref<1311744xf32, #tpu.memory_space<vmem_shared>> -> memref<8192xf32, #tpu.memory_space<vmem_shared>>
      tpu.wait_dma2 semaphore(%run_scoped3A : memref<!tpu.dma_semaphore, #tpu.memory_space<semaphore_mem>>) src(%arg11 : memref<8192xf32, #tpu.memory_space<vmem>>) dst(%dma_wait3A_671 : memref<8192xf32, #tpu.memory_space<vmem_shared>>)
      tpu.yield
    }) : () -> ()
    %mul3A_42 = arith.constant 81920 : i32
    %mul3A_43 = arith.muli %arg1, %mul3A_42 : i32
    %add3A_44 = arith.constant 73728 : i32
    %add3A_45 = arith.addi %mul3A_43, %add3A_44 : i32
    "tpu.region"() ({
      %run_scoped3A = tpu.sem_alloc : memref<!tpu.dma_semaphore, #tpu.memory_space<semaphore_mem>>
      %dma_start3A_669 = tpu.memref_slice %arg12[%add3A_45] : memref<1311744xf32, #tpu.memory_space<vmem_shared>> -> memref<8192xf32, #tpu.memory_space<vmem_shared>>
      %dma_start3A_670 = tpu.memref_slice %arg12[%add3A_45] : memref<1311744xf32, #tpu.memory_space<vmem_shared>> -> memref<8192xf32, #tpu.memory_space<vmem_shared>>
      tpu.enqueue_dma source(%arg11 : memref<8192xf32, #tpu.memory_space<vmem>>) target(%dma_start3A_670 : memref<8192xf32, #tpu.memory_space<vmem_shared>>) target_semaphore(%run_scoped3A : memref<!tpu.dma_semaphore, #tpu.memory_space<semaphore_mem>>)
      %dma_wait3A = tpu.memref_slice %arg12[%add3A_45] : memref<1311744xf32, #tpu.memory_space<vmem_shared>> -> memref<8192xf32, #tpu.memory_space<vmem_shared>>
      %dma_wait3A_671 = tpu.memref_slice %arg12[%add3A_45] : memref<1311744xf32, #tpu.memory_space<vmem_shared>> -> memref<8192xf32, #tpu.memory_space<vmem_shared>>
      tpu.wait_dma2 semaphore(%run_scoped3A : memref<!tpu.dma_semaphore, #tpu.memory_space<semaphore_mem>>) src(%arg11 : memref<8192xf32, #tpu.memory_space<vmem>>) dst(%dma_wait3A_671 : memref<8192xf32, #tpu.memory_space<vmem_shared>>)
      tpu.yield
    }) : () -> ()
    %barrier3A = arith.constant 0 : index
    tpu.barrier barrier_id(%barrier3A)
    %add3A_46 = arith.constant 0 : i32
    %add3A_47 = arith.addi %mul3A_0, %add3A_46 : i32
    %dma_start3A = tpu.memref_slice %arg2[%add3A_3, %add3A_47] : memref<16x327680xi32, #tpu.memory_space<hbm>> -> memref<1x1024xi32, #tpu.memory_space<hbm>>
    %dma_start3A_48 = tpu.memref_squeeze %dma_start3A : memref<1x1024xi32, #tpu.memory_space<hbm>> -> memref<1024xi32, #tpu.memory_space<hbm>>
    %dma_start3A_49 = tpu.memref_slice %arg2[%add3A_3, %add3A_47] : memref<16x327680xi32, #tpu.memory_space<hbm>> -> memref<1x1024xi32, #tpu.memory_space<hbm>>
    %dma_start3A_50 = tpu.memref_squeeze %dma_start3A_49 : memref<1x1024xi32, #tpu.memory_space<hbm>> -> memref<1024xi32, #tpu.memory_space<hbm>>
    tpu.enqueue_dma source(%dma_start3A_50 : memref<1024xi32, #tpu.memory_space<hbm>>) target(%arg6 : memref<1024xi32, #tpu.memory_space<vmem>>) target_semaphore(%arg13 : memref<!tpu.dma_semaphore, #tpu.memory_space<semaphore_mem>>)
    %add3A_51 = arith.constant 1024 : i32
    %add3A_52 = arith.addi %mul3A_0, %add3A_51 : i32
    %dma_start3A_53 = tpu.memref_slice %arg2[%add3A_3, %add3A_52] : memref<16x327680xi32, #tpu.memory_space<hbm>> -> memref<1x1024xi32, #tpu.memory_space<hbm>>
    %dma_start3A_54 = tpu.memref_squeeze %dma_start3A_53 : memref<1x1024xi32, #tpu.memory_space<hbm>> -> memref<1024xi32, #tpu.memory_space<hbm>>
    %dma_start3A_55 = tpu.memref_slice %arg2[%add3A_3, %add3A_52] : memref<16x327680xi32, #tpu.memory_space<hbm>> -> memref<1x1024xi32, #tpu.memory_space<hbm>>
    %dma_start3A_56 = tpu.memref_squeeze %dma_start3A_55 : memref<1x1024xi32, #tpu.memory_space<hbm>> -> memref<1024xi32, #tpu.memory_space<hbm>>
    tpu.enqueue_dma source(%dma_start3A_56 : memref<1024xi32, #tpu.memory_space<hbm>>) target(%arg7 : memref<1024xi32, #tpu.memory_space<vmem>>) target_semaphore(%arg14 : memref<!tpu.dma_semaphore, #tpu.memory_space<semaphore_mem>>)
    %add3A_57 = arith.constant 2048 : i32
    %add3A_58 = arith.addi %mul3A_0, %add3A_57 : i32
    %dma_start3A_59 = tpu.memref_slice %arg2[%add3A_3, %add3A_58] : memref<16x327680xi32, #tpu.memory_space<hbm>> -> memref<1x1024xi32, #tpu.memory_space<hbm>>
    %dma_start3A_60 = tpu.memref_squeeze %dma_start3A_59 : memref<1x1024xi32, #tpu.memory_space<hbm>> -> memref<1024xi32, #tpu.memory_space<hbm>>
    %dma_start3A_61 = tpu.memref_slice %arg2[%add3A_3, %add3A_58] : memref<16x327680xi32, #tpu.memory_space<hbm>> -> memref<1x1024xi32, #tpu.memory_space<hbm>>
    %dma_start3A_62 = tpu.memref_squeeze %dma_start3A_61 : memref<1x1024xi32, #tpu.memory_space<hbm>> -> memref<1024xi32, #tpu.memory_space<hbm>>
    tpu.enqueue_dma source(%dma_start3A_62 : memref<1024xi32, #tpu.memory_space<hbm>>) target(%arg8 : memref<1024xi32, #tpu.memory_space<vmem>>) target_semaphore(%arg15 : memref<!tpu.dma_semaphore, #tpu.memory_space<semaphore_mem>>)
    %add3A_63 = arith.constant 3072 : i32
    %add3A_64 = arith.addi %mul3A_0, %add3A_63 : i32
    %dma_start3A_65 = tpu.memref_slice %arg2[%add3A_3, %add3A_64] : memref<16x327680xi32, #tpu.memory_space<hbm>> -> memref<1x1024xi32, #tpu.memory_space<hbm>>
    %dma_start3A_66 = tpu.memref_squeeze %dma_start3A_65 : memref<1x1024xi32, #tpu.memory_space<hbm>> -> memref<1024xi32, #tpu.memory_space<hbm>>
    %dma_start3A_67 = tpu.memref_slice %arg2[%add3A_3, %add3A_64] : memref<16x327680xi32, #tpu.memory_space<hbm>> -> memref<1x1024xi32, #tpu.memory_space<hbm>>
    %dma_start3A_68 = tpu.memref_squeeze %dma_start3A_67 : memref<1x1024xi32, #tpu.memory_space<hbm>> -> memref<1024xi32, #tpu.memory_space<hbm>>
    tpu.enqueue_dma source(%dma_start3A_68 : memref<1024xi32, #tpu.memory_space<hbm>>) target(%arg9 : memref<1024xi32, #tpu.memory_space<vmem>>) target_semaphore(%arg16 : memref<!tpu.dma_semaphore, #tpu.memory_space<semaphore_mem>>)
    %scan3A = arith.constant 0 : i32
    %scan3A_69 = arith.constant 0 : i32
    %scan3A_70 = arith.constant 5 : i32
    %scan3A_71 = arith.addi %scan3A_69, %scan3A_70 : i32
    %scan3A_72 = arith.constant 1 : i32
    %scan3A_73 = scf.for %scan3A_669 = %scan3A_69 to %scan3A_71 step %scan3A_72 iter_args(%scan3A_670 = %scan3A) -> (i32)  : i32 {
      %mul3A_671 = arith.constant 4 : i32
      %mul3A_672 = arith.muli %mul3A_671, %scan3A_669 : i32
      %add3A_673 = arith.constant 0 : i32
      %add3A_674 = arith.addi %mul3A_672, %add3A_673 : i32
      %mul3A_675 = arith.constant 1024 : i32
      %mul3A_676 = arith.muli %add3A_674, %mul3A_675 : i32
      %add3A_677 = arith.addi %mul3A_0, %mul3A_676 : i32
      %dma_wait3A = tpu.memref_slice %arg2[%add3A_3, %add3A_677] : memref<16x327680xi32, #tpu.memory_space<hbm>> -> memref<1x1024xi32, #tpu.memory_space<hbm>>
      %dma_wait3A_678 = tpu.memref_squeeze %dma_wait3A : memref<1x1024xi32, #tpu.memory_space<hbm>> -> memref<1024xi32, #tpu.memory_space<hbm>>
      %dma_wait3A_679 = tpu.memref_slice %arg2[%add3A_3, %add3A_677] : memref<16x327680xi32, #tpu.memory_space<hbm>> -> memref<1x1024xi32, #tpu.memory_space<hbm>>
      %dma_wait3A_680 = tpu.memref_squeeze %dma_wait3A_679 : memref<1x1024xi32, #tpu.memory_space<hbm>> -> memref<1024xi32, #tpu.memory_space<hbm>>
      tpu.wait_dma2 semaphore(%arg13 : memref<!tpu.dma_semaphore, #tpu.memory_space<semaphore_mem>>) src(%dma_wait3A_680 : memref<1024xi32, #tpu.memory_space<hbm>>) dst(%arg6 : memref<1024xi32, #tpu.memory_space<vmem>>)
      %dma_start3A_681 = arith.constant 0 : i32
      %dma_start3A_682 = tpu.memref_slice %arg12[%dma_start3A_681] : memref<1311744xf32, #tpu.memory_space<vmem_shared>> -> memref<1311744xf32, #tpu.memory_space<vmem_shared>>
      tpu.enqueue_indirect_dma source(%arg10 : memref<1024xf32, #tpu.memory_space<vmem>>) target(%dma_start3A_682 : memref<1311744xf32, #tpu.memory_space<vmem_shared>>) offsets(%arg6 : memref<1024xi32, #tpu.memory_space<vmem>>) semaphore(%arg17 : memref<!tpu.dma_semaphore, #tpu.memory_space<semaphore_mem>>) {add = true}
      %add3A_683 = arith.constant 1 : i32
      %add3A_684 = arith.addi %mul3A_672, %add3A_683 : i32
      %mul3A_685 = arith.constant 1024 : i32
      %mul3A_686 = arith.muli %add3A_684, %mul3A_685 : i32
      %add3A_687 = arith.addi %mul3A_0, %mul3A_686 : i32
      %dma_wait3A_688 = tpu.memref_slice %arg2[%add3A_3, %add3A_687] : memref<16x327680xi32, #tpu.memory_space<hbm>> -> memref<1x1024xi32, #tpu.memory_space<hbm>>
      %dma_wait3A_689 = tpu.memref_squeeze %dma_wait3A_688 : memref<1x1024xi32, #tpu.memory_space<hbm>> -> memref<1024xi32, #tpu.memory_space<hbm>>
      %dma_wait3A_690 = tpu.memref_slice %arg2[%add3A_3, %add3A_687] : memref<16x327680xi32, #tpu.memory_space<hbm>> -> memref<1x1024xi32, #tpu.memory_space<hbm>>
      %dma_wait3A_691 = tpu.memref_squeeze %dma_wait3A_690 : memref<1x1024xi32, #tpu.memory_space<hbm>> -> memref<1024xi32, #tpu.memory_space<hbm>>
      tpu.wait_dma2 semaphore(%arg14 : memref<!tpu.dma_semaphore, #tpu.memory_space<semaphore_mem>>) src(%dma_wait3A_691 : memref<1024xi32, #tpu.memory_space<hbm>>) dst(%arg7 : memref<1024xi32, #tpu.memory_space<vmem>>)
      %dma_start3A_692 = arith.constant 0 : i32
      %dma_start3A_693 = tpu.memref_slice %arg12[%dma_start3A_692] : memref<1311744xf32, #tpu.memory_space<vmem_shared>> -> memref<1311744xf32, #tpu.memory_space<vmem_shared>>
      tpu.enqueue_indirect_dma source(%arg10 : memref<1024xf32, #tpu.memory_space<vmem>>) target(%dma_start3A_693 : memref<1311744xf32, #tpu.memory_space<vmem_shared>>) offsets(%arg7 : memref<1024xi32, #tpu.memory_space<vmem>>) semaphore(%arg18 : memref<!tpu.dma_semaphore, #tpu.memory_space<semaphore_mem>>) {add = true}
      %add3A_694 = arith.constant 2 : i32
      %add3A_695 = arith.addi %mul3A_672, %add3A_694 : i32
      %mul3A_696 = arith.constant 1024 : i32
      %mul3A_697 = arith.muli %add3A_695, %mul3A_696 : i32
      %add3A_698 = arith.addi %mul3A_0, %mul3A_697 : i32
      %dma_wait3A_699 = tpu.memref_slice %arg2[%add3A_3, %add3A_698] : memref<16x327680xi32, #tpu.memory_space<hbm>> -> memref<1x1024xi32, #tpu.memory_space<hbm>>
      %dma_wait3A_700 = tpu.memref_squeeze %dma_wait3A_699 : memref<1x1024xi32, #tpu.memory_space<hbm>> -> memref<1024xi32, #tpu.memory_space<hbm>>
      %dma_wait3A_701 = tpu.memref_slice %arg2[%add3A_3, %add3A_698] : memref<16x327680xi32, #tpu.memory_space<hbm>> -> memref<1x1024xi32, #tpu.memory_space<hbm>>
      %dma_wait3A_702 = tpu.memref_squeeze %dma_wait3A_701 : memref<1x1024xi32, #tpu.memory_space<hbm>> -> memref<1024xi32, #tpu.memory_space<hbm>>
      tpu.wait_dma2 semaphore(%arg15 : memref<!tpu.dma_semaphore, #tpu.memory_space<semaphore_mem>>) src(%dma_wait3A_702 : memref<1024xi32, #tpu.memory_space<hbm>>) dst(%arg8 : memref<1024xi32, #tpu.memory_space<vmem>>)
      %dma_start3A_703 = arith.constant 0 : i32
      %dma_start3A_704 = tpu.memref_slice %arg12[%dma_start3A_703] : memref<1311744xf32, #tpu.memory_space<vmem_shared>> -> memref<1311744xf32, #tpu.memory_space<vmem_shared>>
      tpu.enqueue_indirect_dma source(%arg10 : memref<1024xf32, #tpu.memory_space<vmem>>) target(%dma_start3A_704 : memref<1311744xf32, #tpu.memory_space<vmem_shared>>) offsets(%arg8 : memref<1024xi32, #tpu.memory_space<vmem>>) semaphore(%arg19 : memref<!tpu.dma_semaphore, #tpu.memory_space<semaphore_mem>>) {add = true}
      %add3A_705 = arith.constant 3 : i32
      %add3A_706 = arith.addi %mul3A_672, %add3A_705 : i32
      %mul3A_707 = arith.constant 1024 : i32
      %mul3A_708 = arith.muli %add3A_706, %mul3A_707 : i32
      %add3A_709 = arith.addi %mul3A_0, %mul3A_708 : i32
      %dma_wait3A_710 = tpu.memref_slice %arg2[%add3A_3, %add3A_709] : memref<16x327680xi32, #tpu.memory_space<hbm>> -> memref<1x1024xi32, #tpu.memory_space<hbm>>
      %dma_wait3A_711 = tpu.memref_squeeze %dma_wait3A_710 : memref<1x1024xi32, #tpu.memory_space<hbm>> -> memref<1024xi32, #tpu.memory_space<hbm>>
      %dma_wait3A_712 = tpu.memref_slice %arg2[%add3A_3, %add3A_709] : memref<16x327680xi32, #tpu.memory_space<hbm>> -> memref<1x1024xi32, #tpu.memory_space<hbm>>
      %dma_wait3A_713 = tpu.memref_squeeze %dma_wait3A_712 : memref<1x1024xi32, #tpu.memory_space<hbm>> -> memref<1024xi32, #tpu.memory_space<hbm>>
      tpu.wait_dma2 semaphore(%arg16 : memref<!tpu.dma_semaphore, #tpu.memory_space<semaphore_mem>>) src(%dma_wait3A_713 : memref<1024xi32, #tpu.memory_space<hbm>>) dst(%arg9 : memref<1024xi32, #tpu.memory_space<vmem>>)
      %dma_start3A_714 = arith.constant 0 : i32
      %dma_start3A_715 = tpu.memref_slice %arg12[%dma_start3A_714] : memref<1311744xf32, #tpu.memory_space<vmem_shared>> -> memref<1311744xf32, #tpu.memory_space<vmem_shared>>
      tpu.enqueue_indirect_dma source(%arg10 : memref<1024xf32, #tpu.memory_space<vmem>>) target(%dma_start3A_715 : memref<1311744xf32, #tpu.memory_space<vmem_shared>>) offsets(%arg9 : memref<1024xi32, #tpu.memory_space<vmem>>) semaphore(%arg20 : memref<!tpu.dma_semaphore, #tpu.memory_space<semaphore_mem>>) {add = true}
      %dma_wait3A_716 = arith.constant 0 : i32
      %dma_wait3A_717 = tpu.memref_slice %arg12[%dma_wait3A_716] : memref<1311744xf32, #tpu.memory_space<vmem_shared>> -> memref<1311744xf32, #tpu.memory_space<vmem_shared>>
      tpu.wait_indirect_dma semaphore(%arg17 : memref<!tpu.dma_semaphore, #tpu.memory_space<semaphore_mem>>) src(%arg10 : memref<1024xf32, #tpu.memory_space<vmem>>) dst(%dma_wait3A_717 : memref<1311744xf32, #tpu.memory_space<vmem_shared>>)
      %add3A_718 = arith.constant 0 : i32
      %add3A_719 = arith.addi %mul3A_672, %add3A_718 : i32
      %add3A_720 = arith.constant 4 : i32
      %add3A_721 = arith.addi %add3A_719, %add3A_720 : i32
      %lt3A = arith.constant 20 : i32
      %lt3A_722 = arith.cmpi slt, %add3A_721, %lt3A : i32
      %convert_element_type3A = arith.extui %lt3A_722 : i1 to i32
      %cond3A = arith.constant 0 : i32
      %cond3A_723 = arith.cmpi ne, %convert_element_type3A, %cond3A : i32
      scf.if %cond3A_723 {
        %add3A_758 = arith.constant 0 : i32
        %add3A_759 = arith.addi %mul3A_672, %add3A_758 : i32
        %add3A_760 = arith.constant 4 : i32
        %add3A_761 = arith.addi %add3A_759, %add3A_760 : i32
        %mul3A_762 = arith.constant 1024 : i32
        %mul3A_763 = arith.muli %add3A_761, %mul3A_762 : i32
        %add3A_764 = arith.addi %mul3A_0, %mul3A_763 : i32
        %dma_start3A_765 = tpu.memref_slice %arg2[%add3A_3, %add3A_764] : memref<16x327680xi32, #tpu.memory_space<hbm>> -> memref<1x1024xi32, #tpu.memory_space<hbm>>
        %dma_start3A_766 = tpu.memref_squeeze %dma_start3A_765 : memref<1x1024xi32, #tpu.memory_space<hbm>> -> memref<1024xi32, #tpu.memory_space<hbm>>
        %dma_start3A_767 = tpu.memref_slice %arg2[%add3A_3, %add3A_764] : memref<16x327680xi32, #tpu.memory_space<hbm>> -> memref<1x1024xi32, #tpu.memory_space<hbm>>
        %dma_start3A_768 = tpu.memref_squeeze %dma_start3A_767 : memref<1x1024xi32, #tpu.memory_space<hbm>> -> memref<1024xi32, #tpu.memory_space<hbm>>
        tpu.enqueue_dma source(%dma_start3A_768 : memref<1024xi32, #tpu.memory_space<hbm>>) target(%arg6 : memref<1024xi32, #tpu.memory_space<vmem>>) target_semaphore(%arg13 : memref<!tpu.dma_semaphore, #tpu.memory_space<semaphore_mem>>)
      } else {
      }
      %dma_wait3A_724 = arith.constant 0 : i32
      %dma_wait3A_725 = tpu.memref_slice %arg12[%dma_wait3A_724] : memref<1311744xf32, #tpu.memory_space<vmem_shared>> -> memref<1311744xf32, #tpu.memory_space<vmem_shared>>
      tpu.wait_indirect_dma semaphore(%arg18 : memref<!tpu.dma_semaphore, #tpu.memory_space<semaphore_mem>>) src(%arg10 : memref<1024xf32, #tpu.memory_space<vmem>>) dst(%dma_wait3A_725 : memref<1311744xf32, #tpu.memory_space<vmem_shared>>)
      %add3A_726 = arith.constant 1 : i32
      %add3A_727 = arith.addi %mul3A_672, %add3A_726 : i32
      %add3A_728 = arith.constant 4 : i32
      %add3A_729 = arith.addi %add3A_727, %add3A_728 : i32
      %lt3A_730 = arith.constant 20 : i32
      %lt3A_731 = arith.cmpi slt, %add3A_729, %lt3A_730 : i32
      %convert_element_type3A_732 = arith.extui %lt3A_731 : i1 to i32
      %cond3A_733 = arith.constant 0 : i32
      %cond3A_734 = arith.cmpi ne, %convert_element_type3A_732, %cond3A_733 : i32
      scf.if %cond3A_734 {
        %add3A_758 = arith.constant 1 : i32
        %add3A_759 = arith.addi %mul3A_672, %add3A_758 : i32
        %add3A_760 = arith.constant 4 : i32
        %add3A_761 = arith.addi %add3A_759, %add3A_760 : i32
        %mul3A_762 = arith.constant 1024 : i32
        %mul3A_763 = arith.muli %add3A_761, %mul3A_762 : i32
        %add3A_764 = arith.addi %mul3A_0, %mul3A_763 : i32
        %dma_start3A_765 = tpu.memref_slice %arg2[%add3A_3, %add3A_764] : memref<16x327680xi32, #tpu.memory_space<hbm>> -> memref<1x1024xi32, #tpu.memory_space<hbm>>
        %dma_start3A_766 = tpu.memref_squeeze %dma_start3A_765 : memref<1x1024xi32, #tpu.memory_space<hbm>> -> memref<1024xi32, #tpu.memory_space<hbm>>
        %dma_start3A_767 = tpu.memref_slice %arg2[%add3A_3, %add3A_764] : memref<16x327680xi32, #tpu.memory_space<hbm>> -> memref<1x1024xi32, #tpu.memory_space<hbm>>
        %dma_start3A_768 = tpu.memref_squeeze %dma_start3A_767 : memref<1x1024xi32, #tpu.memory_space<hbm>> -> memref<1024xi32, #tpu.memory_space<hbm>>
        tpu.enqueue_dma source(%dma_start3A_768 : memref<1024xi32, #tpu.memory_space<hbm>>) target(%arg7 : memref<1024xi32, #tpu.memory_space<vmem>>) target_semaphore(%arg14 : memref<!tpu.dma_semaphore, #tpu.memory_space<semaphore_mem>>)
      } else {
      }
      %dma_wait3A_735 = arith.constant 0 : i32
      %dma_wait3A_736 = tpu.memref_slice %arg12[%dma_wait3A_735] : memref<1311744xf32, #tpu.memory_space<vmem_shared>> -> memref<1311744xf32, #tpu.memory_space<vmem_shared>>
      tpu.wait_indirect_dma semaphore(%arg19 : memref<!tpu.dma_semaphore, #tpu.memory_space<semaphore_mem>>) src(%arg10 : memref<1024xf32, #tpu.memory_space<vmem>>) dst(%dma_wait3A_736 : memref<1311744xf32, #tpu.memory_space<vmem_shared>>)
      %add3A_737 = arith.constant 2 : i32
      %add3A_738 = arith.addi %mul3A_672, %add3A_737 : i32
      %add3A_739 = arith.constant 4 : i32
      %add3A_740 = arith.addi %add3A_738, %add3A_739 : i32
      %lt3A_741 = arith.constant 20 : i32
      %lt3A_742 = arith.cmpi slt, %add3A_740, %lt3A_741 : i32
      %convert_element_type3A_743 = arith.extui %lt3A_742 : i1 to i32
      %cond3A_744 = arith.constant 0 : i32
      %cond3A_745 = arith.cmpi ne, %convert_element_type3A_743, %cond3A_744 : i32
      scf.if %cond3A_745 {
        %add3A_758 = arith.constant 2 : i32
        %add3A_759 = arith.addi %mul3A_672, %add3A_758 : i32
        %add3A_760 = arith.constant 4 : i32
        %add3A_761 = arith.addi %add3A_759, %add3A_760 : i32
        %mul3A_762 = arith.constant 1024 : i32
        %mul3A_763 = arith.muli %add3A_761, %mul3A_762 : i32
        %add3A_764 = arith.addi %mul3A_0, %mul3A_763 : i32
        %dma_start3A_765 = tpu.memref_slice %arg2[%add3A_3, %add3A_764] : memref<16x327680xi32, #tpu.memory_space<hbm>> -> memref<1x1024xi32, #tpu.memory_space<hbm>>
        %dma_start3A_766 = tpu.memref_squeeze %dma_start3A_765 : memref<1x1024xi32, #tpu.memory_space<hbm>> -> memref<1024xi32, #tpu.memory_space<hbm>>
        %dma_start3A_767 = tpu.memref_slice %arg2[%add3A_3, %add3A_764] : memref<16x327680xi32, #tpu.memory_space<hbm>> -> memref<1x1024xi32, #tpu.memory_space<hbm>>
        %dma_start3A_768 = tpu.memref_squeeze %dma_start3A_767 : memref<1x1024xi32, #tpu.memory_space<hbm>> -> memref<1024xi32, #tpu.memory_space<hbm>>
        tpu.enqueue_dma source(%dma_start3A_768 : memref<1024xi32, #tpu.memory_space<hbm>>) target(%arg8 : memref<1024xi32, #tpu.memory_space<vmem>>) target_semaphore(%arg15 : memref<!tpu.dma_semaphore, #tpu.memory_space<semaphore_mem>>)
      } else {
      }
      %dma_wait3A_746 = arith.constant 0 : i32
      %dma_wait3A_747 = tpu.memref_slice %arg12[%dma_wait3A_746] : memref<1311744xf32, #tpu.memory_space<vmem_shared>> -> memref<1311744xf32, #tpu.memory_space<vmem_shared>>
      tpu.wait_indirect_dma semaphore(%arg20 : memref<!tpu.dma_semaphore, #tpu.memory_space<semaphore_mem>>) src(%arg10 : memref<1024xf32, #tpu.memory_space<vmem>>) dst(%dma_wait3A_747 : memref<1311744xf32, #tpu.memory_space<vmem_shared>>)
      %add3A_748 = arith.constant 3 : i32
      %add3A_749 = arith.addi %mul3A_672, %add3A_748 : i32
      %add3A_750 = arith.constant 4 : i32
      %add3A_751 = arith.addi %add3A_749, %add3A_750 : i32
      %lt3A_752 = arith.constant 20 : i32
      %lt3A_753 = arith.cmpi slt, %add3A_751, %lt3A_752 : i32
      %convert_element_type3A_754 = arith.extui %lt3A_753 : i1 to i32
      %cond3A_755 = arith.constant 0 : i32
      %cond3A_756 = arith.cmpi ne, %convert_element_type3A_754, %cond3A_755 : i32
      scf.if %cond3A_756 {
        %add3A_758 = arith.constant 3 : i32
        %add3A_759 = arith.addi %mul3A_672, %add3A_758 : i32
        %add3A_760 = arith.constant 4 : i32
        %add3A_761 = arith.addi %add3A_759, %add3A_760 : i32
        %mul3A_762 = arith.constant 1024 : i32
        %mul3A_763 = arith.muli %add3A_761, %mul3A_762 : i32
        %add3A_764 = arith.addi %mul3A_0, %mul3A_763 : i32
        %dma_start3A_765 = tpu.memref_slice %arg2[%add3A_3, %add3A_764] : memref<16x327680xi32, #tpu.memory_space<hbm>> -> memref<1x1024xi32, #tpu.memory_space<hbm>>
        %dma_start3A_766 = tpu.memref_squeeze %dma_start3A_765 : memref<1x1024xi32, #tpu.memory_space<hbm>> -> memref<1024xi32, #tpu.memory_space<hbm>>
        %dma_start3A_767 = tpu.memref_slice %arg2[%add3A_3, %add3A_764] : memref<16x327680xi32, #tpu.memory_space<hbm>> -> memref<1x1024xi32, #tpu.memory_space<hbm>>
        %dma_start3A_768 = tpu.memref_squeeze %dma_start3A_767 : memref<1x1024xi32, #tpu.memory_space<hbm>> -> memref<1024xi32, #tpu.memory_space<hbm>>
        tpu.enqueue_dma source(%dma_start3A_768 : memref<1024xi32, #tpu.memory_space<hbm>>) target(%arg9 : memref<1024xi32, #tpu.memory_space<vmem>>) target_semaphore(%arg16 : memref<!tpu.dma_semaphore, #tpu.memory_space<semaphore_mem>>)
      } else {
      }
      %scan3A_757 = arith.constant 0 : i32
      scf.yield %scan3A_757 : i32
    }
    %scan3A_74 = arith.constant 5 : i32
    %barrier3A_75 = arith.constant 0 : index
    tpu.barrier barrier_id(%barrier3A_75)
    %mul3A_76 = arith.constant 81920 : i32
    %mul3A_77 = arith.muli %arg1, %mul3A_76 : i32
    %mul3A_78 = arith.constant 81920 : i32
    %mul3A_79 = arith.muli %arg1, %mul3A_78 : i32
    %add3A_80 = arith.addi %mul3A_5, %mul3A_79 : i32
    "tpu.region"() ({
      %run_scoped3A = tpu.sem_alloc : memref<!tpu.dma_semaphore, #tpu.memory_space<semaphore_mem>>
      %dma_start3A_669 = tpu.memref_slice %arg5[%add3A_80] : memref<20971520xf32, #tpu.memory_space<hbm>> -> memref<81920xf32, #tpu.memory_space<hbm>>
      %dma_start3A_670 = tpu.memref_slice %arg12[%mul3A_77] : memref<1311744xf32, #tpu.memory_space<vmem_shared>> -> memref<81920xf32, #tpu.memory_space<vmem_shared>>
      tpu.enqueue_dma source(%dma_start3A_670 : memref<81920xf32, #tpu.memory_space<vmem_shared>>) target(%dma_start3A_669 : memref<81920xf32, #tpu.memory_space<hbm>>) target_semaphore(%run_scoped3A : memref<!tpu.dma_semaphore, #tpu.memory_space<semaphore_mem>>)
      %dma_wait3A = tpu.memref_slice %arg5[%add3A_80] : memref<20971520xf32, #tpu.memory_space<hbm>> -> memref<81920xf32, #tpu.memory_space<hbm>>
      %dma_wait3A_671 = tpu.memref_slice %arg12[%mul3A_77] : memref<1311744xf32, #tpu.memory_space<vmem_shared>> -> memref<81920xf32, #tpu.memory_space<vmem_shared>>
      tpu.wait_dma2 semaphore(%run_scoped3A : memref<!tpu.dma_semaphore, #tpu.memory_space<semaphore_mem>>) src(%dma_wait3A_671 : memref<81920xf32, #tpu.memory_space<vmem_shared>>) dst(%dma_wait3A : memref<81920xf32, #tpu.memory_space<hbm>>)
      tpu.yield
    }) : () -> ()
    %mul3A_81 = arith.constant 8 : i32
    %mul3A_82 = arith.muli %arg0, %mul3A_81 : i32
    %add3A_83 = arith.constant 1 : i32
    %add3A_84 = arith.addi %mul3A_82, %add3A_83 : i32
    %mul3A_85 = arith.constant 1310720 : i32
    %mul3A_86 = arith.muli %add3A_84, %mul3A_85 : i32
    %mul3A_87 = arith.constant 81920 : i32
    %mul3A_88 = arith.muli %arg1, %mul3A_87 : i32
    %add3A_89 = arith.constant 0 : i32
    %add3A_90 = arith.addi %mul3A_88, %add3A_89 : i32
    "tpu.region"() ({
      %run_scoped3A = tpu.sem_alloc : memref<!tpu.dma_semaphore, #tpu.memory_space<semaphore_mem>>
      %dma_start3A_669 = tpu.memref_slice %arg12[%add3A_90] : memref<1311744xf32, #tpu.memory_space<vmem_shared>> -> memref<8192xf32, #tpu.memory_space<vmem_shared>>
      %dma_start3A_670 = tpu.memref_slice %arg12[%add3A_90] : memref<1311744xf32, #tpu.memory_space<vmem_shared>> -> memref<8192xf32, #tpu.memory_space<vmem_shared>>
      tpu.enqueue_dma source(%arg11 : memref<8192xf32, #tpu.memory_space<vmem>>) target(%dma_start3A_670 : memref<8192xf32, #tpu.memory_space<vmem_shared>>) target_semaphore(%run_scoped3A : memref<!tpu.dma_semaphore, #tpu.memory_space<semaphore_mem>>)
      %dma_wait3A = tpu.memref_slice %arg12[%add3A_90] : memref<1311744xf32, #tpu.memory_space<vmem_shared>> -> memref<8192xf32, #tpu.memory_space<vmem_shared>>
      %dma_wait3A_671 = tpu.memref_slice %arg12[%add3A_90] : memref<1311744xf32, #tpu.memory_space<vmem_shared>> -> memref<8192xf32, #tpu.memory_space<vmem_shared>>
      tpu.wait_dma2 semaphore(%run_scoped3A : memref<!tpu.dma_semaphore, #tpu.memory_space<semaphore_mem>>) src(%arg11 : memref<8192xf32, #tpu.memory_space<vmem>>) dst(%dma_wait3A_671 : memref<8192xf32, #tpu.memory_space<vmem_shared>>)
      tpu.yield
    }) : () -> ()
    %mul3A_91 = arith.constant 81920 : i32
    %mul3A_92 = arith.muli %arg1, %mul3A_91 : i32
    %add3A_93 = arith.constant 8192 : i32
    %add3A_94 = arith.addi %mul3A_92, %add3A_93 : i32
    "tpu.region"() ({
      %run_scoped3A = tpu.sem_alloc : memref<!tpu.dma_semaphore, #tpu.memory_space<semaphore_mem>>
      %dma_start3A_669 = tpu.memref_slice %arg12[%add3A_94] : memref<1311744xf32, #tpu.memory_space<vmem_shared>> -> memref<8192xf32, #tpu.memory_space<vmem_shared>>
      %dma_start3A_670 = tpu.memref_slice %arg12[%add3A_94] : memref<1311744xf32, #tpu.memory_space<vmem_shared>> -> memref<8192xf32, #tpu.memory_space<vmem_shared>>
      tpu.enqueue_dma source(%arg11 : memref<8192xf32, #tpu.memory_space<vmem>>) target(%dma_start3A_670 : memref<8192xf32, #tpu.memory_space<vmem_shared>>) target_semaphore(%run_scoped3A : memref<!tpu.dma_semaphore, #tpu.memory_space<semaphore_mem>>)
      %dma_wait3A = tpu.memref_slice %arg12[%add3A_94] : memref<1311744xf32, #tpu.memory_space<vmem_shared>> -> memref<8192xf32, #tpu.memory_space<vmem_shared>>
      %dma_wait3A_671 = tpu.memref_slice %arg12[%add3A_94] : memref<1311744xf32, #tpu.memory_space<vmem_shared>> -> memref<8192xf32, #tpu.memory_space<vmem_shared>>
      tpu.wait_dma2 semaphore(%run_scoped3A : memref<!tpu.dma_semaphore, #tpu.memory_space<semaphore_mem>>) src(%arg11 : memref<8192xf32, #tpu.memory_space<vmem>>) dst(%dma_wait3A_671 : memref<8192xf32, #tpu.memory_space<vmem_shared>>)
      tpu.yield
    }) : () -> ()
    %mul3A_95 = arith.constant 81920 : i32
    %mul3A_96 = arith.muli %arg1, %mul3A_95 : i32
    %add3A_97 = arith.constant 16384 : i32
    %add3A_98 = arith.addi %mul3A_96, %add3A_97 : i32
    "tpu.region"() ({
      %run_scoped3A = tpu.sem_alloc : memref<!tpu.dma_semaphore, #tpu.memory_space<semaphore_mem>>
      %dma_start3A_669 = tpu.memref_slice %arg12[%add3A_98] : memref<1311744xf32, #tpu.memory_space<vmem_shared>> -> memref<8192xf32, #tpu.memory_space<vmem_shared>>
      %dma_start3A_670 = tpu.memref_slice %arg12[%add3A_98] : memref<1311744xf32, #tpu.memory_space<vmem_shared>> -> memref<8192xf32, #tpu.memory_space<vmem_shared>>
      tpu.enqueue_dma source(%arg11 : memref<8192xf32, #tpu.memory_space<vmem>>) target(%dma_start3A_670 : memref<8192xf32, #tpu.memory_space<vmem_shared>>) target_semaphore(%run_scoped3A : memref<!tpu.dma_semaphore, #tpu.memory_space<semaphore_mem>>)
      %dma_wait3A = tpu.memref_slice %arg12[%add3A_98] : memref<1311744xf32, #tpu.memory_space<vmem_shared>> -> memref<8192xf32, #tpu.memory_space<vmem_shared>>
      %dma_wait3A_671 = tpu.memref_slice %arg12[%add3A_98] : memref<1311744xf32, #tpu.memory_space<vmem_shared>> -> memref<8192xf32, #tpu.memory_space<vmem_shared>>
      tpu.wait_dma2 semaphore(%run_scoped3A : memref<!tpu.dma_semaphore, #tpu.memory_space<semaphore_mem>>) src(%arg11 : memref<8192xf32, #tpu.memory_space<vmem>>) dst(%dma_wait3A_671 : memref<8192xf32, #tpu.memory_space<vmem_shared>>)
      tpu.yield
    }) : () -> ()
    %mul3A_99 = arith.constant 81920 : i32
    %mul3A_100 = arith.muli %arg1, %mul3A_99 : i32
    %add3A_101 = arith.constant 24576 : i32
    %add3A_102 = arith.addi %mul3A_100, %add3A_101 : i32
    "tpu.region"() ({
      %run_scoped3A = tpu.sem_alloc : memref<!tpu.dma_semaphore, #tpu.memory_space<semaphore_mem>>
      %dma_start3A_669 = tpu.memref_slice %arg12[%add3A_102] : memref<1311744xf32, #tpu.memory_space<vmem_shared>> -> memref<8192xf32, #tpu.memory_space<vmem_shared>>
      %dma_start3A_670 = tpu.memref_slice %arg12[%add3A_102] : memref<1311744xf32, #tpu.memory_space<vmem_shared>> -> memref<8192xf32, #tpu.memory_space<vmem_shared>>
      tpu.enqueue_dma source(%arg11 : memref<8192xf32, #tpu.memory_space<vmem>>) target(%dma_start3A_670 : memref<8192xf32, #tpu.memory_space<vmem_shared>>) target_semaphore(%run_scoped3A : memref<!tpu.dma_semaphore, #tpu.memory_space<semaphore_mem>>)
      %dma_wait3A = tpu.memref_slice %arg12[%add3A_102] : memref<1311744xf32, #tpu.memory_space<vmem_shared>> -> memref<8192xf32, #tpu.memory_space<vmem_shared>>
      %dma_wait3A_671 = tpu.memref_slice %arg12[%add3A_102] : memref<1311744xf32, #tpu.memory_space<vmem_shared>> -> memref<8192xf32, #tpu.memory_space<vmem_shared>>
      tpu.wait_dma2 semaphore(%run_scoped3A : memref<!tpu.dma_semaphore, #tpu.memory_space<semaphore_mem>>) src(%arg11 : memref<8192xf32, #tpu.memory_space<vmem>>) dst(%dma_wait3A_671 : memref<8192xf32, #tpu.memory_space<vmem_shared>>)
      tpu.yield
    }) : () -> ()
    %mul3A_103 = arith.constant 81920 : i32
    %mul3A_104 = arith.muli %arg1, %mul3A_103 : i32
    %add3A_105 = arith.constant 32768 : i32
    %add3A_106 = arith.addi %mul3A_104, %add3A_105 : i32
    "tpu.region"() ({
      %run_scoped3A = tpu.sem_alloc : memref<!tpu.dma_semaphore, #tpu.memory_space<semaphore_mem>>
      %dma_start3A_669 = tpu.memref_slice %arg12[%add3A_106] : memref<1311744xf32, #tpu.memory_space<vmem_shared>> -> memref<8192xf32, #tpu.memory_space<vmem_shared>>
      %dma_start3A_670 = tpu.memref_slice %arg12[%add3A_106] : memref<1311744xf32, #tpu.memory_space<vmem_shared>> -> memref<8192xf32, #tpu.memory_space<vmem_shared>>
      tpu.enqueue_dma source(%arg11 : memref<8192xf32, #tpu.memory_space<vmem>>) target(%dma_start3A_670 : memref<8192xf32, #tpu.memory_space<vmem_shared>>) target_semaphore(%run_scoped3A : memref<!tpu.dma_semaphore, #tpu.memory_space<semaphore_mem>>)
      %dma_wait3A = tpu.memref_slice %arg12[%add3A_106] : memref<1311744xf32, #tpu.memory_space<vmem_shared>> -> memref<8192xf32, #tpu.memory_space<vmem_shared>>
      %dma_wait3A_671 = tpu.memref_slice %arg12[%add3A_106] : memref<1311744xf32, #tpu.memory_space<vmem_shared>> -> memref<8192xf32, #tpu.memory_space<vmem_shared>>
      tpu.wait_dma2 semaphore(%run_scoped3A : memref<!tpu.dma_semaphore, #tpu.memory_space<semaphore_mem>>) src(%arg11 : memref<8192xf32, #tpu.memory_space<vmem>>) dst(%dma_wait3A_671 : memref<8192xf32, #tpu.memory_space<vmem_shared>>)
      tpu.yield
    }) : () -> ()
    %mul3A_107 = arith.constant 81920 : i32
    %mul3A_108 = arith.muli %arg1, %mul3A_107 : i32
    %add3A_109 = arith.constant 40960 : i32
    %add3A_110 = arith.addi %mul3A_108, %add3A_109 : i32
    "tpu.region"() ({
      %run_scoped3A = tpu.sem_alloc : memref<!tpu.dma_semaphore, #tpu.memory_space<semaphore_mem>>
      %dma_start3A_669 = tpu.memref_slice %arg12[%add3A_110] : memref<1311744xf32, #tpu.memory_space<vmem_shared>> -> memref<8192xf32, #tpu.memory_space<vmem_shared>>
      %dma_start3A_670 = tpu.memref_slice %arg12[%add3A_110] : memref<1311744xf32, #tpu.memory_space<vmem_shared>> -> memref<8192xf32, #tpu.memory_space<vmem_shared>>
      tpu.enqueue_dma source(%arg11 : memref<8192xf32, #tpu.memory_space<vmem>>) target(%dma_start3A_670 : memref<8192xf32, #tpu.memory_space<vmem_shared>>) target_semaphore(%run_scoped3A : memref<!tpu.dma_semaphore, #tpu.memory_space<semaphore_mem>>)
      %dma_wait3A = tpu.memref_slice %arg12[%add3A_110] : memref<1311744xf32, #tpu.memory_space<vmem_shared>> -> memref<8192xf32, #tpu.memory_space<vmem_shared>>
      %dma_wait3A_671 = tpu.memref_slice %arg12[%add3A_110] : memref<1311744xf32, #tpu.memory_space<vmem_shared>> -> memref<8192xf32, #tpu.memory_space<vmem_shared>>
      tpu.wait_dma2 semaphore(%run_scoped3A : memref<!tpu.dma_semaphore, #tpu.memory_space<semaphore_mem>>) src(%arg11 : memref<8192xf32, #tpu.memory_space<vmem>>) dst(%dma_wait3A_671 : memref<8192xf32, #tpu.memory_space<vmem_shared>>)
      tpu.yield
    }) : () -> ()
    %mul3A_111 = arith.constant 81920 : i32
    %mul3A_112 = arith.muli %arg1, %mul3A_111 : i32
    %add3A_113 = arith.constant 49152 : i32
    %add3A_114 = arith.addi %mul3A_112, %add3A_113 : i32
    "tpu.region"() ({
      %run_scoped3A = tpu.sem_alloc : memref<!tpu.dma_semaphore, #tpu.memory_space<semaphore_mem>>
      %dma_start3A_669 = tpu.memref_slice %arg12[%add3A_114] : memref<1311744xf32, #tpu.memory_space<vmem_shared>> -> memref<8192xf32, #tpu.memory_space<vmem_shared>>
      %dma_start3A_670 = tpu.memref_slice %arg12[%add3A_114] : memref<1311744xf32, #tpu.memory_space<vmem_shared>> -> memref<8192xf32, #tpu.memory_space<vmem_shared>>
      tpu.enqueue_dma source(%arg11 : memref<8192xf32, #tpu.memory_space<vmem>>) target(%dma_start3A_670 : memref<8192xf32, #tpu.memory_space<vmem_shared>>) target_semaphore(%run_scoped3A : memref<!tpu.dma_semaphore, #tpu.memory_space<semaphore_mem>>)
      %dma_wait3A = tpu.memref_slice %arg12[%add3A_114] : memref<1311744xf32, #tpu.memory_space<vmem_shared>> -> memref<8192xf32, #tpu.memory_space<vmem_shared>>
      %dma_wait3A_671 = tpu.memref_slice %arg12[%add3A_114] : memref<1311744xf32, #tpu.memory_space<vmem_shared>> -> memref<8192xf32, #tpu.memory_space<vmem_shared>>
      tpu.wait_dma2 semaphore(%run_scoped3A : memref<!tpu.dma_semaphore, #tpu.memory_space<semaphore_mem>>) src(%arg11 : memref<8192xf32, #tpu.memory_space<vmem>>) dst(%dma_wait3A_671 : memref<8192xf32, #tpu.memory_space<vmem_shared>>)
      tpu.yield
    }) : () -> ()
    %mul3A_115 = arith.constant 81920 : i32
    %mul3A_116 = arith.muli %arg1, %mul3A_115 : i32
    %add3A_117 = arith.constant 57344 : i32
    %add3A_118 = arith.addi %mul3A_116, %add3A_117 : i32
    "tpu.region"() ({
      %run_scoped3A = tpu.sem_alloc : memref<!tpu.dma_semaphore, #tpu.memory_space<semaphore_mem>>
      %dma_start3A_669 = tpu.memref_slice %arg12[%add3A_118] : memref<1311744xf32, #tpu.memory_space<vmem_shared>> -> memref<8192xf32, #tpu.memory_space<vmem_shared>>
      %dma_start3A_670 = tpu.memref_slice %arg12[%add3A_118] : memref<1311744xf32, #tpu.memory_space<vmem_shared>> -> memref<8192xf32, #tpu.memory_space<vmem_shared>>
      tpu.enqueue_dma source(%arg11 : memref<8192xf32, #tpu.memory_space<vmem>>) target(%dma_start3A_670 : memref<8192xf32, #tpu.memory_space<vmem_shared>>) target_semaphore(%run_scoped3A : memref<!tpu.dma_semaphore, #tpu.memory_space<semaphore_mem>>)
      %dma_wait3A = tpu.memref_slice %arg12[%add3A_118] : memref<1311744xf32, #tpu.memory_space<vmem_shared>> -> memref<8192xf32, #tpu.memory_space<vmem_shared>>
      %dma_wait3A_671 = tpu.memref_slice %arg12[%add3A_118] : memref<1311744xf32, #tpu.memory_space<vmem_shared>> -> memref<8192xf32, #tpu.memory_space<vmem_shared>>
      tpu.wait_dma2 semaphore(%run_scoped3A : memref<!tpu.dma_semaphore, #tpu.memory_space<semaphore_mem>>) src(%arg11 : memref<8192xf32, #tpu.memory_space<vmem>>) dst(%dma_wait3A_671 : memref<8192xf32, #tpu.memory_space<vmem_shared>>)
      tpu.yield
    }) : () -> ()
    %mul3A_119 = arith.constant 81920 : i32
    %mul3A_120 = arith.muli %arg1, %mul3A_119 : i32
    %add3A_121 = arith.constant 65536 : i32
    %add3A_122 = arith.addi %mul3A_120, %add3A_121 : i32
    "tpu.region"() ({
      %run_scoped3A = tpu.sem_alloc : memref<!tpu.dma_semaphore, #tpu.memory_space<semaphore_mem>>
      %dma_start3A_669 = tpu.memref_slice %arg12[%add3A_122] : memref<1311744xf32, #tpu.memory_space<vmem_shared>> -> memref<8192xf32, #tpu.memory_space<vmem_shared>>
      %dma_start3A_670 = tpu.memref_slice %arg12[%add3A_122] : memref<1311744xf32, #tpu.memory_space<vmem_shared>> -> memref<8192xf32, #tpu.memory_space<vmem_shared>>
      tpu.enqueue_dma source(%arg11 : memref<8192xf32, #tpu.memory_space<vmem>>) target(%dma_start3A_670 : memref<8192xf32, #tpu.memory_space<vmem_shared>>) target_semaphore(%run_scoped3A : memref<!tpu.dma_semaphore, #tpu.memory_space<semaphore_mem>>)
      %dma_wait3A = tpu.memref_slice %arg12[%add3A_122] : memref<1311744xf32, #tpu.memory_space<vmem_shared>> -> memref<8192xf32, #tpu.memory_space<vmem_shared>>
      %dma_wait3A_671 = tpu.memref_slice %arg12[%add3A_122] : memref<1311744xf32, #tpu.memory_space<vmem_shared>> -> memref<8192xf32, #tpu.memory_space<vmem_shared>>
      tpu.wait_dma2 semaphore(%run_scoped3A : memref<!tpu.dma_semaphore, #tpu.memory_space<semaphore_mem>>) src(%arg11 : memref<8192xf32, #tpu.memory_space<vmem>>) dst(%dma_wait3A_671 : memref<8192xf32, #tpu.memory_space<vmem_shared>>)
      tpu.yield
    }) : () -> ()
    %mul3A_123 = arith.constant 81920 : i32
    %mul3A_124 = arith.muli %arg1, %mul3A_123 : i32
    %add3A_125 = arith.constant 73728 : i32
    %add3A_126 = arith.addi %mul3A_124, %add3A_125 : i32
    "tpu.region"() ({
      %run_scoped3A = tpu.sem_alloc : memref<!tpu.dma_semaphore, #tpu.memory_space<semaphore_mem>>
      %dma_start3A_669 = tpu.memref_slice %arg12[%add3A_126] : memref<1311744xf32, #tpu.memory_space<vmem_shared>> -> memref<8192xf32, #tpu.memory_space<vmem_shared>>
      %dma_start3A_670 = tpu.memref_slice %arg12[%add3A_126] : memref<1311744xf32, #tpu.memory_space<vmem_shared>> -> memref<8192xf32, #tpu.memory_space<vmem_shared>>
      tpu.enqueue_dma source(%arg11 : memref<8192xf32, #tpu.memory_space<vmem>>) target(%dma_start3A_670 : memref<8192xf32, #tpu.memory_space<vmem_shared>>) target_semaphore(%run_scoped3A : memref<!tpu.dma_semaphore, #tpu.memory_space<semaphore_mem>>)
      %dma_wait3A = tpu.memref_slice %arg12[%add3A_126] : memref<1311744xf32, #tpu.memory_space<vmem_shared>> -> memref<8192xf32, #tpu.memory_space<vmem_shared>>
      %dma_wait3A_671 = tpu.memref_slice %arg12[%add3A_126] : memref<1311744xf32, #tpu.memory_space<vmem_shared>> -> memref<8192xf32, #tpu.memory_space<vmem_shared>>
      tpu.wait_dma2 semaphore(%run_scoped3A : memref<!tpu.dma_semaphore, #tpu.memory_space<semaphore_mem>>) src(%arg11 : memref<8192xf32, #tpu.memory_space<vmem>>) dst(%dma_wait3A_671 : memref<8192xf32, #tpu.memory_space<vmem_shared>>)
      tpu.yield
    }) : () -> ()
    %barrier3A_127 = arith.constant 0 : index
    tpu.barrier barrier_id(%barrier3A_127)
    %add3A_128 = arith.constant 0 : i32
    %add3A_129 = arith.addi %mul3A_0, %add3A_128 : i32
    %dma_start3A_130 = tpu.memref_slice %arg2[%add3A_84, %add3A_129] : memref<16x327680xi32, #tpu.memory_space<hbm>> -> memref<1x1024xi32, #tpu.memory_space<hbm>>
    %dma_start3A_131 = tpu.memref_squeeze %dma_start3A_130 : memref<1x1024xi32, #tpu.memory_space<hbm>> -> memref<1024xi32, #tpu.memory_space<hbm>>
    %dma_start3A_132 = tpu.memref_slice %arg2[%add3A_84, %add3A_129] : memref<16x327680xi32, #tpu.memory_space<hbm>> -> memref<1x1024xi32, #tpu.memory_space<hbm>>
    %dma_start3A_133 = tpu.memref_squeeze %dma_start3A_132 : memref<1x1024xi32, #tpu.memory_space<hbm>> -> memref<1024xi32, #tpu.memory_space<hbm>>
    tpu.enqueue_dma source(%dma_start3A_133 : memref<1024xi32, #tpu.memory_space<hbm>>) target(%arg6 : memref<1024xi32, #tpu.memory_space<vmem>>) target_semaphore(%arg13 : memref<!tpu.dma_semaphore, #tpu.memory_space<semaphore_mem>>)
    %add3A_134 = arith.constant 1024 : i32
    %add3A_135 = arith.addi %mul3A_0, %add3A_134 : i32
    %dma_start3A_136 = tpu.memref_slice %arg2[%add3A_84, %add3A_135] : memref<16x327680xi32, #tpu.memory_space<hbm>> -> memref<1x1024xi32, #tpu.memory_space<hbm>>
    %dma_start3A_137 = tpu.memref_squeeze %dma_start3A_136 : memref<1x1024xi32, #tpu.memory_space<hbm>> -> memref<1024xi32, #tpu.memory_space<hbm>>
    %dma_start3A_138 = tpu.memref_slice %arg2[%add3A_84, %add3A_135] : memref<16x327680xi32, #tpu.memory_space<hbm>> -> memref<1x1024xi32, #tpu.memory_space<hbm>>
    %dma_start3A_139 = tpu.memref_squeeze %dma_start3A_138 : memref<1x1024xi32, #tpu.memory_space<hbm>> -> memref<1024xi32, #tpu.memory_space<hbm>>
    tpu.enqueue_dma source(%dma_start3A_139 : memref<1024xi32, #tpu.memory_space<hbm>>) target(%arg7 : memref<1024xi32, #tpu.memory_space<vmem>>) target_semaphore(%arg14 : memref<!tpu.dma_semaphore, #tpu.memory_space<semaphore_mem>>)
    %add3A_140 = arith.constant 2048 : i32
    %add3A_141 = arith.addi %mul3A_0, %add3A_140 : i32
    %dma_start3A_142 = tpu.memref_slice %arg2[%add3A_84, %add3A_141] : memref<16x327680xi32, #tpu.memory_space<hbm>> -> memref<1x1024xi32, #tpu.memory_space<hbm>>
    %dma_start3A_143 = tpu.memref_squeeze %dma_start3A_142 : memref<1x1024xi32, #tpu.memory_space<hbm>> -> memref<1024xi32, #tpu.memory_space<hbm>>
    %dma_start3A_144 = tpu.memref_slice %arg2[%add3A_84, %add3A_141] : memref<16x327680xi32, #tpu.memory_space<hbm>> -> memref<1x1024xi32, #tpu.memory_space<hbm>>
    %dma_start3A_145 = tpu.memref_squeeze %dma_start3A_144 : memref<1x1024xi32, #tpu.memory_space<hbm>> -> memref<1024xi32, #tpu.memory_space<hbm>>
    tpu.enqueue_dma source(%dma_start3A_145 : memref<1024xi32, #tpu.memory_space<hbm>>) target(%arg8 : memref<1024xi32, #tpu.memory_space<vmem>>) target_semaphore(%arg15 : memref<!tpu.dma_semaphore, #tpu.memory_space<semaphore_mem>>)
    %add3A_146 = arith.constant 3072 : i32
    %add3A_147 = arith.addi %mul3A_0, %add3A_146 : i32
    %dma_start3A_148 = tpu.memref_slice %arg2[%add3A_84, %add3A_147] : memref<16x327680xi32, #tpu.memory_space<hbm>> -> memref<1x1024xi32, #tpu.memory_space<hbm>>
    %dma_start3A_149 = tpu.memref_squeeze %dma_start3A_148 : memref<1x1024xi32, #tpu.memory_space<hbm>> -> memref<1024xi32, #tpu.memory_space<hbm>>
    %dma_start3A_150 = tpu.memref_slice %arg2[%add3A_84, %add3A_147] : memref<16x327680xi32, #tpu.memory_space<hbm>> -> memref<1x1024xi32, #tpu.memory_space<hbm>>
    %dma_start3A_151 = tpu.memref_squeeze %dma_start3A_150 : memref<1x1024xi32, #tpu.memory_space<hbm>> -> memref<1024xi32, #tpu.memory_space<hbm>>
    tpu.enqueue_dma source(%dma_start3A_151 : memref<1024xi32, #tpu.memory_space<hbm>>) target(%arg9 : memref<1024xi32, #tpu.memory_space<vmem>>) target_semaphore(%arg16 : memref<!tpu.dma_semaphore, #tpu.memory_space<semaphore_mem>>)
    %scan3A_152 = arith.constant 0 : i32
    %scan3A_153 = arith.constant 0 : i32
    %scan3A_154 = arith.constant 5 : i32
    %scan3A_155 = arith.addi %scan3A_153, %scan3A_154 : i32
    %scan3A_156 = arith.constant 1 : i32
    %scan3A_157 = scf.for %scan3A_669 = %scan3A_153 to %scan3A_155 step %scan3A_156 iter_args(%scan3A_670 = %scan3A_152) -> (i32)  : i32 {
      %mul3A_671 = arith.constant 4 : i32
      %mul3A_672 = arith.muli %mul3A_671, %scan3A_669 : i32
      %add3A_673 = arith.constant 0 : i32
      %add3A_674 = arith.addi %mul3A_672, %add3A_673 : i32
      %mul3A_675 = arith.constant 1024 : i32
      %mul3A_676 = arith.muli %add3A_674, %mul3A_675 : i32
      %add3A_677 = arith.addi %mul3A_0, %mul3A_676 : i32
      %dma_wait3A = tpu.memref_slice %arg2[%add3A_84, %add3A_677] : memref<16x327680xi32, #tpu.memory_space<hbm>> -> memref<1x1024xi32, #tpu.memory_space<hbm>>
      %dma_wait3A_678 = tpu.memref_squeeze %dma_wait3A : memref<1x1024xi32, #tpu.memory_space<hbm>> -> memref<1024xi32, #tpu.memory_space<hbm>>
      %dma_wait3A_679 = tpu.memref_slice %arg2[%add3A_84, %add3A_677] : memref<16x327680xi32, #tpu.memory_space<hbm>> -> memref<1x1024xi32, #tpu.memory_space<hbm>>
      %dma_wait3A_680 = tpu.memref_squeeze %dma_wait3A_679 : memref<1x1024xi32, #tpu.memory_space<hbm>> -> memref<1024xi32, #tpu.memory_space<hbm>>
      tpu.wait_dma2 semaphore(%arg13 : memref<!tpu.dma_semaphore, #tpu.memory_space<semaphore_mem>>) src(%dma_wait3A_680 : memref<1024xi32, #tpu.memory_space<hbm>>) dst(%arg6 : memref<1024xi32, #tpu.memory_space<vmem>>)
      %dma_start3A_681 = arith.constant 0 : i32
      %dma_start3A_682 = tpu.memref_slice %arg12[%dma_start3A_681] : memref<1311744xf32, #tpu.memory_space<vmem_shared>> -> memref<1311744xf32, #tpu.memory_space<vmem_shared>>
      tpu.enqueue_indirect_dma source(%arg10 : memref<1024xf32, #tpu.memory_space<vmem>>) target(%dma_start3A_682 : memref<1311744xf32, #tpu.memory_space<vmem_shared>>) offsets(%arg6 : memref<1024xi32, #tpu.memory_space<vmem>>) semaphore(%arg17 : memref<!tpu.dma_semaphore, #tpu.memory_space<semaphore_mem>>) {add = true}
      %add3A_683 = arith.constant 1 : i32
      %add3A_684 = arith.addi %mul3A_672, %add3A_683 : i32
      %mul3A_685 = arith.constant 1024 : i32
      %mul3A_686 = arith.muli %add3A_684, %mul3A_685 : i32
      %add3A_687 = arith.addi %mul3A_0, %mul3A_686 : i32
      %dma_wait3A_688 = tpu.memref_slice %arg2[%add3A_84, %add3A_687] : memref<16x327680xi32, #tpu.memory_space<hbm>> -> memref<1x1024xi32, #tpu.memory_space<hbm>>
      %dma_wait3A_689 = tpu.memref_squeeze %dma_wait3A_688 : memref<1x1024xi32, #tpu.memory_space<hbm>> -> memref<1024xi32, #tpu.memory_space<hbm>>
      %dma_wait3A_690 = tpu.memref_slice %arg2[%add3A_84, %add3A_687] : memref<16x327680xi32, #tpu.memory_space<hbm>> -> memref<1x1024xi32, #tpu.memory_space<hbm>>
      %dma_wait3A_691 = tpu.memref_squeeze %dma_wait3A_690 : memref<1x1024xi32, #tpu.memory_space<hbm>> -> memref<1024xi32, #tpu.memory_space<hbm>>
      tpu.wait_dma2 semaphore(%arg14 : memref<!tpu.dma_semaphore, #tpu.memory_space<semaphore_mem>>) src(%dma_wait3A_691 : memref<1024xi32, #tpu.memory_space<hbm>>) dst(%arg7 : memref<1024xi32, #tpu.memory_space<vmem>>)
      %dma_start3A_692 = arith.constant 0 : i32
      %dma_start3A_693 = tpu.memref_slice %arg12[%dma_start3A_692] : memref<1311744xf32, #tpu.memory_space<vmem_shared>> -> memref<1311744xf32, #tpu.memory_space<vmem_shared>>
      tpu.enqueue_indirect_dma source(%arg10 : memref<1024xf32, #tpu.memory_space<vmem>>) target(%dma_start3A_693 : memref<1311744xf32, #tpu.memory_space<vmem_shared>>) offsets(%arg7 : memref<1024xi32, #tpu.memory_space<vmem>>) semaphore(%arg18 : memref<!tpu.dma_semaphore, #tpu.memory_space<semaphore_mem>>) {add = true}
      %add3A_694 = arith.constant 2 : i32
      %add3A_695 = arith.addi %mul3A_672, %add3A_694 : i32
      %mul3A_696 = arith.constant 1024 : i32
      %mul3A_697 = arith.muli %add3A_695, %mul3A_696 : i32
      %add3A_698 = arith.addi %mul3A_0, %mul3A_697 : i32
      %dma_wait3A_699 = tpu.memref_slice %arg2[%add3A_84, %add3A_698] : memref<16x327680xi32, #tpu.memory_space<hbm>> -> memref<1x1024xi32, #tpu.memory_space<hbm>>
      %dma_wait3A_700 = tpu.memref_squeeze %dma_wait3A_699 : memref<1x1024xi32, #tpu.memory_space<hbm>> -> memref<1024xi32, #tpu.memory_space<hbm>>
      %dma_wait3A_701 = tpu.memref_slice %arg2[%add3A_84, %add3A_698] : memref<16x327680xi32, #tpu.memory_space<hbm>> -> memref<1x1024xi32, #tpu.memory_space<hbm>>
      %dma_wait3A_702 = tpu.memref_squeeze %dma_wait3A_701 : memref<1x1024xi32, #tpu.memory_space<hbm>> -> memref<1024xi32, #tpu.memory_space<hbm>>
      tpu.wait_dma2 semaphore(%arg15 : memref<!tpu.dma_semaphore, #tpu.memory_space<semaphore_mem>>) src(%dma_wait3A_702 : memref<1024xi32, #tpu.memory_space<hbm>>) dst(%arg8 : memref<1024xi32, #tpu.memory_space<vmem>>)
      %dma_start3A_703 = arith.constant 0 : i32
      %dma_start3A_704 = tpu.memref_slice %arg12[%dma_start3A_703] : memref<1311744xf32, #tpu.memory_space<vmem_shared>> -> memref<1311744xf32, #tpu.memory_space<vmem_shared>>
      tpu.enqueue_indirect_dma source(%arg10 : memref<1024xf32, #tpu.memory_space<vmem>>) target(%dma_start3A_704 : memref<1311744xf32, #tpu.memory_space<vmem_shared>>) offsets(%arg8 : memref<1024xi32, #tpu.memory_space<vmem>>) semaphore(%arg19 : memref<!tpu.dma_semaphore, #tpu.memory_space<semaphore_mem>>) {add = true}
      %add3A_705 = arith.constant 3 : i32
      %add3A_706 = arith.addi %mul3A_672, %add3A_705 : i32
      %mul3A_707 = arith.constant 1024 : i32
      %mul3A_708 = arith.muli %add3A_706, %mul3A_707 : i32
      %add3A_709 = arith.addi %mul3A_0, %mul3A_708 : i32
      %dma_wait3A_710 = tpu.memref_slice %arg2[%add3A_84, %add3A_709] : memref<16x327680xi32, #tpu.memory_space<hbm>> -> memref<1x1024xi32, #tpu.memory_space<hbm>>
      %dma_wait3A_711 = tpu.memref_squeeze %dma_wait3A_710 : memref<1x1024xi32, #tpu.memory_space<hbm>> -> memref<1024xi32, #tpu.memory_space<hbm>>
      %dma_wait3A_712 = tpu.memref_slice %arg2[%add3A_84, %add3A_709] : memref<16x327680xi32, #tpu.memory_space<hbm>> -> memref<1x1024xi32, #tpu.memory_space<hbm>>
      %dma_wait3A_713 = tpu.memref_squeeze %dma_wait3A_712 : memref<1x1024xi32, #tpu.memory_space<hbm>> -> memref<1024xi32, #tpu.memory_space<hbm>>
      tpu.wait_dma2 semaphore(%arg16 : memref<!tpu.dma_semaphore, #tpu.memory_space<semaphore_mem>>) src(%dma_wait3A_713 : memref<1024xi32, #tpu.memory_space<hbm>>) dst(%arg9 : memref<1024xi32, #tpu.memory_space<vmem>>)
      %dma_start3A_714 = arith.constant 0 : i32
      %dma_start3A_715 = tpu.memref_slice %arg12[%dma_start3A_714] : memref<1311744xf32, #tpu.memory_space<vmem_shared>> -> memref<1311744xf32, #tpu.memory_space<vmem_shared>>
      tpu.enqueue_indirect_dma source(%arg10 : memref<1024xf32, #tpu.memory_space<vmem>>) target(%dma_start3A_715 : memref<1311744xf32, #tpu.memory_space<vmem_shared>>) offsets(%arg9 : memref<1024xi32, #tpu.memory_space<vmem>>) semaphore(%arg20 : memref<!tpu.dma_semaphore, #tpu.memory_space<semaphore_mem>>) {add = true}
      %dma_wait3A_716 = arith.constant 0 : i32
      %dma_wait3A_717 = tpu.memref_slice %arg12[%dma_wait3A_716] : memref<1311744xf32, #tpu.memory_space<vmem_shared>> -> memref<1311744xf32, #tpu.memory_space<vmem_shared>>
      tpu.wait_indirect_dma semaphore(%arg17 : memref<!tpu.dma_semaphore, #tpu.memory_space<semaphore_mem>>) src(%arg10 : memref<1024xf32, #tpu.memory_space<vmem>>) dst(%dma_wait3A_717 : memref<1311744xf32, #tpu.memory_space<vmem_shared>>)
      %add3A_718 = arith.constant 0 : i32
      %add3A_719 = arith.addi %mul3A_672, %add3A_718 : i32
      %add3A_720 = arith.constant 4 : i32
      %add3A_721 = arith.addi %add3A_719, %add3A_720 : i32
      %lt3A = arith.constant 20 : i32
      %lt3A_722 = arith.cmpi slt, %add3A_721, %lt3A : i32
      %convert_element_type3A = arith.extui %lt3A_722 : i1 to i32
      %cond3A = arith.constant 0 : i32
      %cond3A_723 = arith.cmpi ne, %convert_element_type3A, %cond3A : i32
      scf.if %cond3A_723 {
        %add3A_758 = arith.constant 0 : i32
        %add3A_759 = arith.addi %mul3A_672, %add3A_758 : i32
        %add3A_760 = arith.constant 4 : i32
        %add3A_761 = arith.addi %add3A_759, %add3A_760 : i32
        %mul3A_762 = arith.constant 1024 : i32
        %mul3A_763 = arith.muli %add3A_761, %mul3A_762 : i32
        %add3A_764 = arith.addi %mul3A_0, %mul3A_763 : i32
        %dma_start3A_765 = tpu.memref_slice %arg2[%add3A_84, %add3A_764] : memref<16x327680xi32, #tpu.memory_space<hbm>> -> memref<1x1024xi32, #tpu.memory_space<hbm>>
        %dma_start3A_766 = tpu.memref_squeeze %dma_start3A_765 : memref<1x1024xi32, #tpu.memory_space<hbm>> -> memref<1024xi32, #tpu.memory_space<hbm>>
        %dma_start3A_767 = tpu.memref_slice %arg2[%add3A_84, %add3A_764] : memref<16x327680xi32, #tpu.memory_space<hbm>> -> memref<1x1024xi32, #tpu.memory_space<hbm>>
        %dma_start3A_768 = tpu.memref_squeeze %dma_start3A_767 : memref<1x1024xi32, #tpu.memory_space<hbm>> -> memref<1024xi32, #tpu.memory_space<hbm>>
        tpu.enqueue_dma source(%dma_start3A_768 : memref<1024xi32, #tpu.memory_space<hbm>>) target(%arg6 : memref<1024xi32, #tpu.memory_space<vmem>>) target_semaphore(%arg13 : memref<!tpu.dma_semaphore, #tpu.memory_space<semaphore_mem>>)
      } else {
      }
      %dma_wait3A_724 = arith.constant 0 : i32
      %dma_wait3A_725 = tpu.memref_slice %arg12[%dma_wait3A_724] : memref<1311744xf32, #tpu.memory_space<vmem_shared>> -> memref<1311744xf32, #tpu.memory_space<vmem_shared>>
      tpu.wait_indirect_dma semaphore(%arg18 : memref<!tpu.dma_semaphore, #tpu.memory_space<semaphore_mem>>) src(%arg10 : memref<1024xf32, #tpu.memory_space<vmem>>) dst(%dma_wait3A_725 : memref<1311744xf32, #tpu.memory_space<vmem_shared>>)
      %add3A_726 = arith.constant 1 : i32
      %add3A_727 = arith.addi %mul3A_672, %add3A_726 : i32
      %add3A_728 = arith.constant 4 : i32
      %add3A_729 = arith.addi %add3A_727, %add3A_728 : i32
      %lt3A_730 = arith.constant 20 : i32
      %lt3A_731 = arith.cmpi slt, %add3A_729, %lt3A_730 : i32
      %convert_element_type3A_732 = arith.extui %lt3A_731 : i1 to i32
      %cond3A_733 = arith.constant 0 : i32
      %cond3A_734 = arith.cmpi ne, %convert_element_type3A_732, %cond3A_733 : i32
      scf.if %cond3A_734 {
        %add3A_758 = arith.constant 1 : i32
        %add3A_759 = arith.addi %mul3A_672, %add3A_758 : i32
        %add3A_760 = arith.constant 4 : i32
        %add3A_761 = arith.addi %add3A_759, %add3A_760 : i32
        %mul3A_762 = arith.constant 1024 : i32
        %mul3A_763 = arith.muli %add3A_761, %mul3A_762 : i32
        %add3A_764 = arith.addi %mul3A_0, %mul3A_763 : i32
        %dma_start3A_765 = tpu.memref_slice %arg2[%add3A_84, %add3A_764] : memref<16x327680xi32, #tpu.memory_space<hbm>> -> memref<1x1024xi32, #tpu.memory_space<hbm>>
        %dma_start3A_766 = tpu.memref_squeeze %dma_start3A_765 : memref<1x1024xi32, #tpu.memory_space<hbm>> -> memref<1024xi32, #tpu.memory_space<hbm>>
        %dma_start3A_767 = tpu.memref_slice %arg2[%add3A_84, %add3A_764] : memref<16x327680xi32, #tpu.memory_space<hbm>> -> memref<1x1024xi32, #tpu.memory_space<hbm>>
        %dma_start3A_768 = tpu.memref_squeeze %dma_start3A_767 : memref<1x1024xi32, #tpu.memory_space<hbm>> -> memref<1024xi32, #tpu.memory_space<hbm>>
        tpu.enqueue_dma source(%dma_start3A_768 : memref<1024xi32, #tpu.memory_space<hbm>>) target(%arg7 : memref<1024xi32, #tpu.memory_space<vmem>>) target_semaphore(%arg14 : memref<!tpu.dma_semaphore, #tpu.memory_space<semaphore_mem>>)
      } else {
      }
      %dma_wait3A_735 = arith.constant 0 : i32
      %dma_wait3A_736 = tpu.memref_slice %arg12[%dma_wait3A_735] : memref<1311744xf32, #tpu.memory_space<vmem_shared>> -> memref<1311744xf32, #tpu.memory_space<vmem_shared>>
      tpu.wait_indirect_dma semaphore(%arg19 : memref<!tpu.dma_semaphore, #tpu.memory_space<semaphore_mem>>) src(%arg10 : memref<1024xf32, #tpu.memory_space<vmem>>) dst(%dma_wait3A_736 : memref<1311744xf32, #tpu.memory_space<vmem_shared>>)
      %add3A_737 = arith.constant 2 : i32
      %add3A_738 = arith.addi %mul3A_672, %add3A_737 : i32
      %add3A_739 = arith.constant 4 : i32
      %add3A_740 = arith.addi %add3A_738, %add3A_739 : i32
      %lt3A_741 = arith.constant 20 : i32
      %lt3A_742 = arith.cmpi slt, %add3A_740, %lt3A_741 : i32
      %convert_element_type3A_743 = arith.extui %lt3A_742 : i1 to i32
      %cond3A_744 = arith.constant 0 : i32
      %cond3A_745 = arith.cmpi ne, %convert_element_type3A_743, %cond3A_744 : i32
      scf.if %cond3A_745 {
        %add3A_758 = arith.constant 2 : i32
        %add3A_759 = arith.addi %mul3A_672, %add3A_758 : i32
        %add3A_760 = arith.constant 4 : i32
        %add3A_761 = arith.addi %add3A_759, %add3A_760 : i32
        %mul3A_762 = arith.constant 1024 : i32
        %mul3A_763 = arith.muli %add3A_761, %mul3A_762 : i32
        %add3A_764 = arith.addi %mul3A_0, %mul3A_763 : i32
        %dma_start3A_765 = tpu.memref_slice %arg2[%add3A_84, %add3A_764] : memref<16x327680xi32, #tpu.memory_space<hbm>> -> memref<1x1024xi32, #tpu.memory_space<hbm>>
        %dma_start3A_766 = tpu.memref_squeeze %dma_start3A_765 : memref<1x1024xi32, #tpu.memory_space<hbm>> -> memref<1024xi32, #tpu.memory_space<hbm>>
        %dma_start3A_767 = tpu.memref_slice %arg2[%add3A_84, %add3A_764] : memref<16x327680xi32, #tpu.memory_space<hbm>> -> memref<1x1024xi32, #tpu.memory_space<hbm>>
        %dma_start3A_768 = tpu.memref_squeeze %dma_start3A_767 : memref<1x1024xi32, #tpu.memory_space<hbm>> -> memref<1024xi32, #tpu.memory_space<hbm>>
        tpu.enqueue_dma source(%dma_start3A_768 : memref<1024xi32, #tpu.memory_space<hbm>>) target(%arg8 : memref<1024xi32, #tpu.memory_space<vmem>>) target_semaphore(%arg15 : memref<!tpu.dma_semaphore, #tpu.memory_space<semaphore_mem>>)
      } else {
      }
      %dma_wait3A_746 = arith.constant 0 : i32
      %dma_wait3A_747 = tpu.memref_slice %arg12[%dma_wait3A_746] : memref<1311744xf32, #tpu.memory_space<vmem_shared>> -> memref<1311744xf32, #tpu.memory_space<vmem_shared>>
      tpu.wait_indirect_dma semaphore(%arg20 : memref<!tpu.dma_semaphore, #tpu.memory_space<semaphore_mem>>) src(%arg10 : memref<1024xf32, #tpu.memory_space<vmem>>) dst(%dma_wait3A_747 : memref<1311744xf32, #tpu.memory_space<vmem_shared>>)
      %add3A_748 = arith.constant 3 : i32
      %add3A_749 = arith.addi %mul3A_672, %add3A_748 : i32
      %add3A_750 = arith.constant 4 : i32
      %add3A_751 = arith.addi %add3A_749, %add3A_750 : i32
      %lt3A_752 = arith.constant 20 : i32
      %lt3A_753 = arith.cmpi slt, %add3A_751, %lt3A_752 : i32
      %convert_element_type3A_754 = arith.extui %lt3A_753 : i1 to i32
      %cond3A_755 = arith.constant 0 : i32
      %cond3A_756 = arith.cmpi ne, %convert_element_type3A_754, %cond3A_755 : i32
      scf.if %cond3A_756 {
        %add3A_758 = arith.constant 3 : i32
        %add3A_759 = arith.addi %mul3A_672, %add3A_758 : i32
        %add3A_760 = arith.constant 4 : i32
        %add3A_761 = arith.addi %add3A_759, %add3A_760 : i32
        %mul3A_762 = arith.constant 1024 : i32
        %mul3A_763 = arith.muli %add3A_761, %mul3A_762 : i32
        %add3A_764 = arith.addi %mul3A_0, %mul3A_763 : i32
        %dma_start3A_765 = tpu.memref_slice %arg2[%add3A_84, %add3A_764] : memref<16x327680xi32, #tpu.memory_space<hbm>> -> memref<1x1024xi32, #tpu.memory_space<hbm>>
        %dma_start3A_766 = tpu.memref_squeeze %dma_start3A_765 : memref<1x1024xi32, #tpu.memory_space<hbm>> -> memref<1024xi32, #tpu.memory_space<hbm>>
        %dma_start3A_767 = tpu.memref_slice %arg2[%add3A_84, %add3A_764] : memref<16x327680xi32, #tpu.memory_space<hbm>> -> memref<1x1024xi32, #tpu.memory_space<hbm>>
        %dma_start3A_768 = tpu.memref_squeeze %dma_start3A_767 : memref<1x1024xi32, #tpu.memory_space<hbm>> -> memref<1024xi32, #tpu.memory_space<hbm>>
        tpu.enqueue_dma source(%dma_start3A_768 : memref<1024xi32, #tpu.memory_space<hbm>>) target(%arg9 : memref<1024xi32, #tpu.memory_space<vmem>>) target_semaphore(%arg16 : memref<!tpu.dma_semaphore, #tpu.memory_space<semaphore_mem>>)
      } else {
      }
      %scan3A_757 = arith.constant 0 : i32
      scf.yield %scan3A_757 : i32
    }
    %scan3A_158 = arith.constant 5 : i32
    %barrier3A_159 = arith.constant 0 : index
    tpu.barrier barrier_id(%barrier3A_159)
    %mul3A_160 = arith.constant 81920 : i32
    %mul3A_161 = arith.muli %arg1, %mul3A_160 : i32
    %mul3A_162 = arith.constant 81920 : i32
    %mul3A_163 = arith.muli %arg1, %mul3A_162 : i32
    %add3A_164 = arith.addi %mul3A_86, %mul3A_163 : i32
    "tpu.region"() ({
      %run_scoped3A = tpu.sem_alloc : memref<!tpu.dma_semaphore, #tpu.memory_space<semaphore_mem>>
      %dma_start3A_669 = tpu.memref_slice %arg5[%add3A_164] : memref<20971520xf32, #tpu.memory_space<hbm>> -> memref<81920xf32, #tpu.memory_space<hbm>>
      %dma_start3A_670 = tpu.memref_slice %arg12[%mul3A_161] : memref<1311744xf32, #tpu.memory_space<vmem_shared>> -> memref<81920xf32, #tpu.memory_space<vmem_shared>>
      tpu.enqueue_dma source(%dma_start3A_670 : memref<81920xf32, #tpu.memory_space<vmem_shared>>) target(%dma_start3A_669 : memref<81920xf32, #tpu.memory_space<hbm>>) target_semaphore(%run_scoped3A : memref<!tpu.dma_semaphore, #tpu.memory_space<semaphore_mem>>)
      %dma_wait3A = tpu.memref_slice %arg5[%add3A_164] : memref<20971520xf32, #tpu.memory_space<hbm>> -> memref<81920xf32, #tpu.memory_space<hbm>>
      %dma_wait3A_671 = tpu.memref_slice %arg12[%mul3A_161] : memref<1311744xf32, #tpu.memory_space<vmem_shared>> -> memref<81920xf32, #tpu.memory_space<vmem_shared>>
      tpu.wait_dma2 semaphore(%run_scoped3A : memref<!tpu.dma_semaphore, #tpu.memory_space<semaphore_mem>>) src(%dma_wait3A_671 : memref<81920xf32, #tpu.memory_space<vmem_shared>>) dst(%dma_wait3A : memref<81920xf32, #tpu.memory_space<hbm>>)
      tpu.yield
    }) : () -> ()
    %mul3A_165 = arith.constant 8 : i32
    %mul3A_166 = arith.muli %arg0, %mul3A_165 : i32
    %add3A_167 = arith.constant 2 : i32
    %add3A_168 = arith.addi %mul3A_166, %add3A_167 : i32
    %mul3A_169 = arith.constant 1310720 : i32
    %mul3A_170 = arith.muli %add3A_168, %mul3A_169 : i32
    %mul3A_171 = arith.constant 81920 : i32
    %mul3A_172 = arith.muli %arg1, %mul3A_171 : i32
    %add3A_173 = arith.constant 0 : i32
    %add3A_174 = arith.addi %mul3A_172, %add3A_173 : i32
    "tpu.region"() ({
      %run_scoped3A = tpu.sem_alloc : memref<!tpu.dma_semaphore, #tpu.memory_space<semaphore_mem>>
      %dma_start3A_669 = tpu.memref_slice %arg12[%add3A_174] : memref<1311744xf32, #tpu.memory_space<vmem_shared>> -> memref<8192xf32, #tpu.memory_space<vmem_shared>>
      %dma_start3A_670 = tpu.memref_slice %arg12[%add3A_174] : memref<1311744xf32, #tpu.memory_space<vmem_shared>> -> memref<8192xf32, #tpu.memory_space<vmem_shared>>
      tpu.enqueue_dma source(%arg11 : memref<8192xf32, #tpu.memory_space<vmem>>) target(%dma_start3A_670 : memref<8192xf32, #tpu.memory_space<vmem_shared>>) target_semaphore(%run_scoped3A : memref<!tpu.dma_semaphore, #tpu.memory_space<semaphore_mem>>)
      %dma_wait3A = tpu.memref_slice %arg12[%add3A_174] : memref<1311744xf32, #tpu.memory_space<vmem_shared>> -> memref<8192xf32, #tpu.memory_space<vmem_shared>>
      %dma_wait3A_671 = tpu.memref_slice %arg12[%add3A_174] : memref<1311744xf32, #tpu.memory_space<vmem_shared>> -> memref<8192xf32, #tpu.memory_space<vmem_shared>>
      tpu.wait_dma2 semaphore(%run_scoped3A : memref<!tpu.dma_semaphore, #tpu.memory_space<semaphore_mem>>) src(%arg11 : memref<8192xf32, #tpu.memory_space<vmem>>) dst(%dma_wait3A_671 : memref<8192xf32, #tpu.memory_space<vmem_shared>>)
      tpu.yield
    }) : () -> ()
    %mul3A_175 = arith.constant 81920 : i32
    %mul3A_176 = arith.muli %arg1, %mul3A_175 : i32
    %add3A_177 = arith.constant 8192 : i32
    %add3A_178 = arith.addi %mul3A_176, %add3A_177 : i32
    "tpu.region"() ({
      %run_scoped3A = tpu.sem_alloc : memref<!tpu.dma_semaphore, #tpu.memory_space<semaphore_mem>>
      %dma_start3A_669 = tpu.memref_slice %arg12[%add3A_178] : memref<1311744xf32, #tpu.memory_space<vmem_shared>> -> memref<8192xf32, #tpu.memory_space<vmem_shared>>
      %dma_start3A_670 = tpu.memref_slice %arg12[%add3A_178] : memref<1311744xf32, #tpu.memory_space<vmem_shared>> -> memref<8192xf32, #tpu.memory_space<vmem_shared>>
      tpu.enqueue_dma source(%arg11 : memref<8192xf32, #tpu.memory_space<vmem>>) target(%dma_start3A_670 : memref<8192xf32, #tpu.memory_space<vmem_shared>>) target_semaphore(%run_scoped3A : memref<!tpu.dma_semaphore, #tpu.memory_space<semaphore_mem>>)
      %dma_wait3A = tpu.memref_slice %arg12[%add3A_178] : memref<1311744xf32, #tpu.memory_space<vmem_shared>> -> memref<8192xf32, #tpu.memory_space<vmem_shared>>
      %dma_wait3A_671 = tpu.memref_slice %arg12[%add3A_178] : memref<1311744xf32, #tpu.memory_space<vmem_shared>> -> memref<8192xf32, #tpu.memory_space<vmem_shared>>
      tpu.wait_dma2 semaphore(%run_scoped3A : memref<!tpu.dma_semaphore, #tpu.memory_space<semaphore_mem>>) src(%arg11 : memref<8192xf32, #tpu.memory_space<vmem>>) dst(%dma_wait3A_671 : memref<8192xf32, #tpu.memory_space<vmem_shared>>)
      tpu.yield
    }) : () -> ()
    %mul3A_179 = arith.constant 81920 : i32
    %mul3A_180 = arith.muli %arg1, %mul3A_179 : i32
    %add3A_181 = arith.constant 16384 : i32
    %add3A_182 = arith.addi %mul3A_180, %add3A_181 : i32
    "tpu.region"() ({
      %run_scoped3A = tpu.sem_alloc : memref<!tpu.dma_semaphore, #tpu.memory_space<semaphore_mem>>
      %dma_start3A_669 = tpu.memref_slice %arg12[%add3A_182] : memref<1311744xf32, #tpu.memory_space<vmem_shared>> -> memref<8192xf32, #tpu.memory_space<vmem_shared>>
      %dma_start3A_670 = tpu.memref_slice %arg12[%add3A_182] : memref<1311744xf32, #tpu.memory_space<vmem_shared>> -> memref<8192xf32, #tpu.memory_space<vmem_shared>>
      tpu.enqueue_dma source(%arg11 : memref<8192xf32, #tpu.memory_space<vmem>>) target(%dma_start3A_670 : memref<8192xf32, #tpu.memory_space<vmem_shared>>) target_semaphore(%run_scoped3A : memref<!tpu.dma_semaphore, #tpu.memory_space<semaphore_mem>>)
      %dma_wait3A = tpu.memref_slice %arg12[%add3A_182] : memref<1311744xf32, #tpu.memory_space<vmem_shared>> -> memref<8192xf32, #tpu.memory_space<vmem_shared>>
      %dma_wait3A_671 = tpu.memref_slice %arg12[%add3A_182] : memref<1311744xf32, #tpu.memory_space<vmem_shared>> -> memref<8192xf32, #tpu.memory_space<vmem_shared>>
      tpu.wait_dma2 semaphore(%run_scoped3A : memref<!tpu.dma_semaphore, #tpu.memory_space<semaphore_mem>>) src(%arg11 : memref<8192xf32, #tpu.memory_space<vmem>>) dst(%dma_wait3A_671 : memref<8192xf32, #tpu.memory_space<vmem_shared>>)
      tpu.yield
    }) : () -> ()
    %mul3A_183 = arith.constant 81920 : i32
    %mul3A_184 = arith.muli %arg1, %mul3A_183 : i32
    %add3A_185 = arith.constant 24576 : i32
    %add3A_186 = arith.addi %mul3A_184, %add3A_185 : i32
    "tpu.region"() ({
      %run_scoped3A = tpu.sem_alloc : memref<!tpu.dma_semaphore, #tpu.memory_space<semaphore_mem>>
      %dma_start3A_669 = tpu.memref_slice %arg12[%add3A_186] : memref<1311744xf32, #tpu.memory_space<vmem_shared>> -> memref<8192xf32, #tpu.memory_space<vmem_shared>>
      %dma_start3A_670 = tpu.memref_slice %arg12[%add3A_186] : memref<1311744xf32, #tpu.memory_space<vmem_shared>> -> memref<8192xf32, #tpu.memory_space<vmem_shared>>
      tpu.enqueue_dma source(%arg11 : memref<8192xf32, #tpu.memory_space<vmem>>) target(%dma_start3A_670 : memref<8192xf32, #tpu.memory_space<vmem_shared>>) target_semaphore(%run_scoped3A : memref<!tpu.dma_semaphore, #tpu.memory_space<semaphore_mem>>)
      %dma_wait3A = tpu.memref_slice %arg12[%add3A_186] : memref<1311744xf32, #tpu.memory_space<vmem_shared>> -> memref<8192xf32, #tpu.memory_space<vmem_shared>>
      %dma_wait3A_671 = tpu.memref_slice %arg12[%add3A_186] : memref<1311744xf32, #tpu.memory_space<vmem_shared>> -> memref<8192xf32, #tpu.memory_space<vmem_shared>>
      tpu.wait_dma2 semaphore(%run_scoped3A : memref<!tpu.dma_semaphore, #tpu.memory_space<semaphore_mem>>) src(%arg11 : memref<8192xf32, #tpu.memory_space<vmem>>) dst(%dma_wait3A_671 : memref<8192xf32, #tpu.memory_space<vmem_shared>>)
      tpu.yield
    }) : () -> ()
    %mul3A_187 = arith.constant 81920 : i32
    %mul3A_188 = arith.muli %arg1, %mul3A_187 : i32
    %add3A_189 = arith.constant 32768 : i32
    %add3A_190 = arith.addi %mul3A_188, %add3A_189 : i32
    "tpu.region"() ({
      %run_scoped3A = tpu.sem_alloc : memref<!tpu.dma_semaphore, #tpu.memory_space<semaphore_mem>>
      %dma_start3A_669 = tpu.memref_slice %arg12[%add3A_190] : memref<1311744xf32, #tpu.memory_space<vmem_shared>> -> memref<8192xf32, #tpu.memory_space<vmem_shared>>
      %dma_start3A_670 = tpu.memref_slice %arg12[%add3A_190] : memref<1311744xf32, #tpu.memory_space<vmem_shared>> -> memref<8192xf32, #tpu.memory_space<vmem_shared>>
      tpu.enqueue_dma source(%arg11 : memref<8192xf32, #tpu.memory_space<vmem>>) target(%dma_start3A_670 : memref<8192xf32, #tpu.memory_space<vmem_shared>>) target_semaphore(%run_scoped3A : memref<!tpu.dma_semaphore, #tpu.memory_space<semaphore_mem>>)
      %dma_wait3A = tpu.memref_slice %arg12[%add3A_190] : memref<1311744xf32, #tpu.memory_space<vmem_shared>> -> memref<8192xf32, #tpu.memory_space<vmem_shared>>
      %dma_wait3A_671 = tpu.memref_slice %arg12[%add3A_190] : memref<1311744xf32, #tpu.memory_space<vmem_shared>> -> memref<8192xf32, #tpu.memory_space<vmem_shared>>
      tpu.wait_dma2 semaphore(%run_scoped3A : memref<!tpu.dma_semaphore, #tpu.memory_space<semaphore_mem>>) src(%arg11 : memref<8192xf32, #tpu.memory_space<vmem>>) dst(%dma_wait3A_671 : memref<8192xf32, #tpu.memory_space<vmem_shared>>)
      tpu.yield
    }) : () -> ()
    %mul3A_191 = arith.constant 81920 : i32
    %mul3A_192 = arith.muli %arg1, %mul3A_191 : i32
    %add3A_193 = arith.constant 40960 : i32
    %add3A_194 = arith.addi %mul3A_192, %add3A_193 : i32
    "tpu.region"() ({
      %run_scoped3A = tpu.sem_alloc : memref<!tpu.dma_semaphore, #tpu.memory_space<semaphore_mem>>
      %dma_start3A_669 = tpu.memref_slice %arg12[%add3A_194] : memref<1311744xf32, #tpu.memory_space<vmem_shared>> -> memref<8192xf32, #tpu.memory_space<vmem_shared>>
      %dma_start3A_670 = tpu.memref_slice %arg12[%add3A_194] : memref<1311744xf32, #tpu.memory_space<vmem_shared>> -> memref<8192xf32, #tpu.memory_space<vmem_shared>>
      tpu.enqueue_dma source(%arg11 : memref<8192xf32, #tpu.memory_space<vmem>>) target(%dma_start3A_670 : memref<8192xf32, #tpu.memory_space<vmem_shared>>) target_semaphore(%run_scoped3A : memref<!tpu.dma_semaphore, #tpu.memory_space<semaphore_mem>>)
      %dma_wait3A = tpu.memref_slice %arg12[%add3A_194] : memref<1311744xf32, #tpu.memory_space<vmem_shared>> -> memref<8192xf32, #tpu.memory_space<vmem_shared>>
      %dma_wait3A_671 = tpu.memref_slice %arg12[%add3A_194] : memref<1311744xf32, #tpu.memory_space<vmem_shared>> -> memref<8192xf32, #tpu.memory_space<vmem_shared>>
      tpu.wait_dma2 semaphore(%run_scoped3A : memref<!tpu.dma_semaphore, #tpu.memory_space<semaphore_mem>>) src(%arg11 : memref<8192xf32, #tpu.memory_space<vmem>>) dst(%dma_wait3A_671 : memref<8192xf32, #tpu.memory_space<vmem_shared>>)
      tpu.yield
    }) : () -> ()
    %mul3A_195 = arith.constant 81920 : i32
    %mul3A_196 = arith.muli %arg1, %mul3A_195 : i32
    %add3A_197 = arith.constant 49152 : i32
    %add3A_198 = arith.addi %mul3A_196, %add3A_197 : i32
    "tpu.region"() ({
      %run_scoped3A = tpu.sem_alloc : memref<!tpu.dma_semaphore, #tpu.memory_space<semaphore_mem>>
      %dma_start3A_669 = tpu.memref_slice %arg12[%add3A_198] : memref<1311744xf32, #tpu.memory_space<vmem_shared>> -> memref<8192xf32, #tpu.memory_space<vmem_shared>>
      %dma_start3A_670 = tpu.memref_slice %arg12[%add3A_198] : memref<1311744xf32, #tpu.memory_space<vmem_shared>> -> memref<8192xf32, #tpu.memory_space<vmem_shared>>
      tpu.enqueue_dma source(%arg11 : memref<8192xf32, #tpu.memory_space<vmem>>) target(%dma_start3A_670 : memref<8192xf32, #tpu.memory_space<vmem_shared>>) target_semaphore(%run_scoped3A : memref<!tpu.dma_semaphore, #tpu.memory_space<semaphore_mem>>)
      %dma_wait3A = tpu.memref_slice %arg12[%add3A_198] : memref<1311744xf32, #tpu.memory_space<vmem_shared>> -> memref<8192xf32, #tpu.memory_space<vmem_shared>>
      %dma_wait3A_671 = tpu.memref_slice %arg12[%add3A_198] : memref<1311744xf32, #tpu.memory_space<vmem_shared>> -> memref<8192xf32, #tpu.memory_space<vmem_shared>>
      tpu.wait_dma2 semaphore(%run_scoped3A : memref<!tpu.dma_semaphore, #tpu.memory_space<semaphore_mem>>) src(%arg11 : memref<8192xf32, #tpu.memory_space<vmem>>) dst(%dma_wait3A_671 : memref<8192xf32, #tpu.memory_space<vmem_shared>>)
      tpu.yield
    }) : () -> ()
    %mul3A_199 = arith.constant 81920 : i32
    %mul3A_200 = arith.muli %arg1, %mul3A_199 : i32
    %add3A_201 = arith.constant 57344 : i32
    %add3A_202 = arith.addi %mul3A_200, %add3A_201 : i32
    "tpu.region"() ({
      %run_scoped3A = tpu.sem_alloc : memref<!tpu.dma_semaphore, #tpu.memory_space<semaphore_mem>>
      %dma_start3A_669 = tpu.memref_slice %arg12[%add3A_202] : memref<1311744xf32, #tpu.memory_space<vmem_shared>> -> memref<8192xf32, #tpu.memory_space<vmem_shared>>
      %dma_start3A_670 = tpu.memref_slice %arg12[%add3A_202] : memref<1311744xf32, #tpu.memory_space<vmem_shared>> -> memref<8192xf32, #tpu.memory_space<vmem_shared>>
      tpu.enqueue_dma source(%arg11 : memref<8192xf32, #tpu.memory_space<vmem>>) target(%dma_start3A_670 : memref<8192xf32, #tpu.memory_space<vmem_shared>>) target_semaphore(%run_scoped3A : memref<!tpu.dma_semaphore, #tpu.memory_space<semaphore_mem>>)
      %dma_wait3A = tpu.memref_slice %arg12[%add3A_202] : memref<1311744xf32, #tpu.memory_space<vmem_shared>> -> memref<8192xf32, #tpu.memory_space<vmem_shared>>
      %dma_wait3A_671 = tpu.memref_slice %arg12[%add3A_202] : memref<1311744xf32, #tpu.memory_space<vmem_shared>> -> memref<8192xf32, #tpu.memory_space<vmem_shared>>
      tpu.wait_dma2 semaphore(%run_scoped3A : memref<!tpu.dma_semaphore, #tpu.memory_space<semaphore_mem>>) src(%arg11 : memref<8192xf32, #tpu.memory_space<vmem>>) dst(%dma_wait3A_671 : memref<8192xf32, #tpu.memory_space<vmem_shared>>)
      tpu.yield
    }) : () -> ()
    %mul3A_203 = arith.constant 81920 : i32
    %mul3A_204 = arith.muli %arg1, %mul3A_203 : i32
    %add3A_205 = arith.constant 65536 : i32
    %add3A_206 = arith.addi %mul3A_204, %add3A_205 : i32
    "tpu.region"() ({
      %run_scoped3A = tpu.sem_alloc : memref<!tpu.dma_semaphore, #tpu.memory_space<semaphore_mem>>
      %dma_start3A_669 = tpu.memref_slice %arg12[%add3A_206] : memref<1311744xf32, #tpu.memory_space<vmem_shared>> -> memref<8192xf32, #tpu.memory_space<vmem_shared>>
      %dma_start3A_670 = tpu.memref_slice %arg12[%add3A_206] : memref<1311744xf32, #tpu.memory_space<vmem_shared>> -> memref<8192xf32, #tpu.memory_space<vmem_shared>>
      tpu.enqueue_dma source(%arg11 : memref<8192xf32, #tpu.memory_space<vmem>>) target(%dma_start3A_670 : memref<8192xf32, #tpu.memory_space<vmem_shared>>) target_semaphore(%run_scoped3A : memref<!tpu.dma_semaphore, #tpu.memory_space<semaphore_mem>>)
      %dma_wait3A = tpu.memref_slice %arg12[%add3A_206] : memref<1311744xf32, #tpu.memory_space<vmem_shared>> -> memref<8192xf32, #tpu.memory_space<vmem_shared>>
      %dma_wait3A_671 = tpu.memref_slice %arg12[%add3A_206] : memref<1311744xf32, #tpu.memory_space<vmem_shared>> -> memref<8192xf32, #tpu.memory_space<vmem_shared>>
      tpu.wait_dma2 semaphore(%run_scoped3A : memref<!tpu.dma_semaphore, #tpu.memory_space<semaphore_mem>>) src(%arg11 : memref<8192xf32, #tpu.memory_space<vmem>>) dst(%dma_wait3A_671 : memref<8192xf32, #tpu.memory_space<vmem_shared>>)
      tpu.yield
    }) : () -> ()
    %mul3A_207 = arith.constant 81920 : i32
    %mul3A_208 = arith.muli %arg1, %mul3A_207 : i32
    %add3A_209 = arith.constant 73728 : i32
    %add3A_210 = arith.addi %mul3A_208, %add3A_209 : i32
    "tpu.region"() ({
      %run_scoped3A = tpu.sem_alloc : memref<!tpu.dma_semaphore, #tpu.memory_space<semaphore_mem>>
      %dma_start3A_669 = tpu.memref_slice %arg12[%add3A_210] : memref<1311744xf32, #tpu.memory_space<vmem_shared>> -> memref<8192xf32, #tpu.memory_space<vmem_shared>>
      %dma_start3A_670 = tpu.memref_slice %arg12[%add3A_210] : memref<1311744xf32, #tpu.memory_space<vmem_shared>> -> memref<8192xf32, #tpu.memory_space<vmem_shared>>
      tpu.enqueue_dma source(%arg11 : memref<8192xf32, #tpu.memory_space<vmem>>) target(%dma_start3A_670 : memref<8192xf32, #tpu.memory_space<vmem_shared>>) target_semaphore(%run_scoped3A : memref<!tpu.dma_semaphore, #tpu.memory_space<semaphore_mem>>)
      %dma_wait3A = tpu.memref_slice %arg12[%add3A_210] : memref<1311744xf32, #tpu.memory_space<vmem_shared>> -> memref<8192xf32, #tpu.memory_space<vmem_shared>>
      %dma_wait3A_671 = tpu.memref_slice %arg12[%add3A_210] : memref<1311744xf32, #tpu.memory_space<vmem_shared>> -> memref<8192xf32, #tpu.memory_space<vmem_shared>>
      tpu.wait_dma2 semaphore(%run_scoped3A : memref<!tpu.dma_semaphore, #tpu.memory_space<semaphore_mem>>) src(%arg11 : memref<8192xf32, #tpu.memory_space<vmem>>) dst(%dma_wait3A_671 : memref<8192xf32, #tpu.memory_space<vmem_shared>>)
      tpu.yield
    }) : () -> ()
    %barrier3A_211 = arith.constant 0 : index
    tpu.barrier barrier_id(%barrier3A_211)
    %add3A_212 = arith.constant 0 : i32
    %add3A_213 = arith.addi %mul3A_0, %add3A_212 : i32
    %dma_start3A_214 = tpu.memref_slice %arg2[%add3A_168, %add3A_213] : memref<16x327680xi32, #tpu.memory_space<hbm>> -> memref<1x1024xi32, #tpu.memory_space<hbm>>
    %dma_start3A_215 = tpu.memref_squeeze %dma_start3A_214 : memref<1x1024xi32, #tpu.memory_space<hbm>> -> memref<1024xi32, #tpu.memory_space<hbm>>
    %dma_start3A_216 = tpu.memref_slice %arg2[%add3A_168, %add3A_213] : memref<16x327680xi32, #tpu.memory_space<hbm>> -> memref<1x1024xi32, #tpu.memory_space<hbm>>
    %dma_start3A_217 = tpu.memref_squeeze %dma_start3A_216 : memref<1x1024xi32, #tpu.memory_space<hbm>> -> memref<1024xi32, #tpu.memory_space<hbm>>
    tpu.enqueue_dma source(%dma_start3A_217 : memref<1024xi32, #tpu.memory_space<hbm>>) target(%arg6 : memref<1024xi32, #tpu.memory_space<vmem>>) target_semaphore(%arg13 : memref<!tpu.dma_semaphore, #tpu.memory_space<semaphore_mem>>)
    %add3A_218 = arith.constant 1024 : i32
    %add3A_219 = arith.addi %mul3A_0, %add3A_218 : i32
    %dma_start3A_220 = tpu.memref_slice %arg2[%add3A_168, %add3A_219] : memref<16x327680xi32, #tpu.memory_space<hbm>> -> memref<1x1024xi32, #tpu.memory_space<hbm>>
    %dma_start3A_221 = tpu.memref_squeeze %dma_start3A_220 : memref<1x1024xi32, #tpu.memory_space<hbm>> -> memref<1024xi32, #tpu.memory_space<hbm>>
    %dma_start3A_222 = tpu.memref_slice %arg2[%add3A_168, %add3A_219] : memref<16x327680xi32, #tpu.memory_space<hbm>> -> memref<1x1024xi32, #tpu.memory_space<hbm>>
    %dma_start3A_223 = tpu.memref_squeeze %dma_start3A_222 : memref<1x1024xi32, #tpu.memory_space<hbm>> -> memref<1024xi32, #tpu.memory_space<hbm>>
    tpu.enqueue_dma source(%dma_start3A_223 : memref<1024xi32, #tpu.memory_space<hbm>>) target(%arg7 : memref<1024xi32, #tpu.memory_space<vmem>>) target_semaphore(%arg14 : memref<!tpu.dma_semaphore, #tpu.memory_space<semaphore_mem>>)
    %add3A_224 = arith.constant 2048 : i32
    %add3A_225 = arith.addi %mul3A_0, %add3A_224 : i32
    %dma_start3A_226 = tpu.memref_slice %arg2[%add3A_168, %add3A_225] : memref<16x327680xi32, #tpu.memory_space<hbm>> -> memref<1x1024xi32, #tpu.memory_space<hbm>>
    %dma_start3A_227 = tpu.memref_squeeze %dma_start3A_226 : memref<1x1024xi32, #tpu.memory_space<hbm>> -> memref<1024xi32, #tpu.memory_space<hbm>>
    %dma_start3A_228 = tpu.memref_slice %arg2[%add3A_168, %add3A_225] : memref<16x327680xi32, #tpu.memory_space<hbm>> -> memref<1x1024xi32, #tpu.memory_space<hbm>>
    %dma_start3A_229 = tpu.memref_squeeze %dma_start3A_228 : memref<1x1024xi32, #tpu.memory_space<hbm>> -> memref<1024xi32, #tpu.memory_space<hbm>>
    tpu.enqueue_dma source(%dma_start3A_229 : memref<1024xi32, #tpu.memory_space<hbm>>) target(%arg8 : memref<1024xi32, #tpu.memory_space<vmem>>) target_semaphore(%arg15 : memref<!tpu.dma_semaphore, #tpu.memory_space<semaphore_mem>>)
    %add3A_230 = arith.constant 3072 : i32
    %add3A_231 = arith.addi %mul3A_0, %add3A_230 : i32
    %dma_start3A_232 = tpu.memref_slice %arg2[%add3A_168, %add3A_231] : memref<16x327680xi32, #tpu.memory_space<hbm>> -> memref<1x1024xi32, #tpu.memory_space<hbm>>
    %dma_start3A_233 = tpu.memref_squeeze %dma_start3A_232 : memref<1x1024xi32, #tpu.memory_space<hbm>> -> memref<1024xi32, #tpu.memory_space<hbm>>
    %dma_start3A_234 = tpu.memref_slice %arg2[%add3A_168, %add3A_231] : memref<16x327680xi32, #tpu.memory_space<hbm>> -> memref<1x1024xi32, #tpu.memory_space<hbm>>
    %dma_start3A_235 = tpu.memref_squeeze %dma_start3A_234 : memref<1x1024xi32, #tpu.memory_space<hbm>> -> memref<1024xi32, #tpu.memory_space<hbm>>
    tpu.enqueue_dma source(%dma_start3A_235 : memref<1024xi32, #tpu.memory_space<hbm>>) target(%arg9 : memref<1024xi32, #tpu.memory_space<vmem>>) target_semaphore(%arg16 : memref<!tpu.dma_semaphore, #tpu.memory_space<semaphore_mem>>)
    %scan3A_236 = arith.constant 0 : i32
    %scan3A_237 = arith.constant 0 : i32
    %scan3A_238 = arith.constant 5 : i32
    %scan3A_239 = arith.addi %scan3A_237, %scan3A_238 : i32
    %scan3A_240 = arith.constant 1 : i32
    %scan3A_241 = scf.for %scan3A_669 = %scan3A_237 to %scan3A_239 step %scan3A_240 iter_args(%scan3A_670 = %scan3A_236) -> (i32)  : i32 {
      %mul3A_671 = arith.constant 4 : i32
      %mul3A_672 = arith.muli %mul3A_671, %scan3A_669 : i32
      %add3A_673 = arith.constant 0 : i32
      %add3A_674 = arith.addi %mul3A_672, %add3A_673 : i32
      %mul3A_675 = arith.constant 1024 : i32
      %mul3A_676 = arith.muli %add3A_674, %mul3A_675 : i32
      %add3A_677 = arith.addi %mul3A_0, %mul3A_676 : i32
      %dma_wait3A = tpu.memref_slice %arg2[%add3A_168, %add3A_677] : memref<16x327680xi32, #tpu.memory_space<hbm>> -> memref<1x1024xi32, #tpu.memory_space<hbm>>
      %dma_wait3A_678 = tpu.memref_squeeze %dma_wait3A : memref<1x1024xi32, #tpu.memory_space<hbm>> -> memref<1024xi32, #tpu.memory_space<hbm>>
      %dma_wait3A_679 = tpu.memref_slice %arg2[%add3A_168, %add3A_677] : memref<16x327680xi32, #tpu.memory_space<hbm>> -> memref<1x1024xi32, #tpu.memory_space<hbm>>
      %dma_wait3A_680 = tpu.memref_squeeze %dma_wait3A_679 : memref<1x1024xi32, #tpu.memory_space<hbm>> -> memref<1024xi32, #tpu.memory_space<hbm>>
      tpu.wait_dma2 semaphore(%arg13 : memref<!tpu.dma_semaphore, #tpu.memory_space<semaphore_mem>>) src(%dma_wait3A_680 : memref<1024xi32, #tpu.memory_space<hbm>>) dst(%arg6 : memref<1024xi32, #tpu.memory_space<vmem>>)
      %dma_start3A_681 = arith.constant 0 : i32
      %dma_start3A_682 = tpu.memref_slice %arg12[%dma_start3A_681] : memref<1311744xf32, #tpu.memory_space<vmem_shared>> -> memref<1311744xf32, #tpu.memory_space<vmem_shared>>
      tpu.enqueue_indirect_dma source(%arg10 : memref<1024xf32, #tpu.memory_space<vmem>>) target(%dma_start3A_682 : memref<1311744xf32, #tpu.memory_space<vmem_shared>>) offsets(%arg6 : memref<1024xi32, #tpu.memory_space<vmem>>) semaphore(%arg17 : memref<!tpu.dma_semaphore, #tpu.memory_space<semaphore_mem>>) {add = true}
      %add3A_683 = arith.constant 1 : i32
      %add3A_684 = arith.addi %mul3A_672, %add3A_683 : i32
      %mul3A_685 = arith.constant 1024 : i32
      %mul3A_686 = arith.muli %add3A_684, %mul3A_685 : i32
      %add3A_687 = arith.addi %mul3A_0, %mul3A_686 : i32
      %dma_wait3A_688 = tpu.memref_slice %arg2[%add3A_168, %add3A_687] : memref<16x327680xi32, #tpu.memory_space<hbm>> -> memref<1x1024xi32, #tpu.memory_space<hbm>>
      %dma_wait3A_689 = tpu.memref_squeeze %dma_wait3A_688 : memref<1x1024xi32, #tpu.memory_space<hbm>> -> memref<1024xi32, #tpu.memory_space<hbm>>
      %dma_wait3A_690 = tpu.memref_slice %arg2[%add3A_168, %add3A_687] : memref<16x327680xi32, #tpu.memory_space<hbm>> -> memref<1x1024xi32, #tpu.memory_space<hbm>>
      %dma_wait3A_691 = tpu.memref_squeeze %dma_wait3A_690 : memref<1x1024xi32, #tpu.memory_space<hbm>> -> memref<1024xi32, #tpu.memory_space<hbm>>
      tpu.wait_dma2 semaphore(%arg14 : memref<!tpu.dma_semaphore, #tpu.memory_space<semaphore_mem>>) src(%dma_wait3A_691 : memref<1024xi32, #tpu.memory_space<hbm>>) dst(%arg7 : memref<1024xi32, #tpu.memory_space<vmem>>)
      %dma_start3A_692 = arith.constant 0 : i32
      %dma_start3A_693 = tpu.memref_slice %arg12[%dma_start3A_692] : memref<1311744xf32, #tpu.memory_space<vmem_shared>> -> memref<1311744xf32, #tpu.memory_space<vmem_shared>>
      tpu.enqueue_indirect_dma source(%arg10 : memref<1024xf32, #tpu.memory_space<vmem>>) target(%dma_start3A_693 : memref<1311744xf32, #tpu.memory_space<vmem_shared>>) offsets(%arg7 : memref<1024xi32, #tpu.memory_space<vmem>>) semaphore(%arg18 : memref<!tpu.dma_semaphore, #tpu.memory_space<semaphore_mem>>) {add = true}
      %add3A_694 = arith.constant 2 : i32
      %add3A_695 = arith.addi %mul3A_672, %add3A_694 : i32
      %mul3A_696 = arith.constant 1024 : i32
      %mul3A_697 = arith.muli %add3A_695, %mul3A_696 : i32
      %add3A_698 = arith.addi %mul3A_0, %mul3A_697 : i32
      %dma_wait3A_699 = tpu.memref_slice %arg2[%add3A_168, %add3A_698] : memref<16x327680xi32, #tpu.memory_space<hbm>> -> memref<1x1024xi32, #tpu.memory_space<hbm>>
      %dma_wait3A_700 = tpu.memref_squeeze %dma_wait3A_699 : memref<1x1024xi32, #tpu.memory_space<hbm>> -> memref<1024xi32, #tpu.memory_space<hbm>>
      %dma_wait3A_701 = tpu.memref_slice %arg2[%add3A_168, %add3A_698] : memref<16x327680xi32, #tpu.memory_space<hbm>> -> memref<1x1024xi32, #tpu.memory_space<hbm>>
      %dma_wait3A_702 = tpu.memref_squeeze %dma_wait3A_701 : memref<1x1024xi32, #tpu.memory_space<hbm>> -> memref<1024xi32, #tpu.memory_space<hbm>>
      tpu.wait_dma2 semaphore(%arg15 : memref<!tpu.dma_semaphore, #tpu.memory_space<semaphore_mem>>) src(%dma_wait3A_702 : memref<1024xi32, #tpu.memory_space<hbm>>) dst(%arg8 : memref<1024xi32, #tpu.memory_space<vmem>>)
      %dma_start3A_703 = arith.constant 0 : i32
      %dma_start3A_704 = tpu.memref_slice %arg12[%dma_start3A_703] : memref<1311744xf32, #tpu.memory_space<vmem_shared>> -> memref<1311744xf32, #tpu.memory_space<vmem_shared>>
      tpu.enqueue_indirect_dma source(%arg10 : memref<1024xf32, #tpu.memory_space<vmem>>) target(%dma_start3A_704 : memref<1311744xf32, #tpu.memory_space<vmem_shared>>) offsets(%arg8 : memref<1024xi32, #tpu.memory_space<vmem>>) semaphore(%arg19 : memref<!tpu.dma_semaphore, #tpu.memory_space<semaphore_mem>>) {add = true}
      %add3A_705 = arith.constant 3 : i32
      %add3A_706 = arith.addi %mul3A_672, %add3A_705 : i32
      %mul3A_707 = arith.constant 1024 : i32
      %mul3A_708 = arith.muli %add3A_706, %mul3A_707 : i32
      %add3A_709 = arith.addi %mul3A_0, %mul3A_708 : i32
      %dma_wait3A_710 = tpu.memref_slice %arg2[%add3A_168, %add3A_709] : memref<16x327680xi32, #tpu.memory_space<hbm>> -> memref<1x1024xi32, #tpu.memory_space<hbm>>
      %dma_wait3A_711 = tpu.memref_squeeze %dma_wait3A_710 : memref<1x1024xi32, #tpu.memory_space<hbm>> -> memref<1024xi32, #tpu.memory_space<hbm>>
      %dma_wait3A_712 = tpu.memref_slice %arg2[%add3A_168, %add3A_709] : memref<16x327680xi32, #tpu.memory_space<hbm>> -> memref<1x1024xi32, #tpu.memory_space<hbm>>
      %dma_wait3A_713 = tpu.memref_squeeze %dma_wait3A_712 : memref<1x1024xi32, #tpu.memory_space<hbm>> -> memref<1024xi32, #tpu.memory_space<hbm>>
      tpu.wait_dma2 semaphore(%arg16 : memref<!tpu.dma_semaphore, #tpu.memory_space<semaphore_mem>>) src(%dma_wait3A_713 : memref<1024xi32, #tpu.memory_space<hbm>>) dst(%arg9 : memref<1024xi32, #tpu.memory_space<vmem>>)
      %dma_start3A_714 = arith.constant 0 : i32
      %dma_start3A_715 = tpu.memref_slice %arg12[%dma_start3A_714] : memref<1311744xf32, #tpu.memory_space<vmem_shared>> -> memref<1311744xf32, #tpu.memory_space<vmem_shared>>
      tpu.enqueue_indirect_dma source(%arg10 : memref<1024xf32, #tpu.memory_space<vmem>>) target(%dma_start3A_715 : memref<1311744xf32, #tpu.memory_space<vmem_shared>>) offsets(%arg9 : memref<1024xi32, #tpu.memory_space<vmem>>) semaphore(%arg20 : memref<!tpu.dma_semaphore, #tpu.memory_space<semaphore_mem>>) {add = true}
      %dma_wait3A_716 = arith.constant 0 : i32
      %dma_wait3A_717 = tpu.memref_slice %arg12[%dma_wait3A_716] : memref<1311744xf32, #tpu.memory_space<vmem_shared>> -> memref<1311744xf32, #tpu.memory_space<vmem_shared>>
      tpu.wait_indirect_dma semaphore(%arg17 : memref<!tpu.dma_semaphore, #tpu.memory_space<semaphore_mem>>) src(%arg10 : memref<1024xf32, #tpu.memory_space<vmem>>) dst(%dma_wait3A_717 : memref<1311744xf32, #tpu.memory_space<vmem_shared>>)
      %add3A_718 = arith.constant 0 : i32
      %add3A_719 = arith.addi %mul3A_672, %add3A_718 : i32
      %add3A_720 = arith.constant 4 : i32
      %add3A_721 = arith.addi %add3A_719, %add3A_720 : i32
      %lt3A = arith.constant 20 : i32
      %lt3A_722 = arith.cmpi slt, %add3A_721, %lt3A : i32
      %convert_element_type3A = arith.extui %lt3A_722 : i1 to i32
      %cond3A = arith.constant 0 : i32
      %cond3A_723 = arith.cmpi ne, %convert_element_type3A, %cond3A : i32
      scf.if %cond3A_723 {
        %add3A_758 = arith.constant 0 : i32
        %add3A_759 = arith.addi %mul3A_672, %add3A_758 : i32
        %add3A_760 = arith.constant 4 : i32
        %add3A_761 = arith.addi %add3A_759, %add3A_760 : i32
        %mul3A_762 = arith.constant 1024 : i32
        %mul3A_763 = arith.muli %add3A_761, %mul3A_762 : i32
        %add3A_764 = arith.addi %mul3A_0, %mul3A_763 : i32
        %dma_start3A_765 = tpu.memref_slice %arg2[%add3A_168, %add3A_764] : memref<16x327680xi32, #tpu.memory_space<hbm>> -> memref<1x1024xi32, #tpu.memory_space<hbm>>
        %dma_start3A_766 = tpu.memref_squeeze %dma_start3A_765 : memref<1x1024xi32, #tpu.memory_space<hbm>> -> memref<1024xi32, #tpu.memory_space<hbm>>
        %dma_start3A_767 = tpu.memref_slice %arg2[%add3A_168, %add3A_764] : memref<16x327680xi32, #tpu.memory_space<hbm>> -> memref<1x1024xi32, #tpu.memory_space<hbm>>
        %dma_start3A_768 = tpu.memref_squeeze %dma_start3A_767 : memref<1x1024xi32, #tpu.memory_space<hbm>> -> memref<1024xi32, #tpu.memory_space<hbm>>
        tpu.enqueue_dma source(%dma_start3A_768 : memref<1024xi32, #tpu.memory_space<hbm>>) target(%arg6 : memref<1024xi32, #tpu.memory_space<vmem>>) target_semaphore(%arg13 : memref<!tpu.dma_semaphore, #tpu.memory_space<semaphore_mem>>)
      } else {
      }
      %dma_wait3A_724 = arith.constant 0 : i32
      %dma_wait3A_725 = tpu.memref_slice %arg12[%dma_wait3A_724] : memref<1311744xf32, #tpu.memory_space<vmem_shared>> -> memref<1311744xf32, #tpu.memory_space<vmem_shared>>
      tpu.wait_indirect_dma semaphore(%arg18 : memref<!tpu.dma_semaphore, #tpu.memory_space<semaphore_mem>>) src(%arg10 : memref<1024xf32, #tpu.memory_space<vmem>>) dst(%dma_wait3A_725 : memref<1311744xf32, #tpu.memory_space<vmem_shared>>)
      %add3A_726 = arith.constant 1 : i32
      %add3A_727 = arith.addi %mul3A_672, %add3A_726 : i32
      %add3A_728 = arith.constant 4 : i32
      %add3A_729 = arith.addi %add3A_727, %add3A_728 : i32
      %lt3A_730 = arith.constant 20 : i32
      %lt3A_731 = arith.cmpi slt, %add3A_729, %lt3A_730 : i32
      %convert_element_type3A_732 = arith.extui %lt3A_731 : i1 to i32
      %cond3A_733 = arith.constant 0 : i32
      %cond3A_734 = arith.cmpi ne, %convert_element_type3A_732, %cond3A_733 : i32
      scf.if %cond3A_734 {
        %add3A_758 = arith.constant 1 : i32
        %add3A_759 = arith.addi %mul3A_672, %add3A_758 : i32
        %add3A_760 = arith.constant 4 : i32
        %add3A_761 = arith.addi %add3A_759, %add3A_760 : i32
        %mul3A_762 = arith.constant 1024 : i32
        %mul3A_763 = arith.muli %add3A_761, %mul3A_762 : i32
        %add3A_764 = arith.addi %mul3A_0, %mul3A_763 : i32
        %dma_start3A_765 = tpu.memref_slice %arg2[%add3A_168, %add3A_764] : memref<16x327680xi32, #tpu.memory_space<hbm>> -> memref<1x1024xi32, #tpu.memory_space<hbm>>
        %dma_start3A_766 = tpu.memref_squeeze %dma_start3A_765 : memref<1x1024xi32, #tpu.memory_space<hbm>> -> memref<1024xi32, #tpu.memory_space<hbm>>
        %dma_start3A_767 = tpu.memref_slice %arg2[%add3A_168, %add3A_764] : memref<16x327680xi32, #tpu.memory_space<hbm>> -> memref<1x1024xi32, #tpu.memory_space<hbm>>
        %dma_start3A_768 = tpu.memref_squeeze %dma_start3A_767 : memref<1x1024xi32, #tpu.memory_space<hbm>> -> memref<1024xi32, #tpu.memory_space<hbm>>
        tpu.enqueue_dma source(%dma_start3A_768 : memref<1024xi32, #tpu.memory_space<hbm>>) target(%arg7 : memref<1024xi32, #tpu.memory_space<vmem>>) target_semaphore(%arg14 : memref<!tpu.dma_semaphore, #tpu.memory_space<semaphore_mem>>)
      } else {
      }
      %dma_wait3A_735 = arith.constant 0 : i32
      %dma_wait3A_736 = tpu.memref_slice %arg12[%dma_wait3A_735] : memref<1311744xf32, #tpu.memory_space<vmem_shared>> -> memref<1311744xf32, #tpu.memory_space<vmem_shared>>
      tpu.wait_indirect_dma semaphore(%arg19 : memref<!tpu.dma_semaphore, #tpu.memory_space<semaphore_mem>>) src(%arg10 : memref<1024xf32, #tpu.memory_space<vmem>>) dst(%dma_wait3A_736 : memref<1311744xf32, #tpu.memory_space<vmem_shared>>)
      %add3A_737 = arith.constant 2 : i32
      %add3A_738 = arith.addi %mul3A_672, %add3A_737 : i32
      %add3A_739 = arith.constant 4 : i32
      %add3A_740 = arith.addi %add3A_738, %add3A_739 : i32
      %lt3A_741 = arith.constant 20 : i32
      %lt3A_742 = arith.cmpi slt, %add3A_740, %lt3A_741 : i32
      %convert_element_type3A_743 = arith.extui %lt3A_742 : i1 to i32
      %cond3A_744 = arith.constant 0 : i32
      %cond3A_745 = arith.cmpi ne, %convert_element_type3A_743, %cond3A_744 : i32
      scf.if %cond3A_745 {
        %add3A_758 = arith.constant 2 : i32
        %add3A_759 = arith.addi %mul3A_672, %add3A_758 : i32
        %add3A_760 = arith.constant 4 : i32
        %add3A_761 = arith.addi %add3A_759, %add3A_760 : i32
        %mul3A_762 = arith.constant 1024 : i32
        %mul3A_763 = arith.muli %add3A_761, %mul3A_762 : i32
        %add3A_764 = arith.addi %mul3A_0, %mul3A_763 : i32
        %dma_start3A_765 = tpu.memref_slice %arg2[%add3A_168, %add3A_764] : memref<16x327680xi32, #tpu.memory_space<hbm>> -> memref<1x1024xi32, #tpu.memory_space<hbm>>
        %dma_start3A_766 = tpu.memref_squeeze %dma_start3A_765 : memref<1x1024xi32, #tpu.memory_space<hbm>> -> memref<1024xi32, #tpu.memory_space<hbm>>
        %dma_start3A_767 = tpu.memref_slice %arg2[%add3A_168, %add3A_764] : memref<16x327680xi32, #tpu.memory_space<hbm>> -> memref<1x1024xi32, #tpu.memory_space<hbm>>
        %dma_start3A_768 = tpu.memref_squeeze %dma_start3A_767 : memref<1x1024xi32, #tpu.memory_space<hbm>> -> memref<1024xi32, #tpu.memory_space<hbm>>
        tpu.enqueue_dma source(%dma_start3A_768 : memref<1024xi32, #tpu.memory_space<hbm>>) target(%arg8 : memref<1024xi32, #tpu.memory_space<vmem>>) target_semaphore(%arg15 : memref<!tpu.dma_semaphore, #tpu.memory_space<semaphore_mem>>)
      } else {
      }
      %dma_wait3A_746 = arith.constant 0 : i32
      %dma_wait3A_747 = tpu.memref_slice %arg12[%dma_wait3A_746] : memref<1311744xf32, #tpu.memory_space<vmem_shared>> -> memref<1311744xf32, #tpu.memory_space<vmem_shared>>
      tpu.wait_indirect_dma semaphore(%arg20 : memref<!tpu.dma_semaphore, #tpu.memory_space<semaphore_mem>>) src(%arg10 : memref<1024xf32, #tpu.memory_space<vmem>>) dst(%dma_wait3A_747 : memref<1311744xf32, #tpu.memory_space<vmem_shared>>)
      %add3A_748 = arith.constant 3 : i32
      %add3A_749 = arith.addi %mul3A_672, %add3A_748 : i32
      %add3A_750 = arith.constant 4 : i32
      %add3A_751 = arith.addi %add3A_749, %add3A_750 : i32
      %lt3A_752 = arith.constant 20 : i32
      %lt3A_753 = arith.cmpi slt, %add3A_751, %lt3A_752 : i32
      %convert_element_type3A_754 = arith.extui %lt3A_753 : i1 to i32
      %cond3A_755 = arith.constant 0 : i32
      %cond3A_756 = arith.cmpi ne, %convert_element_type3A_754, %cond3A_755 : i32
      scf.if %cond3A_756 {
        %add3A_758 = arith.constant 3 : i32
        %add3A_759 = arith.addi %mul3A_672, %add3A_758 : i32
        %add3A_760 = arith.constant 4 : i32
        %add3A_761 = arith.addi %add3A_759, %add3A_760 : i32
        %mul3A_762 = arith.constant 1024 : i32
        %mul3A_763 = arith.muli %add3A_761, %mul3A_762 : i32
        %add3A_764 = arith.addi %mul3A_0, %mul3A_763 : i32
        %dma_start3A_765 = tpu.memref_slice %arg2[%add3A_168, %add3A_764] : memref<16x327680xi32, #tpu.memory_space<hbm>> -> memref<1x1024xi32, #tpu.memory_space<hbm>>
        %dma_start3A_766 = tpu.memref_squeeze %dma_start3A_765 : memref<1x1024xi32, #tpu.memory_space<hbm>> -> memref<1024xi32, #tpu.memory_space<hbm>>
        %dma_start3A_767 = tpu.memref_slice %arg2[%add3A_168, %add3A_764] : memref<16x327680xi32, #tpu.memory_space<hbm>> -> memref<1x1024xi32, #tpu.memory_space<hbm>>
        %dma_start3A_768 = tpu.memref_squeeze %dma_start3A_767 : memref<1x1024xi32, #tpu.memory_space<hbm>> -> memref<1024xi32, #tpu.memory_space<hbm>>
        tpu.enqueue_dma source(%dma_start3A_768 : memref<1024xi32, #tpu.memory_space<hbm>>) target(%arg9 : memref<1024xi32, #tpu.memory_space<vmem>>) target_semaphore(%arg16 : memref<!tpu.dma_semaphore, #tpu.memory_space<semaphore_mem>>)
      } else {
      }
      %scan3A_757 = arith.constant 0 : i32
      scf.yield %scan3A_757 : i32
    }
    %scan3A_242 = arith.constant 5 : i32
    %barrier3A_243 = arith.constant 0 : index
    tpu.barrier barrier_id(%barrier3A_243)
    %mul3A_244 = arith.constant 81920 : i32
    %mul3A_245 = arith.muli %arg1, %mul3A_244 : i32
    %mul3A_246 = arith.constant 81920 : i32
    %mul3A_247 = arith.muli %arg1, %mul3A_246 : i32
    %add3A_248 = arith.addi %mul3A_170, %mul3A_247 : i32
    "tpu.region"() ({
      %run_scoped3A = tpu.sem_alloc : memref<!tpu.dma_semaphore, #tpu.memory_space<semaphore_mem>>
      %dma_start3A_669 = tpu.memref_slice %arg5[%add3A_248] : memref<20971520xf32, #tpu.memory_space<hbm>> -> memref<81920xf32, #tpu.memory_space<hbm>>
      %dma_start3A_670 = tpu.memref_slice %arg12[%mul3A_245] : memref<1311744xf32, #tpu.memory_space<vmem_shared>> -> memref<81920xf32, #tpu.memory_space<vmem_shared>>
      tpu.enqueue_dma source(%dma_start3A_670 : memref<81920xf32, #tpu.memory_space<vmem_shared>>) target(%dma_start3A_669 : memref<81920xf32, #tpu.memory_space<hbm>>) target_semaphore(%run_scoped3A : memref<!tpu.dma_semaphore, #tpu.memory_space<semaphore_mem>>)
      %dma_wait3A = tpu.memref_slice %arg5[%add3A_248] : memref<20971520xf32, #tpu.memory_space<hbm>> -> memref<81920xf32, #tpu.memory_space<hbm>>
      %dma_wait3A_671 = tpu.memref_slice %arg12[%mul3A_245] : memref<1311744xf32, #tpu.memory_space<vmem_shared>> -> memref<81920xf32, #tpu.memory_space<vmem_shared>>
      tpu.wait_dma2 semaphore(%run_scoped3A : memref<!tpu.dma_semaphore, #tpu.memory_space<semaphore_mem>>) src(%dma_wait3A_671 : memref<81920xf32, #tpu.memory_space<vmem_shared>>) dst(%dma_wait3A : memref<81920xf32, #tpu.memory_space<hbm>>)
      tpu.yield
    }) : () -> ()
    %mul3A_249 = arith.constant 8 : i32
    %mul3A_250 = arith.muli %arg0, %mul3A_249 : i32
    %add3A_251 = arith.constant 3 : i32
    %add3A_252 = arith.addi %mul3A_250, %add3A_251 : i32
    %mul3A_253 = arith.constant 1310720 : i32
    %mul3A_254 = arith.muli %add3A_252, %mul3A_253 : i32
    %mul3A_255 = arith.constant 81920 : i32
    %mul3A_256 = arith.muli %arg1, %mul3A_255 : i32
    %add3A_257 = arith.constant 0 : i32
    %add3A_258 = arith.addi %mul3A_256, %add3A_257 : i32
    "tpu.region"() ({
      %run_scoped3A = tpu.sem_alloc : memref<!tpu.dma_semaphore, #tpu.memory_space<semaphore_mem>>
      %dma_start3A_669 = tpu.memref_slice %arg12[%add3A_258] : memref<1311744xf32, #tpu.memory_space<vmem_shared>> -> memref<8192xf32, #tpu.memory_space<vmem_shared>>
      %dma_start3A_670 = tpu.memref_slice %arg12[%add3A_258] : memref<1311744xf32, #tpu.memory_space<vmem_shared>> -> memref<8192xf32, #tpu.memory_space<vmem_shared>>
      tpu.enqueue_dma source(%arg11 : memref<8192xf32, #tpu.memory_space<vmem>>) target(%dma_start3A_670 : memref<8192xf32, #tpu.memory_space<vmem_shared>>) target_semaphore(%run_scoped3A : memref<!tpu.dma_semaphore, #tpu.memory_space<semaphore_mem>>)
      %dma_wait3A = tpu.memref_slice %arg12[%add3A_258] : memref<1311744xf32, #tpu.memory_space<vmem_shared>> -> memref<8192xf32, #tpu.memory_space<vmem_shared>>
      %dma_wait3A_671 = tpu.memref_slice %arg12[%add3A_258] : memref<1311744xf32, #tpu.memory_space<vmem_shared>> -> memref<8192xf32, #tpu.memory_space<vmem_shared>>
      tpu.wait_dma2 semaphore(%run_scoped3A : memref<!tpu.dma_semaphore, #tpu.memory_space<semaphore_mem>>) src(%arg11 : memref<8192xf32, #tpu.memory_space<vmem>>) dst(%dma_wait3A_671 : memref<8192xf32, #tpu.memory_space<vmem_shared>>)
      tpu.yield
    }) : () -> ()
    %mul3A_259 = arith.constant 81920 : i32
    %mul3A_260 = arith.muli %arg1, %mul3A_259 : i32
    %add3A_261 = arith.constant 8192 : i32
    %add3A_262 = arith.addi %mul3A_260, %add3A_261 : i32
    "tpu.region"() ({
      %run_scoped3A = tpu.sem_alloc : memref<!tpu.dma_semaphore, #tpu.memory_space<semaphore_mem>>
      %dma_start3A_669 = tpu.memref_slice %arg12[%add3A_262] : memref<1311744xf32, #tpu.memory_space<vmem_shared>> -> memref<8192xf32, #tpu.memory_space<vmem_shared>>
      %dma_start3A_670 = tpu.memref_slice %arg12[%add3A_262] : memref<1311744xf32, #tpu.memory_space<vmem_shared>> -> memref<8192xf32, #tpu.memory_space<vmem_shared>>
      tpu.enqueue_dma source(%arg11 : memref<8192xf32, #tpu.memory_space<vmem>>) target(%dma_start3A_670 : memref<8192xf32, #tpu.memory_space<vmem_shared>>) target_semaphore(%run_scoped3A : memref<!tpu.dma_semaphore, #tpu.memory_space<semaphore_mem>>)
      %dma_wait3A = tpu.memref_slice %arg12[%add3A_262] : memref<1311744xf32, #tpu.memory_space<vmem_shared>> -> memref<8192xf32, #tpu.memory_space<vmem_shared>>
      %dma_wait3A_671 = tpu.memref_slice %arg12[%add3A_262] : memref<1311744xf32, #tpu.memory_space<vmem_shared>> -> memref<8192xf32, #tpu.memory_space<vmem_shared>>
      tpu.wait_dma2 semaphore(%run_scoped3A : memref<!tpu.dma_semaphore, #tpu.memory_space<semaphore_mem>>) src(%arg11 : memref<8192xf32, #tpu.memory_space<vmem>>) dst(%dma_wait3A_671 : memref<8192xf32, #tpu.memory_space<vmem_shared>>)
      tpu.yield
    }) : () -> ()
    %mul3A_263 = arith.constant 81920 : i32
    %mul3A_264 = arith.muli %arg1, %mul3A_263 : i32
    %add3A_265 = arith.constant 16384 : i32
    %add3A_266 = arith.addi %mul3A_264, %add3A_265 : i32
    "tpu.region"() ({
      %run_scoped3A = tpu.sem_alloc : memref<!tpu.dma_semaphore, #tpu.memory_space<semaphore_mem>>
      %dma_start3A_669 = tpu.memref_slice %arg12[%add3A_266] : memref<1311744xf32, #tpu.memory_space<vmem_shared>> -> memref<8192xf32, #tpu.memory_space<vmem_shared>>
      %dma_start3A_670 = tpu.memref_slice %arg12[%add3A_266] : memref<1311744xf32, #tpu.memory_space<vmem_shared>> -> memref<8192xf32, #tpu.memory_space<vmem_shared>>
      tpu.enqueue_dma source(%arg11 : memref<8192xf32, #tpu.memory_space<vmem>>) target(%dma_start3A_670 : memref<8192xf32, #tpu.memory_space<vmem_shared>>) target_semaphore(%run_scoped3A : memref<!tpu.dma_semaphore, #tpu.memory_space<semaphore_mem>>)
      %dma_wait3A = tpu.memref_slice %arg12[%add3A_266] : memref<1311744xf32, #tpu.memory_space<vmem_shared>> -> memref<8192xf32, #tpu.memory_space<vmem_shared>>
      %dma_wait3A_671 = tpu.memref_slice %arg12[%add3A_266] : memref<1311744xf32, #tpu.memory_space<vmem_shared>> -> memref<8192xf32, #tpu.memory_space<vmem_shared>>
      tpu.wait_dma2 semaphore(%run_scoped3A : memref<!tpu.dma_semaphore, #tpu.memory_space<semaphore_mem>>) src(%arg11 : memref<8192xf32, #tpu.memory_space<vmem>>) dst(%dma_wait3A_671 : memref<8192xf32, #tpu.memory_space<vmem_shared>>)
      tpu.yield
    }) : () -> ()
    %mul3A_267 = arith.constant 81920 : i32
    %mul3A_268 = arith.muli %arg1, %mul3A_267 : i32
    %add3A_269 = arith.constant 24576 : i32
    %add3A_270 = arith.addi %mul3A_268, %add3A_269 : i32
    "tpu.region"() ({
      %run_scoped3A = tpu.sem_alloc : memref<!tpu.dma_semaphore, #tpu.memory_space<semaphore_mem>>
      %dma_start3A_669 = tpu.memref_slice %arg12[%add3A_270] : memref<1311744xf32, #tpu.memory_space<vmem_shared>> -> memref<8192xf32, #tpu.memory_space<vmem_shared>>
      %dma_start3A_670 = tpu.memref_slice %arg12[%add3A_270] : memref<1311744xf32, #tpu.memory_space<vmem_shared>> -> memref<8192xf32, #tpu.memory_space<vmem_shared>>
      tpu.enqueue_dma source(%arg11 : memref<8192xf32, #tpu.memory_space<vmem>>) target(%dma_start3A_670 : memref<8192xf32, #tpu.memory_space<vmem_shared>>) target_semaphore(%run_scoped3A : memref<!tpu.dma_semaphore, #tpu.memory_space<semaphore_mem>>)
      %dma_wait3A = tpu.memref_slice %arg12[%add3A_270] : memref<1311744xf32, #tpu.memory_space<vmem_shared>> -> memref<8192xf32, #tpu.memory_space<vmem_shared>>
      %dma_wait3A_671 = tpu.memref_slice %arg12[%add3A_270] : memref<1311744xf32, #tpu.memory_space<vmem_shared>> -> memref<8192xf32, #tpu.memory_space<vmem_shared>>
      tpu.wait_dma2 semaphore(%run_scoped3A : memref<!tpu.dma_semaphore, #tpu.memory_space<semaphore_mem>>) src(%arg11 : memref<8192xf32, #tpu.memory_space<vmem>>) dst(%dma_wait3A_671 : memref<8192xf32, #tpu.memory_space<vmem_shared>>)
      tpu.yield
    }) : () -> ()
    %mul3A_271 = arith.constant 81920 : i32
    %mul3A_272 = arith.muli %arg1, %mul3A_271 : i32
    %add3A_273 = arith.constant 32768 : i32
    %add3A_274 = arith.addi %mul3A_272, %add3A_273 : i32
    "tpu.region"() ({
      %run_scoped3A = tpu.sem_alloc : memref<!tpu.dma_semaphore, #tpu.memory_space<semaphore_mem>>
      %dma_start3A_669 = tpu.memref_slice %arg12[%add3A_274] : memref<1311744xf32, #tpu.memory_space<vmem_shared>> -> memref<8192xf32, #tpu.memory_space<vmem_shared>>
      %dma_start3A_670 = tpu.memref_slice %arg12[%add3A_274] : memref<1311744xf32, #tpu.memory_space<vmem_shared>> -> memref<8192xf32, #tpu.memory_space<vmem_shared>>
      tpu.enqueue_dma source(%arg11 : memref<8192xf32, #tpu.memory_space<vmem>>) target(%dma_start3A_670 : memref<8192xf32, #tpu.memory_space<vmem_shared>>) target_semaphore(%run_scoped3A : memref<!tpu.dma_semaphore, #tpu.memory_space<semaphore_mem>>)
      %dma_wait3A = tpu.memref_slice %arg12[%add3A_274] : memref<1311744xf32, #tpu.memory_space<vmem_shared>> -> memref<8192xf32, #tpu.memory_space<vmem_shared>>
      %dma_wait3A_671 = tpu.memref_slice %arg12[%add3A_274] : memref<1311744xf32, #tpu.memory_space<vmem_shared>> -> memref<8192xf32, #tpu.memory_space<vmem_shared>>
      tpu.wait_dma2 semaphore(%run_scoped3A : memref<!tpu.dma_semaphore, #tpu.memory_space<semaphore_mem>>) src(%arg11 : memref<8192xf32, #tpu.memory_space<vmem>>) dst(%dma_wait3A_671 : memref<8192xf32, #tpu.memory_space<vmem_shared>>)
      tpu.yield
    }) : () -> ()
    %mul3A_275 = arith.constant 81920 : i32
    %mul3A_276 = arith.muli %arg1, %mul3A_275 : i32
    %add3A_277 = arith.constant 40960 : i32
    %add3A_278 = arith.addi %mul3A_276, %add3A_277 : i32
    "tpu.region"() ({
      %run_scoped3A = tpu.sem_alloc : memref<!tpu.dma_semaphore, #tpu.memory_space<semaphore_mem>>
      %dma_start3A_669 = tpu.memref_slice %arg12[%add3A_278] : memref<1311744xf32, #tpu.memory_space<vmem_shared>> -> memref<8192xf32, #tpu.memory_space<vmem_shared>>
      %dma_start3A_670 = tpu.memref_slice %arg12[%add3A_278] : memref<1311744xf32, #tpu.memory_space<vmem_shared>> -> memref<8192xf32, #tpu.memory_space<vmem_shared>>
      tpu.enqueue_dma source(%arg11 : memref<8192xf32, #tpu.memory_space<vmem>>) target(%dma_start3A_670 : memref<8192xf32, #tpu.memory_space<vmem_shared>>) target_semaphore(%run_scoped3A : memref<!tpu.dma_semaphore, #tpu.memory_space<semaphore_mem>>)
      %dma_wait3A = tpu.memref_slice %arg12[%add3A_278] : memref<1311744xf32, #tpu.memory_space<vmem_shared>> -> memref<8192xf32, #tpu.memory_space<vmem_shared>>
      %dma_wait3A_671 = tpu.memref_slice %arg12[%add3A_278] : memref<1311744xf32, #tpu.memory_space<vmem_shared>> -> memref<8192xf32, #tpu.memory_space<vmem_shared>>
      tpu.wait_dma2 semaphore(%run_scoped3A : memref<!tpu.dma_semaphore, #tpu.memory_space<semaphore_mem>>) src(%arg11 : memref<8192xf32, #tpu.memory_space<vmem>>) dst(%dma_wait3A_671 : memref<8192xf32, #tpu.memory_space<vmem_shared>>)
      tpu.yield
    }) : () -> ()
    %mul3A_279 = arith.constant 81920 : i32
    %mul3A_280 = arith.muli %arg1, %mul3A_279 : i32
    %add3A_281 = arith.constant 49152 : i32
    %add3A_282 = arith.addi %mul3A_280, %add3A_281 : i32
    "tpu.region"() ({
      %run_scoped3A = tpu.sem_alloc : memref<!tpu.dma_semaphore, #tpu.memory_space<semaphore_mem>>
      %dma_start3A_669 = tpu.memref_slice %arg12[%add3A_282] : memref<1311744xf32, #tpu.memory_space<vmem_shared>> -> memref<8192xf32, #tpu.memory_space<vmem_shared>>
      %dma_start3A_670 = tpu.memref_slice %arg12[%add3A_282] : memref<1311744xf32, #tpu.memory_space<vmem_shared>> -> memref<8192xf32, #tpu.memory_space<vmem_shared>>
      tpu.enqueue_dma source(%arg11 : memref<8192xf32, #tpu.memory_space<vmem>>) target(%dma_start3A_670 : memref<8192xf32, #tpu.memory_space<vmem_shared>>) target_semaphore(%run_scoped3A : memref<!tpu.dma_semaphore, #tpu.memory_space<semaphore_mem>>)
      %dma_wait3A = tpu.memref_slice %arg12[%add3A_282] : memref<1311744xf32, #tpu.memory_space<vmem_shared>> -> memref<8192xf32, #tpu.memory_space<vmem_shared>>
      %dma_wait3A_671 = tpu.memref_slice %arg12[%add3A_282] : memref<1311744xf32, #tpu.memory_space<vmem_shared>> -> memref<8192xf32, #tpu.memory_space<vmem_shared>>
      tpu.wait_dma2 semaphore(%run_scoped3A : memref<!tpu.dma_semaphore, #tpu.memory_space<semaphore_mem>>) src(%arg11 : memref<8192xf32, #tpu.memory_space<vmem>>) dst(%dma_wait3A_671 : memref<8192xf32, #tpu.memory_space<vmem_shared>>)
      tpu.yield
    }) : () -> ()
    %mul3A_283 = arith.constant 81920 : i32
    %mul3A_284 = arith.muli %arg1, %mul3A_283 : i32
    %add3A_285 = arith.constant 57344 : i32
    %add3A_286 = arith.addi %mul3A_284, %add3A_285 : i32
    "tpu.region"() ({
      %run_scoped3A = tpu.sem_alloc : memref<!tpu.dma_semaphore, #tpu.memory_space<semaphore_mem>>
      %dma_start3A_669 = tpu.memref_slice %arg12[%add3A_286] : memref<1311744xf32, #tpu.memory_space<vmem_shared>> -> memref<8192xf32, #tpu.memory_space<vmem_shared>>
      %dma_start3A_670 = tpu.memref_slice %arg12[%add3A_286] : memref<1311744xf32, #tpu.memory_space<vmem_shared>> -> memref<8192xf32, #tpu.memory_space<vmem_shared>>
      tpu.enqueue_dma source(%arg11 : memref<8192xf32, #tpu.memory_space<vmem>>) target(%dma_start3A_670 : memref<8192xf32, #tpu.memory_space<vmem_shared>>) target_semaphore(%run_scoped3A : memref<!tpu.dma_semaphore, #tpu.memory_space<semaphore_mem>>)
      %dma_wait3A = tpu.memref_slice %arg12[%add3A_286] : memref<1311744xf32, #tpu.memory_space<vmem_shared>> -> memref<8192xf32, #tpu.memory_space<vmem_shared>>
      %dma_wait3A_671 = tpu.memref_slice %arg12[%add3A_286] : memref<1311744xf32, #tpu.memory_space<vmem_shared>> -> memref<8192xf32, #tpu.memory_space<vmem_shared>>
      tpu.wait_dma2 semaphore(%run_scoped3A : memref<!tpu.dma_semaphore, #tpu.memory_space<semaphore_mem>>) src(%arg11 : memref<8192xf32, #tpu.memory_space<vmem>>) dst(%dma_wait3A_671 : memref<8192xf32, #tpu.memory_space<vmem_shared>>)
      tpu.yield
    }) : () -> ()
    %mul3A_287 = arith.constant 81920 : i32
    %mul3A_288 = arith.muli %arg1, %mul3A_287 : i32
    %add3A_289 = arith.constant 65536 : i32
    %add3A_290 = arith.addi %mul3A_288, %add3A_289 : i32
    "tpu.region"() ({
      %run_scoped3A = tpu.sem_alloc : memref<!tpu.dma_semaphore, #tpu.memory_space<semaphore_mem>>
      %dma_start3A_669 = tpu.memref_slice %arg12[%add3A_290] : memref<1311744xf32, #tpu.memory_space<vmem_shared>> -> memref<8192xf32, #tpu.memory_space<vmem_shared>>
      %dma_start3A_670 = tpu.memref_slice %arg12[%add3A_290] : memref<1311744xf32, #tpu.memory_space<vmem_shared>> -> memref<8192xf32, #tpu.memory_space<vmem_shared>>
      tpu.enqueue_dma source(%arg11 : memref<8192xf32, #tpu.memory_space<vmem>>) target(%dma_start3A_670 : memref<8192xf32, #tpu.memory_space<vmem_shared>>) target_semaphore(%run_scoped3A : memref<!tpu.dma_semaphore, #tpu.memory_space<semaphore_mem>>)
      %dma_wait3A = tpu.memref_slice %arg12[%add3A_290] : memref<1311744xf32, #tpu.memory_space<vmem_shared>> -> memref<8192xf32, #tpu.memory_space<vmem_shared>>
      %dma_wait3A_671 = tpu.memref_slice %arg12[%add3A_290] : memref<1311744xf32, #tpu.memory_space<vmem_shared>> -> memref<8192xf32, #tpu.memory_space<vmem_shared>>
      tpu.wait_dma2 semaphore(%run_scoped3A : memref<!tpu.dma_semaphore, #tpu.memory_space<semaphore_mem>>) src(%arg11 : memref<8192xf32, #tpu.memory_space<vmem>>) dst(%dma_wait3A_671 : memref<8192xf32, #tpu.memory_space<vmem_shared>>)
      tpu.yield
    }) : () -> ()
    %mul3A_291 = arith.constant 81920 : i32
    %mul3A_292 = arith.muli %arg1, %mul3A_291 : i32
    %add3A_293 = arith.constant 73728 : i32
    %add3A_294 = arith.addi %mul3A_292, %add3A_293 : i32
    "tpu.region"() ({
      %run_scoped3A = tpu.sem_alloc : memref<!tpu.dma_semaphore, #tpu.memory_space<semaphore_mem>>
      %dma_start3A_669 = tpu.memref_slice %arg12[%add3A_294] : memref<1311744xf32, #tpu.memory_space<vmem_shared>> -> memref<8192xf32, #tpu.memory_space<vmem_shared>>
      %dma_start3A_670 = tpu.memref_slice %arg12[%add3A_294] : memref<1311744xf32, #tpu.memory_space<vmem_shared>> -> memref<8192xf32, #tpu.memory_space<vmem_shared>>
      tpu.enqueue_dma source(%arg11 : memref<8192xf32, #tpu.memory_space<vmem>>) target(%dma_start3A_670 : memref<8192xf32, #tpu.memory_space<vmem_shared>>) target_semaphore(%run_scoped3A : memref<!tpu.dma_semaphore, #tpu.memory_space<semaphore_mem>>)
      %dma_wait3A = tpu.memref_slice %arg12[%add3A_294] : memref<1311744xf32, #tpu.memory_space<vmem_shared>> -> memref<8192xf32, #tpu.memory_space<vmem_shared>>
      %dma_wait3A_671 = tpu.memref_slice %arg12[%add3A_294] : memref<1311744xf32, #tpu.memory_space<vmem_shared>> -> memref<8192xf32, #tpu.memory_space<vmem_shared>>
      tpu.wait_dma2 semaphore(%run_scoped3A : memref<!tpu.dma_semaphore, #tpu.memory_space<semaphore_mem>>) src(%arg11 : memref<8192xf32, #tpu.memory_space<vmem>>) dst(%dma_wait3A_671 : memref<8192xf32, #tpu.memory_space<vmem_shared>>)
      tpu.yield
    }) : () -> ()
    %barrier3A_295 = arith.constant 0 : index
    tpu.barrier barrier_id(%barrier3A_295)
    %add3A_296 = arith.constant 0 : i32
    %add3A_297 = arith.addi %mul3A_0, %add3A_296 : i32
    %dma_start3A_298 = tpu.memref_slice %arg2[%add3A_252, %add3A_297] : memref<16x327680xi32, #tpu.memory_space<hbm>> -> memref<1x1024xi32, #tpu.memory_space<hbm>>
    %dma_start3A_299 = tpu.memref_squeeze %dma_start3A_298 : memref<1x1024xi32, #tpu.memory_space<hbm>> -> memref<1024xi32, #tpu.memory_space<hbm>>
    %dma_start3A_300 = tpu.memref_slice %arg2[%add3A_252, %add3A_297] : memref<16x327680xi32, #tpu.memory_space<hbm>> -> memref<1x1024xi32, #tpu.memory_space<hbm>>
    %dma_start3A_301 = tpu.memref_squeeze %dma_start3A_300 : memref<1x1024xi32, #tpu.memory_space<hbm>> -> memref<1024xi32, #tpu.memory_space<hbm>>
    tpu.enqueue_dma source(%dma_start3A_301 : memref<1024xi32, #tpu.memory_space<hbm>>) target(%arg6 : memref<1024xi32, #tpu.memory_space<vmem>>) target_semaphore(%arg13 : memref<!tpu.dma_semaphore, #tpu.memory_space<semaphore_mem>>)
    %add3A_302 = arith.constant 1024 : i32
    %add3A_303 = arith.addi %mul3A_0, %add3A_302 : i32
    %dma_start3A_304 = tpu.memref_slice %arg2[%add3A_252, %add3A_303] : memref<16x327680xi32, #tpu.memory_space<hbm>> -> memref<1x1024xi32, #tpu.memory_space<hbm>>
    %dma_start3A_305 = tpu.memref_squeeze %dma_start3A_304 : memref<1x1024xi32, #tpu.memory_space<hbm>> -> memref<1024xi32, #tpu.memory_space<hbm>>
    %dma_start3A_306 = tpu.memref_slice %arg2[%add3A_252, %add3A_303] : memref<16x327680xi32, #tpu.memory_space<hbm>> -> memref<1x1024xi32, #tpu.memory_space<hbm>>
    %dma_start3A_307 = tpu.memref_squeeze %dma_start3A_306 : memref<1x1024xi32, #tpu.memory_space<hbm>> -> memref<1024xi32, #tpu.memory_space<hbm>>
    tpu.enqueue_dma source(%dma_start3A_307 : memref<1024xi32, #tpu.memory_space<hbm>>) target(%arg7 : memref<1024xi32, #tpu.memory_space<vmem>>) target_semaphore(%arg14 : memref<!tpu.dma_semaphore, #tpu.memory_space<semaphore_mem>>)
    %add3A_308 = arith.constant 2048 : i32
    %add3A_309 = arith.addi %mul3A_0, %add3A_308 : i32
    %dma_start3A_310 = tpu.memref_slice %arg2[%add3A_252, %add3A_309] : memref<16x327680xi32, #tpu.memory_space<hbm>> -> memref<1x1024xi32, #tpu.memory_space<hbm>>
    %dma_start3A_311 = tpu.memref_squeeze %dma_start3A_310 : memref<1x1024xi32, #tpu.memory_space<hbm>> -> memref<1024xi32, #tpu.memory_space<hbm>>
    %dma_start3A_312 = tpu.memref_slice %arg2[%add3A_252, %add3A_309] : memref<16x327680xi32, #tpu.memory_space<hbm>> -> memref<1x1024xi32, #tpu.memory_space<hbm>>
    %dma_start3A_313 = tpu.memref_squeeze %dma_start3A_312 : memref<1x1024xi32, #tpu.memory_space<hbm>> -> memref<1024xi32, #tpu.memory_space<hbm>>
    tpu.enqueue_dma source(%dma_start3A_313 : memref<1024xi32, #tpu.memory_space<hbm>>) target(%arg8 : memref<1024xi32, #tpu.memory_space<vmem>>) target_semaphore(%arg15 : memref<!tpu.dma_semaphore, #tpu.memory_space<semaphore_mem>>)
    %add3A_314 = arith.constant 3072 : i32
    %add3A_315 = arith.addi %mul3A_0, %add3A_314 : i32
    %dma_start3A_316 = tpu.memref_slice %arg2[%add3A_252, %add3A_315] : memref<16x327680xi32, #tpu.memory_space<hbm>> -> memref<1x1024xi32, #tpu.memory_space<hbm>>
    %dma_start3A_317 = tpu.memref_squeeze %dma_start3A_316 : memref<1x1024xi32, #tpu.memory_space<hbm>> -> memref<1024xi32, #tpu.memory_space<hbm>>
    %dma_start3A_318 = tpu.memref_slice %arg2[%add3A_252, %add3A_315] : memref<16x327680xi32, #tpu.memory_space<hbm>> -> memref<1x1024xi32, #tpu.memory_space<hbm>>
    %dma_start3A_319 = tpu.memref_squeeze %dma_start3A_318 : memref<1x1024xi32, #tpu.memory_space<hbm>> -> memref<1024xi32, #tpu.memory_space<hbm>>
    tpu.enqueue_dma source(%dma_start3A_319 : memref<1024xi32, #tpu.memory_space<hbm>>) target(%arg9 : memref<1024xi32, #tpu.memory_space<vmem>>) target_semaphore(%arg16 : memref<!tpu.dma_semaphore, #tpu.memory_space<semaphore_mem>>)
    %scan3A_320 = arith.constant 0 : i32
    %scan3A_321 = arith.constant 0 : i32
    %scan3A_322 = arith.constant 5 : i32
    %scan3A_323 = arith.addi %scan3A_321, %scan3A_322 : i32
    %scan3A_324 = arith.constant 1 : i32
    %scan3A_325 = scf.for %scan3A_669 = %scan3A_321 to %scan3A_323 step %scan3A_324 iter_args(%scan3A_670 = %scan3A_320) -> (i32)  : i32 {
      %mul3A_671 = arith.constant 4 : i32
      %mul3A_672 = arith.muli %mul3A_671, %scan3A_669 : i32
      %add3A_673 = arith.constant 0 : i32
      %add3A_674 = arith.addi %mul3A_672, %add3A_673 : i32
      %mul3A_675 = arith.constant 1024 : i32
      %mul3A_676 = arith.muli %add3A_674, %mul3A_675 : i32
      %add3A_677 = arith.addi %mul3A_0, %mul3A_676 : i32
      %dma_wait3A = tpu.memref_slice %arg2[%add3A_252, %add3A_677] : memref<16x327680xi32, #tpu.memory_space<hbm>> -> memref<1x1024xi32, #tpu.memory_space<hbm>>
      %dma_wait3A_678 = tpu.memref_squeeze %dma_wait3A : memref<1x1024xi32, #tpu.memory_space<hbm>> -> memref<1024xi32, #tpu.memory_space<hbm>>
      %dma_wait3A_679 = tpu.memref_slice %arg2[%add3A_252, %add3A_677] : memref<16x327680xi32, #tpu.memory_space<hbm>> -> memref<1x1024xi32, #tpu.memory_space<hbm>>
      %dma_wait3A_680 = tpu.memref_squeeze %dma_wait3A_679 : memref<1x1024xi32, #tpu.memory_space<hbm>> -> memref<1024xi32, #tpu.memory_space<hbm>>
      tpu.wait_dma2 semaphore(%arg13 : memref<!tpu.dma_semaphore, #tpu.memory_space<semaphore_mem>>) src(%dma_wait3A_680 : memref<1024xi32, #tpu.memory_space<hbm>>) dst(%arg6 : memref<1024xi32, #tpu.memory_space<vmem>>)
      %dma_start3A_681 = arith.constant 0 : i32
      %dma_start3A_682 = tpu.memref_slice %arg12[%dma_start3A_681] : memref<1311744xf32, #tpu.memory_space<vmem_shared>> -> memref<1311744xf32, #tpu.memory_space<vmem_shared>>
      tpu.enqueue_indirect_dma source(%arg10 : memref<1024xf32, #tpu.memory_space<vmem>>) target(%dma_start3A_682 : memref<1311744xf32, #tpu.memory_space<vmem_shared>>) offsets(%arg6 : memref<1024xi32, #tpu.memory_space<vmem>>) semaphore(%arg17 : memref<!tpu.dma_semaphore, #tpu.memory_space<semaphore_mem>>) {add = true}
      %add3A_683 = arith.constant 1 : i32
      %add3A_684 = arith.addi %mul3A_672, %add3A_683 : i32
      %mul3A_685 = arith.constant 1024 : i32
      %mul3A_686 = arith.muli %add3A_684, %mul3A_685 : i32
      %add3A_687 = arith.addi %mul3A_0, %mul3A_686 : i32
      %dma_wait3A_688 = tpu.memref_slice %arg2[%add3A_252, %add3A_687] : memref<16x327680xi32, #tpu.memory_space<hbm>> -> memref<1x1024xi32, #tpu.memory_space<hbm>>
      %dma_wait3A_689 = tpu.memref_squeeze %dma_wait3A_688 : memref<1x1024xi32, #tpu.memory_space<hbm>> -> memref<1024xi32, #tpu.memory_space<hbm>>
      %dma_wait3A_690 = tpu.memref_slice %arg2[%add3A_252, %add3A_687] : memref<16x327680xi32, #tpu.memory_space<hbm>> -> memref<1x1024xi32, #tpu.memory_space<hbm>>
      %dma_wait3A_691 = tpu.memref_squeeze %dma_wait3A_690 : memref<1x1024xi32, #tpu.memory_space<hbm>> -> memref<1024xi32, #tpu.memory_space<hbm>>
      tpu.wait_dma2 semaphore(%arg14 : memref<!tpu.dma_semaphore, #tpu.memory_space<semaphore_mem>>) src(%dma_wait3A_691 : memref<1024xi32, #tpu.memory_space<hbm>>) dst(%arg7 : memref<1024xi32, #tpu.memory_space<vmem>>)
      %dma_start3A_692 = arith.constant 0 : i32
      %dma_start3A_693 = tpu.memref_slice %arg12[%dma_start3A_692] : memref<1311744xf32, #tpu.memory_space<vmem_shared>> -> memref<1311744xf32, #tpu.memory_space<vmem_shared>>
      tpu.enqueue_indirect_dma source(%arg10 : memref<1024xf32, #tpu.memory_space<vmem>>) target(%dma_start3A_693 : memref<1311744xf32, #tpu.memory_space<vmem_shared>>) offsets(%arg7 : memref<1024xi32, #tpu.memory_space<vmem>>) semaphore(%arg18 : memref<!tpu.dma_semaphore, #tpu.memory_space<semaphore_mem>>) {add = true}
      %add3A_694 = arith.constant 2 : i32
      %add3A_695 = arith.addi %mul3A_672, %add3A_694 : i32
      %mul3A_696 = arith.constant 1024 : i32
      %mul3A_697 = arith.muli %add3A_695, %mul3A_696 : i32
      %add3A_698 = arith.addi %mul3A_0, %mul3A_697 : i32
      %dma_wait3A_699 = tpu.memref_slice %arg2[%add3A_252, %add3A_698] : memref<16x327680xi32, #tpu.memory_space<hbm>> -> memref<1x1024xi32, #tpu.memory_space<hbm>>
      %dma_wait3A_700 = tpu.memref_squeeze %dma_wait3A_699 : memref<1x1024xi32, #tpu.memory_space<hbm>> -> memref<1024xi32, #tpu.memory_space<hbm>>
      %dma_wait3A_701 = tpu.memref_slice %arg2[%add3A_252, %add3A_698] : memref<16x327680xi32, #tpu.memory_space<hbm>> -> memref<1x1024xi32, #tpu.memory_space<hbm>>
      %dma_wait3A_702 = tpu.memref_squeeze %dma_wait3A_701 : memref<1x1024xi32, #tpu.memory_space<hbm>> -> memref<1024xi32, #tpu.memory_space<hbm>>
      tpu.wait_dma2 semaphore(%arg15 : memref<!tpu.dma_semaphore, #tpu.memory_space<semaphore_mem>>) src(%dma_wait3A_702 : memref<1024xi32, #tpu.memory_space<hbm>>) dst(%arg8 : memref<1024xi32, #tpu.memory_space<vmem>>)
      %dma_start3A_703 = arith.constant 0 : i32
      %dma_start3A_704 = tpu.memref_slice %arg12[%dma_start3A_703] : memref<1311744xf32, #tpu.memory_space<vmem_shared>> -> memref<1311744xf32, #tpu.memory_space<vmem_shared>>
      tpu.enqueue_indirect_dma source(%arg10 : memref<1024xf32, #tpu.memory_space<vmem>>) target(%dma_start3A_704 : memref<1311744xf32, #tpu.memory_space<vmem_shared>>) offsets(%arg8 : memref<1024xi32, #tpu.memory_space<vmem>>) semaphore(%arg19 : memref<!tpu.dma_semaphore, #tpu.memory_space<semaphore_mem>>) {add = true}
      %add3A_705 = arith.constant 3 : i32
      %add3A_706 = arith.addi %mul3A_672, %add3A_705 : i32
      %mul3A_707 = arith.constant 1024 : i32
      %mul3A_708 = arith.muli %add3A_706, %mul3A_707 : i32
      %add3A_709 = arith.addi %mul3A_0, %mul3A_708 : i32
      %dma_wait3A_710 = tpu.memref_slice %arg2[%add3A_252, %add3A_709] : memref<16x327680xi32, #tpu.memory_space<hbm>> -> memref<1x1024xi32, #tpu.memory_space<hbm>>
      %dma_wait3A_711 = tpu.memref_squeeze %dma_wait3A_710 : memref<1x1024xi32, #tpu.memory_space<hbm>> -> memref<1024xi32, #tpu.memory_space<hbm>>
      %dma_wait3A_712 = tpu.memref_slice %arg2[%add3A_252, %add3A_709] : memref<16x327680xi32, #tpu.memory_space<hbm>> -> memref<1x1024xi32, #tpu.memory_space<hbm>>
      %dma_wait3A_713 = tpu.memref_squeeze %dma_wait3A_712 : memref<1x1024xi32, #tpu.memory_space<hbm>> -> memref<1024xi32, #tpu.memory_space<hbm>>
      tpu.wait_dma2 semaphore(%arg16 : memref<!tpu.dma_semaphore, #tpu.memory_space<semaphore_mem>>) src(%dma_wait3A_713 : memref<1024xi32, #tpu.memory_space<hbm>>) dst(%arg9 : memref<1024xi32, #tpu.memory_space<vmem>>)
      %dma_start3A_714 = arith.constant 0 : i32
      %dma_start3A_715 = tpu.memref_slice %arg12[%dma_start3A_714] : memref<1311744xf32, #tpu.memory_space<vmem_shared>> -> memref<1311744xf32, #tpu.memory_space<vmem_shared>>
      tpu.enqueue_indirect_dma source(%arg10 : memref<1024xf32, #tpu.memory_space<vmem>>) target(%dma_start3A_715 : memref<1311744xf32, #tpu.memory_space<vmem_shared>>) offsets(%arg9 : memref<1024xi32, #tpu.memory_space<vmem>>) semaphore(%arg20 : memref<!tpu.dma_semaphore, #tpu.memory_space<semaphore_mem>>) {add = true}
      %dma_wait3A_716 = arith.constant 0 : i32
      %dma_wait3A_717 = tpu.memref_slice %arg12[%dma_wait3A_716] : memref<1311744xf32, #tpu.memory_space<vmem_shared>> -> memref<1311744xf32, #tpu.memory_space<vmem_shared>>
      tpu.wait_indirect_dma semaphore(%arg17 : memref<!tpu.dma_semaphore, #tpu.memory_space<semaphore_mem>>) src(%arg10 : memref<1024xf32, #tpu.memory_space<vmem>>) dst(%dma_wait3A_717 : memref<1311744xf32, #tpu.memory_space<vmem_shared>>)
      %add3A_718 = arith.constant 0 : i32
      %add3A_719 = arith.addi %mul3A_672, %add3A_718 : i32
      %add3A_720 = arith.constant 4 : i32
      %add3A_721 = arith.addi %add3A_719, %add3A_720 : i32
      %lt3A = arith.constant 20 : i32
      %lt3A_722 = arith.cmpi slt, %add3A_721, %lt3A : i32
      %convert_element_type3A = arith.extui %lt3A_722 : i1 to i32
      %cond3A = arith.constant 0 : i32
      %cond3A_723 = arith.cmpi ne, %convert_element_type3A, %cond3A : i32
      scf.if %cond3A_723 {
        %add3A_758 = arith.constant 0 : i32
        %add3A_759 = arith.addi %mul3A_672, %add3A_758 : i32
        %add3A_760 = arith.constant 4 : i32
        %add3A_761 = arith.addi %add3A_759, %add3A_760 : i32
        %mul3A_762 = arith.constant 1024 : i32
        %mul3A_763 = arith.muli %add3A_761, %mul3A_762 : i32
        %add3A_764 = arith.addi %mul3A_0, %mul3A_763 : i32
        %dma_start3A_765 = tpu.memref_slice %arg2[%add3A_252, %add3A_764] : memref<16x327680xi32, #tpu.memory_space<hbm>> -> memref<1x1024xi32, #tpu.memory_space<hbm>>
        %dma_start3A_766 = tpu.memref_squeeze %dma_start3A_765 : memref<1x1024xi32, #tpu.memory_space<hbm>> -> memref<1024xi32, #tpu.memory_space<hbm>>
        %dma_start3A_767 = tpu.memref_slice %arg2[%add3A_252, %add3A_764] : memref<16x327680xi32, #tpu.memory_space<hbm>> -> memref<1x1024xi32, #tpu.memory_space<hbm>>
        %dma_start3A_768 = tpu.memref_squeeze %dma_start3A_767 : memref<1x1024xi32, #tpu.memory_space<hbm>> -> memref<1024xi32, #tpu.memory_space<hbm>>
        tpu.enqueue_dma source(%dma_start3A_768 : memref<1024xi32, #tpu.memory_space<hbm>>) target(%arg6 : memref<1024xi32, #tpu.memory_space<vmem>>) target_semaphore(%arg13 : memref<!tpu.dma_semaphore, #tpu.memory_space<semaphore_mem>>)
      } else {
      }
      %dma_wait3A_724 = arith.constant 0 : i32
      %dma_wait3A_725 = tpu.memref_slice %arg12[%dma_wait3A_724] : memref<1311744xf32, #tpu.memory_space<vmem_shared>> -> memref<1311744xf32, #tpu.memory_space<vmem_shared>>
      tpu.wait_indirect_dma semaphore(%arg18 : memref<!tpu.dma_semaphore, #tpu.memory_space<semaphore_mem>>) src(%arg10 : memref<1024xf32, #tpu.memory_space<vmem>>) dst(%dma_wait3A_725 : memref<1311744xf32, #tpu.memory_space<vmem_shared>>)
      %add3A_726 = arith.constant 1 : i32
      %add3A_727 = arith.addi %mul3A_672, %add3A_726 : i32
      %add3A_728 = arith.constant 4 : i32
      %add3A_729 = arith.addi %add3A_727, %add3A_728 : i32
      %lt3A_730 = arith.constant 20 : i32
      %lt3A_731 = arith.cmpi slt, %add3A_729, %lt3A_730 : i32
      %convert_element_type3A_732 = arith.extui %lt3A_731 : i1 to i32
      %cond3A_733 = arith.constant 0 : i32
      %cond3A_734 = arith.cmpi ne, %convert_element_type3A_732, %cond3A_733 : i32
      scf.if %cond3A_734 {
        %add3A_758 = arith.constant 1 : i32
        %add3A_759 = arith.addi %mul3A_672, %add3A_758 : i32
        %add3A_760 = arith.constant 4 : i32
        %add3A_761 = arith.addi %add3A_759, %add3A_760 : i32
        %mul3A_762 = arith.constant 1024 : i32
        %mul3A_763 = arith.muli %add3A_761, %mul3A_762 : i32
        %add3A_764 = arith.addi %mul3A_0, %mul3A_763 : i32
        %dma_start3A_765 = tpu.memref_slice %arg2[%add3A_252, %add3A_764] : memref<16x327680xi32, #tpu.memory_space<hbm>> -> memref<1x1024xi32, #tpu.memory_space<hbm>>
        %dma_start3A_766 = tpu.memref_squeeze %dma_start3A_765 : memref<1x1024xi32, #tpu.memory_space<hbm>> -> memref<1024xi32, #tpu.memory_space<hbm>>
        %dma_start3A_767 = tpu.memref_slice %arg2[%add3A_252, %add3A_764] : memref<16x327680xi32, #tpu.memory_space<hbm>> -> memref<1x1024xi32, #tpu.memory_space<hbm>>
        %dma_start3A_768 = tpu.memref_squeeze %dma_start3A_767 : memref<1x1024xi32, #tpu.memory_space<hbm>> -> memref<1024xi32, #tpu.memory_space<hbm>>
        tpu.enqueue_dma source(%dma_start3A_768 : memref<1024xi32, #tpu.memory_space<hbm>>) target(%arg7 : memref<1024xi32, #tpu.memory_space<vmem>>) target_semaphore(%arg14 : memref<!tpu.dma_semaphore, #tpu.memory_space<semaphore_mem>>)
      } else {
      }
      %dma_wait3A_735 = arith.constant 0 : i32
      %dma_wait3A_736 = tpu.memref_slice %arg12[%dma_wait3A_735] : memref<1311744xf32, #tpu.memory_space<vmem_shared>> -> memref<1311744xf32, #tpu.memory_space<vmem_shared>>
      tpu.wait_indirect_dma semaphore(%arg19 : memref<!tpu.dma_semaphore, #tpu.memory_space<semaphore_mem>>) src(%arg10 : memref<1024xf32, #tpu.memory_space<vmem>>) dst(%dma_wait3A_736 : memref<1311744xf32, #tpu.memory_space<vmem_shared>>)
      %add3A_737 = arith.constant 2 : i32
      %add3A_738 = arith.addi %mul3A_672, %add3A_737 : i32
      %add3A_739 = arith.constant 4 : i32
      %add3A_740 = arith.addi %add3A_738, %add3A_739 : i32
      %lt3A_741 = arith.constant 20 : i32
      %lt3A_742 = arith.cmpi slt, %add3A_740, %lt3A_741 : i32
      %convert_element_type3A_743 = arith.extui %lt3A_742 : i1 to i32
      %cond3A_744 = arith.constant 0 : i32
      %cond3A_745 = arith.cmpi ne, %convert_element_type3A_743, %cond3A_744 : i32
      scf.if %cond3A_745 {
        %add3A_758 = arith.constant 2 : i32
        %add3A_759 = arith.addi %mul3A_672, %add3A_758 : i32
        %add3A_760 = arith.constant 4 : i32
        %add3A_761 = arith.addi %add3A_759, %add3A_760 : i32
        %mul3A_762 = arith.constant 1024 : i32
        %mul3A_763 = arith.muli %add3A_761, %mul3A_762 : i32
        %add3A_764 = arith.addi %mul3A_0, %mul3A_763 : i32
        %dma_start3A_765 = tpu.memref_slice %arg2[%add3A_252, %add3A_764] : memref<16x327680xi32, #tpu.memory_space<hbm>> -> memref<1x1024xi32, #tpu.memory_space<hbm>>
        %dma_start3A_766 = tpu.memref_squeeze %dma_start3A_765 : memref<1x1024xi32, #tpu.memory_space<hbm>> -> memref<1024xi32, #tpu.memory_space<hbm>>
        %dma_start3A_767 = tpu.memref_slice %arg2[%add3A_252, %add3A_764] : memref<16x327680xi32, #tpu.memory_space<hbm>> -> memref<1x1024xi32, #tpu.memory_space<hbm>>
        %dma_start3A_768 = tpu.memref_squeeze %dma_start3A_767 : memref<1x1024xi32, #tpu.memory_space<hbm>> -> memref<1024xi32, #tpu.memory_space<hbm>>
        tpu.enqueue_dma source(%dma_start3A_768 : memref<1024xi32, #tpu.memory_space<hbm>>) target(%arg8 : memref<1024xi32, #tpu.memory_space<vmem>>) target_semaphore(%arg15 : memref<!tpu.dma_semaphore, #tpu.memory_space<semaphore_mem>>)
      } else {
      }
      %dma_wait3A_746 = arith.constant 0 : i32
      %dma_wait3A_747 = tpu.memref_slice %arg12[%dma_wait3A_746] : memref<1311744xf32, #tpu.memory_space<vmem_shared>> -> memref<1311744xf32, #tpu.memory_space<vmem_shared>>
      tpu.wait_indirect_dma semaphore(%arg20 : memref<!tpu.dma_semaphore, #tpu.memory_space<semaphore_mem>>) src(%arg10 : memref<1024xf32, #tpu.memory_space<vmem>>) dst(%dma_wait3A_747 : memref<1311744xf32, #tpu.memory_space<vmem_shared>>)
      %add3A_748 = arith.constant 3 : i32
      %add3A_749 = arith.addi %mul3A_672, %add3A_748 : i32
      %add3A_750 = arith.constant 4 : i32
      %add3A_751 = arith.addi %add3A_749, %add3A_750 : i32
      %lt3A_752 = arith.constant 20 : i32
      %lt3A_753 = arith.cmpi slt, %add3A_751, %lt3A_752 : i32
      %convert_element_type3A_754 = arith.extui %lt3A_753 : i1 to i32
      %cond3A_755 = arith.constant 0 : i32
      %cond3A_756 = arith.cmpi ne, %convert_element_type3A_754, %cond3A_755 : i32
      scf.if %cond3A_756 {
        %add3A_758 = arith.constant 3 : i32
        %add3A_759 = arith.addi %mul3A_672, %add3A_758 : i32
        %add3A_760 = arith.constant 4 : i32
        %add3A_761 = arith.addi %add3A_759, %add3A_760 : i32
        %mul3A_762 = arith.constant 1024 : i32
        %mul3A_763 = arith.muli %add3A_761, %mul3A_762 : i32
        %add3A_764 = arith.addi %mul3A_0, %mul3A_763 : i32
        %dma_start3A_765 = tpu.memref_slice %arg2[%add3A_252, %add3A_764] : memref<16x327680xi32, #tpu.memory_space<hbm>> -> memref<1x1024xi32, #tpu.memory_space<hbm>>
        %dma_start3A_766 = tpu.memref_squeeze %dma_start3A_765 : memref<1x1024xi32, #tpu.memory_space<hbm>> -> memref<1024xi32, #tpu.memory_space<hbm>>
        %dma_start3A_767 = tpu.memref_slice %arg2[%add3A_252, %add3A_764] : memref<16x327680xi32, #tpu.memory_space<hbm>> -> memref<1x1024xi32, #tpu.memory_space<hbm>>
        %dma_start3A_768 = tpu.memref_squeeze %dma_start3A_767 : memref<1x1024xi32, #tpu.memory_space<hbm>> -> memref<1024xi32, #tpu.memory_space<hbm>>
        tpu.enqueue_dma source(%dma_start3A_768 : memref<1024xi32, #tpu.memory_space<hbm>>) target(%arg9 : memref<1024xi32, #tpu.memory_space<vmem>>) target_semaphore(%arg16 : memref<!tpu.dma_semaphore, #tpu.memory_space<semaphore_mem>>)
      } else {
      }
      %scan3A_757 = arith.constant 0 : i32
      scf.yield %scan3A_757 : i32
    }
    %scan3A_326 = arith.constant 5 : i32
    %barrier3A_327 = arith.constant 0 : index
    tpu.barrier barrier_id(%barrier3A_327)
    %mul3A_328 = arith.constant 81920 : i32
    %mul3A_329 = arith.muli %arg1, %mul3A_328 : i32
    %mul3A_330 = arith.constant 81920 : i32
    %mul3A_331 = arith.muli %arg1, %mul3A_330 : i32
    %add3A_332 = arith.addi %mul3A_254, %mul3A_331 : i32
    "tpu.region"() ({
      %run_scoped3A = tpu.sem_alloc : memref<!tpu.dma_semaphore, #tpu.memory_space<semaphore_mem>>
      %dma_start3A_669 = tpu.memref_slice %arg5[%add3A_332] : memref<20971520xf32, #tpu.memory_space<hbm>> -> memref<81920xf32, #tpu.memory_space<hbm>>
      %dma_start3A_670 = tpu.memref_slice %arg12[%mul3A_329] : memref<1311744xf32, #tpu.memory_space<vmem_shared>> -> memref<81920xf32, #tpu.memory_space<vmem_shared>>
      tpu.enqueue_dma source(%dma_start3A_670 : memref<81920xf32, #tpu.memory_space<vmem_shared>>) target(%dma_start3A_669 : memref<81920xf32, #tpu.memory_space<hbm>>) target_semaphore(%run_scoped3A : memref<!tpu.dma_semaphore, #tpu.memory_space<semaphore_mem>>)
      %dma_wait3A = tpu.memref_slice %arg5[%add3A_332] : memref<20971520xf32, #tpu.memory_space<hbm>> -> memref<81920xf32, #tpu.memory_space<hbm>>
      %dma_wait3A_671 = tpu.memref_slice %arg12[%mul3A_329] : memref<1311744xf32, #tpu.memory_space<vmem_shared>> -> memref<81920xf32, #tpu.memory_space<vmem_shared>>
      tpu.wait_dma2 semaphore(%run_scoped3A : memref<!tpu.dma_semaphore, #tpu.memory_space<semaphore_mem>>) src(%dma_wait3A_671 : memref<81920xf32, #tpu.memory_space<vmem_shared>>) dst(%dma_wait3A : memref<81920xf32, #tpu.memory_space<hbm>>)
      tpu.yield
    }) : () -> ()
    %mul3A_333 = arith.constant 8 : i32
    %mul3A_334 = arith.muli %arg0, %mul3A_333 : i32
    %add3A_335 = arith.constant 4 : i32
    %add3A_336 = arith.addi %mul3A_334, %add3A_335 : i32
    %mul3A_337 = arith.constant 1310720 : i32
    %mul3A_338 = arith.muli %add3A_336, %mul3A_337 : i32
    %mul3A_339 = arith.constant 81920 : i32
    %mul3A_340 = arith.muli %arg1, %mul3A_339 : i32
    %add3A_341 = arith.constant 0 : i32
    %add3A_342 = arith.addi %mul3A_340, %add3A_341 : i32
    "tpu.region"() ({
      %run_scoped3A = tpu.sem_alloc : memref<!tpu.dma_semaphore, #tpu.memory_space<semaphore_mem>>
      %dma_start3A_669 = tpu.memref_slice %arg12[%add3A_342] : memref<1311744xf32, #tpu.memory_space<vmem_shared>> -> memref<8192xf32, #tpu.memory_space<vmem_shared>>
      %dma_start3A_670 = tpu.memref_slice %arg12[%add3A_342] : memref<1311744xf32, #tpu.memory_space<vmem_shared>> -> memref<8192xf32, #tpu.memory_space<vmem_shared>>
      tpu.enqueue_dma source(%arg11 : memref<8192xf32, #tpu.memory_space<vmem>>) target(%dma_start3A_670 : memref<8192xf32, #tpu.memory_space<vmem_shared>>) target_semaphore(%run_scoped3A : memref<!tpu.dma_semaphore, #tpu.memory_space<semaphore_mem>>)
      %dma_wait3A = tpu.memref_slice %arg12[%add3A_342] : memref<1311744xf32, #tpu.memory_space<vmem_shared>> -> memref<8192xf32, #tpu.memory_space<vmem_shared>>
      %dma_wait3A_671 = tpu.memref_slice %arg12[%add3A_342] : memref<1311744xf32, #tpu.memory_space<vmem_shared>> -> memref<8192xf32, #tpu.memory_space<vmem_shared>>
      tpu.wait_dma2 semaphore(%run_scoped3A : memref<!tpu.dma_semaphore, #tpu.memory_space<semaphore_mem>>) src(%arg11 : memref<8192xf32, #tpu.memory_space<vmem>>) dst(%dma_wait3A_671 : memref<8192xf32, #tpu.memory_space<vmem_shared>>)
      tpu.yield
    }) : () -> ()
    %mul3A_343 = arith.constant 81920 : i32
    %mul3A_344 = arith.muli %arg1, %mul3A_343 : i32
    %add3A_345 = arith.constant 8192 : i32
    %add3A_346 = arith.addi %mul3A_344, %add3A_345 : i32
    "tpu.region"() ({
      %run_scoped3A = tpu.sem_alloc : memref<!tpu.dma_semaphore, #tpu.memory_space<semaphore_mem>>
      %dma_start3A_669 = tpu.memref_slice %arg12[%add3A_346] : memref<1311744xf32, #tpu.memory_space<vmem_shared>> -> memref<8192xf32, #tpu.memory_space<vmem_shared>>
      %dma_start3A_670 = tpu.memref_slice %arg12[%add3A_346] : memref<1311744xf32, #tpu.memory_space<vmem_shared>> -> memref<8192xf32, #tpu.memory_space<vmem_shared>>
      tpu.enqueue_dma source(%arg11 : memref<8192xf32, #tpu.memory_space<vmem>>) target(%dma_start3A_670 : memref<8192xf32, #tpu.memory_space<vmem_shared>>) target_semaphore(%run_scoped3A : memref<!tpu.dma_semaphore, #tpu.memory_space<semaphore_mem>>)
      %dma_wait3A = tpu.memref_slice %arg12[%add3A_346] : memref<1311744xf32, #tpu.memory_space<vmem_shared>> -> memref<8192xf32, #tpu.memory_space<vmem_shared>>
      %dma_wait3A_671 = tpu.memref_slice %arg12[%add3A_346] : memref<1311744xf32, #tpu.memory_space<vmem_shared>> -> memref<8192xf32, #tpu.memory_space<vmem_shared>>
      tpu.wait_dma2 semaphore(%run_scoped3A : memref<!tpu.dma_semaphore, #tpu.memory_space<semaphore_mem>>) src(%arg11 : memref<8192xf32, #tpu.memory_space<vmem>>) dst(%dma_wait3A_671 : memref<8192xf32, #tpu.memory_space<vmem_shared>>)
      tpu.yield
    }) : () -> ()
    %mul3A_347 = arith.constant 81920 : i32
    %mul3A_348 = arith.muli %arg1, %mul3A_347 : i32
    %add3A_349 = arith.constant 16384 : i32
    %add3A_350 = arith.addi %mul3A_348, %add3A_349 : i32
    "tpu.region"() ({
      %run_scoped3A = tpu.sem_alloc : memref<!tpu.dma_semaphore, #tpu.memory_space<semaphore_mem>>
      %dma_start3A_669 = tpu.memref_slice %arg12[%add3A_350] : memref<1311744xf32, #tpu.memory_space<vmem_shared>> -> memref<8192xf32, #tpu.memory_space<vmem_shared>>
      %dma_start3A_670 = tpu.memref_slice %arg12[%add3A_350] : memref<1311744xf32, #tpu.memory_space<vmem_shared>> -> memref<8192xf32, #tpu.memory_space<vmem_shared>>
      tpu.enqueue_dma source(%arg11 : memref<8192xf32, #tpu.memory_space<vmem>>) target(%dma_start3A_670 : memref<8192xf32, #tpu.memory_space<vmem_shared>>) target_semaphore(%run_scoped3A : memref<!tpu.dma_semaphore, #tpu.memory_space<semaphore_mem>>)
      %dma_wait3A = tpu.memref_slice %arg12[%add3A_350] : memref<1311744xf32, #tpu.memory_space<vmem_shared>> -> memref<8192xf32, #tpu.memory_space<vmem_shared>>
      %dma_wait3A_671 = tpu.memref_slice %arg12[%add3A_350] : memref<1311744xf32, #tpu.memory_space<vmem_shared>> -> memref<8192xf32, #tpu.memory_space<vmem_shared>>
      tpu.wait_dma2 semaphore(%run_scoped3A : memref<!tpu.dma_semaphore, #tpu.memory_space<semaphore_mem>>) src(%arg11 : memref<8192xf32, #tpu.memory_space<vmem>>) dst(%dma_wait3A_671 : memref<8192xf32, #tpu.memory_space<vmem_shared>>)
      tpu.yield
    }) : () -> ()
    %mul3A_351 = arith.constant 81920 : i32
    %mul3A_352 = arith.muli %arg1, %mul3A_351 : i32
    %add3A_353 = arith.constant 24576 : i32
    %add3A_354 = arith.addi %mul3A_352, %add3A_353 : i32
    "tpu.region"() ({
      %run_scoped3A = tpu.sem_alloc : memref<!tpu.dma_semaphore, #tpu.memory_space<semaphore_mem>>
      %dma_start3A_669 = tpu.memref_slice %arg12[%add3A_354] : memref<1311744xf32, #tpu.memory_space<vmem_shared>> -> memref<8192xf32, #tpu.memory_space<vmem_shared>>
      %dma_start3A_670 = tpu.memref_slice %arg12[%add3A_354] : memref<1311744xf32, #tpu.memory_space<vmem_shared>> -> memref<8192xf32, #tpu.memory_space<vmem_shared>>
      tpu.enqueue_dma source(%arg11 : memref<8192xf32, #tpu.memory_space<vmem>>) target(%dma_start3A_670 : memref<8192xf32, #tpu.memory_space<vmem_shared>>) target_semaphore(%run_scoped3A : memref<!tpu.dma_semaphore, #tpu.memory_space<semaphore_mem>>)
      %dma_wait3A = tpu.memref_slice %arg12[%add3A_354] : memref<1311744xf32, #tpu.memory_space<vmem_shared>> -> memref<8192xf32, #tpu.memory_space<vmem_shared>>
      %dma_wait3A_671 = tpu.memref_slice %arg12[%add3A_354] : memref<1311744xf32, #tpu.memory_space<vmem_shared>> -> memref<8192xf32, #tpu.memory_space<vmem_shared>>
      tpu.wait_dma2 semaphore(%run_scoped3A : memref<!tpu.dma_semaphore, #tpu.memory_space<semaphore_mem>>) src(%arg11 : memref<8192xf32, #tpu.memory_space<vmem>>) dst(%dma_wait3A_671 : memref<8192xf32, #tpu.memory_space<vmem_shared>>)
      tpu.yield
    }) : () -> ()
    %mul3A_355 = arith.constant 81920 : i32
    %mul3A_356 = arith.muli %arg1, %mul3A_355 : i32
    %add3A_357 = arith.constant 32768 : i32
    %add3A_358 = arith.addi %mul3A_356, %add3A_357 : i32
    "tpu.region"() ({
      %run_scoped3A = tpu.sem_alloc : memref<!tpu.dma_semaphore, #tpu.memory_space<semaphore_mem>>
      %dma_start3A_669 = tpu.memref_slice %arg12[%add3A_358] : memref<1311744xf32, #tpu.memory_space<vmem_shared>> -> memref<8192xf32, #tpu.memory_space<vmem_shared>>
      %dma_start3A_670 = tpu.memref_slice %arg12[%add3A_358] : memref<1311744xf32, #tpu.memory_space<vmem_shared>> -> memref<8192xf32, #tpu.memory_space<vmem_shared>>
      tpu.enqueue_dma source(%arg11 : memref<8192xf32, #tpu.memory_space<vmem>>) target(%dma_start3A_670 : memref<8192xf32, #tpu.memory_space<vmem_shared>>) target_semaphore(%run_scoped3A : memref<!tpu.dma_semaphore, #tpu.memory_space<semaphore_mem>>)
      %dma_wait3A = tpu.memref_slice %arg12[%add3A_358] : memref<1311744xf32, #tpu.memory_space<vmem_shared>> -> memref<8192xf32, #tpu.memory_space<vmem_shared>>
      %dma_wait3A_671 = tpu.memref_slice %arg12[%add3A_358] : memref<1311744xf32, #tpu.memory_space<vmem_shared>> -> memref<8192xf32, #tpu.memory_space<vmem_shared>>
      tpu.wait_dma2 semaphore(%run_scoped3A : memref<!tpu.dma_semaphore, #tpu.memory_space<semaphore_mem>>) src(%arg11 : memref<8192xf32, #tpu.memory_space<vmem>>) dst(%dma_wait3A_671 : memref<8192xf32, #tpu.memory_space<vmem_shared>>)
      tpu.yield
    }) : () -> ()
    %mul3A_359 = arith.constant 81920 : i32
    %mul3A_360 = arith.muli %arg1, %mul3A_359 : i32
    %add3A_361 = arith.constant 40960 : i32
    %add3A_362 = arith.addi %mul3A_360, %add3A_361 : i32
    "tpu.region"() ({
      %run_scoped3A = tpu.sem_alloc : memref<!tpu.dma_semaphore, #tpu.memory_space<semaphore_mem>>
      %dma_start3A_669 = tpu.memref_slice %arg12[%add3A_362] : memref<1311744xf32, #tpu.memory_space<vmem_shared>> -> memref<8192xf32, #tpu.memory_space<vmem_shared>>
      %dma_start3A_670 = tpu.memref_slice %arg12[%add3A_362] : memref<1311744xf32, #tpu.memory_space<vmem_shared>> -> memref<8192xf32, #tpu.memory_space<vmem_shared>>
      tpu.enqueue_dma source(%arg11 : memref<8192xf32, #tpu.memory_space<vmem>>) target(%dma_start3A_670 : memref<8192xf32, #tpu.memory_space<vmem_shared>>) target_semaphore(%run_scoped3A : memref<!tpu.dma_semaphore, #tpu.memory_space<semaphore_mem>>)
      %dma_wait3A = tpu.memref_slice %arg12[%add3A_362] : memref<1311744xf32, #tpu.memory_space<vmem_shared>> -> memref<8192xf32, #tpu.memory_space<vmem_shared>>
      %dma_wait3A_671 = tpu.memref_slice %arg12[%add3A_362] : memref<1311744xf32, #tpu.memory_space<vmem_shared>> -> memref<8192xf32, #tpu.memory_space<vmem_shared>>
      tpu.wait_dma2 semaphore(%run_scoped3A : memref<!tpu.dma_semaphore, #tpu.memory_space<semaphore_mem>>) src(%arg11 : memref<8192xf32, #tpu.memory_space<vmem>>) dst(%dma_wait3A_671 : memref<8192xf32, #tpu.memory_space<vmem_shared>>)
      tpu.yield
    }) : () -> ()
    %mul3A_363 = arith.constant 81920 : i32
    %mul3A_364 = arith.muli %arg1, %mul3A_363 : i32
    %add3A_365 = arith.constant 49152 : i32
    %add3A_366 = arith.addi %mul3A_364, %add3A_365 : i32
    "tpu.region"() ({
      %run_scoped3A = tpu.sem_alloc : memref<!tpu.dma_semaphore, #tpu.memory_space<semaphore_mem>>
      %dma_start3A_669 = tpu.memref_slice %arg12[%add3A_366] : memref<1311744xf32, #tpu.memory_space<vmem_shared>> -> memref<8192xf32, #tpu.memory_space<vmem_shared>>
      %dma_start3A_670 = tpu.memref_slice %arg12[%add3A_366] : memref<1311744xf32, #tpu.memory_space<vmem_shared>> -> memref<8192xf32, #tpu.memory_space<vmem_shared>>
      tpu.enqueue_dma source(%arg11 : memref<8192xf32, #tpu.memory_space<vmem>>) target(%dma_start3A_670 : memref<8192xf32, #tpu.memory_space<vmem_shared>>) target_semaphore(%run_scoped3A : memref<!tpu.dma_semaphore, #tpu.memory_space<semaphore_mem>>)
      %dma_wait3A = tpu.memref_slice %arg12[%add3A_366] : memref<1311744xf32, #tpu.memory_space<vmem_shared>> -> memref<8192xf32, #tpu.memory_space<vmem_shared>>
      %dma_wait3A_671 = tpu.memref_slice %arg12[%add3A_366] : memref<1311744xf32, #tpu.memory_space<vmem_shared>> -> memref<8192xf32, #tpu.memory_space<vmem_shared>>
      tpu.wait_dma2 semaphore(%run_scoped3A : memref<!tpu.dma_semaphore, #tpu.memory_space<semaphore_mem>>) src(%arg11 : memref<8192xf32, #tpu.memory_space<vmem>>) dst(%dma_wait3A_671 : memref<8192xf32, #tpu.memory_space<vmem_shared>>)
      tpu.yield
    }) : () -> ()
    %mul3A_367 = arith.constant 81920 : i32
    %mul3A_368 = arith.muli %arg1, %mul3A_367 : i32
    %add3A_369 = arith.constant 57344 : i32
    %add3A_370 = arith.addi %mul3A_368, %add3A_369 : i32
    "tpu.region"() ({
      %run_scoped3A = tpu.sem_alloc : memref<!tpu.dma_semaphore, #tpu.memory_space<semaphore_mem>>
      %dma_start3A_669 = tpu.memref_slice %arg12[%add3A_370] : memref<1311744xf32, #tpu.memory_space<vmem_shared>> -> memref<8192xf32, #tpu.memory_space<vmem_shared>>
      %dma_start3A_670 = tpu.memref_slice %arg12[%add3A_370] : memref<1311744xf32, #tpu.memory_space<vmem_shared>> -> memref<8192xf32, #tpu.memory_space<vmem_shared>>
      tpu.enqueue_dma source(%arg11 : memref<8192xf32, #tpu.memory_space<vmem>>) target(%dma_start3A_670 : memref<8192xf32, #tpu.memory_space<vmem_shared>>) target_semaphore(%run_scoped3A : memref<!tpu.dma_semaphore, #tpu.memory_space<semaphore_mem>>)
      %dma_wait3A = tpu.memref_slice %arg12[%add3A_370] : memref<1311744xf32, #tpu.memory_space<vmem_shared>> -> memref<8192xf32, #tpu.memory_space<vmem_shared>>
      %dma_wait3A_671 = tpu.memref_slice %arg12[%add3A_370] : memref<1311744xf32, #tpu.memory_space<vmem_shared>> -> memref<8192xf32, #tpu.memory_space<vmem_shared>>
      tpu.wait_dma2 semaphore(%run_scoped3A : memref<!tpu.dma_semaphore, #tpu.memory_space<semaphore_mem>>) src(%arg11 : memref<8192xf32, #tpu.memory_space<vmem>>) dst(%dma_wait3A_671 : memref<8192xf32, #tpu.memory_space<vmem_shared>>)
      tpu.yield
    }) : () -> ()
    %mul3A_371 = arith.constant 81920 : i32
    %mul3A_372 = arith.muli %arg1, %mul3A_371 : i32
    %add3A_373 = arith.constant 65536 : i32
    %add3A_374 = arith.addi %mul3A_372, %add3A_373 : i32
    "tpu.region"() ({
      %run_scoped3A = tpu.sem_alloc : memref<!tpu.dma_semaphore, #tpu.memory_space<semaphore_mem>>
      %dma_start3A_669 = tpu.memref_slice %arg12[%add3A_374] : memref<1311744xf32, #tpu.memory_space<vmem_shared>> -> memref<8192xf32, #tpu.memory_space<vmem_shared>>
      %dma_start3A_670 = tpu.memref_slice %arg12[%add3A_374] : memref<1311744xf32, #tpu.memory_space<vmem_shared>> -> memref<8192xf32, #tpu.memory_space<vmem_shared>>
      tpu.enqueue_dma source(%arg11 : memref<8192xf32, #tpu.memory_space<vmem>>) target(%dma_start3A_670 : memref<8192xf32, #tpu.memory_space<vmem_shared>>) target_semaphore(%run_scoped3A : memref<!tpu.dma_semaphore, #tpu.memory_space<semaphore_mem>>)
      %dma_wait3A = tpu.memref_slice %arg12[%add3A_374] : memref<1311744xf32, #tpu.memory_space<vmem_shared>> -> memref<8192xf32, #tpu.memory_space<vmem_shared>>
      %dma_wait3A_671 = tpu.memref_slice %arg12[%add3A_374] : memref<1311744xf32, #tpu.memory_space<vmem_shared>> -> memref<8192xf32, #tpu.memory_space<vmem_shared>>
      tpu.wait_dma2 semaphore(%run_scoped3A : memref<!tpu.dma_semaphore, #tpu.memory_space<semaphore_mem>>) src(%arg11 : memref<8192xf32, #tpu.memory_space<vmem>>) dst(%dma_wait3A_671 : memref<8192xf32, #tpu.memory_space<vmem_shared>>)
      tpu.yield
    }) : () -> ()
    %mul3A_375 = arith.constant 81920 : i32
    %mul3A_376 = arith.muli %arg1, %mul3A_375 : i32
    %add3A_377 = arith.constant 73728 : i32
    %add3A_378 = arith.addi %mul3A_376, %add3A_377 : i32
    "tpu.region"() ({
      %run_scoped3A = tpu.sem_alloc : memref<!tpu.dma_semaphore, #tpu.memory_space<semaphore_mem>>
      %dma_start3A_669 = tpu.memref_slice %arg12[%add3A_378] : memref<1311744xf32, #tpu.memory_space<vmem_shared>> -> memref<8192xf32, #tpu.memory_space<vmem_shared>>
      %dma_start3A_670 = tpu.memref_slice %arg12[%add3A_378] : memref<1311744xf32, #tpu.memory_space<vmem_shared>> -> memref<8192xf32, #tpu.memory_space<vmem_shared>>
      tpu.enqueue_dma source(%arg11 : memref<8192xf32, #tpu.memory_space<vmem>>) target(%dma_start3A_670 : memref<8192xf32, #tpu.memory_space<vmem_shared>>) target_semaphore(%run_scoped3A : memref<!tpu.dma_semaphore, #tpu.memory_space<semaphore_mem>>)
      %dma_wait3A = tpu.memref_slice %arg12[%add3A_378] : memref<1311744xf32, #tpu.memory_space<vmem_shared>> -> memref<8192xf32, #tpu.memory_space<vmem_shared>>
      %dma_wait3A_671 = tpu.memref_slice %arg12[%add3A_378] : memref<1311744xf32, #tpu.memory_space<vmem_shared>> -> memref<8192xf32, #tpu.memory_space<vmem_shared>>
      tpu.wait_dma2 semaphore(%run_scoped3A : memref<!tpu.dma_semaphore, #tpu.memory_space<semaphore_mem>>) src(%arg11 : memref<8192xf32, #tpu.memory_space<vmem>>) dst(%dma_wait3A_671 : memref<8192xf32, #tpu.memory_space<vmem_shared>>)
      tpu.yield
    }) : () -> ()
    %barrier3A_379 = arith.constant 0 : index
    tpu.barrier barrier_id(%barrier3A_379)
    %add3A_380 = arith.constant 0 : i32
    %add3A_381 = arith.addi %mul3A_0, %add3A_380 : i32
    %dma_start3A_382 = tpu.memref_slice %arg2[%add3A_336, %add3A_381] : memref<16x327680xi32, #tpu.memory_space<hbm>> -> memref<1x1024xi32, #tpu.memory_space<hbm>>
    %dma_start3A_383 = tpu.memref_squeeze %dma_start3A_382 : memref<1x1024xi32, #tpu.memory_space<hbm>> -> memref<1024xi32, #tpu.memory_space<hbm>>
    %dma_start3A_384 = tpu.memref_slice %arg2[%add3A_336, %add3A_381] : memref<16x327680xi32, #tpu.memory_space<hbm>> -> memref<1x1024xi32, #tpu.memory_space<hbm>>
    %dma_start3A_385 = tpu.memref_squeeze %dma_start3A_384 : memref<1x1024xi32, #tpu.memory_space<hbm>> -> memref<1024xi32, #tpu.memory_space<hbm>>
    tpu.enqueue_dma source(%dma_start3A_385 : memref<1024xi32, #tpu.memory_space<hbm>>) target(%arg6 : memref<1024xi32, #tpu.memory_space<vmem>>) target_semaphore(%arg13 : memref<!tpu.dma_semaphore, #tpu.memory_space<semaphore_mem>>)
    %add3A_386 = arith.constant 1024 : i32
    %add3A_387 = arith.addi %mul3A_0, %add3A_386 : i32
    %dma_start3A_388 = tpu.memref_slice %arg2[%add3A_336, %add3A_387] : memref<16x327680xi32, #tpu.memory_space<hbm>> -> memref<1x1024xi32, #tpu.memory_space<hbm>>
    %dma_start3A_389 = tpu.memref_squeeze %dma_start3A_388 : memref<1x1024xi32, #tpu.memory_space<hbm>> -> memref<1024xi32, #tpu.memory_space<hbm>>
    %dma_start3A_390 = tpu.memref_slice %arg2[%add3A_336, %add3A_387] : memref<16x327680xi32, #tpu.memory_space<hbm>> -> memref<1x1024xi32, #tpu.memory_space<hbm>>
    %dma_start3A_391 = tpu.memref_squeeze %dma_start3A_390 : memref<1x1024xi32, #tpu.memory_space<hbm>> -> memref<1024xi32, #tpu.memory_space<hbm>>
    tpu.enqueue_dma source(%dma_start3A_391 : memref<1024xi32, #tpu.memory_space<hbm>>) target(%arg7 : memref<1024xi32, #tpu.memory_space<vmem>>) target_semaphore(%arg14 : memref<!tpu.dma_semaphore, #tpu.memory_space<semaphore_mem>>)
    %add3A_392 = arith.constant 2048 : i32
    %add3A_393 = arith.addi %mul3A_0, %add3A_392 : i32
    %dma_start3A_394 = tpu.memref_slice %arg2[%add3A_336, %add3A_393] : memref<16x327680xi32, #tpu.memory_space<hbm>> -> memref<1x1024xi32, #tpu.memory_space<hbm>>
    %dma_start3A_395 = tpu.memref_squeeze %dma_start3A_394 : memref<1x1024xi32, #tpu.memory_space<hbm>> -> memref<1024xi32, #tpu.memory_space<hbm>>
    %dma_start3A_396 = tpu.memref_slice %arg2[%add3A_336, %add3A_393] : memref<16x327680xi32, #tpu.memory_space<hbm>> -> memref<1x1024xi32, #tpu.memory_space<hbm>>
    %dma_start3A_397 = tpu.memref_squeeze %dma_start3A_396 : memref<1x1024xi32, #tpu.memory_space<hbm>> -> memref<1024xi32, #tpu.memory_space<hbm>>
    tpu.enqueue_dma source(%dma_start3A_397 : memref<1024xi32, #tpu.memory_space<hbm>>) target(%arg8 : memref<1024xi32, #tpu.memory_space<vmem>>) target_semaphore(%arg15 : memref<!tpu.dma_semaphore, #tpu.memory_space<semaphore_mem>>)
    %add3A_398 = arith.constant 3072 : i32
    %add3A_399 = arith.addi %mul3A_0, %add3A_398 : i32
    %dma_start3A_400 = tpu.memref_slice %arg2[%add3A_336, %add3A_399] : memref<16x327680xi32, #tpu.memory_space<hbm>> -> memref<1x1024xi32, #tpu.memory_space<hbm>>
    %dma_start3A_401 = tpu.memref_squeeze %dma_start3A_400 : memref<1x1024xi32, #tpu.memory_space<hbm>> -> memref<1024xi32, #tpu.memory_space<hbm>>
    %dma_start3A_402 = tpu.memref_slice %arg2[%add3A_336, %add3A_399] : memref<16x327680xi32, #tpu.memory_space<hbm>> -> memref<1x1024xi32, #tpu.memory_space<hbm>>
    %dma_start3A_403 = tpu.memref_squeeze %dma_start3A_402 : memref<1x1024xi32, #tpu.memory_space<hbm>> -> memref<1024xi32, #tpu.memory_space<hbm>>
    tpu.enqueue_dma source(%dma_start3A_403 : memref<1024xi32, #tpu.memory_space<hbm>>) target(%arg9 : memref<1024xi32, #tpu.memory_space<vmem>>) target_semaphore(%arg16 : memref<!tpu.dma_semaphore, #tpu.memory_space<semaphore_mem>>)
    %scan3A_404 = arith.constant 0 : i32
    %scan3A_405 = arith.constant 0 : i32
    %scan3A_406 = arith.constant 5 : i32
    %scan3A_407 = arith.addi %scan3A_405, %scan3A_406 : i32
    %scan3A_408 = arith.constant 1 : i32
    %scan3A_409 = scf.for %scan3A_669 = %scan3A_405 to %scan3A_407 step %scan3A_408 iter_args(%scan3A_670 = %scan3A_404) -> (i32)  : i32 {
      %mul3A_671 = arith.constant 4 : i32
      %mul3A_672 = arith.muli %mul3A_671, %scan3A_669 : i32
      %add3A_673 = arith.constant 0 : i32
      %add3A_674 = arith.addi %mul3A_672, %add3A_673 : i32
      %mul3A_675 = arith.constant 1024 : i32
      %mul3A_676 = arith.muli %add3A_674, %mul3A_675 : i32
      %add3A_677 = arith.addi %mul3A_0, %mul3A_676 : i32
      %dma_wait3A = tpu.memref_slice %arg2[%add3A_336, %add3A_677] : memref<16x327680xi32, #tpu.memory_space<hbm>> -> memref<1x1024xi32, #tpu.memory_space<hbm>>
      %dma_wait3A_678 = tpu.memref_squeeze %dma_wait3A : memref<1x1024xi32, #tpu.memory_space<hbm>> -> memref<1024xi32, #tpu.memory_space<hbm>>
      %dma_wait3A_679 = tpu.memref_slice %arg2[%add3A_336, %add3A_677] : memref<16x327680xi32, #tpu.memory_space<hbm>> -> memref<1x1024xi32, #tpu.memory_space<hbm>>
      %dma_wait3A_680 = tpu.memref_squeeze %dma_wait3A_679 : memref<1x1024xi32, #tpu.memory_space<hbm>> -> memref<1024xi32, #tpu.memory_space<hbm>>
      tpu.wait_dma2 semaphore(%arg13 : memref<!tpu.dma_semaphore, #tpu.memory_space<semaphore_mem>>) src(%dma_wait3A_680 : memref<1024xi32, #tpu.memory_space<hbm>>) dst(%arg6 : memref<1024xi32, #tpu.memory_space<vmem>>)
      %dma_start3A_681 = arith.constant 0 : i32
      %dma_start3A_682 = tpu.memref_slice %arg12[%dma_start3A_681] : memref<1311744xf32, #tpu.memory_space<vmem_shared>> -> memref<1311744xf32, #tpu.memory_space<vmem_shared>>
      tpu.enqueue_indirect_dma source(%arg10 : memref<1024xf32, #tpu.memory_space<vmem>>) target(%dma_start3A_682 : memref<1311744xf32, #tpu.memory_space<vmem_shared>>) offsets(%arg6 : memref<1024xi32, #tpu.memory_space<vmem>>) semaphore(%arg17 : memref<!tpu.dma_semaphore, #tpu.memory_space<semaphore_mem>>) {add = true}
      %add3A_683 = arith.constant 1 : i32
      %add3A_684 = arith.addi %mul3A_672, %add3A_683 : i32
      %mul3A_685 = arith.constant 1024 : i32
      %mul3A_686 = arith.muli %add3A_684, %mul3A_685 : i32
      %add3A_687 = arith.addi %mul3A_0, %mul3A_686 : i32
      %dma_wait3A_688 = tpu.memref_slice %arg2[%add3A_336, %add3A_687] : memref<16x327680xi32, #tpu.memory_space<hbm>> -> memref<1x1024xi32, #tpu.memory_space<hbm>>
      %dma_wait3A_689 = tpu.memref_squeeze %dma_wait3A_688 : memref<1x1024xi32, #tpu.memory_space<hbm>> -> memref<1024xi32, #tpu.memory_space<hbm>>
      %dma_wait3A_690 = tpu.memref_slice %arg2[%add3A_336, %add3A_687] : memref<16x327680xi32, #tpu.memory_space<hbm>> -> memref<1x1024xi32, #tpu.memory_space<hbm>>
      %dma_wait3A_691 = tpu.memref_squeeze %dma_wait3A_690 : memref<1x1024xi32, #tpu.memory_space<hbm>> -> memref<1024xi32, #tpu.memory_space<hbm>>
      tpu.wait_dma2 semaphore(%arg14 : memref<!tpu.dma_semaphore, #tpu.memory_space<semaphore_mem>>) src(%dma_wait3A_691 : memref<1024xi32, #tpu.memory_space<hbm>>) dst(%arg7 : memref<1024xi32, #tpu.memory_space<vmem>>)
      %dma_start3A_692 = arith.constant 0 : i32
      %dma_start3A_693 = tpu.memref_slice %arg12[%dma_start3A_692] : memref<1311744xf32, #tpu.memory_space<vmem_shared>> -> memref<1311744xf32, #tpu.memory_space<vmem_shared>>
      tpu.enqueue_indirect_dma source(%arg10 : memref<1024xf32, #tpu.memory_space<vmem>>) target(%dma_start3A_693 : memref<1311744xf32, #tpu.memory_space<vmem_shared>>) offsets(%arg7 : memref<1024xi32, #tpu.memory_space<vmem>>) semaphore(%arg18 : memref<!tpu.dma_semaphore, #tpu.memory_space<semaphore_mem>>) {add = true}
      %add3A_694 = arith.constant 2 : i32
      %add3A_695 = arith.addi %mul3A_672, %add3A_694 : i32
      %mul3A_696 = arith.constant 1024 : i32
      %mul3A_697 = arith.muli %add3A_695, %mul3A_696 : i32
      %add3A_698 = arith.addi %mul3A_0, %mul3A_697 : i32
      %dma_wait3A_699 = tpu.memref_slice %arg2[%add3A_336, %add3A_698] : memref<16x327680xi32, #tpu.memory_space<hbm>> -> memref<1x1024xi32, #tpu.memory_space<hbm>>
      %dma_wait3A_700 = tpu.memref_squeeze %dma_wait3A_699 : memref<1x1024xi32, #tpu.memory_space<hbm>> -> memref<1024xi32, #tpu.memory_space<hbm>>
      %dma_wait3A_701 = tpu.memref_slice %arg2[%add3A_336, %add3A_698] : memref<16x327680xi32, #tpu.memory_space<hbm>> -> memref<1x1024xi32, #tpu.memory_space<hbm>>
      %dma_wait3A_702 = tpu.memref_squeeze %dma_wait3A_701 : memref<1x1024xi32, #tpu.memory_space<hbm>> -> memref<1024xi32, #tpu.memory_space<hbm>>
      tpu.wait_dma2 semaphore(%arg15 : memref<!tpu.dma_semaphore, #tpu.memory_space<semaphore_mem>>) src(%dma_wait3A_702 : memref<1024xi32, #tpu.memory_space<hbm>>) dst(%arg8 : memref<1024xi32, #tpu.memory_space<vmem>>)
      %dma_start3A_703 = arith.constant 0 : i32
      %dma_start3A_704 = tpu.memref_slice %arg12[%dma_start3A_703] : memref<1311744xf32, #tpu.memory_space<vmem_shared>> -> memref<1311744xf32, #tpu.memory_space<vmem_shared>>
      tpu.enqueue_indirect_dma source(%arg10 : memref<1024xf32, #tpu.memory_space<vmem>>) target(%dma_start3A_704 : memref<1311744xf32, #tpu.memory_space<vmem_shared>>) offsets(%arg8 : memref<1024xi32, #tpu.memory_space<vmem>>) semaphore(%arg19 : memref<!tpu.dma_semaphore, #tpu.memory_space<semaphore_mem>>) {add = true}
      %add3A_705 = arith.constant 3 : i32
      %add3A_706 = arith.addi %mul3A_672, %add3A_705 : i32
      %mul3A_707 = arith.constant 1024 : i32
      %mul3A_708 = arith.muli %add3A_706, %mul3A_707 : i32
      %add3A_709 = arith.addi %mul3A_0, %mul3A_708 : i32
      %dma_wait3A_710 = tpu.memref_slice %arg2[%add3A_336, %add3A_709] : memref<16x327680xi32, #tpu.memory_space<hbm>> -> memref<1x1024xi32, #tpu.memory_space<hbm>>
      %dma_wait3A_711 = tpu.memref_squeeze %dma_wait3A_710 : memref<1x1024xi32, #tpu.memory_space<hbm>> -> memref<1024xi32, #tpu.memory_space<hbm>>
      %dma_wait3A_712 = tpu.memref_slice %arg2[%add3A_336, %add3A_709] : memref<16x327680xi32, #tpu.memory_space<hbm>> -> memref<1x1024xi32, #tpu.memory_space<hbm>>
      %dma_wait3A_713 = tpu.memref_squeeze %dma_wait3A_712 : memref<1x1024xi32, #tpu.memory_space<hbm>> -> memref<1024xi32, #tpu.memory_space<hbm>>
      tpu.wait_dma2 semaphore(%arg16 : memref<!tpu.dma_semaphore, #tpu.memory_space<semaphore_mem>>) src(%dma_wait3A_713 : memref<1024xi32, #tpu.memory_space<hbm>>) dst(%arg9 : memref<1024xi32, #tpu.memory_space<vmem>>)
      %dma_start3A_714 = arith.constant 0 : i32
      %dma_start3A_715 = tpu.memref_slice %arg12[%dma_start3A_714] : memref<1311744xf32, #tpu.memory_space<vmem_shared>> -> memref<1311744xf32, #tpu.memory_space<vmem_shared>>
      tpu.enqueue_indirect_dma source(%arg10 : memref<1024xf32, #tpu.memory_space<vmem>>) target(%dma_start3A_715 : memref<1311744xf32, #tpu.memory_space<vmem_shared>>) offsets(%arg9 : memref<1024xi32, #tpu.memory_space<vmem>>) semaphore(%arg20 : memref<!tpu.dma_semaphore, #tpu.memory_space<semaphore_mem>>) {add = true}
      %dma_wait3A_716 = arith.constant 0 : i32
      %dma_wait3A_717 = tpu.memref_slice %arg12[%dma_wait3A_716] : memref<1311744xf32, #tpu.memory_space<vmem_shared>> -> memref<1311744xf32, #tpu.memory_space<vmem_shared>>
      tpu.wait_indirect_dma semaphore(%arg17 : memref<!tpu.dma_semaphore, #tpu.memory_space<semaphore_mem>>) src(%arg10 : memref<1024xf32, #tpu.memory_space<vmem>>) dst(%dma_wait3A_717 : memref<1311744xf32, #tpu.memory_space<vmem_shared>>)
      %add3A_718 = arith.constant 0 : i32
      %add3A_719 = arith.addi %mul3A_672, %add3A_718 : i32
      %add3A_720 = arith.constant 4 : i32
      %add3A_721 = arith.addi %add3A_719, %add3A_720 : i32
      %lt3A = arith.constant 20 : i32
      %lt3A_722 = arith.cmpi slt, %add3A_721, %lt3A : i32
      %convert_element_type3A = arith.extui %lt3A_722 : i1 to i32
      %cond3A = arith.constant 0 : i32
      %cond3A_723 = arith.cmpi ne, %convert_element_type3A, %cond3A : i32
      scf.if %cond3A_723 {
        %add3A_758 = arith.constant 0 : i32
        %add3A_759 = arith.addi %mul3A_672, %add3A_758 : i32
        %add3A_760 = arith.constant 4 : i32
        %add3A_761 = arith.addi %add3A_759, %add3A_760 : i32
        %mul3A_762 = arith.constant 1024 : i32
        %mul3A_763 = arith.muli %add3A_761, %mul3A_762 : i32
        %add3A_764 = arith.addi %mul3A_0, %mul3A_763 : i32
        %dma_start3A_765 = tpu.memref_slice %arg2[%add3A_336, %add3A_764] : memref<16x327680xi32, #tpu.memory_space<hbm>> -> memref<1x1024xi32, #tpu.memory_space<hbm>>
        %dma_start3A_766 = tpu.memref_squeeze %dma_start3A_765 : memref<1x1024xi32, #tpu.memory_space<hbm>> -> memref<1024xi32, #tpu.memory_space<hbm>>
        %dma_start3A_767 = tpu.memref_slice %arg2[%add3A_336, %add3A_764] : memref<16x327680xi32, #tpu.memory_space<hbm>> -> memref<1x1024xi32, #tpu.memory_space<hbm>>
        %dma_start3A_768 = tpu.memref_squeeze %dma_start3A_767 : memref<1x1024xi32, #tpu.memory_space<hbm>> -> memref<1024xi32, #tpu.memory_space<hbm>>
        tpu.enqueue_dma source(%dma_start3A_768 : memref<1024xi32, #tpu.memory_space<hbm>>) target(%arg6 : memref<1024xi32, #tpu.memory_space<vmem>>) target_semaphore(%arg13 : memref<!tpu.dma_semaphore, #tpu.memory_space<semaphore_mem>>)
      } else {
      }
      %dma_wait3A_724 = arith.constant 0 : i32
      %dma_wait3A_725 = tpu.memref_slice %arg12[%dma_wait3A_724] : memref<1311744xf32, #tpu.memory_space<vmem_shared>> -> memref<1311744xf32, #tpu.memory_space<vmem_shared>>
      tpu.wait_indirect_dma semaphore(%arg18 : memref<!tpu.dma_semaphore, #tpu.memory_space<semaphore_mem>>) src(%arg10 : memref<1024xf32, #tpu.memory_space<vmem>>) dst(%dma_wait3A_725 : memref<1311744xf32, #tpu.memory_space<vmem_shared>>)
      %add3A_726 = arith.constant 1 : i32
      %add3A_727 = arith.addi %mul3A_672, %add3A_726 : i32
      %add3A_728 = arith.constant 4 : i32
      %add3A_729 = arith.addi %add3A_727, %add3A_728 : i32
      %lt3A_730 = arith.constant 20 : i32
      %lt3A_731 = arith.cmpi slt, %add3A_729, %lt3A_730 : i32
      %convert_element_type3A_732 = arith.extui %lt3A_731 : i1 to i32
      %cond3A_733 = arith.constant 0 : i32
      %cond3A_734 = arith.cmpi ne, %convert_element_type3A_732, %cond3A_733 : i32
      scf.if %cond3A_734 {
        %add3A_758 = arith.constant 1 : i32
        %add3A_759 = arith.addi %mul3A_672, %add3A_758 : i32
        %add3A_760 = arith.constant 4 : i32
        %add3A_761 = arith.addi %add3A_759, %add3A_760 : i32
        %mul3A_762 = arith.constant 1024 : i32
        %mul3A_763 = arith.muli %add3A_761, %mul3A_762 : i32
        %add3A_764 = arith.addi %mul3A_0, %mul3A_763 : i32
        %dma_start3A_765 = tpu.memref_slice %arg2[%add3A_336, %add3A_764] : memref<16x327680xi32, #tpu.memory_space<hbm>> -> memref<1x1024xi32, #tpu.memory_space<hbm>>
        %dma_start3A_766 = tpu.memref_squeeze %dma_start3A_765 : memref<1x1024xi32, #tpu.memory_space<hbm>> -> memref<1024xi32, #tpu.memory_space<hbm>>
        %dma_start3A_767 = tpu.memref_slice %arg2[%add3A_336, %add3A_764] : memref<16x327680xi32, #tpu.memory_space<hbm>> -> memref<1x1024xi32, #tpu.memory_space<hbm>>
        %dma_start3A_768 = tpu.memref_squeeze %dma_start3A_767 : memref<1x1024xi32, #tpu.memory_space<hbm>> -> memref<1024xi32, #tpu.memory_space<hbm>>
        tpu.enqueue_dma source(%dma_start3A_768 : memref<1024xi32, #tpu.memory_space<hbm>>) target(%arg7 : memref<1024xi32, #tpu.memory_space<vmem>>) target_semaphore(%arg14 : memref<!tpu.dma_semaphore, #tpu.memory_space<semaphore_mem>>)
      } else {
      }
      %dma_wait3A_735 = arith.constant 0 : i32
      %dma_wait3A_736 = tpu.memref_slice %arg12[%dma_wait3A_735] : memref<1311744xf32, #tpu.memory_space<vmem_shared>> -> memref<1311744xf32, #tpu.memory_space<vmem_shared>>
      tpu.wait_indirect_dma semaphore(%arg19 : memref<!tpu.dma_semaphore, #tpu.memory_space<semaphore_mem>>) src(%arg10 : memref<1024xf32, #tpu.memory_space<vmem>>) dst(%dma_wait3A_736 : memref<1311744xf32, #tpu.memory_space<vmem_shared>>)
      %add3A_737 = arith.constant 2 : i32
      %add3A_738 = arith.addi %mul3A_672, %add3A_737 : i32
      %add3A_739 = arith.constant 4 : i32
      %add3A_740 = arith.addi %add3A_738, %add3A_739 : i32
      %lt3A_741 = arith.constant 20 : i32
      %lt3A_742 = arith.cmpi slt, %add3A_740, %lt3A_741 : i32
      %convert_element_type3A_743 = arith.extui %lt3A_742 : i1 to i32
      %cond3A_744 = arith.constant 0 : i32
      %cond3A_745 = arith.cmpi ne, %convert_element_type3A_743, %cond3A_744 : i32
      scf.if %cond3A_745 {
        %add3A_758 = arith.constant 2 : i32
        %add3A_759 = arith.addi %mul3A_672, %add3A_758 : i32
        %add3A_760 = arith.constant 4 : i32
        %add3A_761 = arith.addi %add3A_759, %add3A_760 : i32
        %mul3A_762 = arith.constant 1024 : i32
        %mul3A_763 = arith.muli %add3A_761, %mul3A_762 : i32
        %add3A_764 = arith.addi %mul3A_0, %mul3A_763 : i32
        %dma_start3A_765 = tpu.memref_slice %arg2[%add3A_336, %add3A_764] : memref<16x327680xi32, #tpu.memory_space<hbm>> -> memref<1x1024xi32, #tpu.memory_space<hbm>>
        %dma_start3A_766 = tpu.memref_squeeze %dma_start3A_765 : memref<1x1024xi32, #tpu.memory_space<hbm>> -> memref<1024xi32, #tpu.memory_space<hbm>>
        %dma_start3A_767 = tpu.memref_slice %arg2[%add3A_336, %add3A_764] : memref<16x327680xi32, #tpu.memory_space<hbm>> -> memref<1x1024xi32, #tpu.memory_space<hbm>>
        %dma_start3A_768 = tpu.memref_squeeze %dma_start3A_767 : memref<1x1024xi32, #tpu.memory_space<hbm>> -> memref<1024xi32, #tpu.memory_space<hbm>>
        tpu.enqueue_dma source(%dma_start3A_768 : memref<1024xi32, #tpu.memory_space<hbm>>) target(%arg8 : memref<1024xi32, #tpu.memory_space<vmem>>) target_semaphore(%arg15 : memref<!tpu.dma_semaphore, #tpu.memory_space<semaphore_mem>>)
      } else {
      }
      %dma_wait3A_746 = arith.constant 0 : i32
      %dma_wait3A_747 = tpu.memref_slice %arg12[%dma_wait3A_746] : memref<1311744xf32, #tpu.memory_space<vmem_shared>> -> memref<1311744xf32, #tpu.memory_space<vmem_shared>>
      tpu.wait_indirect_dma semaphore(%arg20 : memref<!tpu.dma_semaphore, #tpu.memory_space<semaphore_mem>>) src(%arg10 : memref<1024xf32, #tpu.memory_space<vmem>>) dst(%dma_wait3A_747 : memref<1311744xf32, #tpu.memory_space<vmem_shared>>)
      %add3A_748 = arith.constant 3 : i32
      %add3A_749 = arith.addi %mul3A_672, %add3A_748 : i32
      %add3A_750 = arith.constant 4 : i32
      %add3A_751 = arith.addi %add3A_749, %add3A_750 : i32
      %lt3A_752 = arith.constant 20 : i32
      %lt3A_753 = arith.cmpi slt, %add3A_751, %lt3A_752 : i32
      %convert_element_type3A_754 = arith.extui %lt3A_753 : i1 to i32
      %cond3A_755 = arith.constant 0 : i32
      %cond3A_756 = arith.cmpi ne, %convert_element_type3A_754, %cond3A_755 : i32
      scf.if %cond3A_756 {
        %add3A_758 = arith.constant 3 : i32
        %add3A_759 = arith.addi %mul3A_672, %add3A_758 : i32
        %add3A_760 = arith.constant 4 : i32
        %add3A_761 = arith.addi %add3A_759, %add3A_760 : i32
        %mul3A_762 = arith.constant 1024 : i32
        %mul3A_763 = arith.muli %add3A_761, %mul3A_762 : i32
        %add3A_764 = arith.addi %mul3A_0, %mul3A_763 : i32
        %dma_start3A_765 = tpu.memref_slice %arg2[%add3A_336, %add3A_764] : memref<16x327680xi32, #tpu.memory_space<hbm>> -> memref<1x1024xi32, #tpu.memory_space<hbm>>
        %dma_start3A_766 = tpu.memref_squeeze %dma_start3A_765 : memref<1x1024xi32, #tpu.memory_space<hbm>> -> memref<1024xi32, #tpu.memory_space<hbm>>
        %dma_start3A_767 = tpu.memref_slice %arg2[%add3A_336, %add3A_764] : memref<16x327680xi32, #tpu.memory_space<hbm>> -> memref<1x1024xi32, #tpu.memory_space<hbm>>
        %dma_start3A_768 = tpu.memref_squeeze %dma_start3A_767 : memref<1x1024xi32, #tpu.memory_space<hbm>> -> memref<1024xi32, #tpu.memory_space<hbm>>
        tpu.enqueue_dma source(%dma_start3A_768 : memref<1024xi32, #tpu.memory_space<hbm>>) target(%arg9 : memref<1024xi32, #tpu.memory_space<vmem>>) target_semaphore(%arg16 : memref<!tpu.dma_semaphore, #tpu.memory_space<semaphore_mem>>)
      } else {
      }
      %scan3A_757 = arith.constant 0 : i32
      scf.yield %scan3A_757 : i32
    }
    %scan3A_410 = arith.constant 5 : i32
    %barrier3A_411 = arith.constant 0 : index
    tpu.barrier barrier_id(%barrier3A_411)
    %mul3A_412 = arith.constant 81920 : i32
    %mul3A_413 = arith.muli %arg1, %mul3A_412 : i32
    %mul3A_414 = arith.constant 81920 : i32
    %mul3A_415 = arith.muli %arg1, %mul3A_414 : i32
    %add3A_416 = arith.addi %mul3A_338, %mul3A_415 : i32
    "tpu.region"() ({
      %run_scoped3A = tpu.sem_alloc : memref<!tpu.dma_semaphore, #tpu.memory_space<semaphore_mem>>
      %dma_start3A_669 = tpu.memref_slice %arg5[%add3A_416] : memref<20971520xf32, #tpu.memory_space<hbm>> -> memref<81920xf32, #tpu.memory_space<hbm>>
      %dma_start3A_670 = tpu.memref_slice %arg12[%mul3A_413] : memref<1311744xf32, #tpu.memory_space<vmem_shared>> -> memref<81920xf32, #tpu.memory_space<vmem_shared>>
      tpu.enqueue_dma source(%dma_start3A_670 : memref<81920xf32, #tpu.memory_space<vmem_shared>>) target(%dma_start3A_669 : memref<81920xf32, #tpu.memory_space<hbm>>) target_semaphore(%run_scoped3A : memref<!tpu.dma_semaphore, #tpu.memory_space<semaphore_mem>>)
      %dma_wait3A = tpu.memref_slice %arg5[%add3A_416] : memref<20971520xf32, #tpu.memory_space<hbm>> -> memref<81920xf32, #tpu.memory_space<hbm>>
      %dma_wait3A_671 = tpu.memref_slice %arg12[%mul3A_413] : memref<1311744xf32, #tpu.memory_space<vmem_shared>> -> memref<81920xf32, #tpu.memory_space<vmem_shared>>
      tpu.wait_dma2 semaphore(%run_scoped3A : memref<!tpu.dma_semaphore, #tpu.memory_space<semaphore_mem>>) src(%dma_wait3A_671 : memref<81920xf32, #tpu.memory_space<vmem_shared>>) dst(%dma_wait3A : memref<81920xf32, #tpu.memory_space<hbm>>)
      tpu.yield
    }) : () -> ()
    %mul3A_417 = arith.constant 8 : i32
    %mul3A_418 = arith.muli %arg0, %mul3A_417 : i32
    %add3A_419 = arith.constant 5 : i32
    %add3A_420 = arith.addi %mul3A_418, %add3A_419 : i32
    %mul3A_421 = arith.constant 1310720 : i32
    %mul3A_422 = arith.muli %add3A_420, %mul3A_421 : i32
    %mul3A_423 = arith.constant 81920 : i32
    %mul3A_424 = arith.muli %arg1, %mul3A_423 : i32
    %add3A_425 = arith.constant 0 : i32
    %add3A_426 = arith.addi %mul3A_424, %add3A_425 : i32
    "tpu.region"() ({
      %run_scoped3A = tpu.sem_alloc : memref<!tpu.dma_semaphore, #tpu.memory_space<semaphore_mem>>
      %dma_start3A_669 = tpu.memref_slice %arg12[%add3A_426] : memref<1311744xf32, #tpu.memory_space<vmem_shared>> -> memref<8192xf32, #tpu.memory_space<vmem_shared>>
      %dma_start3A_670 = tpu.memref_slice %arg12[%add3A_426] : memref<1311744xf32, #tpu.memory_space<vmem_shared>> -> memref<8192xf32, #tpu.memory_space<vmem_shared>>
      tpu.enqueue_dma source(%arg11 : memref<8192xf32, #tpu.memory_space<vmem>>) target(%dma_start3A_670 : memref<8192xf32, #tpu.memory_space<vmem_shared>>) target_semaphore(%run_scoped3A : memref<!tpu.dma_semaphore, #tpu.memory_space<semaphore_mem>>)
      %dma_wait3A = tpu.memref_slice %arg12[%add3A_426] : memref<1311744xf32, #tpu.memory_space<vmem_shared>> -> memref<8192xf32, #tpu.memory_space<vmem_shared>>
      %dma_wait3A_671 = tpu.memref_slice %arg12[%add3A_426] : memref<1311744xf32, #tpu.memory_space<vmem_shared>> -> memref<8192xf32, #tpu.memory_space<vmem_shared>>
      tpu.wait_dma2 semaphore(%run_scoped3A : memref<!tpu.dma_semaphore, #tpu.memory_space<semaphore_mem>>) src(%arg11 : memref<8192xf32, #tpu.memory_space<vmem>>) dst(%dma_wait3A_671 : memref<8192xf32, #tpu.memory_space<vmem_shared>>)
      tpu.yield
    }) : () -> ()
    %mul3A_427 = arith.constant 81920 : i32
    %mul3A_428 = arith.muli %arg1, %mul3A_427 : i32
    %add3A_429 = arith.constant 8192 : i32
    %add3A_430 = arith.addi %mul3A_428, %add3A_429 : i32
    "tpu.region"() ({
      %run_scoped3A = tpu.sem_alloc : memref<!tpu.dma_semaphore, #tpu.memory_space<semaphore_mem>>
      %dma_start3A_669 = tpu.memref_slice %arg12[%add3A_430] : memref<1311744xf32, #tpu.memory_space<vmem_shared>> -> memref<8192xf32, #tpu.memory_space<vmem_shared>>
      %dma_start3A_670 = tpu.memref_slice %arg12[%add3A_430] : memref<1311744xf32, #tpu.memory_space<vmem_shared>> -> memref<8192xf32, #tpu.memory_space<vmem_shared>>
      tpu.enqueue_dma source(%arg11 : memref<8192xf32, #tpu.memory_space<vmem>>) target(%dma_start3A_670 : memref<8192xf32, #tpu.memory_space<vmem_shared>>) target_semaphore(%run_scoped3A : memref<!tpu.dma_semaphore, #tpu.memory_space<semaphore_mem>>)
      %dma_wait3A = tpu.memref_slice %arg12[%add3A_430] : memref<1311744xf32, #tpu.memory_space<vmem_shared>> -> memref<8192xf32, #tpu.memory_space<vmem_shared>>
      %dma_wait3A_671 = tpu.memref_slice %arg12[%add3A_430] : memref<1311744xf32, #tpu.memory_space<vmem_shared>> -> memref<8192xf32, #tpu.memory_space<vmem_shared>>
      tpu.wait_dma2 semaphore(%run_scoped3A : memref<!tpu.dma_semaphore, #tpu.memory_space<semaphore_mem>>) src(%arg11 : memref<8192xf32, #tpu.memory_space<vmem>>) dst(%dma_wait3A_671 : memref<8192xf32, #tpu.memory_space<vmem_shared>>)
      tpu.yield
    }) : () -> ()
    %mul3A_431 = arith.constant 81920 : i32
    %mul3A_432 = arith.muli %arg1, %mul3A_431 : i32
    %add3A_433 = arith.constant 16384 : i32
    %add3A_434 = arith.addi %mul3A_432, %add3A_433 : i32
    "tpu.region"() ({
      %run_scoped3A = tpu.sem_alloc : memref<!tpu.dma_semaphore, #tpu.memory_space<semaphore_mem>>
      %dma_start3A_669 = tpu.memref_slice %arg12[%add3A_434] : memref<1311744xf32, #tpu.memory_space<vmem_shared>> -> memref<8192xf32, #tpu.memory_space<vmem_shared>>
      %dma_start3A_670 = tpu.memref_slice %arg12[%add3A_434] : memref<1311744xf32, #tpu.memory_space<vmem_shared>> -> memref<8192xf32, #tpu.memory_space<vmem_shared>>
      tpu.enqueue_dma source(%arg11 : memref<8192xf32, #tpu.memory_space<vmem>>) target(%dma_start3A_670 : memref<8192xf32, #tpu.memory_space<vmem_shared>>) target_semaphore(%run_scoped3A : memref<!tpu.dma_semaphore, #tpu.memory_space<semaphore_mem>>)
      %dma_wait3A = tpu.memref_slice %arg12[%add3A_434] : memref<1311744xf32, #tpu.memory_space<vmem_shared>> -> memref<8192xf32, #tpu.memory_space<vmem_shared>>
      %dma_wait3A_671 = tpu.memref_slice %arg12[%add3A_434] : memref<1311744xf32, #tpu.memory_space<vmem_shared>> -> memref<8192xf32, #tpu.memory_space<vmem_shared>>
      tpu.wait_dma2 semaphore(%run_scoped3A : memref<!tpu.dma_semaphore, #tpu.memory_space<semaphore_mem>>) src(%arg11 : memref<8192xf32, #tpu.memory_space<vmem>>) dst(%dma_wait3A_671 : memref<8192xf32, #tpu.memory_space<vmem_shared>>)
      tpu.yield
    }) : () -> ()
    %mul3A_435 = arith.constant 81920 : i32
    %mul3A_436 = arith.muli %arg1, %mul3A_435 : i32
    %add3A_437 = arith.constant 24576 : i32
    %add3A_438 = arith.addi %mul3A_436, %add3A_437 : i32
    "tpu.region"() ({
      %run_scoped3A = tpu.sem_alloc : memref<!tpu.dma_semaphore, #tpu.memory_space<semaphore_mem>>
      %dma_start3A_669 = tpu.memref_slice %arg12[%add3A_438] : memref<1311744xf32, #tpu.memory_space<vmem_shared>> -> memref<8192xf32, #tpu.memory_space<vmem_shared>>
      %dma_start3A_670 = tpu.memref_slice %arg12[%add3A_438] : memref<1311744xf32, #tpu.memory_space<vmem_shared>> -> memref<8192xf32, #tpu.memory_space<vmem_shared>>
      tpu.enqueue_dma source(%arg11 : memref<8192xf32, #tpu.memory_space<vmem>>) target(%dma_start3A_670 : memref<8192xf32, #tpu.memory_space<vmem_shared>>) target_semaphore(%run_scoped3A : memref<!tpu.dma_semaphore, #tpu.memory_space<semaphore_mem>>)
      %dma_wait3A = tpu.memref_slice %arg12[%add3A_438] : memref<1311744xf32, #tpu.memory_space<vmem_shared>> -> memref<8192xf32, #tpu.memory_space<vmem_shared>>
      %dma_wait3A_671 = tpu.memref_slice %arg12[%add3A_438] : memref<1311744xf32, #tpu.memory_space<vmem_shared>> -> memref<8192xf32, #tpu.memory_space<vmem_shared>>
      tpu.wait_dma2 semaphore(%run_scoped3A : memref<!tpu.dma_semaphore, #tpu.memory_space<semaphore_mem>>) src(%arg11 : memref<8192xf32, #tpu.memory_space<vmem>>) dst(%dma_wait3A_671 : memref<8192xf32, #tpu.memory_space<vmem_shared>>)
      tpu.yield
    }) : () -> ()
    %mul3A_439 = arith.constant 81920 : i32
    %mul3A_440 = arith.muli %arg1, %mul3A_439 : i32
    %add3A_441 = arith.constant 32768 : i32
    %add3A_442 = arith.addi %mul3A_440, %add3A_441 : i32
    "tpu.region"() ({
      %run_scoped3A = tpu.sem_alloc : memref<!tpu.dma_semaphore, #tpu.memory_space<semaphore_mem>>
      %dma_start3A_669 = tpu.memref_slice %arg12[%add3A_442] : memref<1311744xf32, #tpu.memory_space<vmem_shared>> -> memref<8192xf32, #tpu.memory_space<vmem_shared>>
      %dma_start3A_670 = tpu.memref_slice %arg12[%add3A_442] : memref<1311744xf32, #tpu.memory_space<vmem_shared>> -> memref<8192xf32, #tpu.memory_space<vmem_shared>>
      tpu.enqueue_dma source(%arg11 : memref<8192xf32, #tpu.memory_space<vmem>>) target(%dma_start3A_670 : memref<8192xf32, #tpu.memory_space<vmem_shared>>) target_semaphore(%run_scoped3A : memref<!tpu.dma_semaphore, #tpu.memory_space<semaphore_mem>>)
      %dma_wait3A = tpu.memref_slice %arg12[%add3A_442] : memref<1311744xf32, #tpu.memory_space<vmem_shared>> -> memref<8192xf32, #tpu.memory_space<vmem_shared>>
      %dma_wait3A_671 = tpu.memref_slice %arg12[%add3A_442] : memref<1311744xf32, #tpu.memory_space<vmem_shared>> -> memref<8192xf32, #tpu.memory_space<vmem_shared>>
      tpu.wait_dma2 semaphore(%run_scoped3A : memref<!tpu.dma_semaphore, #tpu.memory_space<semaphore_mem>>) src(%arg11 : memref<8192xf32, #tpu.memory_space<vmem>>) dst(%dma_wait3A_671 : memref<8192xf32, #tpu.memory_space<vmem_shared>>)
      tpu.yield
    }) : () -> ()
    %mul3A_443 = arith.constant 81920 : i32
    %mul3A_444 = arith.muli %arg1, %mul3A_443 : i32
    %add3A_445 = arith.constant 40960 : i32
    %add3A_446 = arith.addi %mul3A_444, %add3A_445 : i32
    "tpu.region"() ({
      %run_scoped3A = tpu.sem_alloc : memref<!tpu.dma_semaphore, #tpu.memory_space<semaphore_mem>>
      %dma_start3A_669 = tpu.memref_slice %arg12[%add3A_446] : memref<1311744xf32, #tpu.memory_space<vmem_shared>> -> memref<8192xf32, #tpu.memory_space<vmem_shared>>
      %dma_start3A_670 = tpu.memref_slice %arg12[%add3A_446] : memref<1311744xf32, #tpu.memory_space<vmem_shared>> -> memref<8192xf32, #tpu.memory_space<vmem_shared>>
      tpu.enqueue_dma source(%arg11 : memref<8192xf32, #tpu.memory_space<vmem>>) target(%dma_start3A_670 : memref<8192xf32, #tpu.memory_space<vmem_shared>>) target_semaphore(%run_scoped3A : memref<!tpu.dma_semaphore, #tpu.memory_space<semaphore_mem>>)
      %dma_wait3A = tpu.memref_slice %arg12[%add3A_446] : memref<1311744xf32, #tpu.memory_space<vmem_shared>> -> memref<8192xf32, #tpu.memory_space<vmem_shared>>
      %dma_wait3A_671 = tpu.memref_slice %arg12[%add3A_446] : memref<1311744xf32, #tpu.memory_space<vmem_shared>> -> memref<8192xf32, #tpu.memory_space<vmem_shared>>
      tpu.wait_dma2 semaphore(%run_scoped3A : memref<!tpu.dma_semaphore, #tpu.memory_space<semaphore_mem>>) src(%arg11 : memref<8192xf32, #tpu.memory_space<vmem>>) dst(%dma_wait3A_671 : memref<8192xf32, #tpu.memory_space<vmem_shared>>)
      tpu.yield
    }) : () -> ()
    %mul3A_447 = arith.constant 81920 : i32
    %mul3A_448 = arith.muli %arg1, %mul3A_447 : i32
    %add3A_449 = arith.constant 49152 : i32
    %add3A_450 = arith.addi %mul3A_448, %add3A_449 : i32
    "tpu.region"() ({
      %run_scoped3A = tpu.sem_alloc : memref<!tpu.dma_semaphore, #tpu.memory_space<semaphore_mem>>
      %dma_start3A_669 = tpu.memref_slice %arg12[%add3A_450] : memref<1311744xf32, #tpu.memory_space<vmem_shared>> -> memref<8192xf32, #tpu.memory_space<vmem_shared>>
      %dma_start3A_670 = tpu.memref_slice %arg12[%add3A_450] : memref<1311744xf32, #tpu.memory_space<vmem_shared>> -> memref<8192xf32, #tpu.memory_space<vmem_shared>>
      tpu.enqueue_dma source(%arg11 : memref<8192xf32, #tpu.memory_space<vmem>>) target(%dma_start3A_670 : memref<8192xf32, #tpu.memory_space<vmem_shared>>) target_semaphore(%run_scoped3A : memref<!tpu.dma_semaphore, #tpu.memory_space<semaphore_mem>>)
      %dma_wait3A = tpu.memref_slice %arg12[%add3A_450] : memref<1311744xf32, #tpu.memory_space<vmem_shared>> -> memref<8192xf32, #tpu.memory_space<vmem_shared>>
      %dma_wait3A_671 = tpu.memref_slice %arg12[%add3A_450] : memref<1311744xf32, #tpu.memory_space<vmem_shared>> -> memref<8192xf32, #tpu.memory_space<vmem_shared>>
      tpu.wait_dma2 semaphore(%run_scoped3A : memref<!tpu.dma_semaphore, #tpu.memory_space<semaphore_mem>>) src(%arg11 : memref<8192xf32, #tpu.memory_space<vmem>>) dst(%dma_wait3A_671 : memref<8192xf32, #tpu.memory_space<vmem_shared>>)
      tpu.yield
    }) : () -> ()
    %mul3A_451 = arith.constant 81920 : i32
    %mul3A_452 = arith.muli %arg1, %mul3A_451 : i32
    %add3A_453 = arith.constant 57344 : i32
    %add3A_454 = arith.addi %mul3A_452, %add3A_453 : i32
    "tpu.region"() ({
      %run_scoped3A = tpu.sem_alloc : memref<!tpu.dma_semaphore, #tpu.memory_space<semaphore_mem>>
      %dma_start3A_669 = tpu.memref_slice %arg12[%add3A_454] : memref<1311744xf32, #tpu.memory_space<vmem_shared>> -> memref<8192xf32, #tpu.memory_space<vmem_shared>>
      %dma_start3A_670 = tpu.memref_slice %arg12[%add3A_454] : memref<1311744xf32, #tpu.memory_space<vmem_shared>> -> memref<8192xf32, #tpu.memory_space<vmem_shared>>
      tpu.enqueue_dma source(%arg11 : memref<8192xf32, #tpu.memory_space<vmem>>) target(%dma_start3A_670 : memref<8192xf32, #tpu.memory_space<vmem_shared>>) target_semaphore(%run_scoped3A : memref<!tpu.dma_semaphore, #tpu.memory_space<semaphore_mem>>)
      %dma_wait3A = tpu.memref_slice %arg12[%add3A_454] : memref<1311744xf32, #tpu.memory_space<vmem_shared>> -> memref<8192xf32, #tpu.memory_space<vmem_shared>>
      %dma_wait3A_671 = tpu.memref_slice %arg12[%add3A_454] : memref<1311744xf32, #tpu.memory_space<vmem_shared>> -> memref<8192xf32, #tpu.memory_space<vmem_shared>>
      tpu.wait_dma2 semaphore(%run_scoped3A : memref<!tpu.dma_semaphore, #tpu.memory_space<semaphore_mem>>) src(%arg11 : memref<8192xf32, #tpu.memory_space<vmem>>) dst(%dma_wait3A_671 : memref<8192xf32, #tpu.memory_space<vmem_shared>>)
      tpu.yield
    }) : () -> ()
    %mul3A_455 = arith.constant 81920 : i32
    %mul3A_456 = arith.muli %arg1, %mul3A_455 : i32
    %add3A_457 = arith.constant 65536 : i32
    %add3A_458 = arith.addi %mul3A_456, %add3A_457 : i32
    "tpu.region"() ({
      %run_scoped3A = tpu.sem_alloc : memref<!tpu.dma_semaphore, #tpu.memory_space<semaphore_mem>>
      %dma_start3A_669 = tpu.memref_slice %arg12[%add3A_458] : memref<1311744xf32, #tpu.memory_space<vmem_shared>> -> memref<8192xf32, #tpu.memory_space<vmem_shared>>
      %dma_start3A_670 = tpu.memref_slice %arg12[%add3A_458] : memref<1311744xf32, #tpu.memory_space<vmem_shared>> -> memref<8192xf32, #tpu.memory_space<vmem_shared>>
      tpu.enqueue_dma source(%arg11 : memref<8192xf32, #tpu.memory_space<vmem>>) target(%dma_start3A_670 : memref<8192xf32, #tpu.memory_space<vmem_shared>>) target_semaphore(%run_scoped3A : memref<!tpu.dma_semaphore, #tpu.memory_space<semaphore_mem>>)
      %dma_wait3A = tpu.memref_slice %arg12[%add3A_458] : memref<1311744xf32, #tpu.memory_space<vmem_shared>> -> memref<8192xf32, #tpu.memory_space<vmem_shared>>
      %dma_wait3A_671 = tpu.memref_slice %arg12[%add3A_458] : memref<1311744xf32, #tpu.memory_space<vmem_shared>> -> memref<8192xf32, #tpu.memory_space<vmem_shared>>
      tpu.wait_dma2 semaphore(%run_scoped3A : memref<!tpu.dma_semaphore, #tpu.memory_space<semaphore_mem>>) src(%arg11 : memref<8192xf32, #tpu.memory_space<vmem>>) dst(%dma_wait3A_671 : memref<8192xf32, #tpu.memory_space<vmem_shared>>)
      tpu.yield
    }) : () -> ()
    %mul3A_459 = arith.constant 81920 : i32
    %mul3A_460 = arith.muli %arg1, %mul3A_459 : i32
    %add3A_461 = arith.constant 73728 : i32
    %add3A_462 = arith.addi %mul3A_460, %add3A_461 : i32
    "tpu.region"() ({
      %run_scoped3A = tpu.sem_alloc : memref<!tpu.dma_semaphore, #tpu.memory_space<semaphore_mem>>
      %dma_start3A_669 = tpu.memref_slice %arg12[%add3A_462] : memref<1311744xf32, #tpu.memory_space<vmem_shared>> -> memref<8192xf32, #tpu.memory_space<vmem_shared>>
      %dma_start3A_670 = tpu.memref_slice %arg12[%add3A_462] : memref<1311744xf32, #tpu.memory_space<vmem_shared>> -> memref<8192xf32, #tpu.memory_space<vmem_shared>>
      tpu.enqueue_dma source(%arg11 : memref<8192xf32, #tpu.memory_space<vmem>>) target(%dma_start3A_670 : memref<8192xf32, #tpu.memory_space<vmem_shared>>) target_semaphore(%run_scoped3A : memref<!tpu.dma_semaphore, #tpu.memory_space<semaphore_mem>>)
      %dma_wait3A = tpu.memref_slice %arg12[%add3A_462] : memref<1311744xf32, #tpu.memory_space<vmem_shared>> -> memref<8192xf32, #tpu.memory_space<vmem_shared>>
      %dma_wait3A_671 = tpu.memref_slice %arg12[%add3A_462] : memref<1311744xf32, #tpu.memory_space<vmem_shared>> -> memref<8192xf32, #tpu.memory_space<vmem_shared>>
      tpu.wait_dma2 semaphore(%run_scoped3A : memref<!tpu.dma_semaphore, #tpu.memory_space<semaphore_mem>>) src(%arg11 : memref<8192xf32, #tpu.memory_space<vmem>>) dst(%dma_wait3A_671 : memref<8192xf32, #tpu.memory_space<vmem_shared>>)
      tpu.yield
    }) : () -> ()
    %barrier3A_463 = arith.constant 0 : index
    tpu.barrier barrier_id(%barrier3A_463)
    %add3A_464 = arith.constant 0 : i32
    %add3A_465 = arith.addi %mul3A_0, %add3A_464 : i32
    %dma_start3A_466 = tpu.memref_slice %arg2[%add3A_420, %add3A_465] : memref<16x327680xi32, #tpu.memory_space<hbm>> -> memref<1x1024xi32, #tpu.memory_space<hbm>>
    %dma_start3A_467 = tpu.memref_squeeze %dma_start3A_466 : memref<1x1024xi32, #tpu.memory_space<hbm>> -> memref<1024xi32, #tpu.memory_space<hbm>>
    %dma_start3A_468 = tpu.memref_slice %arg2[%add3A_420, %add3A_465] : memref<16x327680xi32, #tpu.memory_space<hbm>> -> memref<1x1024xi32, #tpu.memory_space<hbm>>
    %dma_start3A_469 = tpu.memref_squeeze %dma_start3A_468 : memref<1x1024xi32, #tpu.memory_space<hbm>> -> memref<1024xi32, #tpu.memory_space<hbm>>
    tpu.enqueue_dma source(%dma_start3A_469 : memref<1024xi32, #tpu.memory_space<hbm>>) target(%arg6 : memref<1024xi32, #tpu.memory_space<vmem>>) target_semaphore(%arg13 : memref<!tpu.dma_semaphore, #tpu.memory_space<semaphore_mem>>)
    %add3A_470 = arith.constant 1024 : i32
    %add3A_471 = arith.addi %mul3A_0, %add3A_470 : i32
    %dma_start3A_472 = tpu.memref_slice %arg2[%add3A_420, %add3A_471] : memref<16x327680xi32, #tpu.memory_space<hbm>> -> memref<1x1024xi32, #tpu.memory_space<hbm>>
    %dma_start3A_473 = tpu.memref_squeeze %dma_start3A_472 : memref<1x1024xi32, #tpu.memory_space<hbm>> -> memref<1024xi32, #tpu.memory_space<hbm>>
    %dma_start3A_474 = tpu.memref_slice %arg2[%add3A_420, %add3A_471] : memref<16x327680xi32, #tpu.memory_space<hbm>> -> memref<1x1024xi32, #tpu.memory_space<hbm>>
    %dma_start3A_475 = tpu.memref_squeeze %dma_start3A_474 : memref<1x1024xi32, #tpu.memory_space<hbm>> -> memref<1024xi32, #tpu.memory_space<hbm>>
    tpu.enqueue_dma source(%dma_start3A_475 : memref<1024xi32, #tpu.memory_space<hbm>>) target(%arg7 : memref<1024xi32, #tpu.memory_space<vmem>>) target_semaphore(%arg14 : memref<!tpu.dma_semaphore, #tpu.memory_space<semaphore_mem>>)
    %add3A_476 = arith.constant 2048 : i32
    %add3A_477 = arith.addi %mul3A_0, %add3A_476 : i32
    %dma_start3A_478 = tpu.memref_slice %arg2[%add3A_420, %add3A_477] : memref<16x327680xi32, #tpu.memory_space<hbm>> -> memref<1x1024xi32, #tpu.memory_space<hbm>>
    %dma_start3A_479 = tpu.memref_squeeze %dma_start3A_478 : memref<1x1024xi32, #tpu.memory_space<hbm>> -> memref<1024xi32, #tpu.memory_space<hbm>>
    %dma_start3A_480 = tpu.memref_slice %arg2[%add3A_420, %add3A_477] : memref<16x327680xi32, #tpu.memory_space<hbm>> -> memref<1x1024xi32, #tpu.memory_space<hbm>>
    %dma_start3A_481 = tpu.memref_squeeze %dma_start3A_480 : memref<1x1024xi32, #tpu.memory_space<hbm>> -> memref<1024xi32, #tpu.memory_space<hbm>>
    tpu.enqueue_dma source(%dma_start3A_481 : memref<1024xi32, #tpu.memory_space<hbm>>) target(%arg8 : memref<1024xi32, #tpu.memory_space<vmem>>) target_semaphore(%arg15 : memref<!tpu.dma_semaphore, #tpu.memory_space<semaphore_mem>>)
    %add3A_482 = arith.constant 3072 : i32
    %add3A_483 = arith.addi %mul3A_0, %add3A_482 : i32
    %dma_start3A_484 = tpu.memref_slice %arg2[%add3A_420, %add3A_483] : memref<16x327680xi32, #tpu.memory_space<hbm>> -> memref<1x1024xi32, #tpu.memory_space<hbm>>
    %dma_start3A_485 = tpu.memref_squeeze %dma_start3A_484 : memref<1x1024xi32, #tpu.memory_space<hbm>> -> memref<1024xi32, #tpu.memory_space<hbm>>
    %dma_start3A_486 = tpu.memref_slice %arg2[%add3A_420, %add3A_483] : memref<16x327680xi32, #tpu.memory_space<hbm>> -> memref<1x1024xi32, #tpu.memory_space<hbm>>
    %dma_start3A_487 = tpu.memref_squeeze %dma_start3A_486 : memref<1x1024xi32, #tpu.memory_space<hbm>> -> memref<1024xi32, #tpu.memory_space<hbm>>
    tpu.enqueue_dma source(%dma_start3A_487 : memref<1024xi32, #tpu.memory_space<hbm>>) target(%arg9 : memref<1024xi32, #tpu.memory_space<vmem>>) target_semaphore(%arg16 : memref<!tpu.dma_semaphore, #tpu.memory_space<semaphore_mem>>)
    %scan3A_488 = arith.constant 0 : i32
    %scan3A_489 = arith.constant 0 : i32
    %scan3A_490 = arith.constant 5 : i32
    %scan3A_491 = arith.addi %scan3A_489, %scan3A_490 : i32
    %scan3A_492 = arith.constant 1 : i32
    %scan3A_493 = scf.for %scan3A_669 = %scan3A_489 to %scan3A_491 step %scan3A_492 iter_args(%scan3A_670 = %scan3A_488) -> (i32)  : i32 {
      %mul3A_671 = arith.constant 4 : i32
      %mul3A_672 = arith.muli %mul3A_671, %scan3A_669 : i32
      %add3A_673 = arith.constant 0 : i32
      %add3A_674 = arith.addi %mul3A_672, %add3A_673 : i32
      %mul3A_675 = arith.constant 1024 : i32
      %mul3A_676 = arith.muli %add3A_674, %mul3A_675 : i32
      %add3A_677 = arith.addi %mul3A_0, %mul3A_676 : i32
      %dma_wait3A = tpu.memref_slice %arg2[%add3A_420, %add3A_677] : memref<16x327680xi32, #tpu.memory_space<hbm>> -> memref<1x1024xi32, #tpu.memory_space<hbm>>
      %dma_wait3A_678 = tpu.memref_squeeze %dma_wait3A : memref<1x1024xi32, #tpu.memory_space<hbm>> -> memref<1024xi32, #tpu.memory_space<hbm>>
      %dma_wait3A_679 = tpu.memref_slice %arg2[%add3A_420, %add3A_677] : memref<16x327680xi32, #tpu.memory_space<hbm>> -> memref<1x1024xi32, #tpu.memory_space<hbm>>
      %dma_wait3A_680 = tpu.memref_squeeze %dma_wait3A_679 : memref<1x1024xi32, #tpu.memory_space<hbm>> -> memref<1024xi32, #tpu.memory_space<hbm>>
      tpu.wait_dma2 semaphore(%arg13 : memref<!tpu.dma_semaphore, #tpu.memory_space<semaphore_mem>>) src(%dma_wait3A_680 : memref<1024xi32, #tpu.memory_space<hbm>>) dst(%arg6 : memref<1024xi32, #tpu.memory_space<vmem>>)
      %dma_start3A_681 = arith.constant 0 : i32
      %dma_start3A_682 = tpu.memref_slice %arg12[%dma_start3A_681] : memref<1311744xf32, #tpu.memory_space<vmem_shared>> -> memref<1311744xf32, #tpu.memory_space<vmem_shared>>
      tpu.enqueue_indirect_dma source(%arg10 : memref<1024xf32, #tpu.memory_space<vmem>>) target(%dma_start3A_682 : memref<1311744xf32, #tpu.memory_space<vmem_shared>>) offsets(%arg6 : memref<1024xi32, #tpu.memory_space<vmem>>) semaphore(%arg17 : memref<!tpu.dma_semaphore, #tpu.memory_space<semaphore_mem>>) {add = true}
      %add3A_683 = arith.constant 1 : i32
      %add3A_684 = arith.addi %mul3A_672, %add3A_683 : i32
      %mul3A_685 = arith.constant 1024 : i32
      %mul3A_686 = arith.muli %add3A_684, %mul3A_685 : i32
      %add3A_687 = arith.addi %mul3A_0, %mul3A_686 : i32
      %dma_wait3A_688 = tpu.memref_slice %arg2[%add3A_420, %add3A_687] : memref<16x327680xi32, #tpu.memory_space<hbm>> -> memref<1x1024xi32, #tpu.memory_space<hbm>>
      %dma_wait3A_689 = tpu.memref_squeeze %dma_wait3A_688 : memref<1x1024xi32, #tpu.memory_space<hbm>> -> memref<1024xi32, #tpu.memory_space<hbm>>
      %dma_wait3A_690 = tpu.memref_slice %arg2[%add3A_420, %add3A_687] : memref<16x327680xi32, #tpu.memory_space<hbm>> -> memref<1x1024xi32, #tpu.memory_space<hbm>>
      %dma_wait3A_691 = tpu.memref_squeeze %dma_wait3A_690 : memref<1x1024xi32, #tpu.memory_space<hbm>> -> memref<1024xi32, #tpu.memory_space<hbm>>
      tpu.wait_dma2 semaphore(%arg14 : memref<!tpu.dma_semaphore, #tpu.memory_space<semaphore_mem>>) src(%dma_wait3A_691 : memref<1024xi32, #tpu.memory_space<hbm>>) dst(%arg7 : memref<1024xi32, #tpu.memory_space<vmem>>)
      %dma_start3A_692 = arith.constant 0 : i32
      %dma_start3A_693 = tpu.memref_slice %arg12[%dma_start3A_692] : memref<1311744xf32, #tpu.memory_space<vmem_shared>> -> memref<1311744xf32, #tpu.memory_space<vmem_shared>>
      tpu.enqueue_indirect_dma source(%arg10 : memref<1024xf32, #tpu.memory_space<vmem>>) target(%dma_start3A_693 : memref<1311744xf32, #tpu.memory_space<vmem_shared>>) offsets(%arg7 : memref<1024xi32, #tpu.memory_space<vmem>>) semaphore(%arg18 : memref<!tpu.dma_semaphore, #tpu.memory_space<semaphore_mem>>) {add = true}
      %add3A_694 = arith.constant 2 : i32
      %add3A_695 = arith.addi %mul3A_672, %add3A_694 : i32
      %mul3A_696 = arith.constant 1024 : i32
      %mul3A_697 = arith.muli %add3A_695, %mul3A_696 : i32
      %add3A_698 = arith.addi %mul3A_0, %mul3A_697 : i32
      %dma_wait3A_699 = tpu.memref_slice %arg2[%add3A_420, %add3A_698] : memref<16x327680xi32, #tpu.memory_space<hbm>> -> memref<1x1024xi32, #tpu.memory_space<hbm>>
      %dma_wait3A_700 = tpu.memref_squeeze %dma_wait3A_699 : memref<1x1024xi32, #tpu.memory_space<hbm>> -> memref<1024xi32, #tpu.memory_space<hbm>>
      %dma_wait3A_701 = tpu.memref_slice %arg2[%add3A_420, %add3A_698] : memref<16x327680xi32, #tpu.memory_space<hbm>> -> memref<1x1024xi32, #tpu.memory_space<hbm>>
      %dma_wait3A_702 = tpu.memref_squeeze %dma_wait3A_701 : memref<1x1024xi32, #tpu.memory_space<hbm>> -> memref<1024xi32, #tpu.memory_space<hbm>>
      tpu.wait_dma2 semaphore(%arg15 : memref<!tpu.dma_semaphore, #tpu.memory_space<semaphore_mem>>) src(%dma_wait3A_702 : memref<1024xi32, #tpu.memory_space<hbm>>) dst(%arg8 : memref<1024xi32, #tpu.memory_space<vmem>>)
      %dma_start3A_703 = arith.constant 0 : i32
      %dma_start3A_704 = tpu.memref_slice %arg12[%dma_start3A_703] : memref<1311744xf32, #tpu.memory_space<vmem_shared>> -> memref<1311744xf32, #tpu.memory_space<vmem_shared>>
      tpu.enqueue_indirect_dma source(%arg10 : memref<1024xf32, #tpu.memory_space<vmem>>) target(%dma_start3A_704 : memref<1311744xf32, #tpu.memory_space<vmem_shared>>) offsets(%arg8 : memref<1024xi32, #tpu.memory_space<vmem>>) semaphore(%arg19 : memref<!tpu.dma_semaphore, #tpu.memory_space<semaphore_mem>>) {add = true}
      %add3A_705 = arith.constant 3 : i32
      %add3A_706 = arith.addi %mul3A_672, %add3A_705 : i32
      %mul3A_707 = arith.constant 1024 : i32
      %mul3A_708 = arith.muli %add3A_706, %mul3A_707 : i32
      %add3A_709 = arith.addi %mul3A_0, %mul3A_708 : i32
      %dma_wait3A_710 = tpu.memref_slice %arg2[%add3A_420, %add3A_709] : memref<16x327680xi32, #tpu.memory_space<hbm>> -> memref<1x1024xi32, #tpu.memory_space<hbm>>
      %dma_wait3A_711 = tpu.memref_squeeze %dma_wait3A_710 : memref<1x1024xi32, #tpu.memory_space<hbm>> -> memref<1024xi32, #tpu.memory_space<hbm>>
      %dma_wait3A_712 = tpu.memref_slice %arg2[%add3A_420, %add3A_709] : memref<16x327680xi32, #tpu.memory_space<hbm>> -> memref<1x1024xi32, #tpu.memory_space<hbm>>
      %dma_wait3A_713 = tpu.memref_squeeze %dma_wait3A_712 : memref<1x1024xi32, #tpu.memory_space<hbm>> -> memref<1024xi32, #tpu.memory_space<hbm>>
      tpu.wait_dma2 semaphore(%arg16 : memref<!tpu.dma_semaphore, #tpu.memory_space<semaphore_mem>>) src(%dma_wait3A_713 : memref<1024xi32, #tpu.memory_space<hbm>>) dst(%arg9 : memref<1024xi32, #tpu.memory_space<vmem>>)
      %dma_start3A_714 = arith.constant 0 : i32
      %dma_start3A_715 = tpu.memref_slice %arg12[%dma_start3A_714] : memref<1311744xf32, #tpu.memory_space<vmem_shared>> -> memref<1311744xf32, #tpu.memory_space<vmem_shared>>
      tpu.enqueue_indirect_dma source(%arg10 : memref<1024xf32, #tpu.memory_space<vmem>>) target(%dma_start3A_715 : memref<1311744xf32, #tpu.memory_space<vmem_shared>>) offsets(%arg9 : memref<1024xi32, #tpu.memory_space<vmem>>) semaphore(%arg20 : memref<!tpu.dma_semaphore, #tpu.memory_space<semaphore_mem>>) {add = true}
      %dma_wait3A_716 = arith.constant 0 : i32
      %dma_wait3A_717 = tpu.memref_slice %arg12[%dma_wait3A_716] : memref<1311744xf32, #tpu.memory_space<vmem_shared>> -> memref<1311744xf32, #tpu.memory_space<vmem_shared>>
      tpu.wait_indirect_dma semaphore(%arg17 : memref<!tpu.dma_semaphore, #tpu.memory_space<semaphore_mem>>) src(%arg10 : memref<1024xf32, #tpu.memory_space<vmem>>) dst(%dma_wait3A_717 : memref<1311744xf32, #tpu.memory_space<vmem_shared>>)
      %add3A_718 = arith.constant 0 : i32
      %add3A_719 = arith.addi %mul3A_672, %add3A_718 : i32
      %add3A_720 = arith.constant 4 : i32
      %add3A_721 = arith.addi %add3A_719, %add3A_720 : i32
      %lt3A = arith.constant 20 : i32
      %lt3A_722 = arith.cmpi slt, %add3A_721, %lt3A : i32
      %convert_element_type3A = arith.extui %lt3A_722 : i1 to i32
      %cond3A = arith.constant 0 : i32
      %cond3A_723 = arith.cmpi ne, %convert_element_type3A, %cond3A : i32
      scf.if %cond3A_723 {
        %add3A_758 = arith.constant 0 : i32
        %add3A_759 = arith.addi %mul3A_672, %add3A_758 : i32
        %add3A_760 = arith.constant 4 : i32
        %add3A_761 = arith.addi %add3A_759, %add3A_760 : i32
        %mul3A_762 = arith.constant 1024 : i32
        %mul3A_763 = arith.muli %add3A_761, %mul3A_762 : i32
        %add3A_764 = arith.addi %mul3A_0, %mul3A_763 : i32
        %dma_start3A_765 = tpu.memref_slice %arg2[%add3A_420, %add3A_764] : memref<16x327680xi32, #tpu.memory_space<hbm>> -> memref<1x1024xi32, #tpu.memory_space<hbm>>
        %dma_start3A_766 = tpu.memref_squeeze %dma_start3A_765 : memref<1x1024xi32, #tpu.memory_space<hbm>> -> memref<1024xi32, #tpu.memory_space<hbm>>
        %dma_start3A_767 = tpu.memref_slice %arg2[%add3A_420, %add3A_764] : memref<16x327680xi32, #tpu.memory_space<hbm>> -> memref<1x1024xi32, #tpu.memory_space<hbm>>
        %dma_start3A_768 = tpu.memref_squeeze %dma_start3A_767 : memref<1x1024xi32, #tpu.memory_space<hbm>> -> memref<1024xi32, #tpu.memory_space<hbm>>
        tpu.enqueue_dma source(%dma_start3A_768 : memref<1024xi32, #tpu.memory_space<hbm>>) target(%arg6 : memref<1024xi32, #tpu.memory_space<vmem>>) target_semaphore(%arg13 : memref<!tpu.dma_semaphore, #tpu.memory_space<semaphore_mem>>)
      } else {
      }
      %dma_wait3A_724 = arith.constant 0 : i32
      %dma_wait3A_725 = tpu.memref_slice %arg12[%dma_wait3A_724] : memref<1311744xf32, #tpu.memory_space<vmem_shared>> -> memref<1311744xf32, #tpu.memory_space<vmem_shared>>
      tpu.wait_indirect_dma semaphore(%arg18 : memref<!tpu.dma_semaphore, #tpu.memory_space<semaphore_mem>>) src(%arg10 : memref<1024xf32, #tpu.memory_space<vmem>>) dst(%dma_wait3A_725 : memref<1311744xf32, #tpu.memory_space<vmem_shared>>)
      %add3A_726 = arith.constant 1 : i32
      %add3A_727 = arith.addi %mul3A_672, %add3A_726 : i32
      %add3A_728 = arith.constant 4 : i32
      %add3A_729 = arith.addi %add3A_727, %add3A_728 : i32
      %lt3A_730 = arith.constant 20 : i32
      %lt3A_731 = arith.cmpi slt, %add3A_729, %lt3A_730 : i32
      %convert_element_type3A_732 = arith.extui %lt3A_731 : i1 to i32
      %cond3A_733 = arith.constant 0 : i32
      %cond3A_734 = arith.cmpi ne, %convert_element_type3A_732, %cond3A_733 : i32
      scf.if %cond3A_734 {
        %add3A_758 = arith.constant 1 : i32
        %add3A_759 = arith.addi %mul3A_672, %add3A_758 : i32
        %add3A_760 = arith.constant 4 : i32
        %add3A_761 = arith.addi %add3A_759, %add3A_760 : i32
        %mul3A_762 = arith.constant 1024 : i32
        %mul3A_763 = arith.muli %add3A_761, %mul3A_762 : i32
        %add3A_764 = arith.addi %mul3A_0, %mul3A_763 : i32
        %dma_start3A_765 = tpu.memref_slice %arg2[%add3A_420, %add3A_764] : memref<16x327680xi32, #tpu.memory_space<hbm>> -> memref<1x1024xi32, #tpu.memory_space<hbm>>
        %dma_start3A_766 = tpu.memref_squeeze %dma_start3A_765 : memref<1x1024xi32, #tpu.memory_space<hbm>> -> memref<1024xi32, #tpu.memory_space<hbm>>
        %dma_start3A_767 = tpu.memref_slice %arg2[%add3A_420, %add3A_764] : memref<16x327680xi32, #tpu.memory_space<hbm>> -> memref<1x1024xi32, #tpu.memory_space<hbm>>
        %dma_start3A_768 = tpu.memref_squeeze %dma_start3A_767 : memref<1x1024xi32, #tpu.memory_space<hbm>> -> memref<1024xi32, #tpu.memory_space<hbm>>
        tpu.enqueue_dma source(%dma_start3A_768 : memref<1024xi32, #tpu.memory_space<hbm>>) target(%arg7 : memref<1024xi32, #tpu.memory_space<vmem>>) target_semaphore(%arg14 : memref<!tpu.dma_semaphore, #tpu.memory_space<semaphore_mem>>)
      } else {
      }
      %dma_wait3A_735 = arith.constant 0 : i32
      %dma_wait3A_736 = tpu.memref_slice %arg12[%dma_wait3A_735] : memref<1311744xf32, #tpu.memory_space<vmem_shared>> -> memref<1311744xf32, #tpu.memory_space<vmem_shared>>
      tpu.wait_indirect_dma semaphore(%arg19 : memref<!tpu.dma_semaphore, #tpu.memory_space<semaphore_mem>>) src(%arg10 : memref<1024xf32, #tpu.memory_space<vmem>>) dst(%dma_wait3A_736 : memref<1311744xf32, #tpu.memory_space<vmem_shared>>)
      %add3A_737 = arith.constant 2 : i32
      %add3A_738 = arith.addi %mul3A_672, %add3A_737 : i32
      %add3A_739 = arith.constant 4 : i32
      %add3A_740 = arith.addi %add3A_738, %add3A_739 : i32
      %lt3A_741 = arith.constant 20 : i32
      %lt3A_742 = arith.cmpi slt, %add3A_740, %lt3A_741 : i32
      %convert_element_type3A_743 = arith.extui %lt3A_742 : i1 to i32
      %cond3A_744 = arith.constant 0 : i32
      %cond3A_745 = arith.cmpi ne, %convert_element_type3A_743, %cond3A_744 : i32
      scf.if %cond3A_745 {
        %add3A_758 = arith.constant 2 : i32
        %add3A_759 = arith.addi %mul3A_672, %add3A_758 : i32
        %add3A_760 = arith.constant 4 : i32
        %add3A_761 = arith.addi %add3A_759, %add3A_760 : i32
        %mul3A_762 = arith.constant 1024 : i32
        %mul3A_763 = arith.muli %add3A_761, %mul3A_762 : i32
        %add3A_764 = arith.addi %mul3A_0, %mul3A_763 : i32
        %dma_start3A_765 = tpu.memref_slice %arg2[%add3A_420, %add3A_764] : memref<16x327680xi32, #tpu.memory_space<hbm>> -> memref<1x1024xi32, #tpu.memory_space<hbm>>
        %dma_start3A_766 = tpu.memref_squeeze %dma_start3A_765 : memref<1x1024xi32, #tpu.memory_space<hbm>> -> memref<1024xi32, #tpu.memory_space<hbm>>
        %dma_start3A_767 = tpu.memref_slice %arg2[%add3A_420, %add3A_764] : memref<16x327680xi32, #tpu.memory_space<hbm>> -> memref<1x1024xi32, #tpu.memory_space<hbm>>
        %dma_start3A_768 = tpu.memref_squeeze %dma_start3A_767 : memref<1x1024xi32, #tpu.memory_space<hbm>> -> memref<1024xi32, #tpu.memory_space<hbm>>
        tpu.enqueue_dma source(%dma_start3A_768 : memref<1024xi32, #tpu.memory_space<hbm>>) target(%arg8 : memref<1024xi32, #tpu.memory_space<vmem>>) target_semaphore(%arg15 : memref<!tpu.dma_semaphore, #tpu.memory_space<semaphore_mem>>)
      } else {
      }
      %dma_wait3A_746 = arith.constant 0 : i32
      %dma_wait3A_747 = tpu.memref_slice %arg12[%dma_wait3A_746] : memref<1311744xf32, #tpu.memory_space<vmem_shared>> -> memref<1311744xf32, #tpu.memory_space<vmem_shared>>
      tpu.wait_indirect_dma semaphore(%arg20 : memref<!tpu.dma_semaphore, #tpu.memory_space<semaphore_mem>>) src(%arg10 : memref<1024xf32, #tpu.memory_space<vmem>>) dst(%dma_wait3A_747 : memref<1311744xf32, #tpu.memory_space<vmem_shared>>)
      %add3A_748 = arith.constant 3 : i32
      %add3A_749 = arith.addi %mul3A_672, %add3A_748 : i32
      %add3A_750 = arith.constant 4 : i32
      %add3A_751 = arith.addi %add3A_749, %add3A_750 : i32
      %lt3A_752 = arith.constant 20 : i32
      %lt3A_753 = arith.cmpi slt, %add3A_751, %lt3A_752 : i32
      %convert_element_type3A_754 = arith.extui %lt3A_753 : i1 to i32
      %cond3A_755 = arith.constant 0 : i32
      %cond3A_756 = arith.cmpi ne, %convert_element_type3A_754, %cond3A_755 : i32
      scf.if %cond3A_756 {
        %add3A_758 = arith.constant 3 : i32
        %add3A_759 = arith.addi %mul3A_672, %add3A_758 : i32
        %add3A_760 = arith.constant 4 : i32
        %add3A_761 = arith.addi %add3A_759, %add3A_760 : i32
        %mul3A_762 = arith.constant 1024 : i32
        %mul3A_763 = arith.muli %add3A_761, %mul3A_762 : i32
        %add3A_764 = arith.addi %mul3A_0, %mul3A_763 : i32
        %dma_start3A_765 = tpu.memref_slice %arg2[%add3A_420, %add3A_764] : memref<16x327680xi32, #tpu.memory_space<hbm>> -> memref<1x1024xi32, #tpu.memory_space<hbm>>
        %dma_start3A_766 = tpu.memref_squeeze %dma_start3A_765 : memref<1x1024xi32, #tpu.memory_space<hbm>> -> memref<1024xi32, #tpu.memory_space<hbm>>
        %dma_start3A_767 = tpu.memref_slice %arg2[%add3A_420, %add3A_764] : memref<16x327680xi32, #tpu.memory_space<hbm>> -> memref<1x1024xi32, #tpu.memory_space<hbm>>
        %dma_start3A_768 = tpu.memref_squeeze %dma_start3A_767 : memref<1x1024xi32, #tpu.memory_space<hbm>> -> memref<1024xi32, #tpu.memory_space<hbm>>
        tpu.enqueue_dma source(%dma_start3A_768 : memref<1024xi32, #tpu.memory_space<hbm>>) target(%arg9 : memref<1024xi32, #tpu.memory_space<vmem>>) target_semaphore(%arg16 : memref<!tpu.dma_semaphore, #tpu.memory_space<semaphore_mem>>)
      } else {
      }
      %scan3A_757 = arith.constant 0 : i32
      scf.yield %scan3A_757 : i32
    }
    %scan3A_494 = arith.constant 5 : i32
    %barrier3A_495 = arith.constant 0 : index
    tpu.barrier barrier_id(%barrier3A_495)
    %mul3A_496 = arith.constant 81920 : i32
    %mul3A_497 = arith.muli %arg1, %mul3A_496 : i32
    %mul3A_498 = arith.constant 81920 : i32
    %mul3A_499 = arith.muli %arg1, %mul3A_498 : i32
    %add3A_500 = arith.addi %mul3A_422, %mul3A_499 : i32
    "tpu.region"() ({
      %run_scoped3A = tpu.sem_alloc : memref<!tpu.dma_semaphore, #tpu.memory_space<semaphore_mem>>
      %dma_start3A_669 = tpu.memref_slice %arg5[%add3A_500] : memref<20971520xf32, #tpu.memory_space<hbm>> -> memref<81920xf32, #tpu.memory_space<hbm>>
      %dma_start3A_670 = tpu.memref_slice %arg12[%mul3A_497] : memref<1311744xf32, #tpu.memory_space<vmem_shared>> -> memref<81920xf32, #tpu.memory_space<vmem_shared>>
      tpu.enqueue_dma source(%dma_start3A_670 : memref<81920xf32, #tpu.memory_space<vmem_shared>>) target(%dma_start3A_669 : memref<81920xf32, #tpu.memory_space<hbm>>) target_semaphore(%run_scoped3A : memref<!tpu.dma_semaphore, #tpu.memory_space<semaphore_mem>>)
      %dma_wait3A = tpu.memref_slice %arg5[%add3A_500] : memref<20971520xf32, #tpu.memory_space<hbm>> -> memref<81920xf32, #tpu.memory_space<hbm>>
      %dma_wait3A_671 = tpu.memref_slice %arg12[%mul3A_497] : memref<1311744xf32, #tpu.memory_space<vmem_shared>> -> memref<81920xf32, #tpu.memory_space<vmem_shared>>
      tpu.wait_dma2 semaphore(%run_scoped3A : memref<!tpu.dma_semaphore, #tpu.memory_space<semaphore_mem>>) src(%dma_wait3A_671 : memref<81920xf32, #tpu.memory_space<vmem_shared>>) dst(%dma_wait3A : memref<81920xf32, #tpu.memory_space<hbm>>)
      tpu.yield
    }) : () -> ()
    %mul3A_501 = arith.constant 8 : i32
    %mul3A_502 = arith.muli %arg0, %mul3A_501 : i32
    %add3A_503 = arith.constant 6 : i32
    %add3A_504 = arith.addi %mul3A_502, %add3A_503 : i32
    %mul3A_505 = arith.constant 1310720 : i32
    %mul3A_506 = arith.muli %add3A_504, %mul3A_505 : i32
    %mul3A_507 = arith.constant 81920 : i32
    %mul3A_508 = arith.muli %arg1, %mul3A_507 : i32
    %add3A_509 = arith.constant 0 : i32
    %add3A_510 = arith.addi %mul3A_508, %add3A_509 : i32
    "tpu.region"() ({
      %run_scoped3A = tpu.sem_alloc : memref<!tpu.dma_semaphore, #tpu.memory_space<semaphore_mem>>
      %dma_start3A_669 = tpu.memref_slice %arg12[%add3A_510] : memref<1311744xf32, #tpu.memory_space<vmem_shared>> -> memref<8192xf32, #tpu.memory_space<vmem_shared>>
      %dma_start3A_670 = tpu.memref_slice %arg12[%add3A_510] : memref<1311744xf32, #tpu.memory_space<vmem_shared>> -> memref<8192xf32, #tpu.memory_space<vmem_shared>>
      tpu.enqueue_dma source(%arg11 : memref<8192xf32, #tpu.memory_space<vmem>>) target(%dma_start3A_670 : memref<8192xf32, #tpu.memory_space<vmem_shared>>) target_semaphore(%run_scoped3A : memref<!tpu.dma_semaphore, #tpu.memory_space<semaphore_mem>>)
      %dma_wait3A = tpu.memref_slice %arg12[%add3A_510] : memref<1311744xf32, #tpu.memory_space<vmem_shared>> -> memref<8192xf32, #tpu.memory_space<vmem_shared>>
      %dma_wait3A_671 = tpu.memref_slice %arg12[%add3A_510] : memref<1311744xf32, #tpu.memory_space<vmem_shared>> -> memref<8192xf32, #tpu.memory_space<vmem_shared>>
      tpu.wait_dma2 semaphore(%run_scoped3A : memref<!tpu.dma_semaphore, #tpu.memory_space<semaphore_mem>>) src(%arg11 : memref<8192xf32, #tpu.memory_space<vmem>>) dst(%dma_wait3A_671 : memref<8192xf32, #tpu.memory_space<vmem_shared>>)
      tpu.yield
    }) : () -> ()
    %mul3A_511 = arith.constant 81920 : i32
    %mul3A_512 = arith.muli %arg1, %mul3A_511 : i32
    %add3A_513 = arith.constant 8192 : i32
    %add3A_514 = arith.addi %mul3A_512, %add3A_513 : i32
    "tpu.region"() ({
      %run_scoped3A = tpu.sem_alloc : memref<!tpu.dma_semaphore, #tpu.memory_space<semaphore_mem>>
      %dma_start3A_669 = tpu.memref_slice %arg12[%add3A_514] : memref<1311744xf32, #tpu.memory_space<vmem_shared>> -> memref<8192xf32, #tpu.memory_space<vmem_shared>>
      %dma_start3A_670 = tpu.memref_slice %arg12[%add3A_514] : memref<1311744xf32, #tpu.memory_space<vmem_shared>> -> memref<8192xf32, #tpu.memory_space<vmem_shared>>
      tpu.enqueue_dma source(%arg11 : memref<8192xf32, #tpu.memory_space<vmem>>) target(%dma_start3A_670 : memref<8192xf32, #tpu.memory_space<vmem_shared>>) target_semaphore(%run_scoped3A : memref<!tpu.dma_semaphore, #tpu.memory_space<semaphore_mem>>)
      %dma_wait3A = tpu.memref_slice %arg12[%add3A_514] : memref<1311744xf32, #tpu.memory_space<vmem_shared>> -> memref<8192xf32, #tpu.memory_space<vmem_shared>>
      %dma_wait3A_671 = tpu.memref_slice %arg12[%add3A_514] : memref<1311744xf32, #tpu.memory_space<vmem_shared>> -> memref<8192xf32, #tpu.memory_space<vmem_shared>>
      tpu.wait_dma2 semaphore(%run_scoped3A : memref<!tpu.dma_semaphore, #tpu.memory_space<semaphore_mem>>) src(%arg11 : memref<8192xf32, #tpu.memory_space<vmem>>) dst(%dma_wait3A_671 : memref<8192xf32, #tpu.memory_space<vmem_shared>>)
      tpu.yield
    }) : () -> ()
    %mul3A_515 = arith.constant 81920 : i32
    %mul3A_516 = arith.muli %arg1, %mul3A_515 : i32
    %add3A_517 = arith.constant 16384 : i32
    %add3A_518 = arith.addi %mul3A_516, %add3A_517 : i32
    "tpu.region"() ({
      %run_scoped3A = tpu.sem_alloc : memref<!tpu.dma_semaphore, #tpu.memory_space<semaphore_mem>>
      %dma_start3A_669 = tpu.memref_slice %arg12[%add3A_518] : memref<1311744xf32, #tpu.memory_space<vmem_shared>> -> memref<8192xf32, #tpu.memory_space<vmem_shared>>
      %dma_start3A_670 = tpu.memref_slice %arg12[%add3A_518] : memref<1311744xf32, #tpu.memory_space<vmem_shared>> -> memref<8192xf32, #tpu.memory_space<vmem_shared>>
      tpu.enqueue_dma source(%arg11 : memref<8192xf32, #tpu.memory_space<vmem>>) target(%dma_start3A_670 : memref<8192xf32, #tpu.memory_space<vmem_shared>>) target_semaphore(%run_scoped3A : memref<!tpu.dma_semaphore, #tpu.memory_space<semaphore_mem>>)
      %dma_wait3A = tpu.memref_slice %arg12[%add3A_518] : memref<1311744xf32, #tpu.memory_space<vmem_shared>> -> memref<8192xf32, #tpu.memory_space<vmem_shared>>
      %dma_wait3A_671 = tpu.memref_slice %arg12[%add3A_518] : memref<1311744xf32, #tpu.memory_space<vmem_shared>> -> memref<8192xf32, #tpu.memory_space<vmem_shared>>
      tpu.wait_dma2 semaphore(%run_scoped3A : memref<!tpu.dma_semaphore, #tpu.memory_space<semaphore_mem>>) src(%arg11 : memref<8192xf32, #tpu.memory_space<vmem>>) dst(%dma_wait3A_671 : memref<8192xf32, #tpu.memory_space<vmem_shared>>)
      tpu.yield
    }) : () -> ()
    %mul3A_519 = arith.constant 81920 : i32
    %mul3A_520 = arith.muli %arg1, %mul3A_519 : i32
    %add3A_521 = arith.constant 24576 : i32
    %add3A_522 = arith.addi %mul3A_520, %add3A_521 : i32
    "tpu.region"() ({
      %run_scoped3A = tpu.sem_alloc : memref<!tpu.dma_semaphore, #tpu.memory_space<semaphore_mem>>
      %dma_start3A_669 = tpu.memref_slice %arg12[%add3A_522] : memref<1311744xf32, #tpu.memory_space<vmem_shared>> -> memref<8192xf32, #tpu.memory_space<vmem_shared>>
      %dma_start3A_670 = tpu.memref_slice %arg12[%add3A_522] : memref<1311744xf32, #tpu.memory_space<vmem_shared>> -> memref<8192xf32, #tpu.memory_space<vmem_shared>>
      tpu.enqueue_dma source(%arg11 : memref<8192xf32, #tpu.memory_space<vmem>>) target(%dma_start3A_670 : memref<8192xf32, #tpu.memory_space<vmem_shared>>) target_semaphore(%run_scoped3A : memref<!tpu.dma_semaphore, #tpu.memory_space<semaphore_mem>>)
      %dma_wait3A = tpu.memref_slice %arg12[%add3A_522] : memref<1311744xf32, #tpu.memory_space<vmem_shared>> -> memref<8192xf32, #tpu.memory_space<vmem_shared>>
      %dma_wait3A_671 = tpu.memref_slice %arg12[%add3A_522] : memref<1311744xf32, #tpu.memory_space<vmem_shared>> -> memref<8192xf32, #tpu.memory_space<vmem_shared>>
      tpu.wait_dma2 semaphore(%run_scoped3A : memref<!tpu.dma_semaphore, #tpu.memory_space<semaphore_mem>>) src(%arg11 : memref<8192xf32, #tpu.memory_space<vmem>>) dst(%dma_wait3A_671 : memref<8192xf32, #tpu.memory_space<vmem_shared>>)
      tpu.yield
    }) : () -> ()
    %mul3A_523 = arith.constant 81920 : i32
    %mul3A_524 = arith.muli %arg1, %mul3A_523 : i32
    %add3A_525 = arith.constant 32768 : i32
    %add3A_526 = arith.addi %mul3A_524, %add3A_525 : i32
    "tpu.region"() ({
      %run_scoped3A = tpu.sem_alloc : memref<!tpu.dma_semaphore, #tpu.memory_space<semaphore_mem>>
      %dma_start3A_669 = tpu.memref_slice %arg12[%add3A_526] : memref<1311744xf32, #tpu.memory_space<vmem_shared>> -> memref<8192xf32, #tpu.memory_space<vmem_shared>>
      %dma_start3A_670 = tpu.memref_slice %arg12[%add3A_526] : memref<1311744xf32, #tpu.memory_space<vmem_shared>> -> memref<8192xf32, #tpu.memory_space<vmem_shared>>
      tpu.enqueue_dma source(%arg11 : memref<8192xf32, #tpu.memory_space<vmem>>) target(%dma_start3A_670 : memref<8192xf32, #tpu.memory_space<vmem_shared>>) target_semaphore(%run_scoped3A : memref<!tpu.dma_semaphore, #tpu.memory_space<semaphore_mem>>)
      %dma_wait3A = tpu.memref_slice %arg12[%add3A_526] : memref<1311744xf32, #tpu.memory_space<vmem_shared>> -> memref<8192xf32, #tpu.memory_space<vmem_shared>>
      %dma_wait3A_671 = tpu.memref_slice %arg12[%add3A_526] : memref<1311744xf32, #tpu.memory_space<vmem_shared>> -> memref<8192xf32, #tpu.memory_space<vmem_shared>>
      tpu.wait_dma2 semaphore(%run_scoped3A : memref<!tpu.dma_semaphore, #tpu.memory_space<semaphore_mem>>) src(%arg11 : memref<8192xf32, #tpu.memory_space<vmem>>) dst(%dma_wait3A_671 : memref<8192xf32, #tpu.memory_space<vmem_shared>>)
      tpu.yield
    }) : () -> ()
    %mul3A_527 = arith.constant 81920 : i32
    %mul3A_528 = arith.muli %arg1, %mul3A_527 : i32
    %add3A_529 = arith.constant 40960 : i32
    %add3A_530 = arith.addi %mul3A_528, %add3A_529 : i32
    "tpu.region"() ({
      %run_scoped3A = tpu.sem_alloc : memref<!tpu.dma_semaphore, #tpu.memory_space<semaphore_mem>>
      %dma_start3A_669 = tpu.memref_slice %arg12[%add3A_530] : memref<1311744xf32, #tpu.memory_space<vmem_shared>> -> memref<8192xf32, #tpu.memory_space<vmem_shared>>
      %dma_start3A_670 = tpu.memref_slice %arg12[%add3A_530] : memref<1311744xf32, #tpu.memory_space<vmem_shared>> -> memref<8192xf32, #tpu.memory_space<vmem_shared>>
      tpu.enqueue_dma source(%arg11 : memref<8192xf32, #tpu.memory_space<vmem>>) target(%dma_start3A_670 : memref<8192xf32, #tpu.memory_space<vmem_shared>>) target_semaphore(%run_scoped3A : memref<!tpu.dma_semaphore, #tpu.memory_space<semaphore_mem>>)
      %dma_wait3A = tpu.memref_slice %arg12[%add3A_530] : memref<1311744xf32, #tpu.memory_space<vmem_shared>> -> memref<8192xf32, #tpu.memory_space<vmem_shared>>
      %dma_wait3A_671 = tpu.memref_slice %arg12[%add3A_530] : memref<1311744xf32, #tpu.memory_space<vmem_shared>> -> memref<8192xf32, #tpu.memory_space<vmem_shared>>
      tpu.wait_dma2 semaphore(%run_scoped3A : memref<!tpu.dma_semaphore, #tpu.memory_space<semaphore_mem>>) src(%arg11 : memref<8192xf32, #tpu.memory_space<vmem>>) dst(%dma_wait3A_671 : memref<8192xf32, #tpu.memory_space<vmem_shared>>)
      tpu.yield
    }) : () -> ()
    %mul3A_531 = arith.constant 81920 : i32
    %mul3A_532 = arith.muli %arg1, %mul3A_531 : i32
    %add3A_533 = arith.constant 49152 : i32
    %add3A_534 = arith.addi %mul3A_532, %add3A_533 : i32
    "tpu.region"() ({
      %run_scoped3A = tpu.sem_alloc : memref<!tpu.dma_semaphore, #tpu.memory_space<semaphore_mem>>
      %dma_start3A_669 = tpu.memref_slice %arg12[%add3A_534] : memref<1311744xf32, #tpu.memory_space<vmem_shared>> -> memref<8192xf32, #tpu.memory_space<vmem_shared>>
      %dma_start3A_670 = tpu.memref_slice %arg12[%add3A_534] : memref<1311744xf32, #tpu.memory_space<vmem_shared>> -> memref<8192xf32, #tpu.memory_space<vmem_shared>>
      tpu.enqueue_dma source(%arg11 : memref<8192xf32, #tpu.memory_space<vmem>>) target(%dma_start3A_670 : memref<8192xf32, #tpu.memory_space<vmem_shared>>) target_semaphore(%run_scoped3A : memref<!tpu.dma_semaphore, #tpu.memory_space<semaphore_mem>>)
      %dma_wait3A = tpu.memref_slice %arg12[%add3A_534] : memref<1311744xf32, #tpu.memory_space<vmem_shared>> -> memref<8192xf32, #tpu.memory_space<vmem_shared>>
      %dma_wait3A_671 = tpu.memref_slice %arg12[%add3A_534] : memref<1311744xf32, #tpu.memory_space<vmem_shared>> -> memref<8192xf32, #tpu.memory_space<vmem_shared>>
      tpu.wait_dma2 semaphore(%run_scoped3A : memref<!tpu.dma_semaphore, #tpu.memory_space<semaphore_mem>>) src(%arg11 : memref<8192xf32, #tpu.memory_space<vmem>>) dst(%dma_wait3A_671 : memref<8192xf32, #tpu.memory_space<vmem_shared>>)
      tpu.yield
    }) : () -> ()
    %mul3A_535 = arith.constant 81920 : i32
    %mul3A_536 = arith.muli %arg1, %mul3A_535 : i32
    %add3A_537 = arith.constant 57344 : i32
    %add3A_538 = arith.addi %mul3A_536, %add3A_537 : i32
    "tpu.region"() ({
      %run_scoped3A = tpu.sem_alloc : memref<!tpu.dma_semaphore, #tpu.memory_space<semaphore_mem>>
      %dma_start3A_669 = tpu.memref_slice %arg12[%add3A_538] : memref<1311744xf32, #tpu.memory_space<vmem_shared>> -> memref<8192xf32, #tpu.memory_space<vmem_shared>>
      %dma_start3A_670 = tpu.memref_slice %arg12[%add3A_538] : memref<1311744xf32, #tpu.memory_space<vmem_shared>> -> memref<8192xf32, #tpu.memory_space<vmem_shared>>
      tpu.enqueue_dma source(%arg11 : memref<8192xf32, #tpu.memory_space<vmem>>) target(%dma_start3A_670 : memref<8192xf32, #tpu.memory_space<vmem_shared>>) target_semaphore(%run_scoped3A : memref<!tpu.dma_semaphore, #tpu.memory_space<semaphore_mem>>)
      %dma_wait3A = tpu.memref_slice %arg12[%add3A_538] : memref<1311744xf32, #tpu.memory_space<vmem_shared>> -> memref<8192xf32, #tpu.memory_space<vmem_shared>>
      %dma_wait3A_671 = tpu.memref_slice %arg12[%add3A_538] : memref<1311744xf32, #tpu.memory_space<vmem_shared>> -> memref<8192xf32, #tpu.memory_space<vmem_shared>>
      tpu.wait_dma2 semaphore(%run_scoped3A : memref<!tpu.dma_semaphore, #tpu.memory_space<semaphore_mem>>) src(%arg11 : memref<8192xf32, #tpu.memory_space<vmem>>) dst(%dma_wait3A_671 : memref<8192xf32, #tpu.memory_space<vmem_shared>>)
      tpu.yield
    }) : () -> ()
    %mul3A_539 = arith.constant 81920 : i32
    %mul3A_540 = arith.muli %arg1, %mul3A_539 : i32
    %add3A_541 = arith.constant 65536 : i32
    %add3A_542 = arith.addi %mul3A_540, %add3A_541 : i32
    "tpu.region"() ({
      %run_scoped3A = tpu.sem_alloc : memref<!tpu.dma_semaphore, #tpu.memory_space<semaphore_mem>>
      %dma_start3A_669 = tpu.memref_slice %arg12[%add3A_542] : memref<1311744xf32, #tpu.memory_space<vmem_shared>> -> memref<8192xf32, #tpu.memory_space<vmem_shared>>
      %dma_start3A_670 = tpu.memref_slice %arg12[%add3A_542] : memref<1311744xf32, #tpu.memory_space<vmem_shared>> -> memref<8192xf32, #tpu.memory_space<vmem_shared>>
      tpu.enqueue_dma source(%arg11 : memref<8192xf32, #tpu.memory_space<vmem>>) target(%dma_start3A_670 : memref<8192xf32, #tpu.memory_space<vmem_shared>>) target_semaphore(%run_scoped3A : memref<!tpu.dma_semaphore, #tpu.memory_space<semaphore_mem>>)
      %dma_wait3A = tpu.memref_slice %arg12[%add3A_542] : memref<1311744xf32, #tpu.memory_space<vmem_shared>> -> memref<8192xf32, #tpu.memory_space<vmem_shared>>
      %dma_wait3A_671 = tpu.memref_slice %arg12[%add3A_542] : memref<1311744xf32, #tpu.memory_space<vmem_shared>> -> memref<8192xf32, #tpu.memory_space<vmem_shared>>
      tpu.wait_dma2 semaphore(%run_scoped3A : memref<!tpu.dma_semaphore, #tpu.memory_space<semaphore_mem>>) src(%arg11 : memref<8192xf32, #tpu.memory_space<vmem>>) dst(%dma_wait3A_671 : memref<8192xf32, #tpu.memory_space<vmem_shared>>)
      tpu.yield
    }) : () -> ()
    %mul3A_543 = arith.constant 81920 : i32
    %mul3A_544 = arith.muli %arg1, %mul3A_543 : i32
    %add3A_545 = arith.constant 73728 : i32
    %add3A_546 = arith.addi %mul3A_544, %add3A_545 : i32
    "tpu.region"() ({
      %run_scoped3A = tpu.sem_alloc : memref<!tpu.dma_semaphore, #tpu.memory_space<semaphore_mem>>
      %dma_start3A_669 = tpu.memref_slice %arg12[%add3A_546] : memref<1311744xf32, #tpu.memory_space<vmem_shared>> -> memref<8192xf32, #tpu.memory_space<vmem_shared>>
      %dma_start3A_670 = tpu.memref_slice %arg12[%add3A_546] : memref<1311744xf32, #tpu.memory_space<vmem_shared>> -> memref<8192xf32, #tpu.memory_space<vmem_shared>>
      tpu.enqueue_dma source(%arg11 : memref<8192xf32, #tpu.memory_space<vmem>>) target(%dma_start3A_670 : memref<8192xf32, #tpu.memory_space<vmem_shared>>) target_semaphore(%run_scoped3A : memref<!tpu.dma_semaphore, #tpu.memory_space<semaphore_mem>>)
      %dma_wait3A = tpu.memref_slice %arg12[%add3A_546] : memref<1311744xf32, #tpu.memory_space<vmem_shared>> -> memref<8192xf32, #tpu.memory_space<vmem_shared>>
      %dma_wait3A_671 = tpu.memref_slice %arg12[%add3A_546] : memref<1311744xf32, #tpu.memory_space<vmem_shared>> -> memref<8192xf32, #tpu.memory_space<vmem_shared>>
      tpu.wait_dma2 semaphore(%run_scoped3A : memref<!tpu.dma_semaphore, #tpu.memory_space<semaphore_mem>>) src(%arg11 : memref<8192xf32, #tpu.memory_space<vmem>>) dst(%dma_wait3A_671 : memref<8192xf32, #tpu.memory_space<vmem_shared>>)
      tpu.yield
    }) : () -> ()
    %barrier3A_547 = arith.constant 0 : index
    tpu.barrier barrier_id(%barrier3A_547)
    %add3A_548 = arith.constant 0 : i32
    %add3A_549 = arith.addi %mul3A_0, %add3A_548 : i32
    %dma_start3A_550 = tpu.memref_slice %arg2[%add3A_504, %add3A_549] : memref<16x327680xi32, #tpu.memory_space<hbm>> -> memref<1x1024xi32, #tpu.memory_space<hbm>>
    %dma_start3A_551 = tpu.memref_squeeze %dma_start3A_550 : memref<1x1024xi32, #tpu.memory_space<hbm>> -> memref<1024xi32, #tpu.memory_space<hbm>>
    %dma_start3A_552 = tpu.memref_slice %arg2[%add3A_504, %add3A_549] : memref<16x327680xi32, #tpu.memory_space<hbm>> -> memref<1x1024xi32, #tpu.memory_space<hbm>>
    %dma_start3A_553 = tpu.memref_squeeze %dma_start3A_552 : memref<1x1024xi32, #tpu.memory_space<hbm>> -> memref<1024xi32, #tpu.memory_space<hbm>>
    tpu.enqueue_dma source(%dma_start3A_553 : memref<1024xi32, #tpu.memory_space<hbm>>) target(%arg6 : memref<1024xi32, #tpu.memory_space<vmem>>) target_semaphore(%arg13 : memref<!tpu.dma_semaphore, #tpu.memory_space<semaphore_mem>>)
    %add3A_554 = arith.constant 1024 : i32
    %add3A_555 = arith.addi %mul3A_0, %add3A_554 : i32
    %dma_start3A_556 = tpu.memref_slice %arg2[%add3A_504, %add3A_555] : memref<16x327680xi32, #tpu.memory_space<hbm>> -> memref<1x1024xi32, #tpu.memory_space<hbm>>
    %dma_start3A_557 = tpu.memref_squeeze %dma_start3A_556 : memref<1x1024xi32, #tpu.memory_space<hbm>> -> memref<1024xi32, #tpu.memory_space<hbm>>
    %dma_start3A_558 = tpu.memref_slice %arg2[%add3A_504, %add3A_555] : memref<16x327680xi32, #tpu.memory_space<hbm>> -> memref<1x1024xi32, #tpu.memory_space<hbm>>
    %dma_start3A_559 = tpu.memref_squeeze %dma_start3A_558 : memref<1x1024xi32, #tpu.memory_space<hbm>> -> memref<1024xi32, #tpu.memory_space<hbm>>
    tpu.enqueue_dma source(%dma_start3A_559 : memref<1024xi32, #tpu.memory_space<hbm>>) target(%arg7 : memref<1024xi32, #tpu.memory_space<vmem>>) target_semaphore(%arg14 : memref<!tpu.dma_semaphore, #tpu.memory_space<semaphore_mem>>)
    %add3A_560 = arith.constant 2048 : i32
    %add3A_561 = arith.addi %mul3A_0, %add3A_560 : i32
    %dma_start3A_562 = tpu.memref_slice %arg2[%add3A_504, %add3A_561] : memref<16x327680xi32, #tpu.memory_space<hbm>> -> memref<1x1024xi32, #tpu.memory_space<hbm>>
    %dma_start3A_563 = tpu.memref_squeeze %dma_start3A_562 : memref<1x1024xi32, #tpu.memory_space<hbm>> -> memref<1024xi32, #tpu.memory_space<hbm>>
    %dma_start3A_564 = tpu.memref_slice %arg2[%add3A_504, %add3A_561] : memref<16x327680xi32, #tpu.memory_space<hbm>> -> memref<1x1024xi32, #tpu.memory_space<hbm>>
    %dma_start3A_565 = tpu.memref_squeeze %dma_start3A_564 : memref<1x1024xi32, #tpu.memory_space<hbm>> -> memref<1024xi32, #tpu.memory_space<hbm>>
    tpu.enqueue_dma source(%dma_start3A_565 : memref<1024xi32, #tpu.memory_space<hbm>>) target(%arg8 : memref<1024xi32, #tpu.memory_space<vmem>>) target_semaphore(%arg15 : memref<!tpu.dma_semaphore, #tpu.memory_space<semaphore_mem>>)
    %add3A_566 = arith.constant 3072 : i32
    %add3A_567 = arith.addi %mul3A_0, %add3A_566 : i32
    %dma_start3A_568 = tpu.memref_slice %arg2[%add3A_504, %add3A_567] : memref<16x327680xi32, #tpu.memory_space<hbm>> -> memref<1x1024xi32, #tpu.memory_space<hbm>>
    %dma_start3A_569 = tpu.memref_squeeze %dma_start3A_568 : memref<1x1024xi32, #tpu.memory_space<hbm>> -> memref<1024xi32, #tpu.memory_space<hbm>>
    %dma_start3A_570 = tpu.memref_slice %arg2[%add3A_504, %add3A_567] : memref<16x327680xi32, #tpu.memory_space<hbm>> -> memref<1x1024xi32, #tpu.memory_space<hbm>>
    %dma_start3A_571 = tpu.memref_squeeze %dma_start3A_570 : memref<1x1024xi32, #tpu.memory_space<hbm>> -> memref<1024xi32, #tpu.memory_space<hbm>>
    tpu.enqueue_dma source(%dma_start3A_571 : memref<1024xi32, #tpu.memory_space<hbm>>) target(%arg9 : memref<1024xi32, #tpu.memory_space<vmem>>) target_semaphore(%arg16 : memref<!tpu.dma_semaphore, #tpu.memory_space<semaphore_mem>>)
    %scan3A_572 = arith.constant 0 : i32
    %scan3A_573 = arith.constant 0 : i32
    %scan3A_574 = arith.constant 5 : i32
    %scan3A_575 = arith.addi %scan3A_573, %scan3A_574 : i32
    %scan3A_576 = arith.constant 1 : i32
    %scan3A_577 = scf.for %scan3A_669 = %scan3A_573 to %scan3A_575 step %scan3A_576 iter_args(%scan3A_670 = %scan3A_572) -> (i32)  : i32 {
      %mul3A_671 = arith.constant 4 : i32
      %mul3A_672 = arith.muli %mul3A_671, %scan3A_669 : i32
      %add3A_673 = arith.constant 0 : i32
      %add3A_674 = arith.addi %mul3A_672, %add3A_673 : i32
      %mul3A_675 = arith.constant 1024 : i32
      %mul3A_676 = arith.muli %add3A_674, %mul3A_675 : i32
      %add3A_677 = arith.addi %mul3A_0, %mul3A_676 : i32
      %dma_wait3A = tpu.memref_slice %arg2[%add3A_504, %add3A_677] : memref<16x327680xi32, #tpu.memory_space<hbm>> -> memref<1x1024xi32, #tpu.memory_space<hbm>>
      %dma_wait3A_678 = tpu.memref_squeeze %dma_wait3A : memref<1x1024xi32, #tpu.memory_space<hbm>> -> memref<1024xi32, #tpu.memory_space<hbm>>
      %dma_wait3A_679 = tpu.memref_slice %arg2[%add3A_504, %add3A_677] : memref<16x327680xi32, #tpu.memory_space<hbm>> -> memref<1x1024xi32, #tpu.memory_space<hbm>>
      %dma_wait3A_680 = tpu.memref_squeeze %dma_wait3A_679 : memref<1x1024xi32, #tpu.memory_space<hbm>> -> memref<1024xi32, #tpu.memory_space<hbm>>
      tpu.wait_dma2 semaphore(%arg13 : memref<!tpu.dma_semaphore, #tpu.memory_space<semaphore_mem>>) src(%dma_wait3A_680 : memref<1024xi32, #tpu.memory_space<hbm>>) dst(%arg6 : memref<1024xi32, #tpu.memory_space<vmem>>)
      %dma_start3A_681 = arith.constant 0 : i32
      %dma_start3A_682 = tpu.memref_slice %arg12[%dma_start3A_681] : memref<1311744xf32, #tpu.memory_space<vmem_shared>> -> memref<1311744xf32, #tpu.memory_space<vmem_shared>>
      tpu.enqueue_indirect_dma source(%arg10 : memref<1024xf32, #tpu.memory_space<vmem>>) target(%dma_start3A_682 : memref<1311744xf32, #tpu.memory_space<vmem_shared>>) offsets(%arg6 : memref<1024xi32, #tpu.memory_space<vmem>>) semaphore(%arg17 : memref<!tpu.dma_semaphore, #tpu.memory_space<semaphore_mem>>) {add = true}
      %add3A_683 = arith.constant 1 : i32
      %add3A_684 = arith.addi %mul3A_672, %add3A_683 : i32
      %mul3A_685 = arith.constant 1024 : i32
      %mul3A_686 = arith.muli %add3A_684, %mul3A_685 : i32
      %add3A_687 = arith.addi %mul3A_0, %mul3A_686 : i32
      %dma_wait3A_688 = tpu.memref_slice %arg2[%add3A_504, %add3A_687] : memref<16x327680xi32, #tpu.memory_space<hbm>> -> memref<1x1024xi32, #tpu.memory_space<hbm>>
      %dma_wait3A_689 = tpu.memref_squeeze %dma_wait3A_688 : memref<1x1024xi32, #tpu.memory_space<hbm>> -> memref<1024xi32, #tpu.memory_space<hbm>>
      %dma_wait3A_690 = tpu.memref_slice %arg2[%add3A_504, %add3A_687] : memref<16x327680xi32, #tpu.memory_space<hbm>> -> memref<1x1024xi32, #tpu.memory_space<hbm>>
      %dma_wait3A_691 = tpu.memref_squeeze %dma_wait3A_690 : memref<1x1024xi32, #tpu.memory_space<hbm>> -> memref<1024xi32, #tpu.memory_space<hbm>>
      tpu.wait_dma2 semaphore(%arg14 : memref<!tpu.dma_semaphore, #tpu.memory_space<semaphore_mem>>) src(%dma_wait3A_691 : memref<1024xi32, #tpu.memory_space<hbm>>) dst(%arg7 : memref<1024xi32, #tpu.memory_space<vmem>>)
      %dma_start3A_692 = arith.constant 0 : i32
      %dma_start3A_693 = tpu.memref_slice %arg12[%dma_start3A_692] : memref<1311744xf32, #tpu.memory_space<vmem_shared>> -> memref<1311744xf32, #tpu.memory_space<vmem_shared>>
      tpu.enqueue_indirect_dma source(%arg10 : memref<1024xf32, #tpu.memory_space<vmem>>) target(%dma_start3A_693 : memref<1311744xf32, #tpu.memory_space<vmem_shared>>) offsets(%arg7 : memref<1024xi32, #tpu.memory_space<vmem>>) semaphore(%arg18 : memref<!tpu.dma_semaphore, #tpu.memory_space<semaphore_mem>>) {add = true}
      %add3A_694 = arith.constant 2 : i32
      %add3A_695 = arith.addi %mul3A_672, %add3A_694 : i32
      %mul3A_696 = arith.constant 1024 : i32
      %mul3A_697 = arith.muli %add3A_695, %mul3A_696 : i32
      %add3A_698 = arith.addi %mul3A_0, %mul3A_697 : i32
      %dma_wait3A_699 = tpu.memref_slice %arg2[%add3A_504, %add3A_698] : memref<16x327680xi32, #tpu.memory_space<hbm>> -> memref<1x1024xi32, #tpu.memory_space<hbm>>
      %dma_wait3A_700 = tpu.memref_squeeze %dma_wait3A_699 : memref<1x1024xi32, #tpu.memory_space<hbm>> -> memref<1024xi32, #tpu.memory_space<hbm>>
      %dma_wait3A_701 = tpu.memref_slice %arg2[%add3A_504, %add3A_698] : memref<16x327680xi32, #tpu.memory_space<hbm>> -> memref<1x1024xi32, #tpu.memory_space<hbm>>
      %dma_wait3A_702 = tpu.memref_squeeze %dma_wait3A_701 : memref<1x1024xi32, #tpu.memory_space<hbm>> -> memref<1024xi32, #tpu.memory_space<hbm>>
      tpu.wait_dma2 semaphore(%arg15 : memref<!tpu.dma_semaphore, #tpu.memory_space<semaphore_mem>>) src(%dma_wait3A_702 : memref<1024xi32, #tpu.memory_space<hbm>>) dst(%arg8 : memref<1024xi32, #tpu.memory_space<vmem>>)
      %dma_start3A_703 = arith.constant 0 : i32
      %dma_start3A_704 = tpu.memref_slice %arg12[%dma_start3A_703] : memref<1311744xf32, #tpu.memory_space<vmem_shared>> -> memref<1311744xf32, #tpu.memory_space<vmem_shared>>
      tpu.enqueue_indirect_dma source(%arg10 : memref<1024xf32, #tpu.memory_space<vmem>>) target(%dma_start3A_704 : memref<1311744xf32, #tpu.memory_space<vmem_shared>>) offsets(%arg8 : memref<1024xi32, #tpu.memory_space<vmem>>) semaphore(%arg19 : memref<!tpu.dma_semaphore, #tpu.memory_space<semaphore_mem>>) {add = true}
      %add3A_705 = arith.constant 3 : i32
      %add3A_706 = arith.addi %mul3A_672, %add3A_705 : i32
      %mul3A_707 = arith.constant 1024 : i32
      %mul3A_708 = arith.muli %add3A_706, %mul3A_707 : i32
      %add3A_709 = arith.addi %mul3A_0, %mul3A_708 : i32
      %dma_wait3A_710 = tpu.memref_slice %arg2[%add3A_504, %add3A_709] : memref<16x327680xi32, #tpu.memory_space<hbm>> -> memref<1x1024xi32, #tpu.memory_space<hbm>>
      %dma_wait3A_711 = tpu.memref_squeeze %dma_wait3A_710 : memref<1x1024xi32, #tpu.memory_space<hbm>> -> memref<1024xi32, #tpu.memory_space<hbm>>
      %dma_wait3A_712 = tpu.memref_slice %arg2[%add3A_504, %add3A_709] : memref<16x327680xi32, #tpu.memory_space<hbm>> -> memref<1x1024xi32, #tpu.memory_space<hbm>>
      %dma_wait3A_713 = tpu.memref_squeeze %dma_wait3A_712 : memref<1x1024xi32, #tpu.memory_space<hbm>> -> memref<1024xi32, #tpu.memory_space<hbm>>
      tpu.wait_dma2 semaphore(%arg16 : memref<!tpu.dma_semaphore, #tpu.memory_space<semaphore_mem>>) src(%dma_wait3A_713 : memref<1024xi32, #tpu.memory_space<hbm>>) dst(%arg9 : memref<1024xi32, #tpu.memory_space<vmem>>)
      %dma_start3A_714 = arith.constant 0 : i32
      %dma_start3A_715 = tpu.memref_slice %arg12[%dma_start3A_714] : memref<1311744xf32, #tpu.memory_space<vmem_shared>> -> memref<1311744xf32, #tpu.memory_space<vmem_shared>>
      tpu.enqueue_indirect_dma source(%arg10 : memref<1024xf32, #tpu.memory_space<vmem>>) target(%dma_start3A_715 : memref<1311744xf32, #tpu.memory_space<vmem_shared>>) offsets(%arg9 : memref<1024xi32, #tpu.memory_space<vmem>>) semaphore(%arg20 : memref<!tpu.dma_semaphore, #tpu.memory_space<semaphore_mem>>) {add = true}
      %dma_wait3A_716 = arith.constant 0 : i32
      %dma_wait3A_717 = tpu.memref_slice %arg12[%dma_wait3A_716] : memref<1311744xf32, #tpu.memory_space<vmem_shared>> -> memref<1311744xf32, #tpu.memory_space<vmem_shared>>
      tpu.wait_indirect_dma semaphore(%arg17 : memref<!tpu.dma_semaphore, #tpu.memory_space<semaphore_mem>>) src(%arg10 : memref<1024xf32, #tpu.memory_space<vmem>>) dst(%dma_wait3A_717 : memref<1311744xf32, #tpu.memory_space<vmem_shared>>)
      %add3A_718 = arith.constant 0 : i32
      %add3A_719 = arith.addi %mul3A_672, %add3A_718 : i32
      %add3A_720 = arith.constant 4 : i32
      %add3A_721 = arith.addi %add3A_719, %add3A_720 : i32
      %lt3A = arith.constant 20 : i32
      %lt3A_722 = arith.cmpi slt, %add3A_721, %lt3A : i32
      %convert_element_type3A = arith.extui %lt3A_722 : i1 to i32
      %cond3A = arith.constant 0 : i32
      %cond3A_723 = arith.cmpi ne, %convert_element_type3A, %cond3A : i32
      scf.if %cond3A_723 {
        %add3A_758 = arith.constant 0 : i32
        %add3A_759 = arith.addi %mul3A_672, %add3A_758 : i32
        %add3A_760 = arith.constant 4 : i32
        %add3A_761 = arith.addi %add3A_759, %add3A_760 : i32
        %mul3A_762 = arith.constant 1024 : i32
        %mul3A_763 = arith.muli %add3A_761, %mul3A_762 : i32
        %add3A_764 = arith.addi %mul3A_0, %mul3A_763 : i32
        %dma_start3A_765 = tpu.memref_slice %arg2[%add3A_504, %add3A_764] : memref<16x327680xi32, #tpu.memory_space<hbm>> -> memref<1x1024xi32, #tpu.memory_space<hbm>>
        %dma_start3A_766 = tpu.memref_squeeze %dma_start3A_765 : memref<1x1024xi32, #tpu.memory_space<hbm>> -> memref<1024xi32, #tpu.memory_space<hbm>>
        %dma_start3A_767 = tpu.memref_slice %arg2[%add3A_504, %add3A_764] : memref<16x327680xi32, #tpu.memory_space<hbm>> -> memref<1x1024xi32, #tpu.memory_space<hbm>>
        %dma_start3A_768 = tpu.memref_squeeze %dma_start3A_767 : memref<1x1024xi32, #tpu.memory_space<hbm>> -> memref<1024xi32, #tpu.memory_space<hbm>>
        tpu.enqueue_dma source(%dma_start3A_768 : memref<1024xi32, #tpu.memory_space<hbm>>) target(%arg6 : memref<1024xi32, #tpu.memory_space<vmem>>) target_semaphore(%arg13 : memref<!tpu.dma_semaphore, #tpu.memory_space<semaphore_mem>>)
      } else {
      }
      %dma_wait3A_724 = arith.constant 0 : i32
      %dma_wait3A_725 = tpu.memref_slice %arg12[%dma_wait3A_724] : memref<1311744xf32, #tpu.memory_space<vmem_shared>> -> memref<1311744xf32, #tpu.memory_space<vmem_shared>>
      tpu.wait_indirect_dma semaphore(%arg18 : memref<!tpu.dma_semaphore, #tpu.memory_space<semaphore_mem>>) src(%arg10 : memref<1024xf32, #tpu.memory_space<vmem>>) dst(%dma_wait3A_725 : memref<1311744xf32, #tpu.memory_space<vmem_shared>>)
      %add3A_726 = arith.constant 1 : i32
      %add3A_727 = arith.addi %mul3A_672, %add3A_726 : i32
      %add3A_728 = arith.constant 4 : i32
      %add3A_729 = arith.addi %add3A_727, %add3A_728 : i32
      %lt3A_730 = arith.constant 20 : i32
      %lt3A_731 = arith.cmpi slt, %add3A_729, %lt3A_730 : i32
      %convert_element_type3A_732 = arith.extui %lt3A_731 : i1 to i32
      %cond3A_733 = arith.constant 0 : i32
      %cond3A_734 = arith.cmpi ne, %convert_element_type3A_732, %cond3A_733 : i32
      scf.if %cond3A_734 {
        %add3A_758 = arith.constant 1 : i32
        %add3A_759 = arith.addi %mul3A_672, %add3A_758 : i32
        %add3A_760 = arith.constant 4 : i32
        %add3A_761 = arith.addi %add3A_759, %add3A_760 : i32
        %mul3A_762 = arith.constant 1024 : i32
        %mul3A_763 = arith.muli %add3A_761, %mul3A_762 : i32
        %add3A_764 = arith.addi %mul3A_0, %mul3A_763 : i32
        %dma_start3A_765 = tpu.memref_slice %arg2[%add3A_504, %add3A_764] : memref<16x327680xi32, #tpu.memory_space<hbm>> -> memref<1x1024xi32, #tpu.memory_space<hbm>>
        %dma_start3A_766 = tpu.memref_squeeze %dma_start3A_765 : memref<1x1024xi32, #tpu.memory_space<hbm>> -> memref<1024xi32, #tpu.memory_space<hbm>>
        %dma_start3A_767 = tpu.memref_slice %arg2[%add3A_504, %add3A_764] : memref<16x327680xi32, #tpu.memory_space<hbm>> -> memref<1x1024xi32, #tpu.memory_space<hbm>>
        %dma_start3A_768 = tpu.memref_squeeze %dma_start3A_767 : memref<1x1024xi32, #tpu.memory_space<hbm>> -> memref<1024xi32, #tpu.memory_space<hbm>>
        tpu.enqueue_dma source(%dma_start3A_768 : memref<1024xi32, #tpu.memory_space<hbm>>) target(%arg7 : memref<1024xi32, #tpu.memory_space<vmem>>) target_semaphore(%arg14 : memref<!tpu.dma_semaphore, #tpu.memory_space<semaphore_mem>>)
      } else {
      }
      %dma_wait3A_735 = arith.constant 0 : i32
      %dma_wait3A_736 = tpu.memref_slice %arg12[%dma_wait3A_735] : memref<1311744xf32, #tpu.memory_space<vmem_shared>> -> memref<1311744xf32, #tpu.memory_space<vmem_shared>>
      tpu.wait_indirect_dma semaphore(%arg19 : memref<!tpu.dma_semaphore, #tpu.memory_space<semaphore_mem>>) src(%arg10 : memref<1024xf32, #tpu.memory_space<vmem>>) dst(%dma_wait3A_736 : memref<1311744xf32, #tpu.memory_space<vmem_shared>>)
      %add3A_737 = arith.constant 2 : i32
      %add3A_738 = arith.addi %mul3A_672, %add3A_737 : i32
      %add3A_739 = arith.constant 4 : i32
      %add3A_740 = arith.addi %add3A_738, %add3A_739 : i32
      %lt3A_741 = arith.constant 20 : i32
      %lt3A_742 = arith.cmpi slt, %add3A_740, %lt3A_741 : i32
      %convert_element_type3A_743 = arith.extui %lt3A_742 : i1 to i32
      %cond3A_744 = arith.constant 0 : i32
      %cond3A_745 = arith.cmpi ne, %convert_element_type3A_743, %cond3A_744 : i32
      scf.if %cond3A_745 {
        %add3A_758 = arith.constant 2 : i32
        %add3A_759 = arith.addi %mul3A_672, %add3A_758 : i32
        %add3A_760 = arith.constant 4 : i32
        %add3A_761 = arith.addi %add3A_759, %add3A_760 : i32
        %mul3A_762 = arith.constant 1024 : i32
        %mul3A_763 = arith.muli %add3A_761, %mul3A_762 : i32
        %add3A_764 = arith.addi %mul3A_0, %mul3A_763 : i32
        %dma_start3A_765 = tpu.memref_slice %arg2[%add3A_504, %add3A_764] : memref<16x327680xi32, #tpu.memory_space<hbm>> -> memref<1x1024xi32, #tpu.memory_space<hbm>>
        %dma_start3A_766 = tpu.memref_squeeze %dma_start3A_765 : memref<1x1024xi32, #tpu.memory_space<hbm>> -> memref<1024xi32, #tpu.memory_space<hbm>>
        %dma_start3A_767 = tpu.memref_slice %arg2[%add3A_504, %add3A_764] : memref<16x327680xi32, #tpu.memory_space<hbm>> -> memref<1x1024xi32, #tpu.memory_space<hbm>>
        %dma_start3A_768 = tpu.memref_squeeze %dma_start3A_767 : memref<1x1024xi32, #tpu.memory_space<hbm>> -> memref<1024xi32, #tpu.memory_space<hbm>>
        tpu.enqueue_dma source(%dma_start3A_768 : memref<1024xi32, #tpu.memory_space<hbm>>) target(%arg8 : memref<1024xi32, #tpu.memory_space<vmem>>) target_semaphore(%arg15 : memref<!tpu.dma_semaphore, #tpu.memory_space<semaphore_mem>>)
      } else {
      }
      %dma_wait3A_746 = arith.constant 0 : i32
      %dma_wait3A_747 = tpu.memref_slice %arg12[%dma_wait3A_746] : memref<1311744xf32, #tpu.memory_space<vmem_shared>> -> memref<1311744xf32, #tpu.memory_space<vmem_shared>>
      tpu.wait_indirect_dma semaphore(%arg20 : memref<!tpu.dma_semaphore, #tpu.memory_space<semaphore_mem>>) src(%arg10 : memref<1024xf32, #tpu.memory_space<vmem>>) dst(%dma_wait3A_747 : memref<1311744xf32, #tpu.memory_space<vmem_shared>>)
      %add3A_748 = arith.constant 3 : i32
      %add3A_749 = arith.addi %mul3A_672, %add3A_748 : i32
      %add3A_750 = arith.constant 4 : i32
      %add3A_751 = arith.addi %add3A_749, %add3A_750 : i32
      %lt3A_752 = arith.constant 20 : i32
      %lt3A_753 = arith.cmpi slt, %add3A_751, %lt3A_752 : i32
      %convert_element_type3A_754 = arith.extui %lt3A_753 : i1 to i32
      %cond3A_755 = arith.constant 0 : i32
      %cond3A_756 = arith.cmpi ne, %convert_element_type3A_754, %cond3A_755 : i32
      scf.if %cond3A_756 {
        %add3A_758 = arith.constant 3 : i32
        %add3A_759 = arith.addi %mul3A_672, %add3A_758 : i32
        %add3A_760 = arith.constant 4 : i32
        %add3A_761 = arith.addi %add3A_759, %add3A_760 : i32
        %mul3A_762 = arith.constant 1024 : i32
        %mul3A_763 = arith.muli %add3A_761, %mul3A_762 : i32
        %add3A_764 = arith.addi %mul3A_0, %mul3A_763 : i32
        %dma_start3A_765 = tpu.memref_slice %arg2[%add3A_504, %add3A_764] : memref<16x327680xi32, #tpu.memory_space<hbm>> -> memref<1x1024xi32, #tpu.memory_space<hbm>>
        %dma_start3A_766 = tpu.memref_squeeze %dma_start3A_765 : memref<1x1024xi32, #tpu.memory_space<hbm>> -> memref<1024xi32, #tpu.memory_space<hbm>>
        %dma_start3A_767 = tpu.memref_slice %arg2[%add3A_504, %add3A_764] : memref<16x327680xi32, #tpu.memory_space<hbm>> -> memref<1x1024xi32, #tpu.memory_space<hbm>>
        %dma_start3A_768 = tpu.memref_squeeze %dma_start3A_767 : memref<1x1024xi32, #tpu.memory_space<hbm>> -> memref<1024xi32, #tpu.memory_space<hbm>>
        tpu.enqueue_dma source(%dma_start3A_768 : memref<1024xi32, #tpu.memory_space<hbm>>) target(%arg9 : memref<1024xi32, #tpu.memory_space<vmem>>) target_semaphore(%arg16 : memref<!tpu.dma_semaphore, #tpu.memory_space<semaphore_mem>>)
      } else {
      }
      %scan3A_757 = arith.constant 0 : i32
      scf.yield %scan3A_757 : i32
    }
    %scan3A_578 = arith.constant 5 : i32
    %barrier3A_579 = arith.constant 0 : index
    tpu.barrier barrier_id(%barrier3A_579)
    %mul3A_580 = arith.constant 81920 : i32
    %mul3A_581 = arith.muli %arg1, %mul3A_580 : i32
    %mul3A_582 = arith.constant 81920 : i32
    %mul3A_583 = arith.muli %arg1, %mul3A_582 : i32
    %add3A_584 = arith.addi %mul3A_506, %mul3A_583 : i32
    "tpu.region"() ({
      %run_scoped3A = tpu.sem_alloc : memref<!tpu.dma_semaphore, #tpu.memory_space<semaphore_mem>>
      %dma_start3A_669 = tpu.memref_slice %arg5[%add3A_584] : memref<20971520xf32, #tpu.memory_space<hbm>> -> memref<81920xf32, #tpu.memory_space<hbm>>
      %dma_start3A_670 = tpu.memref_slice %arg12[%mul3A_581] : memref<1311744xf32, #tpu.memory_space<vmem_shared>> -> memref<81920xf32, #tpu.memory_space<vmem_shared>>
      tpu.enqueue_dma source(%dma_start3A_670 : memref<81920xf32, #tpu.memory_space<vmem_shared>>) target(%dma_start3A_669 : memref<81920xf32, #tpu.memory_space<hbm>>) target_semaphore(%run_scoped3A : memref<!tpu.dma_semaphore, #tpu.memory_space<semaphore_mem>>)
      %dma_wait3A = tpu.memref_slice %arg5[%add3A_584] : memref<20971520xf32, #tpu.memory_space<hbm>> -> memref<81920xf32, #tpu.memory_space<hbm>>
      %dma_wait3A_671 = tpu.memref_slice %arg12[%mul3A_581] : memref<1311744xf32, #tpu.memory_space<vmem_shared>> -> memref<81920xf32, #tpu.memory_space<vmem_shared>>
      tpu.wait_dma2 semaphore(%run_scoped3A : memref<!tpu.dma_semaphore, #tpu.memory_space<semaphore_mem>>) src(%dma_wait3A_671 : memref<81920xf32, #tpu.memory_space<vmem_shared>>) dst(%dma_wait3A : memref<81920xf32, #tpu.memory_space<hbm>>)
      tpu.yield
    }) : () -> ()
    %mul3A_585 = arith.constant 8 : i32
    %mul3A_586 = arith.muli %arg0, %mul3A_585 : i32
    %add3A_587 = arith.constant 7 : i32
    %add3A_588 = arith.addi %mul3A_586, %add3A_587 : i32
    %mul3A_589 = arith.constant 1310720 : i32
    %mul3A_590 = arith.muli %add3A_588, %mul3A_589 : i32
    %mul3A_591 = arith.constant 81920 : i32
    %mul3A_592 = arith.muli %arg1, %mul3A_591 : i32
    %add3A_593 = arith.constant 0 : i32
    %add3A_594 = arith.addi %mul3A_592, %add3A_593 : i32
    "tpu.region"() ({
      %run_scoped3A = tpu.sem_alloc : memref<!tpu.dma_semaphore, #tpu.memory_space<semaphore_mem>>
      %dma_start3A_669 = tpu.memref_slice %arg12[%add3A_594] : memref<1311744xf32, #tpu.memory_space<vmem_shared>> -> memref<8192xf32, #tpu.memory_space<vmem_shared>>
      %dma_start3A_670 = tpu.memref_slice %arg12[%add3A_594] : memref<1311744xf32, #tpu.memory_space<vmem_shared>> -> memref<8192xf32, #tpu.memory_space<vmem_shared>>
      tpu.enqueue_dma source(%arg11 : memref<8192xf32, #tpu.memory_space<vmem>>) target(%dma_start3A_670 : memref<8192xf32, #tpu.memory_space<vmem_shared>>) target_semaphore(%run_scoped3A : memref<!tpu.dma_semaphore, #tpu.memory_space<semaphore_mem>>)
      %dma_wait3A = tpu.memref_slice %arg12[%add3A_594] : memref<1311744xf32, #tpu.memory_space<vmem_shared>> -> memref<8192xf32, #tpu.memory_space<vmem_shared>>
      %dma_wait3A_671 = tpu.memref_slice %arg12[%add3A_594] : memref<1311744xf32, #tpu.memory_space<vmem_shared>> -> memref<8192xf32, #tpu.memory_space<vmem_shared>>
      tpu.wait_dma2 semaphore(%run_scoped3A : memref<!tpu.dma_semaphore, #tpu.memory_space<semaphore_mem>>) src(%arg11 : memref<8192xf32, #tpu.memory_space<vmem>>) dst(%dma_wait3A_671 : memref<8192xf32, #tpu.memory_space<vmem_shared>>)
      tpu.yield
    }) : () -> ()
    %mul3A_595 = arith.constant 81920 : i32
    %mul3A_596 = arith.muli %arg1, %mul3A_595 : i32
    %add3A_597 = arith.constant 8192 : i32
    %add3A_598 = arith.addi %mul3A_596, %add3A_597 : i32
    "tpu.region"() ({
      %run_scoped3A = tpu.sem_alloc : memref<!tpu.dma_semaphore, #tpu.memory_space<semaphore_mem>>
      %dma_start3A_669 = tpu.memref_slice %arg12[%add3A_598] : memref<1311744xf32, #tpu.memory_space<vmem_shared>> -> memref<8192xf32, #tpu.memory_space<vmem_shared>>
      %dma_start3A_670 = tpu.memref_slice %arg12[%add3A_598] : memref<1311744xf32, #tpu.memory_space<vmem_shared>> -> memref<8192xf32, #tpu.memory_space<vmem_shared>>
      tpu.enqueue_dma source(%arg11 : memref<8192xf32, #tpu.memory_space<vmem>>) target(%dma_start3A_670 : memref<8192xf32, #tpu.memory_space<vmem_shared>>) target_semaphore(%run_scoped3A : memref<!tpu.dma_semaphore, #tpu.memory_space<semaphore_mem>>)
      %dma_wait3A = tpu.memref_slice %arg12[%add3A_598] : memref<1311744xf32, #tpu.memory_space<vmem_shared>> -> memref<8192xf32, #tpu.memory_space<vmem_shared>>
      %dma_wait3A_671 = tpu.memref_slice %arg12[%add3A_598] : memref<1311744xf32, #tpu.memory_space<vmem_shared>> -> memref<8192xf32, #tpu.memory_space<vmem_shared>>
      tpu.wait_dma2 semaphore(%run_scoped3A : memref<!tpu.dma_semaphore, #tpu.memory_space<semaphore_mem>>) src(%arg11 : memref<8192xf32, #tpu.memory_space<vmem>>) dst(%dma_wait3A_671 : memref<8192xf32, #tpu.memory_space<vmem_shared>>)
      tpu.yield
    }) : () -> ()
    %mul3A_599 = arith.constant 81920 : i32
    %mul3A_600 = arith.muli %arg1, %mul3A_599 : i32
    %add3A_601 = arith.constant 16384 : i32
    %add3A_602 = arith.addi %mul3A_600, %add3A_601 : i32
    "tpu.region"() ({
      %run_scoped3A = tpu.sem_alloc : memref<!tpu.dma_semaphore, #tpu.memory_space<semaphore_mem>>
      %dma_start3A_669 = tpu.memref_slice %arg12[%add3A_602] : memref<1311744xf32, #tpu.memory_space<vmem_shared>> -> memref<8192xf32, #tpu.memory_space<vmem_shared>>
      %dma_start3A_670 = tpu.memref_slice %arg12[%add3A_602] : memref<1311744xf32, #tpu.memory_space<vmem_shared>> -> memref<8192xf32, #tpu.memory_space<vmem_shared>>
      tpu.enqueue_dma source(%arg11 : memref<8192xf32, #tpu.memory_space<vmem>>) target(%dma_start3A_670 : memref<8192xf32, #tpu.memory_space<vmem_shared>>) target_semaphore(%run_scoped3A : memref<!tpu.dma_semaphore, #tpu.memory_space<semaphore_mem>>)
      %dma_wait3A = tpu.memref_slice %arg12[%add3A_602] : memref<1311744xf32, #tpu.memory_space<vmem_shared>> -> memref<8192xf32, #tpu.memory_space<vmem_shared>>
      %dma_wait3A_671 = tpu.memref_slice %arg12[%add3A_602] : memref<1311744xf32, #tpu.memory_space<vmem_shared>> -> memref<8192xf32, #tpu.memory_space<vmem_shared>>
      tpu.wait_dma2 semaphore(%run_scoped3A : memref<!tpu.dma_semaphore, #tpu.memory_space<semaphore_mem>>) src(%arg11 : memref<8192xf32, #tpu.memory_space<vmem>>) dst(%dma_wait3A_671 : memref<8192xf32, #tpu.memory_space<vmem_shared>>)
      tpu.yield
    }) : () -> ()
    %mul3A_603 = arith.constant 81920 : i32
    %mul3A_604 = arith.muli %arg1, %mul3A_603 : i32
    %add3A_605 = arith.constant 24576 : i32
    %add3A_606 = arith.addi %mul3A_604, %add3A_605 : i32
    "tpu.region"() ({
      %run_scoped3A = tpu.sem_alloc : memref<!tpu.dma_semaphore, #tpu.memory_space<semaphore_mem>>
      %dma_start3A_669 = tpu.memref_slice %arg12[%add3A_606] : memref<1311744xf32, #tpu.memory_space<vmem_shared>> -> memref<8192xf32, #tpu.memory_space<vmem_shared>>
      %dma_start3A_670 = tpu.memref_slice %arg12[%add3A_606] : memref<1311744xf32, #tpu.memory_space<vmem_shared>> -> memref<8192xf32, #tpu.memory_space<vmem_shared>>
      tpu.enqueue_dma source(%arg11 : memref<8192xf32, #tpu.memory_space<vmem>>) target(%dma_start3A_670 : memref<8192xf32, #tpu.memory_space<vmem_shared>>) target_semaphore(%run_scoped3A : memref<!tpu.dma_semaphore, #tpu.memory_space<semaphore_mem>>)
      %dma_wait3A = tpu.memref_slice %arg12[%add3A_606] : memref<1311744xf32, #tpu.memory_space<vmem_shared>> -> memref<8192xf32, #tpu.memory_space<vmem_shared>>
      %dma_wait3A_671 = tpu.memref_slice %arg12[%add3A_606] : memref<1311744xf32, #tpu.memory_space<vmem_shared>> -> memref<8192xf32, #tpu.memory_space<vmem_shared>>
      tpu.wait_dma2 semaphore(%run_scoped3A : memref<!tpu.dma_semaphore, #tpu.memory_space<semaphore_mem>>) src(%arg11 : memref<8192xf32, #tpu.memory_space<vmem>>) dst(%dma_wait3A_671 : memref<8192xf32, #tpu.memory_space<vmem_shared>>)
      tpu.yield
    }) : () -> ()
    %mul3A_607 = arith.constant 81920 : i32
    %mul3A_608 = arith.muli %arg1, %mul3A_607 : i32
    %add3A_609 = arith.constant 32768 : i32
    %add3A_610 = arith.addi %mul3A_608, %add3A_609 : i32
    "tpu.region"() ({
      %run_scoped3A = tpu.sem_alloc : memref<!tpu.dma_semaphore, #tpu.memory_space<semaphore_mem>>
      %dma_start3A_669 = tpu.memref_slice %arg12[%add3A_610] : memref<1311744xf32, #tpu.memory_space<vmem_shared>> -> memref<8192xf32, #tpu.memory_space<vmem_shared>>
      %dma_start3A_670 = tpu.memref_slice %arg12[%add3A_610] : memref<1311744xf32, #tpu.memory_space<vmem_shared>> -> memref<8192xf32, #tpu.memory_space<vmem_shared>>
      tpu.enqueue_dma source(%arg11 : memref<8192xf32, #tpu.memory_space<vmem>>) target(%dma_start3A_670 : memref<8192xf32, #tpu.memory_space<vmem_shared>>) target_semaphore(%run_scoped3A : memref<!tpu.dma_semaphore, #tpu.memory_space<semaphore_mem>>)
      %dma_wait3A = tpu.memref_slice %arg12[%add3A_610] : memref<1311744xf32, #tpu.memory_space<vmem_shared>> -> memref<8192xf32, #tpu.memory_space<vmem_shared>>
      %dma_wait3A_671 = tpu.memref_slice %arg12[%add3A_610] : memref<1311744xf32, #tpu.memory_space<vmem_shared>> -> memref<8192xf32, #tpu.memory_space<vmem_shared>>
      tpu.wait_dma2 semaphore(%run_scoped3A : memref<!tpu.dma_semaphore, #tpu.memory_space<semaphore_mem>>) src(%arg11 : memref<8192xf32, #tpu.memory_space<vmem>>) dst(%dma_wait3A_671 : memref<8192xf32, #tpu.memory_space<vmem_shared>>)
      tpu.yield
    }) : () -> ()
    %mul3A_611 = arith.constant 81920 : i32
    %mul3A_612 = arith.muli %arg1, %mul3A_611 : i32
    %add3A_613 = arith.constant 40960 : i32
    %add3A_614 = arith.addi %mul3A_612, %add3A_613 : i32
    "tpu.region"() ({
      %run_scoped3A = tpu.sem_alloc : memref<!tpu.dma_semaphore, #tpu.memory_space<semaphore_mem>>
      %dma_start3A_669 = tpu.memref_slice %arg12[%add3A_614] : memref<1311744xf32, #tpu.memory_space<vmem_shared>> -> memref<8192xf32, #tpu.memory_space<vmem_shared>>
      %dma_start3A_670 = tpu.memref_slice %arg12[%add3A_614] : memref<1311744xf32, #tpu.memory_space<vmem_shared>> -> memref<8192xf32, #tpu.memory_space<vmem_shared>>
      tpu.enqueue_dma source(%arg11 : memref<8192xf32, #tpu.memory_space<vmem>>) target(%dma_start3A_670 : memref<8192xf32, #tpu.memory_space<vmem_shared>>) target_semaphore(%run_scoped3A : memref<!tpu.dma_semaphore, #tpu.memory_space<semaphore_mem>>)
      %dma_wait3A = tpu.memref_slice %arg12[%add3A_614] : memref<1311744xf32, #tpu.memory_space<vmem_shared>> -> memref<8192xf32, #tpu.memory_space<vmem_shared>>
      %dma_wait3A_671 = tpu.memref_slice %arg12[%add3A_614] : memref<1311744xf32, #tpu.memory_space<vmem_shared>> -> memref<8192xf32, #tpu.memory_space<vmem_shared>>
      tpu.wait_dma2 semaphore(%run_scoped3A : memref<!tpu.dma_semaphore, #tpu.memory_space<semaphore_mem>>) src(%arg11 : memref<8192xf32, #tpu.memory_space<vmem>>) dst(%dma_wait3A_671 : memref<8192xf32, #tpu.memory_space<vmem_shared>>)
      tpu.yield
    }) : () -> ()
    %mul3A_615 = arith.constant 81920 : i32
    %mul3A_616 = arith.muli %arg1, %mul3A_615 : i32
    %add3A_617 = arith.constant 49152 : i32
    %add3A_618 = arith.addi %mul3A_616, %add3A_617 : i32
    "tpu.region"() ({
      %run_scoped3A = tpu.sem_alloc : memref<!tpu.dma_semaphore, #tpu.memory_space<semaphore_mem>>
      %dma_start3A_669 = tpu.memref_slice %arg12[%add3A_618] : memref<1311744xf32, #tpu.memory_space<vmem_shared>> -> memref<8192xf32, #tpu.memory_space<vmem_shared>>
      %dma_start3A_670 = tpu.memref_slice %arg12[%add3A_618] : memref<1311744xf32, #tpu.memory_space<vmem_shared>> -> memref<8192xf32, #tpu.memory_space<vmem_shared>>
      tpu.enqueue_dma source(%arg11 : memref<8192xf32, #tpu.memory_space<vmem>>) target(%dma_start3A_670 : memref<8192xf32, #tpu.memory_space<vmem_shared>>) target_semaphore(%run_scoped3A : memref<!tpu.dma_semaphore, #tpu.memory_space<semaphore_mem>>)
      %dma_wait3A = tpu.memref_slice %arg12[%add3A_618] : memref<1311744xf32, #tpu.memory_space<vmem_shared>> -> memref<8192xf32, #tpu.memory_space<vmem_shared>>
      %dma_wait3A_671 = tpu.memref_slice %arg12[%add3A_618] : memref<1311744xf32, #tpu.memory_space<vmem_shared>> -> memref<8192xf32, #tpu.memory_space<vmem_shared>>
      tpu.wait_dma2 semaphore(%run_scoped3A : memref<!tpu.dma_semaphore, #tpu.memory_space<semaphore_mem>>) src(%arg11 : memref<8192xf32, #tpu.memory_space<vmem>>) dst(%dma_wait3A_671 : memref<8192xf32, #tpu.memory_space<vmem_shared>>)
      tpu.yield
    }) : () -> ()
    %mul3A_619 = arith.constant 81920 : i32
    %mul3A_620 = arith.muli %arg1, %mul3A_619 : i32
    %add3A_621 = arith.constant 57344 : i32
    %add3A_622 = arith.addi %mul3A_620, %add3A_621 : i32
    "tpu.region"() ({
      %run_scoped3A = tpu.sem_alloc : memref<!tpu.dma_semaphore, #tpu.memory_space<semaphore_mem>>
      %dma_start3A_669 = tpu.memref_slice %arg12[%add3A_622] : memref<1311744xf32, #tpu.memory_space<vmem_shared>> -> memref<8192xf32, #tpu.memory_space<vmem_shared>>
      %dma_start3A_670 = tpu.memref_slice %arg12[%add3A_622] : memref<1311744xf32, #tpu.memory_space<vmem_shared>> -> memref<8192xf32, #tpu.memory_space<vmem_shared>>
      tpu.enqueue_dma source(%arg11 : memref<8192xf32, #tpu.memory_space<vmem>>) target(%dma_start3A_670 : memref<8192xf32, #tpu.memory_space<vmem_shared>>) target_semaphore(%run_scoped3A : memref<!tpu.dma_semaphore, #tpu.memory_space<semaphore_mem>>)
      %dma_wait3A = tpu.memref_slice %arg12[%add3A_622] : memref<1311744xf32, #tpu.memory_space<vmem_shared>> -> memref<8192xf32, #tpu.memory_space<vmem_shared>>
      %dma_wait3A_671 = tpu.memref_slice %arg12[%add3A_622] : memref<1311744xf32, #tpu.memory_space<vmem_shared>> -> memref<8192xf32, #tpu.memory_space<vmem_shared>>
      tpu.wait_dma2 semaphore(%run_scoped3A : memref<!tpu.dma_semaphore, #tpu.memory_space<semaphore_mem>>) src(%arg11 : memref<8192xf32, #tpu.memory_space<vmem>>) dst(%dma_wait3A_671 : memref<8192xf32, #tpu.memory_space<vmem_shared>>)
      tpu.yield
    }) : () -> ()
    %mul3A_623 = arith.constant 81920 : i32
    %mul3A_624 = arith.muli %arg1, %mul3A_623 : i32
    %add3A_625 = arith.constant 65536 : i32
    %add3A_626 = arith.addi %mul3A_624, %add3A_625 : i32
    "tpu.region"() ({
      %run_scoped3A = tpu.sem_alloc : memref<!tpu.dma_semaphore, #tpu.memory_space<semaphore_mem>>
      %dma_start3A_669 = tpu.memref_slice %arg12[%add3A_626] : memref<1311744xf32, #tpu.memory_space<vmem_shared>> -> memref<8192xf32, #tpu.memory_space<vmem_shared>>
      %dma_start3A_670 = tpu.memref_slice %arg12[%add3A_626] : memref<1311744xf32, #tpu.memory_space<vmem_shared>> -> memref<8192xf32, #tpu.memory_space<vmem_shared>>
      tpu.enqueue_dma source(%arg11 : memref<8192xf32, #tpu.memory_space<vmem>>) target(%dma_start3A_670 : memref<8192xf32, #tpu.memory_space<vmem_shared>>) target_semaphore(%run_scoped3A : memref<!tpu.dma_semaphore, #tpu.memory_space<semaphore_mem>>)
      %dma_wait3A = tpu.memref_slice %arg12[%add3A_626] : memref<1311744xf32, #tpu.memory_space<vmem_shared>> -> memref<8192xf32, #tpu.memory_space<vmem_shared>>
      %dma_wait3A_671 = tpu.memref_slice %arg12[%add3A_626] : memref<1311744xf32, #tpu.memory_space<vmem_shared>> -> memref<8192xf32, #tpu.memory_space<vmem_shared>>
      tpu.wait_dma2 semaphore(%run_scoped3A : memref<!tpu.dma_semaphore, #tpu.memory_space<semaphore_mem>>) src(%arg11 : memref<8192xf32, #tpu.memory_space<vmem>>) dst(%dma_wait3A_671 : memref<8192xf32, #tpu.memory_space<vmem_shared>>)
      tpu.yield
    }) : () -> ()
    %mul3A_627 = arith.constant 81920 : i32
    %mul3A_628 = arith.muli %arg1, %mul3A_627 : i32
    %add3A_629 = arith.constant 73728 : i32
    %add3A_630 = arith.addi %mul3A_628, %add3A_629 : i32
    "tpu.region"() ({
      %run_scoped3A = tpu.sem_alloc : memref<!tpu.dma_semaphore, #tpu.memory_space<semaphore_mem>>
      %dma_start3A_669 = tpu.memref_slice %arg12[%add3A_630] : memref<1311744xf32, #tpu.memory_space<vmem_shared>> -> memref<8192xf32, #tpu.memory_space<vmem_shared>>
      %dma_start3A_670 = tpu.memref_slice %arg12[%add3A_630] : memref<1311744xf32, #tpu.memory_space<vmem_shared>> -> memref<8192xf32, #tpu.memory_space<vmem_shared>>
      tpu.enqueue_dma source(%arg11 : memref<8192xf32, #tpu.memory_space<vmem>>) target(%dma_start3A_670 : memref<8192xf32, #tpu.memory_space<vmem_shared>>) target_semaphore(%run_scoped3A : memref<!tpu.dma_semaphore, #tpu.memory_space<semaphore_mem>>)
      %dma_wait3A = tpu.memref_slice %arg12[%add3A_630] : memref<1311744xf32, #tpu.memory_space<vmem_shared>> -> memref<8192xf32, #tpu.memory_space<vmem_shared>>
      %dma_wait3A_671 = tpu.memref_slice %arg12[%add3A_630] : memref<1311744xf32, #tpu.memory_space<vmem_shared>> -> memref<8192xf32, #tpu.memory_space<vmem_shared>>
      tpu.wait_dma2 semaphore(%run_scoped3A : memref<!tpu.dma_semaphore, #tpu.memory_space<semaphore_mem>>) src(%arg11 : memref<8192xf32, #tpu.memory_space<vmem>>) dst(%dma_wait3A_671 : memref<8192xf32, #tpu.memory_space<vmem_shared>>)
      tpu.yield
    }) : () -> ()
    %barrier3A_631 = arith.constant 0 : index
    tpu.barrier barrier_id(%barrier3A_631)
    %add3A_632 = arith.constant 0 : i32
    %add3A_633 = arith.addi %mul3A_0, %add3A_632 : i32
    %dma_start3A_634 = tpu.memref_slice %arg2[%add3A_588, %add3A_633] : memref<16x327680xi32, #tpu.memory_space<hbm>> -> memref<1x1024xi32, #tpu.memory_space<hbm>>
    %dma_start3A_635 = tpu.memref_squeeze %dma_start3A_634 : memref<1x1024xi32, #tpu.memory_space<hbm>> -> memref<1024xi32, #tpu.memory_space<hbm>>
    %dma_start3A_636 = tpu.memref_slice %arg2[%add3A_588, %add3A_633] : memref<16x327680xi32, #tpu.memory_space<hbm>> -> memref<1x1024xi32, #tpu.memory_space<hbm>>
    %dma_start3A_637 = tpu.memref_squeeze %dma_start3A_636 : memref<1x1024xi32, #tpu.memory_space<hbm>> -> memref<1024xi32, #tpu.memory_space<hbm>>
    tpu.enqueue_dma source(%dma_start3A_637 : memref<1024xi32, #tpu.memory_space<hbm>>) target(%arg6 : memref<1024xi32, #tpu.memory_space<vmem>>) target_semaphore(%arg13 : memref<!tpu.dma_semaphore, #tpu.memory_space<semaphore_mem>>)
    %add3A_638 = arith.constant 1024 : i32
    %add3A_639 = arith.addi %mul3A_0, %add3A_638 : i32
    %dma_start3A_640 = tpu.memref_slice %arg2[%add3A_588, %add3A_639] : memref<16x327680xi32, #tpu.memory_space<hbm>> -> memref<1x1024xi32, #tpu.memory_space<hbm>>
    %dma_start3A_641 = tpu.memref_squeeze %dma_start3A_640 : memref<1x1024xi32, #tpu.memory_space<hbm>> -> memref<1024xi32, #tpu.memory_space<hbm>>
    %dma_start3A_642 = tpu.memref_slice %arg2[%add3A_588, %add3A_639] : memref<16x327680xi32, #tpu.memory_space<hbm>> -> memref<1x1024xi32, #tpu.memory_space<hbm>>
    %dma_start3A_643 = tpu.memref_squeeze %dma_start3A_642 : memref<1x1024xi32, #tpu.memory_space<hbm>> -> memref<1024xi32, #tpu.memory_space<hbm>>
    tpu.enqueue_dma source(%dma_start3A_643 : memref<1024xi32, #tpu.memory_space<hbm>>) target(%arg7 : memref<1024xi32, #tpu.memory_space<vmem>>) target_semaphore(%arg14 : memref<!tpu.dma_semaphore, #tpu.memory_space<semaphore_mem>>)
    %add3A_644 = arith.constant 2048 : i32
    %add3A_645 = arith.addi %mul3A_0, %add3A_644 : i32
    %dma_start3A_646 = tpu.memref_slice %arg2[%add3A_588, %add3A_645] : memref<16x327680xi32, #tpu.memory_space<hbm>> -> memref<1x1024xi32, #tpu.memory_space<hbm>>
    %dma_start3A_647 = tpu.memref_squeeze %dma_start3A_646 : memref<1x1024xi32, #tpu.memory_space<hbm>> -> memref<1024xi32, #tpu.memory_space<hbm>>
    %dma_start3A_648 = tpu.memref_slice %arg2[%add3A_588, %add3A_645] : memref<16x327680xi32, #tpu.memory_space<hbm>> -> memref<1x1024xi32, #tpu.memory_space<hbm>>
    %dma_start3A_649 = tpu.memref_squeeze %dma_start3A_648 : memref<1x1024xi32, #tpu.memory_space<hbm>> -> memref<1024xi32, #tpu.memory_space<hbm>>
    tpu.enqueue_dma source(%dma_start3A_649 : memref<1024xi32, #tpu.memory_space<hbm>>) target(%arg8 : memref<1024xi32, #tpu.memory_space<vmem>>) target_semaphore(%arg15 : memref<!tpu.dma_semaphore, #tpu.memory_space<semaphore_mem>>)
    %add3A_650 = arith.constant 3072 : i32
    %add3A_651 = arith.addi %mul3A_0, %add3A_650 : i32
    %dma_start3A_652 = tpu.memref_slice %arg2[%add3A_588, %add3A_651] : memref<16x327680xi32, #tpu.memory_space<hbm>> -> memref<1x1024xi32, #tpu.memory_space<hbm>>
    %dma_start3A_653 = tpu.memref_squeeze %dma_start3A_652 : memref<1x1024xi32, #tpu.memory_space<hbm>> -> memref<1024xi32, #tpu.memory_space<hbm>>
    %dma_start3A_654 = tpu.memref_slice %arg2[%add3A_588, %add3A_651] : memref<16x327680xi32, #tpu.memory_space<hbm>> -> memref<1x1024xi32, #tpu.memory_space<hbm>>
    %dma_start3A_655 = tpu.memref_squeeze %dma_start3A_654 : memref<1x1024xi32, #tpu.memory_space<hbm>> -> memref<1024xi32, #tpu.memory_space<hbm>>
    tpu.enqueue_dma source(%dma_start3A_655 : memref<1024xi32, #tpu.memory_space<hbm>>) target(%arg9 : memref<1024xi32, #tpu.memory_space<vmem>>) target_semaphore(%arg16 : memref<!tpu.dma_semaphore, #tpu.memory_space<semaphore_mem>>)
    %scan3A_656 = arith.constant 0 : i32
    %scan3A_657 = arith.constant 0 : i32
    %scan3A_658 = arith.constant 5 : i32
    %scan3A_659 = arith.addi %scan3A_657, %scan3A_658 : i32
    %scan3A_660 = arith.constant 1 : i32
    %scan3A_661 = scf.for %scan3A_669 = %scan3A_657 to %scan3A_659 step %scan3A_660 iter_args(%scan3A_670 = %scan3A_656) -> (i32)  : i32 {
      %mul3A_671 = arith.constant 4 : i32
      %mul3A_672 = arith.muli %mul3A_671, %scan3A_669 : i32
      %add3A_673 = arith.constant 0 : i32
      %add3A_674 = arith.addi %mul3A_672, %add3A_673 : i32
      %mul3A_675 = arith.constant 1024 : i32
      %mul3A_676 = arith.muli %add3A_674, %mul3A_675 : i32
      %add3A_677 = arith.addi %mul3A_0, %mul3A_676 : i32
      %dma_wait3A = tpu.memref_slice %arg2[%add3A_588, %add3A_677] : memref<16x327680xi32, #tpu.memory_space<hbm>> -> memref<1x1024xi32, #tpu.memory_space<hbm>>
      %dma_wait3A_678 = tpu.memref_squeeze %dma_wait3A : memref<1x1024xi32, #tpu.memory_space<hbm>> -> memref<1024xi32, #tpu.memory_space<hbm>>
      %dma_wait3A_679 = tpu.memref_slice %arg2[%add3A_588, %add3A_677] : memref<16x327680xi32, #tpu.memory_space<hbm>> -> memref<1x1024xi32, #tpu.memory_space<hbm>>
      %dma_wait3A_680 = tpu.memref_squeeze %dma_wait3A_679 : memref<1x1024xi32, #tpu.memory_space<hbm>> -> memref<1024xi32, #tpu.memory_space<hbm>>
      tpu.wait_dma2 semaphore(%arg13 : memref<!tpu.dma_semaphore, #tpu.memory_space<semaphore_mem>>) src(%dma_wait3A_680 : memref<1024xi32, #tpu.memory_space<hbm>>) dst(%arg6 : memref<1024xi32, #tpu.memory_space<vmem>>)
      %dma_start3A_681 = arith.constant 0 : i32
      %dma_start3A_682 = tpu.memref_slice %arg12[%dma_start3A_681] : memref<1311744xf32, #tpu.memory_space<vmem_shared>> -> memref<1311744xf32, #tpu.memory_space<vmem_shared>>
      tpu.enqueue_indirect_dma source(%arg10 : memref<1024xf32, #tpu.memory_space<vmem>>) target(%dma_start3A_682 : memref<1311744xf32, #tpu.memory_space<vmem_shared>>) offsets(%arg6 : memref<1024xi32, #tpu.memory_space<vmem>>) semaphore(%arg17 : memref<!tpu.dma_semaphore, #tpu.memory_space<semaphore_mem>>) {add = true}
      %add3A_683 = arith.constant 1 : i32
      %add3A_684 = arith.addi %mul3A_672, %add3A_683 : i32
      %mul3A_685 = arith.constant 1024 : i32
      %mul3A_686 = arith.muli %add3A_684, %mul3A_685 : i32
      %add3A_687 = arith.addi %mul3A_0, %mul3A_686 : i32
      %dma_wait3A_688 = tpu.memref_slice %arg2[%add3A_588, %add3A_687] : memref<16x327680xi32, #tpu.memory_space<hbm>> -> memref<1x1024xi32, #tpu.memory_space<hbm>>
      %dma_wait3A_689 = tpu.memref_squeeze %dma_wait3A_688 : memref<1x1024xi32, #tpu.memory_space<hbm>> -> memref<1024xi32, #tpu.memory_space<hbm>>
      %dma_wait3A_690 = tpu.memref_slice %arg2[%add3A_588, %add3A_687] : memref<16x327680xi32, #tpu.memory_space<hbm>> -> memref<1x1024xi32, #tpu.memory_space<hbm>>
      %dma_wait3A_691 = tpu.memref_squeeze %dma_wait3A_690 : memref<1x1024xi32, #tpu.memory_space<hbm>> -> memref<1024xi32, #tpu.memory_space<hbm>>
      tpu.wait_dma2 semaphore(%arg14 : memref<!tpu.dma_semaphore, #tpu.memory_space<semaphore_mem>>) src(%dma_wait3A_691 : memref<1024xi32, #tpu.memory_space<hbm>>) dst(%arg7 : memref<1024xi32, #tpu.memory_space<vmem>>)
      %dma_start3A_692 = arith.constant 0 : i32
      %dma_start3A_693 = tpu.memref_slice %arg12[%dma_start3A_692] : memref<1311744xf32, #tpu.memory_space<vmem_shared>> -> memref<1311744xf32, #tpu.memory_space<vmem_shared>>
      tpu.enqueue_indirect_dma source(%arg10 : memref<1024xf32, #tpu.memory_space<vmem>>) target(%dma_start3A_693 : memref<1311744xf32, #tpu.memory_space<vmem_shared>>) offsets(%arg7 : memref<1024xi32, #tpu.memory_space<vmem>>) semaphore(%arg18 : memref<!tpu.dma_semaphore, #tpu.memory_space<semaphore_mem>>) {add = true}
      %add3A_694 = arith.constant 2 : i32
      %add3A_695 = arith.addi %mul3A_672, %add3A_694 : i32
      %mul3A_696 = arith.constant 1024 : i32
      %mul3A_697 = arith.muli %add3A_695, %mul3A_696 : i32
      %add3A_698 = arith.addi %mul3A_0, %mul3A_697 : i32
      %dma_wait3A_699 = tpu.memref_slice %arg2[%add3A_588, %add3A_698] : memref<16x327680xi32, #tpu.memory_space<hbm>> -> memref<1x1024xi32, #tpu.memory_space<hbm>>
      %dma_wait3A_700 = tpu.memref_squeeze %dma_wait3A_699 : memref<1x1024xi32, #tpu.memory_space<hbm>> -> memref<1024xi32, #tpu.memory_space<hbm>>
      %dma_wait3A_701 = tpu.memref_slice %arg2[%add3A_588, %add3A_698] : memref<16x327680xi32, #tpu.memory_space<hbm>> -> memref<1x1024xi32, #tpu.memory_space<hbm>>
      %dma_wait3A_702 = tpu.memref_squeeze %dma_wait3A_701 : memref<1x1024xi32, #tpu.memory_space<hbm>> -> memref<1024xi32, #tpu.memory_space<hbm>>
      tpu.wait_dma2 semaphore(%arg15 : memref<!tpu.dma_semaphore, #tpu.memory_space<semaphore_mem>>) src(%dma_wait3A_702 : memref<1024xi32, #tpu.memory_space<hbm>>) dst(%arg8 : memref<1024xi32, #tpu.memory_space<vmem>>)
      %dma_start3A_703 = arith.constant 0 : i32
      %dma_start3A_704 = tpu.memref_slice %arg12[%dma_start3A_703] : memref<1311744xf32, #tpu.memory_space<vmem_shared>> -> memref<1311744xf32, #tpu.memory_space<vmem_shared>>
      tpu.enqueue_indirect_dma source(%arg10 : memref<1024xf32, #tpu.memory_space<vmem>>) target(%dma_start3A_704 : memref<1311744xf32, #tpu.memory_space<vmem_shared>>) offsets(%arg8 : memref<1024xi32, #tpu.memory_space<vmem>>) semaphore(%arg19 : memref<!tpu.dma_semaphore, #tpu.memory_space<semaphore_mem>>) {add = true}
      %add3A_705 = arith.constant 3 : i32
      %add3A_706 = arith.addi %mul3A_672, %add3A_705 : i32
      %mul3A_707 = arith.constant 1024 : i32
      %mul3A_708 = arith.muli %add3A_706, %mul3A_707 : i32
      %add3A_709 = arith.addi %mul3A_0, %mul3A_708 : i32
      %dma_wait3A_710 = tpu.memref_slice %arg2[%add3A_588, %add3A_709] : memref<16x327680xi32, #tpu.memory_space<hbm>> -> memref<1x1024xi32, #tpu.memory_space<hbm>>
      %dma_wait3A_711 = tpu.memref_squeeze %dma_wait3A_710 : memref<1x1024xi32, #tpu.memory_space<hbm>> -> memref<1024xi32, #tpu.memory_space<hbm>>
      %dma_wait3A_712 = tpu.memref_slice %arg2[%add3A_588, %add3A_709] : memref<16x327680xi32, #tpu.memory_space<hbm>> -> memref<1x1024xi32, #tpu.memory_space<hbm>>
      %dma_wait3A_713 = tpu.memref_squeeze %dma_wait3A_712 : memref<1x1024xi32, #tpu.memory_space<hbm>> -> memref<1024xi32, #tpu.memory_space<hbm>>
      tpu.wait_dma2 semaphore(%arg16 : memref<!tpu.dma_semaphore, #tpu.memory_space<semaphore_mem>>) src(%dma_wait3A_713 : memref<1024xi32, #tpu.memory_space<hbm>>) dst(%arg9 : memref<1024xi32, #tpu.memory_space<vmem>>)
      %dma_start3A_714 = arith.constant 0 : i32
      %dma_start3A_715 = tpu.memref_slice %arg12[%dma_start3A_714] : memref<1311744xf32, #tpu.memory_space<vmem_shared>> -> memref<1311744xf32, #tpu.memory_space<vmem_shared>>
      tpu.enqueue_indirect_dma source(%arg10 : memref<1024xf32, #tpu.memory_space<vmem>>) target(%dma_start3A_715 : memref<1311744xf32, #tpu.memory_space<vmem_shared>>) offsets(%arg9 : memref<1024xi32, #tpu.memory_space<vmem>>) semaphore(%arg20 : memref<!tpu.dma_semaphore, #tpu.memory_space<semaphore_mem>>) {add = true}
      %dma_wait3A_716 = arith.constant 0 : i32
      %dma_wait3A_717 = tpu.memref_slice %arg12[%dma_wait3A_716] : memref<1311744xf32, #tpu.memory_space<vmem_shared>> -> memref<1311744xf32, #tpu.memory_space<vmem_shared>>
      tpu.wait_indirect_dma semaphore(%arg17 : memref<!tpu.dma_semaphore, #tpu.memory_space<semaphore_mem>>) src(%arg10 : memref<1024xf32, #tpu.memory_space<vmem>>) dst(%dma_wait3A_717 : memref<1311744xf32, #tpu.memory_space<vmem_shared>>)
      %add3A_718 = arith.constant 0 : i32
      %add3A_719 = arith.addi %mul3A_672, %add3A_718 : i32
      %add3A_720 = arith.constant 4 : i32
      %add3A_721 = arith.addi %add3A_719, %add3A_720 : i32
      %lt3A = arith.constant 20 : i32
      %lt3A_722 = arith.cmpi slt, %add3A_721, %lt3A : i32
      %convert_element_type3A = arith.extui %lt3A_722 : i1 to i32
      %cond3A = arith.constant 0 : i32
      %cond3A_723 = arith.cmpi ne, %convert_element_type3A, %cond3A : i32
      scf.if %cond3A_723 {
        %add3A_758 = arith.constant 0 : i32
        %add3A_759 = arith.addi %mul3A_672, %add3A_758 : i32
        %add3A_760 = arith.constant 4 : i32
        %add3A_761 = arith.addi %add3A_759, %add3A_760 : i32
        %mul3A_762 = arith.constant 1024 : i32
        %mul3A_763 = arith.muli %add3A_761, %mul3A_762 : i32
        %add3A_764 = arith.addi %mul3A_0, %mul3A_763 : i32
        %dma_start3A_765 = tpu.memref_slice %arg2[%add3A_588, %add3A_764] : memref<16x327680xi32, #tpu.memory_space<hbm>> -> memref<1x1024xi32, #tpu.memory_space<hbm>>
        %dma_start3A_766 = tpu.memref_squeeze %dma_start3A_765 : memref<1x1024xi32, #tpu.memory_space<hbm>> -> memref<1024xi32, #tpu.memory_space<hbm>>
        %dma_start3A_767 = tpu.memref_slice %arg2[%add3A_588, %add3A_764] : memref<16x327680xi32, #tpu.memory_space<hbm>> -> memref<1x1024xi32, #tpu.memory_space<hbm>>
        %dma_start3A_768 = tpu.memref_squeeze %dma_start3A_767 : memref<1x1024xi32, #tpu.memory_space<hbm>> -> memref<1024xi32, #tpu.memory_space<hbm>>
        tpu.enqueue_dma source(%dma_start3A_768 : memref<1024xi32, #tpu.memory_space<hbm>>) target(%arg6 : memref<1024xi32, #tpu.memory_space<vmem>>) target_semaphore(%arg13 : memref<!tpu.dma_semaphore, #tpu.memory_space<semaphore_mem>>)
      } else {
      }
      %dma_wait3A_724 = arith.constant 0 : i32
      %dma_wait3A_725 = tpu.memref_slice %arg12[%dma_wait3A_724] : memref<1311744xf32, #tpu.memory_space<vmem_shared>> -> memref<1311744xf32, #tpu.memory_space<vmem_shared>>
      tpu.wait_indirect_dma semaphore(%arg18 : memref<!tpu.dma_semaphore, #tpu.memory_space<semaphore_mem>>) src(%arg10 : memref<1024xf32, #tpu.memory_space<vmem>>) dst(%dma_wait3A_725 : memref<1311744xf32, #tpu.memory_space<vmem_shared>>)
      %add3A_726 = arith.constant 1 : i32
      %add3A_727 = arith.addi %mul3A_672, %add3A_726 : i32
      %add3A_728 = arith.constant 4 : i32
      %add3A_729 = arith.addi %add3A_727, %add3A_728 : i32
      %lt3A_730 = arith.constant 20 : i32
      %lt3A_731 = arith.cmpi slt, %add3A_729, %lt3A_730 : i32
      %convert_element_type3A_732 = arith.extui %lt3A_731 : i1 to i32
      %cond3A_733 = arith.constant 0 : i32
      %cond3A_734 = arith.cmpi ne, %convert_element_type3A_732, %cond3A_733 : i32
      scf.if %cond3A_734 {
        %add3A_758 = arith.constant 1 : i32
        %add3A_759 = arith.addi %mul3A_672, %add3A_758 : i32
        %add3A_760 = arith.constant 4 : i32
        %add3A_761 = arith.addi %add3A_759, %add3A_760 : i32
        %mul3A_762 = arith.constant 1024 : i32
        %mul3A_763 = arith.muli %add3A_761, %mul3A_762 : i32
        %add3A_764 = arith.addi %mul3A_0, %mul3A_763 : i32
        %dma_start3A_765 = tpu.memref_slice %arg2[%add3A_588, %add3A_764] : memref<16x327680xi32, #tpu.memory_space<hbm>> -> memref<1x1024xi32, #tpu.memory_space<hbm>>
        %dma_start3A_766 = tpu.memref_squeeze %dma_start3A_765 : memref<1x1024xi32, #tpu.memory_space<hbm>> -> memref<1024xi32, #tpu.memory_space<hbm>>
        %dma_start3A_767 = tpu.memref_slice %arg2[%add3A_588, %add3A_764] : memref<16x327680xi32, #tpu.memory_space<hbm>> -> memref<1x1024xi32, #tpu.memory_space<hbm>>
        %dma_start3A_768 = tpu.memref_squeeze %dma_start3A_767 : memref<1x1024xi32, #tpu.memory_space<hbm>> -> memref<1024xi32, #tpu.memory_space<hbm>>
        tpu.enqueue_dma source(%dma_start3A_768 : memref<1024xi32, #tpu.memory_space<hbm>>) target(%arg7 : memref<1024xi32, #tpu.memory_space<vmem>>) target_semaphore(%arg14 : memref<!tpu.dma_semaphore, #tpu.memory_space<semaphore_mem>>)
      } else {
      }
      %dma_wait3A_735 = arith.constant 0 : i32
      %dma_wait3A_736 = tpu.memref_slice %arg12[%dma_wait3A_735] : memref<1311744xf32, #tpu.memory_space<vmem_shared>> -> memref<1311744xf32, #tpu.memory_space<vmem_shared>>
      tpu.wait_indirect_dma semaphore(%arg19 : memref<!tpu.dma_semaphore, #tpu.memory_space<semaphore_mem>>) src(%arg10 : memref<1024xf32, #tpu.memory_space<vmem>>) dst(%dma_wait3A_736 : memref<1311744xf32, #tpu.memory_space<vmem_shared>>)
      %add3A_737 = arith.constant 2 : i32
      %add3A_738 = arith.addi %mul3A_672, %add3A_737 : i32
      %add3A_739 = arith.constant 4 : i32
      %add3A_740 = arith.addi %add3A_738, %add3A_739 : i32
      %lt3A_741 = arith.constant 20 : i32
      %lt3A_742 = arith.cmpi slt, %add3A_740, %lt3A_741 : i32
      %convert_element_type3A_743 = arith.extui %lt3A_742 : i1 to i32
      %cond3A_744 = arith.constant 0 : i32
      %cond3A_745 = arith.cmpi ne, %convert_element_type3A_743, %cond3A_744 : i32
      scf.if %cond3A_745 {
        %add3A_758 = arith.constant 2 : i32
        %add3A_759 = arith.addi %mul3A_672, %add3A_758 : i32
        %add3A_760 = arith.constant 4 : i32
        %add3A_761 = arith.addi %add3A_759, %add3A_760 : i32
        %mul3A_762 = arith.constant 1024 : i32
        %mul3A_763 = arith.muli %add3A_761, %mul3A_762 : i32
        %add3A_764 = arith.addi %mul3A_0, %mul3A_763 : i32
        %dma_start3A_765 = tpu.memref_slice %arg2[%add3A_588, %add3A_764] : memref<16x327680xi32, #tpu.memory_space<hbm>> -> memref<1x1024xi32, #tpu.memory_space<hbm>>
        %dma_start3A_766 = tpu.memref_squeeze %dma_start3A_765 : memref<1x1024xi32, #tpu.memory_space<hbm>> -> memref<1024xi32, #tpu.memory_space<hbm>>
        %dma_start3A_767 = tpu.memref_slice %arg2[%add3A_588, %add3A_764] : memref<16x327680xi32, #tpu.memory_space<hbm>> -> memref<1x1024xi32, #tpu.memory_space<hbm>>
        %dma_start3A_768 = tpu.memref_squeeze %dma_start3A_767 : memref<1x1024xi32, #tpu.memory_space<hbm>> -> memref<1024xi32, #tpu.memory_space<hbm>>
        tpu.enqueue_dma source(%dma_start3A_768 : memref<1024xi32, #tpu.memory_space<hbm>>) target(%arg8 : memref<1024xi32, #tpu.memory_space<vmem>>) target_semaphore(%arg15 : memref<!tpu.dma_semaphore, #tpu.memory_space<semaphore_mem>>)
      } else {
      }
      %dma_wait3A_746 = arith.constant 0 : i32
      %dma_wait3A_747 = tpu.memref_slice %arg12[%dma_wait3A_746] : memref<1311744xf32, #tpu.memory_space<vmem_shared>> -> memref<1311744xf32, #tpu.memory_space<vmem_shared>>
      tpu.wait_indirect_dma semaphore(%arg20 : memref<!tpu.dma_semaphore, #tpu.memory_space<semaphore_mem>>) src(%arg10 : memref<1024xf32, #tpu.memory_space<vmem>>) dst(%dma_wait3A_747 : memref<1311744xf32, #tpu.memory_space<vmem_shared>>)
      %add3A_748 = arith.constant 3 : i32
      %add3A_749 = arith.addi %mul3A_672, %add3A_748 : i32
      %add3A_750 = arith.constant 4 : i32
      %add3A_751 = arith.addi %add3A_749, %add3A_750 : i32
      %lt3A_752 = arith.constant 20 : i32
      %lt3A_753 = arith.cmpi slt, %add3A_751, %lt3A_752 : i32
      %convert_element_type3A_754 = arith.extui %lt3A_753 : i1 to i32
      %cond3A_755 = arith.constant 0 : i32
      %cond3A_756 = arith.cmpi ne, %convert_element_type3A_754, %cond3A_755 : i32
      scf.if %cond3A_756 {
        %add3A_758 = arith.constant 3 : i32
        %add3A_759 = arith.addi %mul3A_672, %add3A_758 : i32
        %add3A_760 = arith.constant 4 : i32
        %add3A_761 = arith.addi %add3A_759, %add3A_760 : i32
        %mul3A_762 = arith.constant 1024 : i32
        %mul3A_763 = arith.muli %add3A_761, %mul3A_762 : i32
        %add3A_764 = arith.addi %mul3A_0, %mul3A_763 : i32
        %dma_start3A_765 = tpu.memref_slice %arg2[%add3A_588, %add3A_764] : memref<16x327680xi32, #tpu.memory_space<hbm>> -> memref<1x1024xi32, #tpu.memory_space<hbm>>
        %dma_start3A_766 = tpu.memref_squeeze %dma_start3A_765 : memref<1x1024xi32, #tpu.memory_space<hbm>> -> memref<1024xi32, #tpu.memory_space<hbm>>
        %dma_start3A_767 = tpu.memref_slice %arg2[%add3A_588, %add3A_764] : memref<16x327680xi32, #tpu.memory_space<hbm>> -> memref<1x1024xi32, #tpu.memory_space<hbm>>
        %dma_start3A_768 = tpu.memref_squeeze %dma_start3A_767 : memref<1x1024xi32, #tpu.memory_space<hbm>> -> memref<1024xi32, #tpu.memory_space<hbm>>
        tpu.enqueue_dma source(%dma_start3A_768 : memref<1024xi32, #tpu.memory_space<hbm>>) target(%arg9 : memref<1024xi32, #tpu.memory_space<vmem>>) target_semaphore(%arg16 : memref<!tpu.dma_semaphore, #tpu.memory_space<semaphore_mem>>)
      } else {
      }
      %scan3A_757 = arith.constant 0 : i32
      scf.yield %scan3A_757 : i32
    }
    %scan3A_662 = arith.constant 5 : i32
    %barrier3A_663 = arith.constant 0 : index
    tpu.barrier barrier_id(%barrier3A_663)
    %mul3A_664 = arith.constant 81920 : i32
    %mul3A_665 = arith.muli %arg1, %mul3A_664 : i32
    %mul3A_666 = arith.constant 81920 : i32
    %mul3A_667 = arith.muli %arg1, %mul3A_666 : i32
    %add3A_668 = arith.addi %mul3A_590, %mul3A_667 : i32
    "tpu.region"() ({
      %run_scoped3A = tpu.sem_alloc : memref<!tpu.dma_semaphore, #tpu.memory_space<semaphore_mem>>
      %dma_start3A_669 = tpu.memref_slice %arg5[%add3A_668] : memref<20971520xf32, #tpu.memory_space<hbm>> -> memref<81920xf32, #tpu.memory_space<hbm>>
      %dma_start3A_670 = tpu.memref_slice %arg12[%mul3A_665] : memref<1311744xf32, #tpu.memory_space<vmem_shared>> -> memref<81920xf32, #tpu.memory_space<vmem_shared>>
      tpu.enqueue_dma source(%dma_start3A_670 : memref<81920xf32, #tpu.memory_space<vmem_shared>>) target(%dma_start3A_669 : memref<81920xf32, #tpu.memory_space<hbm>>) target_semaphore(%run_scoped3A : memref<!tpu.dma_semaphore, #tpu.memory_space<semaphore_mem>>)
      %dma_wait3A = tpu.memref_slice %arg5[%add3A_668] : memref<20971520xf32, #tpu.memory_space<hbm>> -> memref<81920xf32, #tpu.memory_space<hbm>>
      %dma_wait3A_671 = tpu.memref_slice %arg12[%mul3A_665] : memref<1311744xf32, #tpu.memory_space<vmem_shared>> -> memref<81920xf32, #tpu.memory_space<vmem_shared>>
      tpu.wait_dma2 semaphore(%run_scoped3A : memref<!tpu.dma_semaphore, #tpu.memory_space<semaphore_mem>>) src(%dma_wait3A_671 : memref<81920xf32, #tpu.memory_space<vmem_shared>>) dst(%dma_wait3A : memref<81920xf32, #tpu.memory_space<hbm>>)
      tpu.yield
    }) : () -> ()
    return
  }
}

module attributes {stable_mosaic.version = 14 : i64} {
  func.func @_sidx_body(%arg0: i32, %arg1: memref<512x128xi32, #tpu.memory_space<vmem>>, %arg2: memref<512x128xi32, #tpu.memory_space<vmem>>, %arg3: memref<16x512x128xi32, #tpu.memory_space<vmem>>) attributes {dimension_semantics = [#tpu.dimension_semantics<arbitrary>], iteration_bounds = array<i64: 5>, scalar_prefetch = 0 : i64, scratch_operands = 0 : i64, tpu.core_type = #tpu.core_type<tc>, window_params = [{transform_indices = @transform_0, window_bounds = array<i64: 512, 128>}, {transform_indices = @transform_1, window_bounds = array<i64: 512, 128>}, {transform_indices = @transform_2, window_bounds = array<i64: 16, 512, 128>}]} {
    %iota3A = tpu.iota {dimensions = array<i32: 1>} : vector<512x128xi32>
    %get3A = arith.constant 0 : index
    %get3A_0 = arith.constant 0 : index
    %get3A_1 = vector.load %arg1[%get3A, %get3A_0] : memref<512x128xi32, #tpu.memory_space<vmem>>, vector<512x128xi32>
    %mul3A = arith.constant 2048 : i32
    %mul3A_2 = vector.broadcast %mul3A : i32 to vector<512x128xi32>
    %mul3A_3 = arith.muli %get3A_1, %mul3A_2 : vector<512x128xi32>
    %get3A_4 = arith.constant 0 : index
    %get3A_5 = arith.constant 0 : index
    %get3A_6 = vector.load %arg2[%get3A_4, %get3A_5] : memref<512x128xi32, #tpu.memory_space<vmem>>, vector<512x128xi32>
    %add3A = arith.addi %mul3A_3, %get3A_6 : vector<512x128xi32>
    %sub3A = arith.constant 0 : i32
    %sub3A_7 = vector.broadcast %sub3A : i32 to vector<512x128xi32>
    %sub3A_8 = arith.subi %add3A, %sub3A_7 : vector<512x128xi32>
    %ge3A = arith.constant 0 : i32
    %ge3A_9 = vector.broadcast %ge3A : i32 to vector<512x128xi32>
    %ge3A_10 = arith.cmpi sge, %sub3A_8, %ge3A_9 : vector<512x128xi32>
    %lt3A = arith.constant 1310720 : i32
    %lt3A_11 = vector.broadcast %lt3A : i32 to vector<512x128xi32>
    %lt3A_12 = arith.cmpi slt, %sub3A_8, %lt3A_11 : vector<512x128xi32>
    %and3A = arith.andi %ge3A_10, %lt3A_12 : vector<512x128xi1>
    %add3A_13 = arith.constant 1310720 : i32
    %add3A_14 = vector.broadcast %add3A_13 : i32 to vector<512x128xi32>
    %add3A_15 = arith.addi %add3A_14, %iota3A : vector<512x128xi32>
    %select_n3A = arith.select %and3A, %sub3A_8, %add3A_15 : vector<512x128xi1>, vector<512x128xi32>
    %swap3A = arith.constant 0 : index
    %swap3A_16 = arith.constant 0 : index
    %swap3A_17 = arith.constant 0 : index
    %swap3A_18 = vector.load %arg3[%swap3A, %swap3A_16, %swap3A_17] : memref<16x512x128xi32, #tpu.memory_space<vmem>>, vector<1x512x128xi32>
    %swap3A_19 = vector.shape_cast %swap3A_18 : vector<1x512x128xi32> to vector<512x128xi32>
    %swap3A_20 = vector.shape_cast %select_n3A : vector<512x128xi32> to vector<1x512x128xi32>
    tpu.vector_store %arg3[%swap3A, %swap3A_16, %swap3A_17], %swap3A_20 {strides = array<i32>} : memref<16x512x128xi32, #tpu.memory_space<vmem>>, vector<1x512x128xi32>,
    %sub3A_21 = arith.constant 1310720 : i32
    %sub3A_22 = vector.broadcast %sub3A_21 : i32 to vector<512x128xi32>
    %sub3A_23 = arith.subi %add3A, %sub3A_22 : vector<512x128xi32>
    %ge3A_24 = arith.constant 0 : i32
    %ge3A_25 = vector.broadcast %ge3A_24 : i32 to vector<512x128xi32>
    %ge3A_26 = arith.cmpi sge, %sub3A_23, %ge3A_25 : vector<512x128xi32>
    %lt3A_27 = arith.constant 1310720 : i32
    %lt3A_28 = vector.broadcast %lt3A_27 : i32 to vector<512x128xi32>
    %lt3A_29 = arith.cmpi slt, %sub3A_23, %lt3A_28 : vector<512x128xi32>
    %and3A_30 = arith.andi %ge3A_26, %lt3A_29 : vector<512x128xi1>
    %add3A_31 = arith.constant 1310720 : i32
    %add3A_32 = vector.broadcast %add3A_31 : i32 to vector<512x128xi32>
    %add3A_33 = arith.addi %add3A_32, %iota3A : vector<512x128xi32>
    %select_n3A_34 = arith.select %and3A_30, %sub3A_23, %add3A_33 : vector<512x128xi1>, vector<512x128xi32>
    %swap3A_35 = arith.constant 1 : index
    %swap3A_36 = arith.constant 0 : index
    %swap3A_37 = arith.constant 0 : index
    %swap3A_38 = vector.load %arg3[%swap3A_35, %swap3A_36, %swap3A_37] : memref<16x512x128xi32, #tpu.memory_space<vmem>>, vector<1x512x128xi32>
    %swap3A_39 = vector.shape_cast %swap3A_38 : vector<1x512x128xi32> to vector<512x128xi32>
    %swap3A_40 = vector.shape_cast %select_n3A_34 : vector<512x128xi32> to vector<1x512x128xi32>
    tpu.vector_store %arg3[%swap3A_35, %swap3A_36, %swap3A_37], %swap3A_40 {strides = array<i32>} : memref<16x512x128xi32, #tpu.memory_space<vmem>>, vector<1x512x128xi32>,
    %sub3A_41 = arith.constant 2621440 : i32
    %sub3A_42 = vector.broadcast %sub3A_41 : i32 to vector<512x128xi32>
    %sub3A_43 = arith.subi %add3A, %sub3A_42 : vector<512x128xi32>
    %ge3A_44 = arith.constant 0 : i32
    %ge3A_45 = vector.broadcast %ge3A_44 : i32 to vector<512x128xi32>
    %ge3A_46 = arith.cmpi sge, %sub3A_43, %ge3A_45 : vector<512x128xi32>
    %lt3A_47 = arith.constant 1310720 : i32
    %lt3A_48 = vector.broadcast %lt3A_47 : i32 to vector<512x128xi32>
    %lt3A_49 = arith.cmpi slt, %sub3A_43, %lt3A_48 : vector<512x128xi32>
    %and3A_50 = arith.andi %ge3A_46, %lt3A_49 : vector<512x128xi1>
    %add3A_51 = arith.constant 1310720 : i32
    %add3A_52 = vector.broadcast %add3A_51 : i32 to vector<512x128xi32>
    %add3A_53 = arith.addi %add3A_52, %iota3A : vector<512x128xi32>
    %select_n3A_54 = arith.select %and3A_50, %sub3A_43, %add3A_53 : vector<512x128xi1>, vector<512x128xi32>
    %swap3A_55 = arith.constant 2 : index
    %swap3A_56 = arith.constant 0 : index
    %swap3A_57 = arith.constant 0 : index
    %swap3A_58 = vector.load %arg3[%swap3A_55, %swap3A_56, %swap3A_57] : memref<16x512x128xi32, #tpu.memory_space<vmem>>, vector<1x512x128xi32>
    %swap3A_59 = vector.shape_cast %swap3A_58 : vector<1x512x128xi32> to vector<512x128xi32>
    %swap3A_60 = vector.shape_cast %select_n3A_54 : vector<512x128xi32> to vector<1x512x128xi32>
    tpu.vector_store %arg3[%swap3A_55, %swap3A_56, %swap3A_57], %swap3A_60 {strides = array<i32>} : memref<16x512x128xi32, #tpu.memory_space<vmem>>, vector<1x512x128xi32>,
    %sub3A_61 = arith.constant 3932160 : i32
    %sub3A_62 = vector.broadcast %sub3A_61 : i32 to vector<512x128xi32>
    %sub3A_63 = arith.subi %add3A, %sub3A_62 : vector<512x128xi32>
    %ge3A_64 = arith.constant 0 : i32
    %ge3A_65 = vector.broadcast %ge3A_64 : i32 to vector<512x128xi32>
    %ge3A_66 = arith.cmpi sge, %sub3A_63, %ge3A_65 : vector<512x128xi32>
    %lt3A_67 = arith.constant 1310720 : i32
    %lt3A_68 = vector.broadcast %lt3A_67 : i32 to vector<512x128xi32>
    %lt3A_69 = arith.cmpi slt, %sub3A_63, %lt3A_68 : vector<512x128xi32>
    %and3A_70 = arith.andi %ge3A_66, %lt3A_69 : vector<512x128xi1>
    %add3A_71 = arith.constant 1310720 : i32
    %add3A_72 = vector.broadcast %add3A_71 : i32 to vector<512x128xi32>
    %add3A_73 = arith.addi %add3A_72, %iota3A : vector<512x128xi32>
    %select_n3A_74 = arith.select %and3A_70, %sub3A_63, %add3A_73 : vector<512x128xi1>, vector<512x128xi32>
    %swap3A_75 = arith.constant 3 : index
    %swap3A_76 = arith.constant 0 : index
    %swap3A_77 = arith.constant 0 : index
    %swap3A_78 = vector.load %arg3[%swap3A_75, %swap3A_76, %swap3A_77] : memref<16x512x128xi32, #tpu.memory_space<vmem>>, vector<1x512x128xi32>
    %swap3A_79 = vector.shape_cast %swap3A_78 : vector<1x512x128xi32> to vector<512x128xi32>
    %swap3A_80 = vector.shape_cast %select_n3A_74 : vector<512x128xi32> to vector<1x512x128xi32>
    tpu.vector_store %arg3[%swap3A_75, %swap3A_76, %swap3A_77], %swap3A_80 {strides = array<i32>} : memref<16x512x128xi32, #tpu.memory_space<vmem>>, vector<1x512x128xi32>,
    %sub3A_81 = arith.constant 5242880 : i32
    %sub3A_82 = vector.broadcast %sub3A_81 : i32 to vector<512x128xi32>
    %sub3A_83 = arith.subi %add3A, %sub3A_82 : vector<512x128xi32>
    %ge3A_84 = arith.constant 0 : i32
    %ge3A_85 = vector.broadcast %ge3A_84 : i32 to vector<512x128xi32>
    %ge3A_86 = arith.cmpi sge, %sub3A_83, %ge3A_85 : vector<512x128xi32>
    %lt3A_87 = arith.constant 1310720 : i32
    %lt3A_88 = vector.broadcast %lt3A_87 : i32 to vector<512x128xi32>
    %lt3A_89 = arith.cmpi slt, %sub3A_83, %lt3A_88 : vector<512x128xi32>
    %and3A_90 = arith.andi %ge3A_86, %lt3A_89 : vector<512x128xi1>
    %add3A_91 = arith.constant 1310720 : i32
    %add3A_92 = vector.broadcast %add3A_91 : i32 to vector<512x128xi32>
    %add3A_93 = arith.addi %add3A_92, %iota3A : vector<512x128xi32>
    %select_n3A_94 = arith.select %and3A_90, %sub3A_83, %add3A_93 : vector<512x128xi1>, vector<512x128xi32>
    %swap3A_95 = arith.constant 4 : index
    %swap3A_96 = arith.constant 0 : index
    %swap3A_97 = arith.constant 0 : index
    %swap3A_98 = vector.load %arg3[%swap3A_95, %swap3A_96, %swap3A_97] : memref<16x512x128xi32, #tpu.memory_space<vmem>>, vector<1x512x128xi32>
    %swap3A_99 = vector.shape_cast %swap3A_98 : vector<1x512x128xi32> to vector<512x128xi32>
    %swap3A_100 = vector.shape_cast %select_n3A_94 : vector<512x128xi32> to vector<1x512x128xi32>
    tpu.vector_store %arg3[%swap3A_95, %swap3A_96, %swap3A_97], %swap3A_100 {strides = array<i32>} : memref<16x512x128xi32, #tpu.memory_space<vmem>>, vector<1x512x128xi32>,
    %sub3A_101 = arith.constant 6553600 : i32
    %sub3A_102 = vector.broadcast %sub3A_101 : i32 to vector<512x128xi32>
    %sub3A_103 = arith.subi %add3A, %sub3A_102 : vector<512x128xi32>
    %ge3A_104 = arith.constant 0 : i32
    %ge3A_105 = vector.broadcast %ge3A_104 : i32 to vector<512x128xi32>
    %ge3A_106 = arith.cmpi sge, %sub3A_103, %ge3A_105 : vector<512x128xi32>
    %lt3A_107 = arith.constant 1310720 : i32
    %lt3A_108 = vector.broadcast %lt3A_107 : i32 to vector<512x128xi32>
    %lt3A_109 = arith.cmpi slt, %sub3A_103, %lt3A_108 : vector<512x128xi32>
    %and3A_110 = arith.andi %ge3A_106, %lt3A_109 : vector<512x128xi1>
    %add3A_111 = arith.constant 1310720 : i32
    %add3A_112 = vector.broadcast %add3A_111 : i32 to vector<512x128xi32>
    %add3A_113 = arith.addi %add3A_112, %iota3A : vector<512x128xi32>
    %select_n3A_114 = arith.select %and3A_110, %sub3A_103, %add3A_113 : vector<512x128xi1>, vector<512x128xi32>
    %swap3A_115 = arith.constant 5 : index
    %swap3A_116 = arith.constant 0 : index
    %swap3A_117 = arith.constant 0 : index
    %swap3A_118 = vector.load %arg3[%swap3A_115, %swap3A_116, %swap3A_117] : memref<16x512x128xi32, #tpu.memory_space<vmem>>, vector<1x512x128xi32>
    %swap3A_119 = vector.shape_cast %swap3A_118 : vector<1x512x128xi32> to vector<512x128xi32>
    %swap3A_120 = vector.shape_cast %select_n3A_114 : vector<512x128xi32> to vector<1x512x128xi32>
    tpu.vector_store %arg3[%swap3A_115, %swap3A_116, %swap3A_117], %swap3A_120 {strides = array<i32>} : memref<16x512x128xi32, #tpu.memory_space<vmem>>, vector<1x512x128xi32>,
    %sub3A_121 = arith.constant 7864320 : i32
    %sub3A_122 = vector.broadcast %sub3A_121 : i32 to vector<512x128xi32>
    %sub3A_123 = arith.subi %add3A, %sub3A_122 : vector<512x128xi32>
    %ge3A_124 = arith.constant 0 : i32
    %ge3A_125 = vector.broadcast %ge3A_124 : i32 to vector<512x128xi32>
    %ge3A_126 = arith.cmpi sge, %sub3A_123, %ge3A_125 : vector<512x128xi32>
    %lt3A_127 = arith.constant 1310720 : i32
    %lt3A_128 = vector.broadcast %lt3A_127 : i32 to vector<512x128xi32>
    %lt3A_129 = arith.cmpi slt, %sub3A_123, %lt3A_128 : vector<512x128xi32>
    %and3A_130 = arith.andi %ge3A_126, %lt3A_129 : vector<512x128xi1>
    %add3A_131 = arith.constant 1310720 : i32
    %add3A_132 = vector.broadcast %add3A_131 : i32 to vector<512x128xi32>
    %add3A_133 = arith.addi %add3A_132, %iota3A : vector<512x128xi32>
    %select_n3A_134 = arith.select %and3A_130, %sub3A_123, %add3A_133 : vector<512x128xi1>, vector<512x128xi32>
    %swap3A_135 = arith.constant 6 : index
    %swap3A_136 = arith.constant 0 : index
    %swap3A_137 = arith.constant 0 : index
    %swap3A_138 = vector.load %arg3[%swap3A_135, %swap3A_136, %swap3A_137] : memref<16x512x128xi32, #tpu.memory_space<vmem>>, vector<1x512x128xi32>
    %swap3A_139 = vector.shape_cast %swap3A_138 : vector<1x512x128xi32> to vector<512x128xi32>
    %swap3A_140 = vector.shape_cast %select_n3A_134 : vector<512x128xi32> to vector<1x512x128xi32>
    tpu.vector_store %arg3[%swap3A_135, %swap3A_136, %swap3A_137], %swap3A_140 {strides = array<i32>} : memref<16x512x128xi32, #tpu.memory_space<vmem>>, vector<1x512x128xi32>,
    %sub3A_141 = arith.constant 9175040 : i32
    %sub3A_142 = vector.broadcast %sub3A_141 : i32 to vector<512x128xi32>
    %sub3A_143 = arith.subi %add3A, %sub3A_142 : vector<512x128xi32>
    %ge3A_144 = arith.constant 0 : i32
    %ge3A_145 = vector.broadcast %ge3A_144 : i32 to vector<512x128xi32>
    %ge3A_146 = arith.cmpi sge, %sub3A_143, %ge3A_145 : vector<512x128xi32>
    %lt3A_147 = arith.constant 1310720 : i32
    %lt3A_148 = vector.broadcast %lt3A_147 : i32 to vector<512x128xi32>
    %lt3A_149 = arith.cmpi slt, %sub3A_143, %lt3A_148 : vector<512x128xi32>
    %and3A_150 = arith.andi %ge3A_146, %lt3A_149 : vector<512x128xi1>
    %add3A_151 = arith.constant 1310720 : i32
    %add3A_152 = vector.broadcast %add3A_151 : i32 to vector<512x128xi32>
    %add3A_153 = arith.addi %add3A_152, %iota3A : vector<512x128xi32>
    %select_n3A_154 = arith.select %and3A_150, %sub3A_143, %add3A_153 : vector<512x128xi1>, vector<512x128xi32>
    %swap3A_155 = arith.constant 7 : index
    %swap3A_156 = arith.constant 0 : index
    %swap3A_157 = arith.constant 0 : index
    %swap3A_158 = vector.load %arg3[%swap3A_155, %swap3A_156, %swap3A_157] : memref<16x512x128xi32, #tpu.memory_space<vmem>>, vector<1x512x128xi32>
    %swap3A_159 = vector.shape_cast %swap3A_158 : vector<1x512x128xi32> to vector<512x128xi32>
    %swap3A_160 = vector.shape_cast %select_n3A_154 : vector<512x128xi32> to vector<1x512x128xi32>
    tpu.vector_store %arg3[%swap3A_155, %swap3A_156, %swap3A_157], %swap3A_160 {strides = array<i32>} : memref<16x512x128xi32, #tpu.memory_space<vmem>>, vector<1x512x128xi32>,
    %sub3A_161 = arith.constant 10485760 : i32
    %sub3A_162 = vector.broadcast %sub3A_161 : i32 to vector<512x128xi32>
    %sub3A_163 = arith.subi %add3A, %sub3A_162 : vector<512x128xi32>
    %ge3A_164 = arith.constant 0 : i32
    %ge3A_165 = vector.broadcast %ge3A_164 : i32 to vector<512x128xi32>
    %ge3A_166 = arith.cmpi sge, %sub3A_163, %ge3A_165 : vector<512x128xi32>
    %lt3A_167 = arith.constant 1310720 : i32
    %lt3A_168 = vector.broadcast %lt3A_167 : i32 to vector<512x128xi32>
    %lt3A_169 = arith.cmpi slt, %sub3A_163, %lt3A_168 : vector<512x128xi32>
    %and3A_170 = arith.andi %ge3A_166, %lt3A_169 : vector<512x128xi1>
    %add3A_171 = arith.constant 1310720 : i32
    %add3A_172 = vector.broadcast %add3A_171 : i32 to vector<512x128xi32>
    %add3A_173 = arith.addi %add3A_172, %iota3A : vector<512x128xi32>
    %select_n3A_174 = arith.select %and3A_170, %sub3A_163, %add3A_173 : vector<512x128xi1>, vector<512x128xi32>
    %swap3A_175 = arith.constant 8 : index
    %swap3A_176 = arith.constant 0 : index
    %swap3A_177 = arith.constant 0 : index
    %swap3A_178 = vector.load %arg3[%swap3A_175, %swap3A_176, %swap3A_177] : memref<16x512x128xi32, #tpu.memory_space<vmem>>, vector<1x512x128xi32>
    %swap3A_179 = vector.shape_cast %swap3A_178 : vector<1x512x128xi32> to vector<512x128xi32>
    %swap3A_180 = vector.shape_cast %select_n3A_174 : vector<512x128xi32> to vector<1x512x128xi32>
    tpu.vector_store %arg3[%swap3A_175, %swap3A_176, %swap3A_177], %swap3A_180 {strides = array<i32>} : memref<16x512x128xi32, #tpu.memory_space<vmem>>, vector<1x512x128xi32>,
    %sub3A_181 = arith.constant 11796480 : i32
    %sub3A_182 = vector.broadcast %sub3A_181 : i32 to vector<512x128xi32>
    %sub3A_183 = arith.subi %add3A, %sub3A_182 : vector<512x128xi32>
    %ge3A_184 = arith.constant 0 : i32
    %ge3A_185 = vector.broadcast %ge3A_184 : i32 to vector<512x128xi32>
    %ge3A_186 = arith.cmpi sge, %sub3A_183, %ge3A_185 : vector<512x128xi32>
    %lt3A_187 = arith.constant 1310720 : i32
    %lt3A_188 = vector.broadcast %lt3A_187 : i32 to vector<512x128xi32>
    %lt3A_189 = arith.cmpi slt, %sub3A_183, %lt3A_188 : vector<512x128xi32>
    %and3A_190 = arith.andi %ge3A_186, %lt3A_189 : vector<512x128xi1>
    %add3A_191 = arith.constant 1310720 : i32
    %add3A_192 = vector.broadcast %add3A_191 : i32 to vector<512x128xi32>
    %add3A_193 = arith.addi %add3A_192, %iota3A : vector<512x128xi32>
    %select_n3A_194 = arith.select %and3A_190, %sub3A_183, %add3A_193 : vector<512x128xi1>, vector<512x128xi32>
    %swap3A_195 = arith.constant 9 : index
    %swap3A_196 = arith.constant 0 : index
    %swap3A_197 = arith.constant 0 : index
    %swap3A_198 = vector.load %arg3[%swap3A_195, %swap3A_196, %swap3A_197] : memref<16x512x128xi32, #tpu.memory_space<vmem>>, vector<1x512x128xi32>
    %swap3A_199 = vector.shape_cast %swap3A_198 : vector<1x512x128xi32> to vector<512x128xi32>
    %swap3A_200 = vector.shape_cast %select_n3A_194 : vector<512x128xi32> to vector<1x512x128xi32>
    tpu.vector_store %arg3[%swap3A_195, %swap3A_196, %swap3A_197], %swap3A_200 {strides = array<i32>} : memref<16x512x128xi32, #tpu.memory_space<vmem>>, vector<1x512x128xi32>,
    %sub3A_201 = arith.constant 13107200 : i32
    %sub3A_202 = vector.broadcast %sub3A_201 : i32 to vector<512x128xi32>
    %sub3A_203 = arith.subi %add3A, %sub3A_202 : vector<512x128xi32>
    %ge3A_204 = arith.constant 0 : i32
    %ge3A_205 = vector.broadcast %ge3A_204 : i32 to vector<512x128xi32>
    %ge3A_206 = arith.cmpi sge, %sub3A_203, %ge3A_205 : vector<512x128xi32>
    %lt3A_207 = arith.constant 1310720 : i32
    %lt3A_208 = vector.broadcast %lt3A_207 : i32 to vector<512x128xi32>
    %lt3A_209 = arith.cmpi slt, %sub3A_203, %lt3A_208 : vector<512x128xi32>
    %and3A_210 = arith.andi %ge3A_206, %lt3A_209 : vector<512x128xi1>
    %add3A_211 = arith.constant 1310720 : i32
    %add3A_212 = vector.broadcast %add3A_211 : i32 to vector<512x128xi32>
    %add3A_213 = arith.addi %add3A_212, %iota3A : vector<512x128xi32>
    %select_n3A_214 = arith.select %and3A_210, %sub3A_203, %add3A_213 : vector<512x128xi1>, vector<512x128xi32>
    %swap3A_215 = arith.constant 10 : index
    %swap3A_216 = arith.constant 0 : index
    %swap3A_217 = arith.constant 0 : index
    %swap3A_218 = vector.load %arg3[%swap3A_215, %swap3A_216, %swap3A_217] : memref<16x512x128xi32, #tpu.memory_space<vmem>>, vector<1x512x128xi32>
    %swap3A_219 = vector.shape_cast %swap3A_218 : vector<1x512x128xi32> to vector<512x128xi32>
    %swap3A_220 = vector.shape_cast %select_n3A_214 : vector<512x128xi32> to vector<1x512x128xi32>
    tpu.vector_store %arg3[%swap3A_215, %swap3A_216, %swap3A_217], %swap3A_220 {strides = array<i32>} : memref<16x512x128xi32, #tpu.memory_space<vmem>>, vector<1x512x128xi32>,
    %sub3A_221 = arith.constant 14417920 : i32
    %sub3A_222 = vector.broadcast %sub3A_221 : i32 to vector<512x128xi32>
    %sub3A_223 = arith.subi %add3A, %sub3A_222 : vector<512x128xi32>
    %ge3A_224 = arith.constant 0 : i32
    %ge3A_225 = vector.broadcast %ge3A_224 : i32 to vector<512x128xi32>
    %ge3A_226 = arith.cmpi sge, %sub3A_223, %ge3A_225 : vector<512x128xi32>
    %lt3A_227 = arith.constant 1310720 : i32
    %lt3A_228 = vector.broadcast %lt3A_227 : i32 to vector<512x128xi32>
    %lt3A_229 = arith.cmpi slt, %sub3A_223, %lt3A_228 : vector<512x128xi32>
    %and3A_230 = arith.andi %ge3A_226, %lt3A_229 : vector<512x128xi1>
    %add3A_231 = arith.constant 1310720 : i32
    %add3A_232 = vector.broadcast %add3A_231 : i32 to vector<512x128xi32>
    %add3A_233 = arith.addi %add3A_232, %iota3A : vector<512x128xi32>
    %select_n3A_234 = arith.select %and3A_230, %sub3A_223, %add3A_233 : vector<512x128xi1>, vector<512x128xi32>
    %swap3A_235 = arith.constant 11 : index
    %swap3A_236 = arith.constant 0 : index
    %swap3A_237 = arith.constant 0 : index
    %swap3A_238 = vector.load %arg3[%swap3A_235, %swap3A_236, %swap3A_237] : memref<16x512x128xi32, #tpu.memory_space<vmem>>, vector<1x512x128xi32>
    %swap3A_239 = vector.shape_cast %swap3A_238 : vector<1x512x128xi32> to vector<512x128xi32>
    %swap3A_240 = vector.shape_cast %select_n3A_234 : vector<512x128xi32> to vector<1x512x128xi32>
    tpu.vector_store %arg3[%swap3A_235, %swap3A_236, %swap3A_237], %swap3A_240 {strides = array<i32>} : memref<16x512x128xi32, #tpu.memory_space<vmem>>, vector<1x512x128xi32>,
    %sub3A_241 = arith.constant 15728640 : i32
    %sub3A_242 = vector.broadcast %sub3A_241 : i32 to vector<512x128xi32>
    %sub3A_243 = arith.subi %add3A, %sub3A_242 : vector<512x128xi32>
    %ge3A_244 = arith.constant 0 : i32
    %ge3A_245 = vector.broadcast %ge3A_244 : i32 to vector<512x128xi32>
    %ge3A_246 = arith.cmpi sge, %sub3A_243, %ge3A_245 : vector<512x128xi32>
    %lt3A_247 = arith.constant 1310720 : i32
    %lt3A_248 = vector.broadcast %lt3A_247 : i32 to vector<512x128xi32>
    %lt3A_249 = arith.cmpi slt, %sub3A_243, %lt3A_248 : vector<512x128xi32>
    %and3A_250 = arith.andi %ge3A_246, %lt3A_249 : vector<512x128xi1>
    %add3A_251 = arith.constant 1310720 : i32
    %add3A_252 = vector.broadcast %add3A_251 : i32 to vector<512x128xi32>
    %add3A_253 = arith.addi %add3A_252, %iota3A : vector<512x128xi32>
    %select_n3A_254 = arith.select %and3A_250, %sub3A_243, %add3A_253 : vector<512x128xi1>, vector<512x128xi32>
    %swap3A_255 = arith.constant 12 : index
    %swap3A_256 = arith.constant 0 : index
    %swap3A_257 = arith.constant 0 : index
    %swap3A_258 = vector.load %arg3[%swap3A_255, %swap3A_256, %swap3A_257] : memref<16x512x128xi32, #tpu.memory_space<vmem>>, vector<1x512x128xi32>
    %swap3A_259 = vector.shape_cast %swap3A_258 : vector<1x512x128xi32> to vector<512x128xi32>
    %swap3A_260 = vector.shape_cast %select_n3A_254 : vector<512x128xi32> to vector<1x512x128xi32>
    tpu.vector_store %arg3[%swap3A_255, %swap3A_256, %swap3A_257], %swap3A_260 {strides = array<i32>} : memref<16x512x128xi32, #tpu.memory_space<vmem>>, vector<1x512x128xi32>,
    %sub3A_261 = arith.constant 17039360 : i32
    %sub3A_262 = vector.broadcast %sub3A_261 : i32 to vector<512x128xi32>
    %sub3A_263 = arith.subi %add3A, %sub3A_262 : vector<512x128xi32>
    %ge3A_264 = arith.constant 0 : i32
    %ge3A_265 = vector.broadcast %ge3A_264 : i32 to vector<512x128xi32>
    %ge3A_266 = arith.cmpi sge, %sub3A_263, %ge3A_265 : vector<512x128xi32>
    %lt3A_267 = arith.constant 1310720 : i32
    %lt3A_268 = vector.broadcast %lt3A_267 : i32 to vector<512x128xi32>
    %lt3A_269 = arith.cmpi slt, %sub3A_263, %lt3A_268 : vector<512x128xi32>
    %and3A_270 = arith.andi %ge3A_266, %lt3A_269 : vector<512x128xi1>
    %add3A_271 = arith.constant 1310720 : i32
    %add3A_272 = vector.broadcast %add3A_271 : i32 to vector<512x128xi32>
    %add3A_273 = arith.addi %add3A_272, %iota3A : vector<512x128xi32>
    %select_n3A_274 = arith.select %and3A_270, %sub3A_263, %add3A_273 : vector<512x128xi1>, vector<512x128xi32>
    %swap3A_275 = arith.constant 13 : index
    %swap3A_276 = arith.constant 0 : index
    %swap3A_277 = arith.constant 0 : index
    %swap3A_278 = vector.load %arg3[%swap3A_275, %swap3A_276, %swap3A_277] : memref<16x512x128xi32, #tpu.memory_space<vmem>>, vector<1x512x128xi32>
    %swap3A_279 = vector.shape_cast %swap3A_278 : vector<1x512x128xi32> to vector<512x128xi32>
    %swap3A_280 = vector.shape_cast %select_n3A_274 : vector<512x128xi32> to vector<1x512x128xi32>
    tpu.vector_store %arg3[%swap3A_275, %swap3A_276, %swap3A_277], %swap3A_280 {strides = array<i32>} : memref<16x512x128xi32, #tpu.memory_space<vmem>>, vector<1x512x128xi32>,
    %sub3A_281 = arith.constant 18350080 : i32
    %sub3A_282 = vector.broadcast %sub3A_281 : i32 to vector<512x128xi32>
    %sub3A_283 = arith.subi %add3A, %sub3A_282 : vector<512x128xi32>
    %ge3A_284 = arith.constant 0 : i32
    %ge3A_285 = vector.broadcast %ge3A_284 : i32 to vector<512x128xi32>
    %ge3A_286 = arith.cmpi sge, %sub3A_283, %ge3A_285 : vector<512x128xi32>
    %lt3A_287 = arith.constant 1310720 : i32
    %lt3A_288 = vector.broadcast %lt3A_287 : i32 to vector<512x128xi32>
    %lt3A_289 = arith.cmpi slt, %sub3A_283, %lt3A_288 : vector<512x128xi32>
    %and3A_290 = arith.andi %ge3A_286, %lt3A_289 : vector<512x128xi1>
    %add3A_291 = arith.constant 1310720 : i32
    %add3A_292 = vector.broadcast %add3A_291 : i32 to vector<512x128xi32>
    %add3A_293 = arith.addi %add3A_292, %iota3A : vector<512x128xi32>
    %select_n3A_294 = arith.select %and3A_290, %sub3A_283, %add3A_293 : vector<512x128xi1>, vector<512x128xi32>
    %swap3A_295 = arith.constant 14 : index
    %swap3A_296 = arith.constant 0 : index
    %swap3A_297 = arith.constant 0 : index
    %swap3A_298 = vector.load %arg3[%swap3A_295, %swap3A_296, %swap3A_297] : memref<16x512x128xi32, #tpu.memory_space<vmem>>, vector<1x512x128xi32>
    %swap3A_299 = vector.shape_cast %swap3A_298 : vector<1x512x128xi32> to vector<512x128xi32>
    %swap3A_300 = vector.shape_cast %select_n3A_294 : vector<512x128xi32> to vector<1x512x128xi32>
    tpu.vector_store %arg3[%swap3A_295, %swap3A_296, %swap3A_297], %swap3A_300 {strides = array<i32>} : memref<16x512x128xi32, #tpu.memory_space<vmem>>, vector<1x512x128xi32>,
    %sub3A_301 = arith.constant 19660800 : i32
    %sub3A_302 = vector.broadcast %sub3A_301 : i32 to vector<512x128xi32>
    %sub3A_303 = arith.subi %add3A, %sub3A_302 : vector<512x128xi32>
    %ge3A_304 = arith.constant 0 : i32
    %ge3A_305 = vector.broadcast %ge3A_304 : i32 to vector<512x128xi32>
    %ge3A_306 = arith.cmpi sge, %sub3A_303, %ge3A_305 : vector<512x128xi32>
    %lt3A_307 = arith.constant 1310720 : i32
    %lt3A_308 = vector.broadcast %lt3A_307 : i32 to vector<512x128xi32>
    %lt3A_309 = arith.cmpi slt, %sub3A_303, %lt3A_308 : vector<512x128xi32>
    %and3A_310 = arith.andi %ge3A_306, %lt3A_309 : vector<512x128xi1>
    %add3A_311 = arith.constant 1310720 : i32
    %add3A_312 = vector.broadcast %add3A_311 : i32 to vector<512x128xi32>
    %add3A_313 = arith.addi %add3A_312, %iota3A : vector<512x128xi32>
    %select_n3A_314 = arith.select %and3A_310, %sub3A_303, %add3A_313 : vector<512x128xi1>, vector<512x128xi32>
    %swap3A_315 = arith.constant 15 : index
    %swap3A_316 = arith.constant 0 : index
    %swap3A_317 = arith.constant 0 : index
    %swap3A_318 = vector.load %arg3[%swap3A_315, %swap3A_316, %swap3A_317] : memref<16x512x128xi32, #tpu.memory_space<vmem>>, vector<1x512x128xi32>
    %swap3A_319 = vector.shape_cast %swap3A_318 : vector<1x512x128xi32> to vector<512x128xi32>
    %swap3A_320 = vector.shape_cast %select_n3A_314 : vector<512x128xi32> to vector<1x512x128xi32>
    tpu.vector_store %arg3[%swap3A_315, %swap3A_316, %swap3A_317], %swap3A_320 {strides = array<i32>} : memref<16x512x128xi32, #tpu.memory_space<vmem>>, vector<1x512x128xi32>,
    return
  }
  func.func @transform_0(%arg0: i32) -> (i32, i32) {
    %c0_i32 = arith.constant 0 : i32
    %c0_i32_0 = arith.constant 0 : i32
    return %arg0, %c0_i32 : i32, i32
  }
  func.func @transform_1(%arg0: i32) -> (i32, i32) {
    %c0_i32 = arith.constant 0 : i32
    %c0_i32_0 = arith.constant 0 : i32
    return %arg0, %c0_i32 : i32, i32
  }
  func.func @transform_2(%arg0: i32) -> (i32, i32, i32) {
    %c0_i32 = arith.constant 0 : i32
    %c0_i32_0 = arith.constant 0 : i32
    %c0_i32_1 = arith.constant 0 : i32
    return %c0_i32, %arg0, %c0_i32_0 : i32, i32, i32
  }
}

module attributes {stable_mosaic.version = 14 : i64} {
  func.func @_proj_body(%arg0: memref<2048x128xf32, #tpu.memory_space<vmem>>, %arg1: memref<10240x128xf32, #tpu.memory_space<vmem>>, %arg2: memref<128x128xf32, #tpu.memory_space<vmem>>, %arg3: memref<1x128xf32, #tpu.memory_space<vmem>>, %arg4: memref<128x128xf32, #tpu.memory_space<vmem>>, %arg5: memref<1x128xf32, #tpu.memory_space<vmem>>, %arg6: memref<128x128xf32, #tpu.memory_space<vmem>>, %arg7: memref<1x128xf32, #tpu.memory_space<vmem>>, %arg8: memref<128x128xf32, #tpu.memory_space<vmem>>, %arg9: memref<1x128xf32, #tpu.memory_space<vmem>>, %arg10: memref<128x128xf32, #tpu.memory_space<vmem>>, %arg11: memref<1x128xf32, #tpu.memory_space<vmem>>, %arg12: memref<2048x128xbf16, #tpu.memory_space<vmem>>, %arg13: memref<2048x128xbf16, #tpu.memory_space<vmem>>, %arg14: memref<10240x128xbf16, #tpu.memory_space<vmem>>, %arg15: memref<2048x128xbf16, #tpu.memory_space<vmem>>) attributes {dimension_semantics = [], scalar_prefetch = 0 : i64, scratch_operands = 0 : i64, tpu.core_type = #tpu.core_type<tc>} {
    %get3A = arith.constant 0 : index
    %get3A_0 = arith.constant 0 : index
    %get3A_1 = vector.load %arg0[%get3A, %get3A_0] : memref<2048x128xf32, #tpu.memory_space<vmem>>, vector<2048x128xf32>
    %get3A_2 = arith.constant 0 : index
    %get3A_3 = arith.constant 0 : index
    %get3A_4 = vector.load %arg2[%get3A_2, %get3A_3] : memref<128x128xf32, #tpu.memory_space<vmem>>, vector<128x128xf32>
    %dot_general3A = arith.constant dense<0.000000e+00> : vector<2048x128xf32>
    %dot_general3A_5 = tpu.matmul %get3A_1, %get3A_4, %dot_general3A {dimension_numbers = #tpu.dot_dimension_numbers<[1], [0], [0], [1], [0, 0, 1, 1], [], []>, transpose_lhs_hint = false} : vector<2048x128xf32>, vector<128x128xf32>, vector<2048x128xf32> -> vector<2048x128xf32>
    %get3A_6 = arith.constant 0 : index
    %get3A_7 = arith.constant 0 : index
    %get3A_8 = vector.load %arg3[%get3A_6, %get3A_7] : memref<1x128xf32, #tpu.memory_space<vmem>>, vector<1x128xf32>
    %add3A = vector.broadcast %get3A_8 : vector<1x128xf32> to vector<2048x128xf32>
    %add3A_9 = arith.addf %dot_general3A_5, %add3A : vector<2048x128xf32>
    %get3A_10 = arith.constant 0 : index
    %get3A_11 = arith.constant 0 : index
    %get3A_12 = vector.load %arg4[%get3A_10, %get3A_11] : memref<128x128xf32, #tpu.memory_space<vmem>>, vector<128x128xf32>
    %dot_general3A_13 = arith.constant dense<0.000000e+00> : vector<2048x128xf32>
    %dot_general3A_14 = tpu.matmul %add3A_9, %get3A_12, %dot_general3A_13 {dimension_numbers = #tpu.dot_dimension_numbers<[1], [0], [0], [1], [0, 0, 1, 1], [], []>, transpose_lhs_hint = false} : vector<2048x128xf32>, vector<128x128xf32>, vector<2048x128xf32> -> vector<2048x128xf32>
    %get3A_15 = arith.constant 0 : index
    %get3A_16 = arith.constant 0 : index
    %get3A_17 = vector.load %arg5[%get3A_15, %get3A_16] : memref<1x128xf32, #tpu.memory_space<vmem>>, vector<1x128xf32>
    %add3A_18 = vector.broadcast %get3A_17 : vector<1x128xf32> to vector<2048x128xf32>
    %add3A_19 = arith.addf %dot_general3A_14, %add3A_18 : vector<2048x128xf32>
    %get3A_20 = arith.constant 0 : index
    %get3A_21 = arith.constant 0 : index
    %get3A_22 = vector.load %arg6[%get3A_20, %get3A_21] : memref<128x128xf32, #tpu.memory_space<vmem>>, vector<128x128xf32>
    %dot_general3A_23 = arith.constant dense<0.000000e+00> : vector<2048x128xf32>
    %dot_general3A_24 = tpu.matmul %add3A_9, %get3A_22, %dot_general3A_23 {dimension_numbers = #tpu.dot_dimension_numbers<[1], [0], [0], [1], [0, 0, 1, 1], [], []>, transpose_lhs_hint = false} : vector<2048x128xf32>, vector<128x128xf32>, vector<2048x128xf32> -> vector<2048x128xf32>
    %get3A_25 = arith.constant 0 : index
    %get3A_26 = arith.constant 0 : index
    %get3A_27 = vector.load %arg7[%get3A_25, %get3A_26] : memref<1x128xf32, #tpu.memory_space<vmem>>, vector<1x128xf32>
    %add3A_28 = vector.broadcast %get3A_27 : vector<1x128xf32> to vector<2048x128xf32>
    %add3A_29 = arith.addf %dot_general3A_24, %add3A_28 : vector<2048x128xf32>
    %get3A_30 = arith.constant 0 : index
    %get3A_31 = arith.constant 0 : index
    %get3A_32 = vector.load %arg1[%get3A_30, %get3A_31] : memref<10240x128xf32, #tpu.memory_space<vmem>>, vector<10240x128xf32>
    %get3A_33 = arith.constant 0 : index
    %get3A_34 = arith.constant 0 : index
    %get3A_35 = vector.load %arg8[%get3A_33, %get3A_34] : memref<128x128xf32, #tpu.memory_space<vmem>>, vector<128x128xf32>
    %dot_general3A_36 = arith.constant dense<0.000000e+00> : vector<10240x128xf32>
    %dot_general3A_37 = tpu.matmul %get3A_32, %get3A_35, %dot_general3A_36 {dimension_numbers = #tpu.dot_dimension_numbers<[1], [0], [0], [1], [0, 0, 1, 1], [], []>, transpose_lhs_hint = false} : vector<10240x128xf32>, vector<128x128xf32>, vector<10240x128xf32> -> vector<10240x128xf32>
    %get3A_38 = arith.constant 0 : index
    %get3A_39 = arith.constant 0 : index
    %get3A_40 = vector.load %arg9[%get3A_38, %get3A_39] : memref<1x128xf32, #tpu.memory_space<vmem>>, vector<1x128xf32>
    %add3A_41 = vector.broadcast %get3A_40 : vector<1x128xf32> to vector<10240x128xf32>
    %add3A_42 = arith.addf %dot_general3A_37, %add3A_41 : vector<10240x128xf32>
    %get3A_43 = arith.constant 0 : index
    %get3A_44 = arith.constant 0 : index
    %get3A_45 = vector.load %arg10[%get3A_43, %get3A_44] : memref<128x128xf32, #tpu.memory_space<vmem>>, vector<128x128xf32>
    %dot_general3A_46 = arith.constant dense<0.000000e+00> : vector<2048x128xf32>
    %dot_general3A_47 = tpu.matmul %add3A_9, %get3A_45, %dot_general3A_46 {dimension_numbers = #tpu.dot_dimension_numbers<[1], [0], [0], [1], [0, 0, 1, 1], [], []>, transpose_lhs_hint = false} : vector<2048x128xf32>, vector<128x128xf32>, vector<2048x128xf32> -> vector<2048x128xf32>
    %get3A_48 = arith.constant 0 : index
    %get3A_49 = arith.constant 0 : index
    %get3A_50 = vector.load %arg11[%get3A_48, %get3A_49] : memref<1x128xf32, #tpu.memory_space<vmem>>, vector<1x128xf32>
    %add3A_51 = vector.broadcast %get3A_50 : vector<1x128xf32> to vector<2048x128xf32>
    %add3A_52 = arith.addf %dot_general3A_47, %add3A_51 : vector<2048x128xf32>
    %convert_element_type3A = arith.truncf %add3A_19 : vector<2048x128xf32> to vector<2048x128xbf16>
    %swap3A = arith.constant 0 : index
    %swap3A_53 = arith.constant 0 : index
    %swap3A_54 = vector.load %arg12[%swap3A, %swap3A_53] : memref<2048x128xbf16, #tpu.memory_space<vmem>>, vector<2048x128xbf16>
    tpu.vector_store %arg12[%swap3A, %swap3A_53], %convert_element_type3A {strides = array<i32>} : memref<2048x128xbf16, #tpu.memory_space<vmem>>, vector<2048x128xbf16>,
    %convert_element_type3A_55 = arith.truncf %add3A_29 : vector<2048x128xf32> to vector<2048x128xbf16>
    %swap3A_56 = arith.constant 0 : index
    %swap3A_57 = arith.constant 0 : index
    %swap3A_58 = vector.load %arg13[%swap3A_56, %swap3A_57] : memref<2048x128xbf16, #tpu.memory_space<vmem>>, vector<2048x128xbf16>
    tpu.vector_store %arg13[%swap3A_56, %swap3A_57], %convert_element_type3A_55 {strides = array<i32>} : memref<2048x128xbf16, #tpu.memory_space<vmem>>, vector<2048x128xbf16>,
    %mul3A = arith.constant 0.127517432 : f32
    %mul3A_59 = vector.broadcast %mul3A : f32 to vector<10240x128xf32>
    %mul3A_60 = arith.mulf %add3A_42, %mul3A_59 : vector<10240x128xf32>
    %convert_element_type3A_61 = arith.truncf %mul3A_60 : vector<10240x128xf32> to vector<10240x128xbf16>
    %swap3A_62 = arith.constant 0 : index
    %swap3A_63 = arith.constant 0 : index
    %swap3A_64 = vector.load %arg14[%swap3A_62, %swap3A_63] : memref<10240x128xbf16, #tpu.memory_space<vmem>>, vector<10240x128xbf16>
    tpu.vector_store %arg14[%swap3A_62, %swap3A_63], %convert_element_type3A_61 {strides = array<i32>} : memref<10240x128xbf16, #tpu.memory_space<vmem>>, vector<10240x128xbf16>,
    %mul3A_65 = arith.constant 0.127517432 : f32
    %mul3A_66 = vector.broadcast %mul3A_65 : f32 to vector<2048x128xf32>
    %mul3A_67 = arith.mulf %add3A_52, %mul3A_66 : vector<2048x128xf32>
    %convert_element_type3A_68 = arith.truncf %mul3A_67 : vector<2048x128xf32> to vector<2048x128xbf16>
    %swap3A_69 = arith.constant 0 : index
    %swap3A_70 = arith.constant 0 : index
    %swap3A_71 = vector.load %arg15[%swap3A_69, %swap3A_70] : memref<2048x128xbf16, #tpu.memory_space<vmem>>, vector<2048x128xbf16>
    tpu.vector_store %arg15[%swap3A_69, %swap3A_70], %convert_element_type3A_68 {strides = array<i32>} : memref<2048x128xbf16, #tpu.memory_space<vmem>>, vector<2048x128xbf16>,
    return
  }
}

module attributes {stable_mosaic.version = 14 : i64} {
  func.func @_stage1_body(%arg0: i32, %arg1: memref<512x128xbf16, #tpu.memory_space<vmem>>, %arg2: memref<2048x128xbf16, #tpu.memory_space<vmem>>, %arg3: memref<2048x128xbf16, #tpu.memory_space<vmem>>, %arg4: memref<512x2048xf32, #tpu.memory_space<vmem>>, %arg5: memref<2048x8xbf16, #tpu.memory_space<vmem>>, %arg6: memref<128x128xf32, #tpu.memory_space<vmem>>, %arg7: memref<1x128xf32, #tpu.memory_space<vmem>>, %arg8: memref<128x128xf32, #tpu.memory_space<vmem>>, %arg9: memref<1x128xf32, #tpu.memory_space<vmem>>, %arg10: memref<512x128xf32, #tpu.memory_space<vmem>>, %arg11: memref<512x128xbf16, #tpu.memory_space<vmem>>, %arg12: memref<512x128xbf16, #tpu.memory_space<vmem>>) attributes {dimension_semantics = [#tpu.dimension_semantics<arbitrary>], iteration_bounds = array<i64: 20>, scalar_prefetch = 0 : i64, scratch_operands = 0 : i64, tpu.core_type = #tpu.core_type<tc>, window_params = [{transform_indices = @transform_0, window_bounds = array<i64: 512, 128>}, {pipeline_mode = #tpu.pipeline_mode<synchronous>, transform_indices = @transform_1, window_bounds = array<i64: 2048, 128>}, {pipeline_mode = #tpu.pipeline_mode<synchronous>, transform_indices = @transform_2, window_bounds = array<i64: 2048, 128>}, {transform_indices = @transform_3, window_bounds = array<i64: 512, 2048>}, {pipeline_mode = #tpu.pipeline_mode<synchronous>, transform_indices = @transform_4, window_bounds = array<i64: 2048, 8>}, {pipeline_mode = #tpu.pipeline_mode<synchronous>, transform_indices = @transform_5, window_bounds = array<i64: 128, 128>}, {pipeline_mode = #tpu.pipeline_mode<synchronous>, transform_indices = @transform_6, window_bounds = array<i64: 1, 128>}, {pipeline_mode = #tpu.pipeline_mode<synchronous>, transform_indices = @transform_7, window_bounds = array<i64: 128, 128>}, {pipeline_mode = #tpu.pipeline_mode<synchronous>, transform_indices = @transform_8, window_bounds = array<i64: 1, 128>}, {transform_indices = @transform_9, window_bounds = array<i64: 512, 128>}, {transform_indices = @transform_10, window_bounds = array<i64: 512, 128>}, {transform_indices = @transform_11, window_bounds = array<i64: 512, 128>}]} {
    %get3A = arith.constant 0 : index
    %get3A_0 = arith.constant 0 : index
    %get3A_1 = vector.load %arg1[%get3A, %get3A_0] : memref<512x128xbf16, #tpu.memory_space<vmem>>, vector<512x128xbf16>
    %get3A_2 = arith.constant 0 : index
    %get3A_3 = arith.constant 0 : index
    %get3A_4 = vector.load %arg2[%get3A_2, %get3A_3] : memref<2048x128xbf16, #tpu.memory_space<vmem>>, vector<2048x128xbf16>
    %dot_general3A = arith.constant dense<0.000000e+00> : vector<512x2048xf32>
    %dot_general3A_5 = tpu.matmul %get3A_1, %get3A_4, %dot_general3A {dimension_numbers = #tpu.dot_dimension_numbers<[1], [1], [0], [0], [0, 0, 1, 0], [], []>, transpose_lhs_hint = false} : vector<512x128xbf16>, vector<2048x128xbf16>, vector<512x2048xf32> -> vector<512x2048xf32>
    %mul3A = arith.constant 0.00999999977 : f32
    %mul3A_6 = vector.broadcast %mul3A : f32 to vector<512x2048xf32>
    %mul3A_7 = arith.mulf %mul3A_6, %dot_general3A_5 : vector<512x2048xf32>
    %max3A = arith.maximumf %dot_general3A_5, %mul3A_7 : vector<512x2048xf32>
    %exp23A = math.exp2 %max3A : vector<512x2048xf32>
    %get3A_8 = arith.constant 0 : index
    %get3A_9 = arith.constant 0 : index
    %get3A_10 = vector.load %arg4[%get3A_8, %get3A_9] : memref<512x2048xf32, #tpu.memory_space<vmem>>, vector<512x2048xf32>
    %mul3A_11 = arith.mulf %exp23A, %get3A_10 : vector<512x2048xf32>
    %convert_element_type3A = arith.truncf %mul3A_11 : vector<512x2048xf32> to vector<512x2048xbf16>
    %get3A_12 = arith.constant 0 : index
    %get3A_13 = arith.constant 0 : index
    %get3A_14 = vector.load %arg3[%get3A_12, %get3A_13] : memref<2048x128xbf16, #tpu.memory_space<vmem>>, vector<2048x128xbf16>
    %dot_general3A_15 = arith.constant dense<0.000000e+00> : vector<512x128xf32>
    %dot_general3A_16 = tpu.matmul %convert_element_type3A, %get3A_14, %dot_general3A_15 {dimension_numbers = #tpu.dot_dimension_numbers<[1], [0], [0], [1], [0, 0, 1, 1], [], []>, transpose_lhs_hint = false} : vector<512x2048xbf16>, vector<2048x128xbf16>, vector<512x128xf32> -> vector<512x128xf32>
    %get3A_17 = arith.constant 0 : index
    %get3A_18 = arith.constant 0 : index
    %get3A_19 = vector.load %arg5[%get3A_17, %get3A_18] : memref<2048x8xbf16, #tpu.memory_space<vmem>>, vector<2048x8xbf16>
    %dot_general3A_20 = arith.constant dense<0.000000e+00> : vector<512x8xf32>
    %dot_general3A_21 = tpu.matmul %convert_element_type3A, %get3A_19, %dot_general3A_20 {dimension_numbers = #tpu.dot_dimension_numbers<[1], [0], [0], [1], [0, 0, 1, 1], [], []>, transpose_lhs_hint = false} : vector<512x2048xbf16>, vector<2048x8xbf16>, vector<512x8xf32> -> vector<512x8xf32>
    %slice3A = vector.extract_strided_slice %dot_general3A_21 {offsets = [0, 0], sizes = [512, 1], strides = [1, 1]} : vector<512x8xf32> to vector<512x1xf32>
    %gt3A = arith.constant 0.000000e+00 : f32
    %gt3A_22 = vector.broadcast %gt3A : f32 to vector<512x1xf32>
    %gt3A_23 = arith.cmpf ogt, %slice3A, %gt3A_22 : vector<512x1xf32>
    %div3A = vector.broadcast %slice3A : vector<512x1xf32> to vector<512x128xf32>
    %div3A_24 = arith.divf %dot_general3A_16, %div3A : vector<512x128xf32>
    %jit3A = arith.constant 0.000000e+00 : f32
    %broadcast_in_dim3A = vector.shape_cast %gt3A_23 : vector<512x1xi1> to vector<512x1xi1>
    %broadcast_in_dim3A_25 = vector.broadcast %broadcast_in_dim3A : vector<512x1xi1> to vector<512x128xi1>
    %broadcast_in_dim3A_26 = vector.broadcast %jit3A : f32 to vector<512x128xf32>
    %select_n3A = arith.select %broadcast_in_dim3A_25, %div3A_24, %broadcast_in_dim3A_26 : vector<512x128xi1>, vector<512x128xf32>
    %swap3A = arith.constant 0 : index
    %swap3A_27 = arith.constant 0 : index
    %swap3A_28 = vector.load %arg10[%swap3A, %swap3A_27] : memref<512x128xf32, #tpu.memory_space<vmem>>, vector<512x128xf32>
    tpu.vector_store %arg10[%swap3A, %swap3A_27], %select_n3A {strides = array<i32>} : memref<512x128xf32, #tpu.memory_space<vmem>>, vector<512x128xf32>,
    %get3A_29 = arith.constant 0 : index
    %get3A_30 = arith.constant 0 : index
    %get3A_31 = vector.load %arg6[%get3A_29, %get3A_30] : memref<128x128xf32, #tpu.memory_space<vmem>>, vector<128x128xf32>
    %dot_general3A_32 = arith.constant dense<0.000000e+00> : vector<512x128xf32>
    %dot_general3A_33 = tpu.matmul %select_n3A, %get3A_31, %dot_general3A_32 {dimension_numbers = #tpu.dot_dimension_numbers<[1], [0], [0], [1], [0, 0, 1, 1], [], []>, transpose_lhs_hint = false} : vector<512x128xf32>, vector<128x128xf32>, vector<512x128xf32> -> vector<512x128xf32>
    %get3A_34 = arith.constant 0 : index
    %get3A_35 = arith.constant 0 : index
    %get3A_36 = vector.load %arg7[%get3A_34, %get3A_35] : memref<1x128xf32, #tpu.memory_space<vmem>>, vector<1x128xf32>
    %add3A = vector.broadcast %get3A_36 : vector<1x128xf32> to vector<512x128xf32>
    %add3A_37 = arith.addf %dot_general3A_33, %add3A : vector<512x128xf32>
    %get3A_38 = arith.constant 0 : index
    %get3A_39 = arith.constant 0 : index
    %get3A_40 = vector.load %arg8[%get3A_38, %get3A_39] : memref<128x128xf32, #tpu.memory_space<vmem>>, vector<128x128xf32>
    %dot_general3A_41 = arith.constant dense<0.000000e+00> : vector<512x128xf32>
    %dot_general3A_42 = tpu.matmul %select_n3A, %get3A_40, %dot_general3A_41 {dimension_numbers = #tpu.dot_dimension_numbers<[1], [0], [0], [1], [0, 0, 1, 1], [], []>, transpose_lhs_hint = false} : vector<512x128xf32>, vector<128x128xf32>, vector<512x128xf32> -> vector<512x128xf32>
    %get3A_43 = arith.constant 0 : index
    %get3A_44 = arith.constant 0 : index
    %get3A_45 = vector.load %arg9[%get3A_43, %get3A_44] : memref<1x128xf32, #tpu.memory_space<vmem>>, vector<1x128xf32>
    %add3A_46 = vector.broadcast %get3A_45 : vector<1x128xf32> to vector<512x128xf32>
    %add3A_47 = arith.addf %dot_general3A_42, %add3A_46 : vector<512x128xf32>
    %convert_element_type3A_48 = arith.truncf %add3A_37 : vector<512x128xf32> to vector<512x128xbf16>
    %swap3A_49 = arith.constant 0 : index
    %swap3A_50 = arith.constant 0 : index
    %swap3A_51 = vector.load %arg11[%swap3A_49, %swap3A_50] : memref<512x128xbf16, #tpu.memory_space<vmem>>, vector<512x128xbf16>
    tpu.vector_store %arg11[%swap3A_49, %swap3A_50], %convert_element_type3A_48 {strides = array<i32>} : memref<512x128xbf16, #tpu.memory_space<vmem>>, vector<512x128xbf16>,
    %convert_element_type3A_52 = arith.truncf %add3A_47 : vector<512x128xf32> to vector<512x128xbf16>
    %swap3A_53 = arith.constant 0 : index
    %swap3A_54 = arith.constant 0 : index
    %swap3A_55 = vector.load %arg12[%swap3A_53, %swap3A_54] : memref<512x128xbf16, #tpu.memory_space<vmem>>, vector<512x128xbf16>
    tpu.vector_store %arg12[%swap3A_53, %swap3A_54], %convert_element_type3A_52 {strides = array<i32>} : memref<512x128xbf16, #tpu.memory_space<vmem>>, vector<512x128xbf16>,
    return
  }
  func.func @transform_0(%arg0: i32) -> (i32, i32) {
    %c0_i32 = arith.constant 0 : i32
    %c0_i32_0 = arith.constant 0 : i32
    return %arg0, %c0_i32 : i32, i32
  }
  func.func @transform_1(%arg0: i32) -> (i32, i32) {
    %c0_i32 = arith.constant 0 : i32
    %c0_i32_0 = arith.constant 0 : i32
    %c0_i32_1 = arith.constant 0 : i32
    return %c0_i32, %c0_i32_0 : i32, i32
  }
  func.func @transform_2(%arg0: i32) -> (i32, i32) {
    %c0_i32 = arith.constant 0 : i32
    %c0_i32_0 = arith.constant 0 : i32
    %c0_i32_1 = arith.constant 0 : i32
    return %c0_i32, %c0_i32_0 : i32, i32
  }
  func.func @transform_3(%arg0: i32) -> (i32, i32) {
    %c0_i32 = arith.constant 0 : i32
    %c0_i32_0 = arith.constant 0 : i32
    return %arg0, %c0_i32 : i32, i32
  }
  func.func @transform_4(%arg0: i32) -> (i32, i32) {
    %c0_i32 = arith.constant 0 : i32
    %c0_i32_0 = arith.constant 0 : i32
    %c0_i32_1 = arith.constant 0 : i32
    return %c0_i32, %c0_i32_0 : i32, i32
  }
  func.func @transform_5(%arg0: i32) -> (i32, i32) {
    %c0_i32 = arith.constant 0 : i32
    %c0_i32_0 = arith.constant 0 : i32
    %c0_i32_1 = arith.constant 0 : i32
    return %c0_i32, %c0_i32_0 : i32, i32
  }
  func.func @transform_6(%arg0: i32) -> (i32, i32) {
    %c0_i32 = arith.constant 0 : i32
    %c0_i32_0 = arith.constant 0 : i32
    %c0_i32_1 = arith.constant 0 : i32
    return %c0_i32, %c0_i32_0 : i32, i32
  }
  func.func @transform_7(%arg0: i32) -> (i32, i32) {
    %c0_i32 = arith.constant 0 : i32
    %c0_i32_0 = arith.constant 0 : i32
    %c0_i32_1 = arith.constant 0 : i32
    return %c0_i32, %c0_i32_0 : i32, i32
  }
  func.func @transform_8(%arg0: i32) -> (i32, i32) {
    %c0_i32 = arith.constant 0 : i32
    %c0_i32_0 = arith.constant 0 : i32
    %c0_i32_1 = arith.constant 0 : i32
    return %c0_i32, %c0_i32_0 : i32, i32
  }
  func.func @transform_9(%arg0: i32) -> (i32, i32) {
    %c0_i32 = arith.constant 0 : i32
    %c0_i32_0 = arith.constant 0 : i32
    return %arg0, %c0_i32 : i32, i32
  }
  func.func @transform_10(%arg0: i32) -> (i32, i32) {
    %c0_i32 = arith.constant 0 : i32
    %c0_i32_0 = arith.constant 0 : i32
    return %arg0, %c0_i32 : i32, i32
  }
  func.func @transform_11(%arg0: i32) -> (i32, i32) {
    %c0_i32 = arith.constant 0 : i32
    %c0_i32_0 = arith.constant 0 : i32
    return %arg0, %c0_i32 : i32, i32
  }
}

module attributes {stable_mosaic.version = 14 : i64} {
  func.func @_stage2_body(%arg0: i32, %arg1: memref<128x128xbf16, #tpu.memory_space<vmem>>, %arg2: memref<10240x128xbf16, #tpu.memory_space<vmem>>, %arg3: memref<10240x128xbf16, #tpu.memory_space<vmem>>, %arg4: memref<10240x128xf32, #tpu.memory_space<vmem>>, %arg5: memref<10240x8xbf16, #tpu.memory_space<vmem>>, %arg6: memref<128x128xf32, #tpu.memory_space<vmem>>) attributes {dimension_semantics = [#tpu.dimension_semantics<arbitrary>], iteration_bounds = array<i64: 16>, scalar_prefetch = 0 : i64, scratch_operands = 0 : i64, tpu.core_type = #tpu.core_type<tc>, window_params = [{transform_indices = @transform_0, window_bounds = array<i64: 128, 128>}, {pipeline_mode = #tpu.pipeline_mode<synchronous>, transform_indices = @transform_1, window_bounds = array<i64: 10240, 128>}, {pipeline_mode = #tpu.pipeline_mode<synchronous>, transform_indices = @transform_2, window_bounds = array<i64: 10240, 128>}, {transform_indices = @transform_3, window_bounds = array<i64: 10240, 128>}, {pipeline_mode = #tpu.pipeline_mode<synchronous>, transform_indices = @transform_4, window_bounds = array<i64: 10240, 8>}, {transform_indices = @transform_5, window_bounds = array<i64: 128, 128>}]} {
    %get3A = arith.constant 0 : index
    %get3A_0 = arith.constant 0 : index
    %get3A_1 = vector.load %arg2[%get3A, %get3A_0] : memref<10240x128xbf16, #tpu.memory_space<vmem>>, vector<10240x128xbf16>
    %get3A_2 = arith.constant 0 : index
    %get3A_3 = arith.constant 0 : index
    %get3A_4 = vector.load %arg1[%get3A_2, %get3A_3] : memref<128x128xbf16, #tpu.memory_space<vmem>>, vector<128x128xbf16>
    %dot_general3A = arith.constant dense<0.000000e+00> : vector<10240x128xf32>
    %dot_general3A_5 = tpu.matmul %get3A_1, %get3A_4, %dot_general3A {dimension_numbers = #tpu.dot_dimension_numbers<[1], [1], [0], [0], [0, 0, 1, 0], [], []>, transpose_lhs_hint = false} : vector<10240x128xbf16>, vector<128x128xbf16>, vector<10240x128xf32> -> vector<10240x128xf32>
    %mul3A = arith.constant 0.00999999977 : f32
    %mul3A_6 = vector.broadcast %mul3A : f32 to vector<10240x128xf32>
    %mul3A_7 = arith.mulf %mul3A_6, %dot_general3A_5 : vector<10240x128xf32>
    %max3A = arith.maximumf %dot_general3A_5, %mul3A_7 : vector<10240x128xf32>
    %exp23A = math.exp2 %max3A : vector<10240x128xf32>
    %get3A_8 = arith.constant 0 : index
    %get3A_9 = arith.constant 0 : index
    %get3A_10 = vector.load %arg4[%get3A_8, %get3A_9] : memref<10240x128xf32, #tpu.memory_space<vmem>>, vector<10240x128xf32>
    %mul3A_11 = arith.mulf %exp23A, %get3A_10 : vector<10240x128xf32>
    %convert_element_type3A = arith.truncf %mul3A_11 : vector<10240x128xf32> to vector<10240x128xbf16>
    %get3A_12 = arith.constant 0 : index
    %get3A_13 = arith.constant 0 : index
    %get3A_14 = vector.load %arg3[%get3A_12, %get3A_13] : memref<10240x128xbf16, #tpu.memory_space<vmem>>, vector<10240x128xbf16>
    %dot_general3A_15 = arith.constant dense<0.000000e+00> : vector<128x128xf32>
    %dot_general3A_16 = tpu.matmul %convert_element_type3A, %get3A_14, %dot_general3A_15 {dimension_numbers = #tpu.dot_dimension_numbers<[0], [0], [1], [1], [0, 1, 1, 1], [], []>, transpose_lhs_hint = false} : vector<10240x128xbf16>, vector<10240x128xbf16>, vector<128x128xf32> -> vector<128x128xf32>
    %get3A_17 = arith.constant 0 : index
    %get3A_18 = arith.constant 0 : index
    %get3A_19 = vector.load %arg5[%get3A_17, %get3A_18] : memref<10240x8xbf16, #tpu.memory_space<vmem>>, vector<10240x8xbf16>
    %dot_general3A_20 = arith.constant dense<0.000000e+00> : vector<128x8xf32>
    %dot_general3A_21 = tpu.matmul %convert_element_type3A, %get3A_19, %dot_general3A_20 {dimension_numbers = #tpu.dot_dimension_numbers<[0], [0], [1], [1], [0, 1, 1, 1], [], []>, transpose_lhs_hint = false} : vector<10240x128xbf16>, vector<10240x8xbf16>, vector<128x8xf32> -> vector<128x8xf32>
    %slice3A = vector.extract_strided_slice %dot_general3A_21 {offsets = [0, 0], sizes = [128, 1], strides = [1, 1]} : vector<128x8xf32> to vector<128x1xf32>
    %gt3A = arith.constant 0.000000e+00 : f32
    %gt3A_22 = vector.broadcast %gt3A : f32 to vector<128x1xf32>
    %gt3A_23 = arith.cmpf ogt, %slice3A, %gt3A_22 : vector<128x1xf32>
    %div3A = vector.broadcast %slice3A : vector<128x1xf32> to vector<128x128xf32>
    %div3A_24 = arith.divf %dot_general3A_16, %div3A : vector<128x128xf32>
    %jit3A = arith.constant 0.000000e+00 : f32
    %broadcast_in_dim3A = vector.shape_cast %gt3A_23 : vector<128x1xi1> to vector<128x1xi1>
    %broadcast_in_dim3A_25 = vector.broadcast %broadcast_in_dim3A : vector<128x1xi1> to vector<128x128xi1>
    %broadcast_in_dim3A_26 = vector.broadcast %jit3A : f32 to vector<128x128xf32>
    %select_n3A = arith.select %broadcast_in_dim3A_25, %div3A_24, %broadcast_in_dim3A_26 : vector<128x128xi1>, vector<128x128xf32>
    %swap3A = arith.constant 0 : index
    %swap3A_27 = arith.constant 0 : index
    %swap3A_28 = vector.load %arg6[%swap3A, %swap3A_27] : memref<128x128xf32, #tpu.memory_space<vmem>>, vector<128x128xf32>
    tpu.vector_store %arg6[%swap3A, %swap3A_27], %select_n3A {strides = array<i32>} : memref<128x128xf32, #tpu.memory_space<vmem>>, vector<128x128xf32>,
    return
  }
  func.func @transform_0(%arg0: i32) -> (i32, i32) {
    %c0_i32 = arith.constant 0 : i32
    %c0_i32_0 = arith.constant 0 : i32
    return %arg0, %c0_i32 : i32, i32
  }
  func.func @transform_1(%arg0: i32) -> (i32, i32) {
    %c0_i32 = arith.constant 0 : i32
    %c0_i32_0 = arith.constant 0 : i32
    %c0_i32_1 = arith.constant 0 : i32
    return %c0_i32, %c0_i32_0 : i32, i32
  }
  func.func @transform_2(%arg0: i32) -> (i32, i32) {
    %c0_i32 = arith.constant 0 : i32
    %c0_i32_0 = arith.constant 0 : i32
    %c0_i32_1 = arith.constant 0 : i32
    return %c0_i32, %c0_i32_0 : i32, i32
  }
  func.func @transform_3(%arg0: i32) -> (i32, i32) {
    %c0_i32 = arith.constant 0 : i32
    %c0_i32_0 = arith.constant 0 : i32
    return %c0_i32, %arg0 : i32, i32
  }
  func.func @transform_4(%arg0: i32) -> (i32, i32) {
    %c0_i32 = arith.constant 0 : i32
    %c0_i32_0 = arith.constant 0 : i32
    %c0_i32_1 = arith.constant 0 : i32
    return %c0_i32, %c0_i32_0 : i32, i32
  }
  func.func @transform_5(%arg0: i32) -> (i32, i32) {
    %c0_i32 = arith.constant 0 : i32
    %c0_i32_0 = arith.constant 0 : i32
    return %arg0, %c0_i32 : i32, i32
  }
}

</mosaic_0001>

<sc_bundles>
// kernel: kernel.7.cloned.1.call-start
scs
__scs_entry_jumppad:
0x0: {  	(pc) =	sbr.rel $0x88, $3  }
0x1: {  	(tag) =	ssettag $0x0;
	lr =	simm.s32 $0x1  }
0x2: {  	[smem:$0x3F8F] =	sst lr;
	_ =	strace $0xD0000000  }
0x3: {  	_ = 	snop  }
0x4: {  	_ = 	snop  }
0x5: {  	_ = 	snop  }
0x6: {  	_ = 	snop  }
0x7: {  	_ = 	snop  }
__scs_overlays_trampoline_lowered:
0x8: {  	[smem:$0x3F9E] =	sst s0  }
0x9: {  	[smem:$0x3F9F] =	sst s1  }
0xa: {  	[smem:$0x3FA0] =	sst s2  }
0xb: {  	[smem:$0x3FA1] =	sst s3  }
0xc: {  	[smem:$0x3FA2] =	sst s4  }
0xd: {  	[smem:$0x3FA3] =	sst s5  }
0xe: {  	[smem:$0x3FA4] =	sst s6  }
0xf: {  	[smem:$0x3FA5] =	sst s7  }
0x10: {  	[smem:$0x3FA6] =	sst s8  }
0x11: {  	[smem:$0x3FA7] =	sst s9;
	s0 =	simm.s32 @!p0 $0x0  }
0x12: {  	s1 =	sld [smem:$0x3F8D];
	s0 =	simm.s32 @p0 $0x1  }
0x13: {  	[smem:$0x3FA8] =	sst s0;
	s0 =	simm.s32 @!p1 $0x0  }
0x14: {  	s2 =	sld [smem:$0x3F8C];
	s0 =	simm.s32 @p1 $0x1  }
0x15: {  	[smem:$0x3FA9] =	sst s0;
	s0 =	simm.s32 @!p2 $0x0  }
0x16: {  	s3 =	sld [smem:$0x3FDB];
	s0 =	simm.s32 @p2 $0x1  }
0x17: {  	s4 =	simm.s32 $0x1BF5;
	[smem:$0x3FAB] =	sst s0  }
0x18: {  	s0 =	sld [smem:$0x3F8E];
	_ =	swait.ge [sflag:s4], $0x0  }
0x19: {  	s7 =	sld [smem:$0x3F8F]  }
0x1a: {  	s8 =	sadd.s32 $0xFFFFE003, lr  }
0x1b: {  	s9 =	sadd.s32 $0xFFFFFEF7, lr;
	s5 =	simm.s32 $0xFFFFFFFF;
	p2 =	slt.u32 s8, $0xFFFFF086  }
0x1c: {  	p1 =	slt.u32 s9, $0xF7A;
	s5 =	simm.s32 @!p2 $0x0  }
0x1d: {  	s5 =	simm.s32 @p1 $0x1;
	p0 =	seq.s32 s7, s2  }
0x1e: {  	s7 =	smul.u32 @!p0 $0xF7A, s2;
	p2 =	seq.s32 @!p0 s5, $0x0  }
0x1f: {  	s9 =	smul.u32 $0xF7A, s1;
	s8 =	simm.s32 @!p0 $0x1BF5;
	p2 =	por !p2, p0  }
0x20: {  	[sflag:s8] =	ssyncset.s32 @!p0 $0xFFFFF086;
	s6 =	sadd.s32 @!p0 s3, s7;
	s7 =	simm.s32 @!p0 $0x108  }
0x21: {  	s3 =	sadd.s32 s3, s9;
	s6 =	sadd.s32 @!p0 $0x88, s6;
	s7 =	simm.s32 @p2 $0x1082  }
0x22: {  	[simem:s7], [sflag:s8] =	dma.local @!p0 [hbm:s6], $0xF7A  }
0x23: {  	s9 =	sor.u32 $0xD0000000, s2;
	s6 =	simm.s32 $0x108;
	_ =	swait.ge @!p0 [sflag:s8], $0x0  }
0x24: {  	s3 =	sadd.s32 $0x88, s3;
	s6 =	simm.s32 @!p1 $0x1082;
	[sflag:s4] =	ssyncset.s32 $0xFFFFF086  }
0x25: {  	[simem:s6], [sflag:s4] =	dma.local [hbm:s3], $0xF7A  }
0x26: {  	[smem:$0x3F8F] =	sst s1;
	(tag) =	ssettag s2;
	_ =	strace s9  }
0x27: {  	s1 =	sld [smem:$0x3F9F]  }
0x28: {  	s2 =	sld [smem:$0x3FA0]  }
0x29: {  	s4 =	sld [smem:$0x3FA2]  }
0x2a: {  	p0 =	seq.s32 s5, $0x0;
	s5 =	sld [smem:$0x3FA3]  }
0x2b: {  	s6 =	sld [smem:$0x3FA4]  }
0x2c: {  	s7 =	sld [smem:$0x3FA5]  }
0x2d: {  	s3 =	simm.s32 $0x108;
	s8 =	sld [smem:$0x3FA6]  }
0x2e: {  	s3 =	simm.s32 @!p0 $0x1082;
	s9 =	sld [smem:$0x3FA7]  }
0x2f: {  	lr =	sadd.s32 s0, s3;
	s0 =	sld [smem:$0x3F9E]  }
0x30: {  	s3 =	sld [smem:$0x3FA1]  }
0x31: {  	[smem:$0x3FAA] =	sst s10  }
0x32: {  	s10 =	sld [smem:$0x3FA8];
	_ =	sdelay $0x3  }
0x33: {  	p0 =	seq.s32 s10, $0x1;
	s10 =	sld [smem:$0x3FAA];
	_ =	sdelay $0x3  }
0x34: {  	[smem:$0x3FAA] =	sst s10  }
0x35: {  	s10 =	sld [smem:$0x3FA9];
	_ =	sdelay $0x3  }
0x36: {  	p1 =	seq.s32 s10, $0x1;
	s10 =	sld [smem:$0x3FAA];
	_ =	sdelay $0x3  }
0x37: {  	[smem:$0x3FAA] =	sst s10  }
0x38: {  	s10 =	sld [smem:$0x3FAB]  }
0x39: {  	_ = 	snop;
	(pc) =	sbr.ind lr, $3  }
0x3a: {  	_ = 	snop  }
0x3b: {  	_ = 	snop  }
0x3c: {  	p2 =	seq.s32 s10, $0x1;
	s10 =	sld [smem:$0x3FAA]  }
0x3d: {  	_ =	shalt  }
0x3e: {  	_ =	shalt  }
0x3f: {  	_ =	shalt  }
0x40: {  	_ =	shalt  }
0x41: {  	_ =	shalt  }
0x42: {  	_ =	shalt  }
0x43: {  	_ =	shalt  }
0x44: {  	_ =	shalt  }
0x45: {  	_ =	shalt  }
0x46: {  	_ =	shalt  }
0x47: {  	_ =	shalt  }
0x48: {  	_ =	shalt  }
0x49: {  	_ =	shalt  }
0x4a: {  	_ =	shalt  }
0x4b: {  	_ =	shalt  }
0x4c: {  	_ =	shalt  }
0x4d: {  	_ =	shalt  }
0x4e: {  	_ =	shalt  }
0x4f: {  	_ =	shalt  }
0x50: {  	_ =	shalt  }
0x51: {  	_ =	shalt  }
0x52: {  	_ =	shalt  }
0x53: {  	_ =	shalt  }
0x54: {  	_ =	shalt  }
0x55: {  	_ =	shalt  }
0x56: {  	_ =	shalt  }
0x57: {  	_ =	shalt  }
0x58: {  	_ =	shalt  }
0x59: {  	_ =	shalt  }
0x5a: {  	_ =	shalt  }
0x5b: {  	_ =	shalt  }
0x5c: {  	_ =	shalt  }
0x5d: {  	_ =	shalt  }
0x5e: {  	_ =	shalt  }
0x5f: {  	_ =	shalt  }
0x60: {  	_ =	shalt  }
0x61: {  	_ =	shalt  }
0x62: {  	_ =	shalt  }
0x63: {  	_ =	shalt  }
0x64: {  	_ =	shalt  }
0x65: {  	_ =	shalt  }
0x66: {  	_ =	shalt  }
0x67: {  	_ =	shalt  }
0x68: {  	_ =	shalt  }
0x69: {  	_ =	shalt  }
0x6a: {  	_ =	shalt  }
0x6b: {  	_ =	shalt  }
0x6c: {  	_ =	shalt  }
0x6d: {  	_ =	shalt  }
0x6e: {  	_ =	shalt  }
0x6f: {  	_ =	shalt  }
0x70: {  	_ =	shalt  }
0x71: {  	_ =	shalt  }
0x72: {  	_ =	shalt  }
0x73: {  	_ =	shalt  }
0x74: {  	_ =	shalt  }
0x75: {  	_ =	shalt  }
0x76: {  	_ =	shalt  }
0x77: {  	_ =	shalt  }
0x78: {  	_ =	shalt  }
0x79: {  	_ =	shalt  }
0x7a: {  	_ =	shalt  }
0x7b: {  	_ =	shalt  }
0x7c: {  	_ =	shalt  }
0x7d: {  	_ =	shalt  }
0x7e: {  	_ =	shalt  }
0x7f: {  	_ =	shalt  }
0x80: {  	_ =	shalt  }
0x81: {  	_ =	shalt  }
0x82: {  	_ =	shalt  }
0x83: {  	_ =	shalt  }
0x84: {  	_ =	shalt  }
0x85: {  	_ =	shalt  }
0x86: {  	_ =	shalt  }
0x87: {  	_ =	shalt  }
.Lfunc_end0:
.L_simem_size_0:
called_computation_lowered:
.L_overlay_start_0:
0x88: {  	s2 =	sld [smem:$0x3FD9]  }
0x89: {  	s3 =	sld [smem:$0x3FFE];
	_ =	sdelay $0x1  }
0x8a: {  	s1 =	srdreg.scid  }
0x8b: {  	s0 =	sand.u32 $0x1, s1  }
0x8c: {  	s14 =	sshll.u32 s0, $0xA;
	s2 =	sadd.s32 s3, s2  }
0x8d: {  	s2 =	sadd.s32 s2, s14  }
0x8e: {  	[smem:$0x3FB6] =	sst s2  }
0x8f: {  	_ = 	snop  }
0x90: {  	s2 =	sld [smem:$0x3FD0];
	_ =	sdelay $0x2  }
0x91: {  	s15 =	simm.s32 $0xA;
	s4 =	simm.s32 $0x10  }
0x92: {  	[smem:s4], [sflag:s15] =	dma.local [hbm:s2], $0x1  }
0x93: {  	_ =	swait.eq [sflag:s15], $0x1  }
0x94: {  	[sflag:s15] =	ssyncset.done $0x0  }
0x95: {  	s16 =	sld [smem:$0x10];
	[sflag:s15] =	ssyncadd.s32 $0xFFFFFFFF  }
0x96: {  	s17 =	sld [smem:$0x11];
	(tm) =	ssettm $0x1  }
0x97: {  	s18 =	sld [smem:$0x3FFB];
	_ =	sdelay $0x3  }
0x98: {  	_ =	strace s18  }
0x99: {  	s4 =	sld [smem:$0x3FFC];
	_ =	sdelay $0x3  }
0x9a: {  	_ =	strace s4  }
0x9b: {  	s4 =	sld [smem:$0x3FFD];
	_ =	sdelay $0x3  }
0x9c: {  	_ =	strace s4  }
0x9d: {  	_ =	strace $0x8FFFFFFF  }
0x9e: {  	s19 =	sld [smem:$0x3FDB];
	_ =	sdelay $0x1  }
0x9f: {  	s5 =	simm.s32 $_scs_section_size  }
0xa0: {  	s6 =	simm.s32 $_size__tile_overlayer_lowered;
	s7 =	simm.s32 $_tile_overlayer_lowered  }
0xa1: {  	s22 =	simm.s32 $0x1BFF;
	s21 =	sshll.u32 s7, $0x1;
	s4 =	sadd.s32 s5, s19  }
0xa2: {  	s8 =	simm.s32 $0x0;
	s20 =	sshll.u32 s6, $0x1;
	s6 =	sadd.s32 s21, s4  }
0xa3: {  	[timem:s8], [sflag:s22] =	dma.local [hbm:s6], s20  }
0xa4: {  	_ =	swait.ge [sflag:s22], s20  }
0xa5: {  	s5 =	ssub.s32 $0x0, s20;
	[sflag:s22] =	ssyncset.done $0x0  }
0xa6: {  	[sflag:s22] =	ssyncadd.s32 s5;
	_ =	sdelay $0x1  }
0xa7: {  	s23 =	simm.s32 $0x1B8B  }
0xa8: {  	_ =	swait.ge [sflag:s23], $0x1  }
0xa9: {  	[sflag:s23] =	ssyncset.done $0x0  }
0xaa: {  	s25 =	simm.s32 $0x1B8E;
	s24 =	sld [smem:$0x3FFE];
	[sflag:s23] =	ssyncadd.s32 $0xFFFFFFFF  }
0xab: {  	s26 =	simm.s32 $execute0_lowered;
	[smem:$0x3FD2] =	sst s25  }
0xac: {  	s6 =	sshll.u32 s26, $0x1;
	_ =	strace $0x80000046;
	[dreg:$0x1] =	wrdreg $0xFFFFFFFF  }
0xad: {  	s28 =	simm.s32 $_size_execute0_lowered;
	s4 =	sadd.s32 s4, s6;
	[dreg:$0x0] =	wrdreg $0x0  }
0xae: {  	s6 =	sshll.u32 s28, $0x1;
	[dreg:$0x2] =	wrdreg s4  }
0xaf: {  	[dreg:$0x3] =	wrdreg s6  }
0xb0: {  	[dreg:$0x4] =	wrdreg $0xC0  }
0xb1: {  	_ =	task [dreg:s8], $0x5FFFF  }
0xb2: {  	[dreg:$0x1] =	wrdreg $0xFFFFFFFF  }
0xb3: {  	[dreg:$0x0] =	wrdreg $0x60  }
0xb4: {  	[dreg:$0x2] =	wrdreg s24  }
0xb5: {  	[dreg:$0x3] =	wrdreg s17  }
0xb6: {  	[dreg:$0x4] =	wrdreg s16  }
0xb7: {  	[dreg:$0x5] =	wrdreg $0x34000  }
0xb8: {  	[dreg:$0x6] =	wrdreg $0x9  }
0xb9: {  	_ =	task.clear_ibuf [dreg:s8], $0x7FFFF;
	_ =	strace $0x90000046  }
0xba: {  	s29 =	simm.s32 $0x9;
	_ =	strace $0x80000048  }
0xbb: {  	_ =	swait.ge [sflag:s29], $0x1  }
0xbc: {  	[sflag:s29] =	ssyncadd.s32 $0xFFFFFFFF  }
0xbd: {  	_ =	strace $0x90000048  }
0xbe: {  	_ =	sfence  }
0xbf: {  	s30 =	sld [smem:$0x0];
	_ =	sdelay $0x2  }
0xc0: {  	s31 =	sshll.u32 s1, $0xD;
	s1 =	sshrl.u32 s1, $0x2  }
0xc1: {  	s3 =	sand.u32 $0x4000, s31;
	s1 =	sadd.s32 s1, s30  }
0xc2: {  	s0 =	sor.u32 s3, s0;
	s1 =	sshll.u32 s1, $0x11  }
0xc3: {  	s0 =	sor.u32 s1, s0  }
0xc4: {  	s0 =	sadd.s32 $0x8F2B, s0  }
0xc5: {  	[sflag:s0] =	ssyncadd.remote.s32 $0x1  }
0xc6: {  	_ =	sfence.sel $0xFFFF  }
0xc7: {  	[dreg:$0x0] =	wrdreg $0xFFFFFFFF;
	(pc) =	sbr.abs _section_cstart, $3  }
0xc8: {  	[dreg:$0x1] =	wrdreg $0xFFFFFFFF  }
0xc9: {  	_ =	task.clear_ibuf [dreg:s8], $0x2FFFF;
	_ =	strace $0x9FFFFFFF  }
0xca: {  	(tm) =	ssettm $0x7FFFFFFF  }
0xcb: {  	_ =	shalt  }
tec
execute0_lowered:
.L_overlay_start_1:
0x0: {  	(tag) =	ssettag $0x1  }
0x1: {  	s1 =	rddreg [dreg:$0x0]  }
0x2: {  	s0 =	srdreg.scid;
	s7 =	stileid.u32  }
0x3: {  	s4 =	rddreg [dreg:$0x3];
	s5 =	simm.s32 $0x0;
	s3 =	smul.u32 $0x14000, s7  }
0x4: {  	s0 =	sand.u32 $0x1, s0;
	[smem:$0x7FF] =	sst s5;
	s7 =	smul.u32 $0x28000, s7  }
0x5: {  	s20 =	sadd.s32 $0xA3000, s1;
	s10 =	sadd.s32 $0xA3010, s1;
	s22 =	sadd.s32 $0xA3020, s1  }
0x6: {  	s6 =	smul.u32 $0x280000, s0;
	_ =	strace $0x80000047;
	[dreg:$0x8] =	wrdreg s10  }
0x7: {  	s23 =	sadd.s32 $0xA3040, s1;
	s2 =	smul.u32 $0xA00000, s0;
	[dreg:$0x5] =	wrdreg s20  }
0x8: {  	s8 =	ssub.s32 $0x2, s0;
	[dreg:$0xa] =	wrdreg s22;
	s0 =	sadd.s32 s7, s6  }
0x9: {  	[dreg:$0xe] =	wrdreg s23;
	s14 =	sadd.s32 s3, s4;
	s7 =	sshrl.u32 s0, $0x3  }
0xa: {  	[dreg:$0x6] =	wrdreg s14;
	s19 =	sadd.s32 s20, s7  }
0xb: {  	s11 =	sadd.s32 s7, s10;
	[dreg:$0x7] =	wrdreg s19  }
0xc: {  	s12 =	sadd.s32 s7, s22;
	[dreg:$0x9] =	wrdreg s11  }
0xd: {  	s21 =	sor.u32 $0x400, s7;
	s13 =	sadd.s32 s7, s23;
	[dreg:$0xc] =	wrdreg s12  }
0xe: {  	[dreg:$0x12] =	wrdreg s13;
	s28 =	sadd.s32 s20, s21  }
0xf: {  	s9 =	sshrl.u32 s8, $0x1;
	s29 =	sadd.s32 s21, s10;
	[dreg:$0x16] =	wrdreg s28  }
0x10: {  	s6 =	ssub.s32 s8, s9;
	s13 =	sadd.s32 s21, s22;
	[dreg:$0x17] =	wrdreg s29  }
0x11: {  	s8 =	sor.u32 $0x800, s7;
	s16 =	sadd.s32 s21, s23;
	[dreg:$0x18] =	wrdreg s13  }
0x12: {  	s19 =	sadd.s32 s20, s8;
	[dreg:$0x1a] =	wrdreg s16  }
0x13: {  	s11 =	sadd.s32 $0xA3030, s1;
	[dreg:$0x1e] =	wrdreg s19  }
0x14: {  	s12 =	sadd.s32 $0xA3050, s1;
	[dreg:$0xb] =	wrdreg s11  }
0x15: {  	s24 =	sadd.s32 s7, s11;
	[dreg:$0xf] =	wrdreg s12  }
0x16: {  	s25 =	sadd.s32 s7, s12;
	[dreg:$0xd] =	wrdreg s24  }
0x17: {  	s15 =	sadd.s32 s21, s11;
	[dreg:$0x13] =	wrdreg s25  }
0x18: {  	s17 =	sadd.s32 s21, s12;
	[dreg:$0x19] =	wrdreg s15  }
0x19: {  	s28 =	sadd.s32 s8, s23;
	[dreg:$0x1b] =	wrdreg s17  }
0x1a: {  	s9 =	sor.u32 $0xC00, s7;
	s29 =	sadd.s32 s8, s12;
	[smem:$0x7C9] =	sst s28  }
0x1b: {  	s13 =	sadd.s32 s20, s9;
	[smem:$0x7CA] =	sst s29  }
0x1c: {  	s16 =	sadd.s32 s9, s22;
	[smem:$0x7CD] =	sst s13  }
0x1d: {  	s19 =	sadd.s32 s9, s12;
	[smem:$0x7CF] =	sst s16  }
0x1e: {  	s2 =	sor.u32 s3, s2;
	s25 =	sadd.s32 s8, s22;
	[smem:$0x7D2] =	sst s19  }
0x1f: {  	s2 =	sshrl.u32 s2, $0x3;
	s15 =	sadd.s32 s9, s10;
	[smem:$0x7C7] =	sst s25  }
0x20: {  	s2 =	sadd.s32 s2, s1;
	s17 =	sadd.s32 s9, s11;
	[smem:$0x7CE] =	sst s15  }
0x21: {  	s24 =	sadd.s32 $0xA3060, s1;
	s1 =	sadd.s32 $0xA3070, s1;
	[smem:$0x7D0] =	sst s17  }
0x22: {  	s28 =	sadd.s32 $0x193000, s2;
	[dreg:$0x11] =	wrdreg s1  }
0x23: {  	s29 =	sadd.s32 $0x1BB000, s2;
	[smem:$0x7D7] =	sst s28  }
0x24: {  	s16 =	sadd.s32 $0x2000, s14;
	[smem:$0x7D8] =	sst s29  }
0x25: {  	s19 =	sadd.s32 $0x8000, s14;
	[smem:$0x7DF] =	sst s16  }
0x26: {  	[smem:$0x7E2] =	sst s19  }
0x27: {  	s26 =	sadd.s32 s7, s24;
	[dreg:$0x10] =	wrdreg s24  }
0x28: {  	s7 =	sadd.s32 s7, s1;
	[dreg:$0x14] =	wrdreg s26  }
0x29: {  	s18 =	sadd.s32 s21, s24;
	[dreg:$0x15] =	wrdreg s7  }
0x2a: {  	s3 =	sadd.s32 s21, s1;
	[dreg:$0x1c] =	wrdreg s18  }
0x2b: {  	s21 =	sadd.s32 s8, s10;
	[dreg:$0x1d] =	wrdreg s3  }
0x2c: {  	s25 =	sadd.s32 $0x143000, s2;
	[dreg:$0x1f] =	wrdreg s21  }
0x2d: {  	s10 =	smax.u32 s6, $0x1;
	[smem:$0x7D5] =	sst s25  }
0x2e: {  	s17 =	sadd.s32 $0x4000, s14;
	[smem:$0x7DD] =	sst s10  }
0x2f: {  	s28 =	sadd.s32 $0xC000, s14;
	[smem:$0x7E0] =	sst s17  }
0x30: {  	s29 =	sadd.s32 $0xE000, s14;
	[smem:$0x7E4] =	sst s28  }
0x31: {  	s26 =	sadd.s32 s8, s11;
	[smem:$0x7E5] =	sst s29  }
0x32: {  	s7 =	sadd.s32 s8, s24;
	[smem:$0x7C8] =	sst s26  }
0x33: {  	s8 =	sadd.s32 s8, s1;
	[smem:$0x7CB] =	sst s7  }
0x34: {  	s18 =	sadd.s32 s9, s23;
	[smem:$0x7CC] =	sst s8  }
0x35: {  	s21 =	sadd.s32 s9, s24;
	[smem:$0x7D1] =	sst s18  }
0x36: {  	s1 =	sadd.s32 s9, s1;
	[smem:$0x7D3] =	sst s21  }
0x37: {  	s12 =	sadd.s32 $0xC000, s0;
	s3 =	sadd.s32 $0x1E3000, s2;
	[smem:$0x7D4] =	sst s1  }
0x38: {  	s13 =	sadd.s32 $0xA000, s0;
	s9 =	sadd.s32 $0x25B000, s2;
	[smem:$0x7D9] =	sst s3  }
0x39: {  	s11 =	sadd.s32 $0xE000, s0;
	s0 =	sadd.s32 $0x8000, s0;
	[smem:$0x7DC] =	sst s9  }
0x3a: {  	s26 =	sadd.s32 $0x16B000, s2;
	[smem:$0x7DE] =	sst s0  }
0x3b: {  	s7 =	sadd.s32 $0x20B000, s2;
	[smem:$0x7D6] =	sst s26  }
0x3c: {  	s8 =	sadd.s32 $0x233000, s2;
	[smem:$0x7DA] =	sst s7  }
0x3d: {  	s15 =	sshrl.u32 s13, $0x3;
	s18 =	sadd.s32 $0x6000, s14;
	[smem:$0x7DB] =	sst s8  }
0x3e: {  	s1 =	sshrl.u32 s11, $0x3;
	s21 =	sadd.s32 s15, s20;
	[smem:$0x7E1] =	sst s18  }
0x3f: {  	s2 =	sshrl.u32 s12, $0x3;
	s26 =	sadd.s32 $0xA000, s14;
	[smem:$0x7F9] =	sst s21  }
0x40: {  	s25 =	sadd.s32 s1, s20;
	s1 =	sadd.s32 $0x10000, s14;
	[smem:$0x7E3] =	sst s26  }
0x41: {  	s8 =	sadd.s32 s2, s20;
	s2 =	sadd.s32 $0x12000, s14;
	[smem:$0x7E6] =	sst s1  }
0x42: {  	s7 =	sadd.s32 $0x10, s21;
	[smem:$0x7E7] =	sst s2  }
0x43: {  	s10 =	sadd.s32 $0x20, s21;
	[smem:$0x7EA] =	sst s7  }
0x44: {  	s13 =	sadd.s32 $0x30, s21;
	[smem:$0x7EC] =	sst s10  }
0x45: {  	s15 =	sadd.s32 $0x40, s21;
	[smem:$0x7EF] =	sst s13  }
0x46: {  	[smem:$0x7F1] =	sst s15  }
0x47: {  	[smem:$0x7F7] =	sst s25  }
0x48: {  	s30 =	simm.s32 $0x4;
	s28 =	sadd.s32 $0x50, s21;
	[smem:$0x7F8] =	sst s8  }
0x49: {  	s31 =	simm.s32 $0x5;
	s3 =	sadd.s32 $0x10, s25;
	[smem:$0x7FC] =	sst s28  }
0x4a: {  	s0 =	simm.s32 $0x7;
	s6 =	sadd.s32 $0x10, s8;
	[smem:$0x7E8] =	sst s3  }
0x4b: {  	s29 =	sadd.s32 $0x20, s25;
	s9 =	sadd.s32 $0x20, s8;
	[smem:$0x7E9] =	sst s6  }
0x4c: {  	s11 =	sadd.s32 $0x30, s25;
	s12 =	sadd.s32 $0x30, s8;
	[smem:$0x7EB] =	sst s9  }
0x4d: {  	s7 =	sadd.s32 $0x40, s25;
	s14 =	sadd.s32 $0x40, s8;
	[smem:$0x7ED] =	sst s11  }
0x4e: {  	s16 =	sadd.s32 $0x50, s25;
	s17 =	sadd.s32 $0x50, s8;
	[smem:$0x7EE] =	sst s12  }
0x4f: {  	s19 =	sadd.s32 $0x60, s25;
	s18 =	sadd.s32 $0x60, s8;
	[smem:$0x7F0] =	sst s14  }
0x50: {  	s26 =	sadd.s32 $0x60, s21;
	s15 =	simm.s32 $0x80;
	[smem:$0x7F2] =	sst s16  }
0x51: {  	s10 =	simm.s32 $0x1;
	s13 =	simm.s32 $0x2;
	[smem:$0x7F3] =	sst s17  }
0x52: {  	s1 =	simm.s32 $0x6;
	s2 =	simm.s32 $0x0;
	[smem:$0x7F4] =	sst s18  }
0x53: {  	[smem:$0x7F5] =	sst s26;
	s6 =	sadd.s32 $0x70, s25;
	s9 =	sadd.s32 $0x70, s8  }
0x54: {  	s11 =	sadd.s32 $0x70, s21;
	s12 =	simm.s32 $0x1000;
	[smem:$0x7F6] =	sst s2  }
0x55: {  	s26 =	simm.s32 $0x9;
	s16 =	simm.s32 $0x400;
	[smem:$0x7FA] =	sst s29  }
0x56: {  	s17 =	simm.s32 $0x800;
	s18 =	simm.s32 $0xC00;
	[smem:$0x7FB] =	sst s7  }
0x57: {  	s14 =	simm.s32 $0x3;
	s3 =	simm.s32 $0x8;
	[smem:$0x7FD] =	sst s19  }
.LBB2_1:
0x58: {  	s2 =	rddreg [dreg:$0x2]  }
0x59: {  	[tilespmem:s12], [sflag:$0x9] =	stream.linear.gather [hbm4b:s2+s5], $0x400, $0x38;
	[tilespmem:$0x17440] =	vst v63  }
0x5a: {  	_ =	swait.ge [sflag:s26], $0x400  }
0x5b: {  	[sflag:s26] =	ssyncset.done $0x0  }
0x5c: {  	[sflag:s26] =	ssyncadd.s32 $0xFFFFFC00  }
0x5d: {  	s22 =	simm.s32 $0x1400;
	s29 =	rddreg [dreg:$0x1]  }
0x5e: {  	[tilespmem:s22], [sflag:$0x9] =	stream.linear.gather [hbm4b:s29+s5], $0x2000, $0x38;
	[tilespmem:$0x17440] =	vst v63  }
0x5f: {  	_ =	swait.ge [sflag:s26], $0x2000  }
0x60: {  	[sflag:s26] =	ssyncset.done $0x0  }
0x61: {  	s7 =	rddreg [dreg:$0x6];
	[sflag:s26] =	ssyncadd.s32 $0xFFFFE000  }
0x62: {  	[spmem:s7] =	stream.linear.scatter [tilespmem:s22], [sflag:$0x9], $0x2000, $0x38;
	[tilespmem:$0x17440] =	vst v63  }
0x63: {  	_ =	swait.ge [sflag:s26], $0x2000  }
0x64: {  	s19 =	sld [smem:$0x7DF]  }
0x65: {  	[sflag:s26] =	ssyncset.done $0x0  }
0x66: {  	[sflag:s26] =	ssyncadd.s32 $0xFFFFE000  }
0x67: {  	[spmem:s19] =	stream.linear.scatter [tilespmem:s22], [sflag:$0x9], $0x2000, $0x38;
	[tilespmem:$0x17440] =	vst v63  }
0x68: {  	_ =	swait.ge [sflag:s26], $0x2000  }
0x69: {  	s23 =	sld [smem:$0x7E0]  }
0x6a: {  	[sflag:s26] =	ssyncset.done $0x0  }
0x6b: {  	[sflag:s26] =	ssyncadd.s32 $0xFFFFE000  }
0x6c: {  	[spmem:s23] =	stream.linear.scatter [tilespmem:s22], [sflag:$0x9], $0x2000, $0x38;
	[tilespmem:$0x17440] =	vst v63  }
0x6d: {  	_ =	swait.ge [sflag:s26], $0x2000  }
0x6e: {  	s24 =	sld [smem:$0x7E1]  }
0x6f: {  	[sflag:s26] =	ssyncset.done $0x0  }
0x70: {  	[sflag:s26] =	ssyncadd.s32 $0xFFFFE000  }
0x71: {  	[spmem:s24] =	stream.linear.scatter [tilespmem:s22], [sflag:$0x9], $0x2000, $0x38;
	[tilespmem:$0x17440] =	vst v63  }
0x72: {  	_ =	swait.ge [sflag:s26], $0x2000  }
0x73: {  	s29 =	sld [smem:$0x7E2]  }
0x74: {  	[sflag:s26] =	ssyncset.done $0x0  }
0x75: {  	[sflag:s26] =	ssyncadd.s32 $0xFFFFE000  }
0x76: {  	[spmem:s29] =	stream.linear.scatter [tilespmem:s22], [sflag:$0x9], $0x2000, $0x38;
	[tilespmem:$0x17440] =	vst v63  }
0x77: {  	_ =	swait.ge [sflag:s26], $0x2000  }
0x78: {  	s7 =	sld [smem:$0x7E3]  }
0x79: {  	[sflag:s26] =	ssyncset.done $0x0  }
0x7a: {  	[sflag:s26] =	ssyncadd.s32 $0xFFFFE000  }
0x7b: {  	[spmem:s7] =	stream.linear.scatter [tilespmem:s22], [sflag:$0x9], $0x2000, $0x38;
	[tilespmem:$0x17440] =	vst v63  }
0x7c: {  	_ =	swait.ge [sflag:s26], $0x2000  }
0x7d: {  	s19 =	sld [smem:$0x7E4]  }
0x7e: {  	[sflag:s26] =	ssyncset.done $0x0  }
0x7f: {  	[sflag:s26] =	ssyncadd.s32 $0xFFFFE000  }
0x80: {  	[spmem:s19] =	stream.linear.scatter [tilespmem:s22], [sflag:$0x9], $0x2000, $0x38;
	[tilespmem:$0x17440] =	vst v63  }
0x81: {  	_ =	swait.ge [sflag:s26], $0x2000  }
0x82: {  	s23 =	sld [smem:$0x7E5]  }
0x83: {  	[sflag:s26] =	ssyncset.done $0x0  }
0x84: {  	[sflag:s26] =	ssyncadd.s32 $0xFFFFE000  }
0x85: {  	[spmem:s23] =	stream.linear.scatter [tilespmem:s22], [sflag:$0x9], $0x2000, $0x38;
	[tilespmem:$0x17440] =	vst v63  }
0x86: {  	_ =	swait.ge [sflag:s26], $0x2000  }
0x87: {  	s24 =	sld [smem:$0x7E6]  }
0x88: {  	[sflag:s26] =	ssyncset.done $0x0  }
0x89: {  	[sflag:s26] =	ssyncadd.s32 $0xFFFFE000  }
0x8a: {  	[spmem:s24] =	stream.linear.scatter [tilespmem:s22], [sflag:$0x9], $0x2000, $0x38;
	[tilespmem:$0x17440] =	vst v63  }
0x8b: {  	_ =	swait.ge [sflag:s26], $0x2000  }
0x8c: {  	s29 =	sld [smem:$0x7E7]  }
0x8d: {  	[sflag:s26] =	ssyncset.done $0x0  }
0x8e: {  	[sflag:s26] =	ssyncadd.s32 $0xFFFFE000  }
0x8f: {  	[spmem:s29] =	stream.linear.scatter [tilespmem:s22], [sflag:$0x9], $0x2000, $0x38;
	[tilespmem:$0x17440] =	vst v63  }
0x90: {  	_ =	swait.ge [sflag:s26], $0x2000  }
0x91: {  	[sflag:s26] =	ssyncset.done $0x0  }
0x92: {  	[sflag:s26] =	ssyncadd.s32 $0xFFFFE000  }
0x93: {  	[bflag:$0x0] =	sbarrier.arrive $0xFFFF  }
0x94: {  	s7 =	rddreg [dreg:$0x7]  }
0x95: {  	s19 =	rddreg [dreg:$0x16]  }
0x96: {  	[tilespmem:s5], [sflag:$0x1] =	stream.strided.gather [hbm4b:s7+s15], $0x400, s16, s15, $0x38;
	[tilespmem:$0x17440] =	vst v63  }
0x97: {  	s22 =	rddreg [dreg:$0x1e]  }
0x98: {  	[tilespmem:s16], [sflag:$0x2] =	stream.strided.gather [hbm4b:s19+s15], $0x400, s16, s15, $0x38;
	[tilespmem:$0x17440] =	vst v63  }
0x99: {  	s23 =	sld [smem:$0x7CD]  }
0x9a: {  	[tilespmem:s17], [sflag:$0x3] =	stream.strided.gather [hbm4b:s22+s15], $0x400, s16, s15, $0x38;
	[tilespmem:$0x17440] =	vst v63  }
0x9b: {  	_ = 	snop  }
0x9c: {  	[tilespmem:s18], [sflag:$0x4] =	stream.strided.gather [hbm4b:s23+s15], $0x400, s16, s15, $0x38;
	[tilespmem:$0x17440] =	vst v63  }
0x9d: {  	_ =	swait.ge [sflag:s10], $0x400  }
0x9e: {  	[sflag:s10] =	ssyncset.done $0x0  }
0x9f: {  	[sflag:s10] =	ssyncadd.s32 $0xFFFFFC00  }
0xa0: {  	[spmem:s4] =	stream.indirect.scatter.add.f32 [tilespmem:s12], [sflag:$0x5], $0x1, s5, s16, $0xb8;
	[tilespmem:$0x17440] =	vst v63  }
0xa1: {  	_ =	swait.ge [sflag:s13], $0x400  }
0xa2: {  	[sflag:s13] =	ssyncset.done $0x0  }
0xa3: {  	[sflag:s13] =	ssyncadd.s32 $0xFFFFFC00  }
0xa4: {  	[spmem:s4] =	stream.indirect.scatter.add.f32 [tilespmem:s12], [sflag:$0x6], $0x1, s16, s16, $0xb8;
	[tilespmem:$0x17440] =	vst v63  }
0xa5: {  	_ =	swait.ge [sflag:s14], $0x400  }
0xa6: {  	[sflag:s14] =	ssyncset.done $0x0  }
0xa7: {  	[sflag:s14] =	ssyncadd.s32 $0xFFFFFC00  }
0xa8: {  	[spmem:s4] =	stream.indirect.scatter.add.f32 [tilespmem:s12], [sflag:$0x7], $0x1, s17, s16, $0xb8;
	[tilespmem:$0x17440] =	vst v63  }
0xa9: {  	_ =	swait.ge [sflag:s30], $0x400  }
0xaa: {  	[sflag:s30] =	ssyncset.done $0x0  }
0xab: {  	[sflag:s30] =	ssyncadd.s32 $0xFFFFFC00  }
0xac: {  	[spmem:s4] =	stream.indirect.scatter.add.f32 [tilespmem:s12], [sflag:$0x8], $0x1, s18, s16, $0xb8;
	[tilespmem:$0x17440] =	vst v63  }
0xad: {  	_ =	swait.ge [sflag:s31], $0x400  }
0xae: {  	s28 =	sld [smem:$0x7DE];
	_ =	sdelay $0x2  }
0xaf: {  	[sflag:s31] =	ssyncset.done $0x0;
	s24 =	sshrl.u32 s28, $0x3  }
0xb0: {  	[sflag:s31] =	ssyncadd.s32 $0xFFFFFC00;
	[smem:$0x7C6] =	sst s24;
	s2 =	sadd.s32 s20, s24  }
0xb1: {  	[tilespmem:s5], [sflag:$0x1] =	stream.strided.gather [hbm4b:s2+s15], $0x400, s16, s15, $0x38;
	[tilespmem:$0x17440] =	vst v63  }
0xb2: {  	_ =	swait.ge [sflag:s1], $0x400  }
0xb3: {  	[sflag:s1] =	ssyncset.done $0x0  }
0xb4: {  	s26 =	sadd.s32 $0x0, s21;
	[sflag:s1] =	ssyncadd.s32 $0xFFFFFC00  }
0xb5: {  	[tilespmem:s16], [sflag:$0x2] =	stream.strided.gather [hbm4b:s26+s15], $0x400, s16, s15, $0x38;
	[tilespmem:$0x17440] =	vst v63  }
0xb6: {  	_ =	swait.ge [sflag:s0], $0x400  }
0xb7: {  	[sflag:s0] =	ssyncset.done $0x0  }
0xb8: {  	s29 =	sadd.s32 $0x0, s8;
	[sflag:s0] =	ssyncadd.s32 $0xFFFFFC00  }
0xb9: {  	[tilespmem:s17], [sflag:$0x3] =	stream.strided.gather [hbm4b:s29+s15], $0x400, s16, s15, $0x38;
	[tilespmem:$0x17440] =	vst v63  }
0xba: {  	s22 =	smov.u32 s20;
	s20 =	sadd.s32 $0x0, s25;
	_ =	swait.ge [sflag:s3], $0x400  }
0xbb: {  	s2 =	simm.s32 $0x1000;
	s26 =	smov.u32 s8;
	[sflag:s3] =	ssyncset.done $0x0  }
0xbc: {  	s8 =	sadd.s32 $0x8000, s28;
	s28 =	smov.u32 s21;
	[sflag:s3] =	ssyncadd.s32 $0xFFFFFC00  }
.LBB2_2:
0xbd: {  	[tilespmem:s18], [sflag:$0x4] =	stream.strided.gather [hbm4b:s20+s15], $0x400, s16, s15, $0x38;
	[tilespmem:$0x17440] =	vst v63  }
0xbe: {  	s20 =	smov.u32 s2  }
0xbf: {  	p0 =	sne.s32 s2, $0x3000;
	s2 =	sadd.s32 $0x1000, s2;
	_ =	swait.ge [sflag:s10], $0x400  }
0xc0: {  	[sflag:s10] =	ssyncset.done $0x0  }
0xc1: {  	[sflag:s10] =	ssyncadd.s32 $0xFFFFFC00  }
0xc2: {  	[spmem:s4] =	stream.indirect.scatter.add.f32 [tilespmem:s12], [sflag:$0x5], $0x1, s5, s16, $0xb8;
	[tilespmem:$0x17440] =	vst v63  }
0xc3: {  	_ =	swait.ge [sflag:s13], $0x400  }
0xc4: {  	[sflag:s13] =	ssyncset.done $0x0  }
0xc5: {  	[sflag:s13] =	ssyncadd.s32 $0xFFFFFC00  }
0xc6: {  	[spmem:s4] =	stream.indirect.scatter.add.f32 [tilespmem:s12], [sflag:$0x6], $0x1, s16, s16, $0xb8;
	[tilespmem:$0x17440] =	vst v63  }
0xc7: {  	_ =	swait.ge [sflag:s14], $0x400  }
0xc8: {  	[sflag:s14] =	ssyncset.done $0x0  }
0xc9: {  	[sflag:s14] =	ssyncadd.s32 $0xFFFFFC00  }
0xca: {  	[spmem:s4] =	stream.indirect.scatter.add.f32 [tilespmem:s12], [sflag:$0x7], $0x1, s17, s16, $0xb8;
	[tilespmem:$0x17440] =	vst v63  }
0xcb: {  	_ =	swait.ge [sflag:s30], $0x400  }
0xcc: {  	[sflag:s30] =	ssyncset.done $0x0  }
0xcd: {  	[sflag:s30] =	ssyncadd.s32 $0xFFFFFC00  }
0xce: {  	[spmem:s4] =	stream.indirect.scatter.add.f32 [tilespmem:s12], [sflag:$0x8], $0x1, s18, s16, $0xb8;
	[tilespmem:$0x17440] =	vst v63  }
0xcf: {  	_ =	swait.ge [sflag:s31], $0x400  }
0xd0: {  	s21 =	sshrl.u32 s8, $0x3;
	[sflag:s31] =	ssyncset.done $0x0  }
0xd1: {  	s21 =	sadd.s32 s22, s21;
	[sflag:s31] =	ssyncadd.s32 $0xFFFFFC00  }
0xd2: {  	[tilespmem:s5], [sflag:$0x1] =	stream.strided.gather [hbm4b:s21+s15], $0x400, s16, s15, $0x38;
	[tilespmem:$0x17440] =	vst v63  }
0xd3: {  	_ =	swait.ge [sflag:s1], $0x400  }
0xd4: {  	[sflag:s1] =	ssyncset.done $0x0  }
0xd5: {  	s21 =	sadd.s32 s20, s28;
	[sflag:s1] =	ssyncadd.s32 $0xFFFFFC00  }
0xd6: {  	[tilespmem:s16], [sflag:$0x2] =	stream.strided.gather [hbm4b:s21+s15], $0x400, s16, s15, $0x38;
	[tilespmem:$0x17440] =	vst v63  }
0xd7: {  	_ =	swait.ge [sflag:s0], $0x400  }
0xd8: {  	[sflag:s0] =	ssyncset.done $0x0  }
.Ltmp0:
0xd9: {  	s21 =	sadd.s32 s20, s26;
	[sflag:s0] =	ssyncadd.s32 $0xFFFFFC00;
	(pc) =	sbr.rel @p0 .LBB2_2-.Ltmp0, $4  }
0xda: {  	[tilespmem:s17], [sflag:$0x3] =	stream.strided.gather [hbm4b:s21+s15], $0x400, s16, s15, $0x38;
	[tilespmem:$0x17440] =	vst v63  }
0xdb: {  	_ =	swait.ge [sflag:s3], $0x400  }
0xdc: {  	[sflag:s3] =	ssyncset.done $0x0  }
0xdd: {  	s8 =	sadd.s32 $0x8000, s8;
	s20 =	sadd.s32 s20, s25;
	[sflag:s3] =	ssyncadd.s32 $0xFFFFFC00  }
0xde: {  	[tilespmem:s18], [sflag:$0x4] =	stream.strided.gather [hbm4b:s20+s15], $0x400, s16, s15, $0x38;
	[tilespmem:$0x17440] =	vst v63  }
0xdf: {  	_ =	swait.ge [sflag:s10], $0x400  }
0xe0: {  	[sflag:s10] =	ssyncset.done $0x0  }
0xe1: {  	s2 =	simm.s32 $0x0;
	[sflag:s10] =	ssyncadd.s32 $0xFFFFFC00  }
0xe2: {  	[spmem:s4] =	stream.indirect.scatter.add.f32 [tilespmem:s12], [sflag:$0x5], $0x1, s2, s16, $0xb8;
	[tilespmem:$0x17440] =	vst v63  }
0xe3: {  	_ =	swait.ge [sflag:s13], $0x400  }
0xe4: {  	[sflag:s13] =	ssyncset.done $0x0  }
0xe5: {  	[sflag:s13] =	ssyncadd.s32 $0xFFFFFC00  }
0xe6: {  	[spmem:s4] =	stream.indirect.scatter.add.f32 [tilespmem:s12], [sflag:$0x6], $0x1, s16, s16, $0xb8;
	[tilespmem:$0x17440] =	vst v63  }
0xe7: {  	_ =	swait.ge [sflag:s14], $0x400  }
0xe8: {  	[sflag:s14] =	ssyncset.done $0x0  }
0xe9: {  	[sflag:s14] =	ssyncadd.s32 $0xFFFFFC00  }
0xea: {  	[spmem:s4] =	stream.indirect.scatter.add.f32 [tilespmem:s12], [sflag:$0x7], $0x1, s17, s16, $0xb8;
	[tilespmem:$0x17440] =	vst v63  }
0xeb: {  	_ =	swait.ge [sflag:s30], $0x400  }
0xec: {  	[sflag:s30] =	ssyncset.done $0x0  }
0xed: {  	[sflag:s30] =	ssyncadd.s32 $0xFFFFFC00  }
0xee: {  	[spmem:s4] =	stream.indirect.scatter.add.f32 [tilespmem:s12], [sflag:$0x8], $0x1, s18, s16, $0xb8;
	[tilespmem:$0x17440] =	vst v63  }
0xef: {  	_ =	swait.ge [sflag:s31], $0x400  }
0xf0: {  	[sflag:s31] =	ssyncset.done $0x0  }
0xf1: {  	[sflag:s31] =	ssyncadd.s32 $0xFFFFFC00  }
0xf2: {  	_ =	swait.ge [sflag:s1], $0x400  }
0xf3: {  	[sflag:s1] =	ssyncset.done $0x0  }
0xf4: {  	[sflag:s1] =	ssyncadd.s32 $0xFFFFFC00  }
0xf5: {  	_ =	swait.ge [sflag:s0], $0x400  }
0xf6: {  	[sflag:s0] =	ssyncset.done $0x0  }
0xf7: {  	[sflag:s0] =	ssyncadd.s32 $0xFFFFFC00  }
0xf8: {  	_ =	swait.ge [sflag:s3], $0x400  }
0xf9: {  	[sflag:s3] =	ssyncset.done $0x0  }
0xfa: {  	[sflag:s3] =	ssyncadd.s32 $0xFFFFFC00  }
0xfb: {  	s8 =	stileid.u32;
	[bflag:$0x0] =	sbarrier.arrive $0xFFFF  }
0xfc: {  	s8 =	sshll.u32 s8, $0x6;
	s22 =	rddreg [dreg:$0x6]  }
0xfd: {  	s23 =	sor.u32 $0x1C09, s8;
	s24 =	sld [smem:$0x7D5]  }
0xfe: {  	[smem:$0x7C4] =	sst s23;
	s21 =	sshrl.u32 s22, $0x3  }
0xff: {  	s20 =	simm.s32 $0x9;
	[smem:$0x7C5] =	sst s21  }
0x100: {  	[hbm:s24], [sflag:s23] =	dma.local [spmem:s21], $0x2800  }
0x101: {  	_ =	swait.ge [sflag:s20], $0x2800  }
0x102: {  	[sflag:s20] =	ssyncset.done $0x0  }
0x103: {  	s21 =	simm.s32 $0x1400;
	[sflag:s20] =	ssyncadd.s32 $0xFFFFD800  }
0x104: {  	[spmem:s22] =	stream.linear.scatter [tilespmem:s21], [sflag:$0x9], $0x2000, $0x38;
	[tilespmem:$0x17440] =	vst v63  }
0x105: {  	_ =	swait.ge [sflag:s20], $0x2000  }
0x106: {  	s25 =	sld [smem:$0x7DF]  }
0x107: {  	[sflag:s20] =	ssyncset.done $0x0  }
0x108: {  	[sflag:s20] =	ssyncadd.s32 $0xFFFFE000  }
0x109: {  	[spmem:s25] =	stream.linear.scatter [tilespmem:s21], [sflag:$0x9], $0x2000, $0x38;
	[tilespmem:$0x17440] =	vst v63  }
0x10a: {  	_ =	swait.ge [sflag:s20], $0x2000  }
0x10b: {  	s26 =	sld [smem:$0x7E0]  }
0x10c: {  	[sflag:s20] =	ssyncset.done $0x0  }
0x10d: {  	[sflag:s20] =	ssyncadd.s32 $0xFFFFE000  }
0x10e: {  	[spmem:s26] =	stream.linear.scatter [tilespmem:s21], [sflag:$0x9], $0x2000, $0x38;
	[tilespmem:$0x17440] =	vst v63  }
0x10f: {  	_ =	swait.ge [sflag:s20], $0x2000  }
0x110: {  	s7 =	sld [smem:$0x7E1]  }
0x111: {  	[sflag:s20] =	ssyncset.done $0x0  }
0x112: {  	[sflag:s20] =	ssyncadd.s32 $0xFFFFE000  }
0x113: {  	[spmem:s7] =	stream.linear.scatter [tilespmem:s21], [sflag:$0x9], $0x2000, $0x38;
	[tilespmem:$0x17440] =	vst v63  }
0x114: {  	_ =	swait.ge [sflag:s20], $0x2000  }
0x115: {  	s19 =	sld [smem:$0x7E2]  }
0x116: {  	[sflag:s20] =	ssyncset.done $0x0  }
0x117: {  	[sflag:s20] =	ssyncadd.s32 $0xFFFFE000  }
0x118: {  	[spmem:s19] =	stream.linear.scatter [tilespmem:s21], [sflag:$0x9], $0x2000, $0x38;
	[tilespmem:$0x17440] =	vst v63  }
0x119: {  	_ =	swait.ge [sflag:s20], $0x2000  }
0x11a: {  	s22 =	sld [smem:$0x7E3]  }
0x11b: {  	[sflag:s20] =	ssyncset.done $0x0  }
0x11c: {  	[sflag:s20] =	ssyncadd.s32 $0xFFFFE000  }
0x11d: {  	[spmem:s22] =	stream.linear.scatter [tilespmem:s21], [sflag:$0x9], $0x2000, $0x38;
	[tilespmem:$0x17440] =	vst v63  }
0x11e: {  	_ =	swait.ge [sflag:s20], $0x2000  }
0x11f: {  	s23 =	sld [smem:$0x7E4]  }
0x120: {  	[sflag:s20] =	ssyncset.done $0x0  }
0x121: {  	[sflag:s20] =	ssyncadd.s32 $0xFFFFE000  }
0x122: {  	[spmem:s23] =	stream.linear.scatter [tilespmem:s21], [sflag:$0x9], $0x2000, $0x38;
	[tilespmem:$0x17440] =	vst v63  }
0x123: {  	_ =	swait.ge [sflag:s20], $0x2000  }
0x124: {  	s24 =	sld [smem:$0x7E5]  }
0x125: {  	[sflag:s20] =	ssyncset.done $0x0  }
0x126: {  	[sflag:s20] =	ssyncadd.s32 $0xFFFFE000  }
0x127: {  	[spmem:s24] =	stream.linear.scatter [tilespmem:s21], [sflag:$0x9], $0x2000, $0x38;
	[tilespmem:$0x17440] =	vst v63  }
0x128: {  	_ =	swait.ge [sflag:s20], $0x2000  }
0x129: {  	s25 =	sld [smem:$0x7E6]  }
0x12a: {  	[sflag:s20] =	ssyncset.done $0x0  }
0x12b: {  	[sflag:s20] =	ssyncadd.s32 $0xFFFFE000  }
0x12c: {  	[spmem:s25] =	stream.linear.scatter [tilespmem:s21], [sflag:$0x9], $0x2000, $0x38;
	[tilespmem:$0x17440] =	vst v63  }
0x12d: {  	_ =	swait.ge [sflag:s20], $0x2000  }
0x12e: {  	s26 =	sld [smem:$0x7E7]  }
0x12f: {  	[sflag:s20] =	ssyncset.done $0x0  }
0x130: {  	[sflag:s20] =	ssyncadd.s32 $0xFFFFE000  }
0x131: {  	[spmem:s26] =	stream.linear.scatter [tilespmem:s21], [sflag:$0x9], $0x2000, $0x38;
	[tilespmem:$0x17440] =	vst v63  }
0x132: {  	_ =	swait.ge [sflag:s20], $0x2000  }
0x133: {  	[sflag:s20] =	ssyncset.done $0x0  }
0x134: {  	[sflag:s20] =	ssyncadd.s32 $0xFFFFE000  }
0x135: {  	[bflag:$0x0] =	sbarrier.arrive $0xFFFF  }
0x136: {  	s7 =	rddreg [dreg:$0x9]  }
0x137: {  	s8 =	rddreg [dreg:$0x17]  }
0x138: {  	[tilespmem:s2], [sflag:$0x1] =	stream.strided.gather [hbm4b:s7+s15], $0x400, s16, s15, $0x38;
	[tilespmem:$0x17440] =	vst v63  }
0x139: {  	s19 =	rddreg [dreg:$0x1f]  }
0x13a: {  	[tilespmem:s16], [sflag:$0x2] =	stream.strided.gather [hbm4b:s8+s15], $0x400, s16, s15, $0x38;
	[tilespmem:$0x17440] =	vst v63  }
0x13b: {  	s20 =	sld [smem:$0x7CE]  }
0x13c: {  	[tilespmem:s17], [sflag:$0x3] =	stream.strided.gather [hbm4b:s19+s15], $0x400, s16, s15, $0x38;
	[tilespmem:$0x17440] =	vst v63  }
0x13d: {  	_ = 	snop  }
0x13e: {  	[tilespmem:s18], [sflag:$0x4] =	stream.strided.gather [hbm4b:s20+s15], $0x400, s16, s15, $0x38;
	[tilespmem:$0x17440] =	vst v63  }
0x13f: {  	_ =	swait.ge [sflag:s10], $0x400  }
0x140: {  	[sflag:s10] =	ssyncset.done $0x0  }
0x141: {  	[sflag:s10] =	ssyncadd.s32 $0xFFFFFC00  }
0x142: {  	[spmem:s4] =	stream.indirect.scatter.add.f32 [tilespmem:s12], [sflag:$0x5], $0x1, s5, s16, $0xb8;
	[tilespmem:$0x17440] =	vst v63  }
0x143: {  	_ =	swait.ge [sflag:s13], $0x400  }
0x144: {  	[sflag:s13] =	ssyncset.done $0x0  }
0x145: {  	[sflag:s13] =	ssyncadd.s32 $0xFFFFFC00  }
0x146: {  	[spmem:s4] =	stream.indirect.scatter.add.f32 [tilespmem:s12], [sflag:$0x6], $0x1, s16, s16, $0xb8;
	[tilespmem:$0x17440] =	vst v63  }
0x147: {  	_ =	swait.ge [sflag:s14], $0x400  }
0x148: {  	[sflag:s14] =	ssyncset.done $0x0  }
0x149: {  	[sflag:s14] =	ssyncadd.s32 $0xFFFFFC00  }
0x14a: {  	[spmem:s4] =	stream.indirect.scatter.add.f32 [tilespmem:s12], [sflag:$0x7], $0x1, s17, s16, $0xb8;
	[tilespmem:$0x17440] =	vst v63  }
0x14b: {  	_ =	swait.ge [sflag:s30], $0x400  }
0x14c: {  	[sflag:s30] =	ssyncset.done $0x0  }
0x14d: {  	[sflag:s30] =	ssyncadd.s32 $0xFFFFFC00  }
0x14e: {  	[spmem:s4] =	stream.indirect.scatter.add.f32 [tilespmem:s12], [sflag:$0x8], $0x1, s18, s16, $0xb8;
	[tilespmem:$0x17440] =	vst v63  }
0x14f: {  	_ =	swait.ge [sflag:s31], $0x400  }
0x150: {  	s21 =	sld [smem:$0x7C6];
	_ =	sdelay $0x1  }
0x151: {  	[sflag:s31] =	ssyncset.done $0x0;
	s22 =	rddreg [dreg:$0x8]  }
0x152: {  	[sflag:s31] =	ssyncadd.s32 $0xFFFFFC00;
	s2 =	sadd.s32 s21, s22  }
0x153: {  	[tilespmem:s5], [sflag:$0x1] =	stream.strided.gather [hbm4b:s2+s15], $0x400, s16, s15, $0x38;
	[tilespmem:$0x17440] =	vst v63  }
0x154: {  	_ =	swait.ge [sflag:s1], $0x400  }
0x155: {  	s29 =	sld [smem:$0x7EA];
	_ =	sdelay $0x1  }
0x156: {  	[sflag:s1] =	ssyncset.done $0x0  }
0x157: {  	[sflag:s1] =	ssyncadd.s32 $0xFFFFFC00;
	s23 =	sadd.s32 $0x0, s29  }
0x158: {  	[tilespmem:s16], [sflag:$0x2] =	stream.strided.gather [hbm4b:s23+s15], $0x400, s16, s15, $0x38;
	[tilespmem:$0x17440] =	vst v63  }
0x159: {  	_ =	swait.ge [sflag:s0], $0x400  }
0x15a: {  	s28 =	sld [smem:$0x7E9];
	_ =	sdelay $0x1  }
0x15b: {  	[sflag:s0] =	ssyncset.done $0x0  }
0x15c: {  	[sflag:s0] =	ssyncadd.s32 $0xFFFFFC00;
	s24 =	sadd.s32 $0x0, s28  }
0x15d: {  	[tilespmem:s17], [sflag:$0x3] =	stream.strided.gather [hbm4b:s24+s15], $0x400, s16, s15, $0x38;
	[tilespmem:$0x17440] =	vst v63  }
0x15e: {  	_ =	swait.ge [sflag:s3], $0x400  }
0x15f: {  	s26 =	sld [smem:$0x7E8]  }
0x160: {  	s25 =	sld [smem:$0x7DE];
	_ =	sdelay $0x1  }
0x161: {  	s2 =	simm.s32 $0x1000;
	[sflag:s3] =	ssyncset.done $0x0  }
0x162: {  	[sflag:s3] =	ssyncadd.s32 $0xFFFFFC00;
	s20 =	sadd.s32 $0x0, s26;
	s8 =	sadd.s32 $0x8000, s25  }
.LBB2_4:
0x163: {  	[tilespmem:s18], [sflag:$0x4] =	stream.strided.gather [hbm4b:s20+s15], $0x400, s16, s15, $0x38;
	[tilespmem:$0x17440] =	vst v63  }
0x164: {  	s20 =	smov.u32 s2  }
0x165: {  	p0 =	sne.s32 s2, $0x3000;
	s2 =	sadd.s32 $0x1000, s2;
	_ =	swait.ge [sflag:s10], $0x400  }
0x166: {  	[sflag:s10] =	ssyncset.done $0x0  }
0x167: {  	[sflag:s10] =	ssyncadd.s32 $0xFFFFFC00  }
0x168: {  	[spmem:s4] =	stream.indirect.scatter.add.f32 [tilespmem:s12], [sflag:$0x5], $0x1, s5, s16, $0xb8;
	[tilespmem:$0x17440] =	vst v63  }
0x169: {  	_ =	swait.ge [sflag:s13], $0x400  }
0x16a: {  	[sflag:s13] =	ssyncset.done $0x0  }
0x16b: {  	[sflag:s13] =	ssyncadd.s32 $0xFFFFFC00  }
0x16c: {  	[spmem:s4] =	stream.indirect.scatter.add.f32 [tilespmem:s12], [sflag:$0x6], $0x1, s16, s16, $0xb8;
	[tilespmem:$0x17440] =	vst v63  }
0x16d: {  	_ =	swait.ge [sflag:s14], $0x400  }
0x16e: {  	[sflag:s14] =	ssyncset.done $0x0  }
0x16f: {  	[sflag:s14] =	ssyncadd.s32 $0xFFFFFC00  }
0x170: {  	[spmem:s4] =	stream.indirect.scatter.add.f32 [tilespmem:s12], [sflag:$0x7], $0x1, s17, s16, $0xb8;
	[tilespmem:$0x17440] =	vst v63  }
0x171: {  	_ =	swait.ge [sflag:s30], $0x400  }
0x172: {  	[sflag:s30] =	ssyncset.done $0x0  }
0x173: {  	[sflag:s30] =	ssyncadd.s32 $0xFFFFFC00  }
0x174: {  	[spmem:s4] =	stream.indirect.scatter.add.f32 [tilespmem:s12], [sflag:$0x8], $0x1, s18, s16, $0xb8;
	[tilespmem:$0x17440] =	vst v63  }
0x175: {  	_ =	swait.ge [sflag:s31], $0x400  }
0x176: {  	s21 =	sshrl.u32 s8, $0x3;
	[sflag:s31] =	ssyncset.done $0x0  }
0x177: {  	s21 =	sadd.s32 s21, s22;
	[sflag:s31] =	ssyncadd.s32 $0xFFFFFC00  }
0x178: {  	[tilespmem:s5], [sflag:$0x1] =	stream.strided.gather [hbm4b:s21+s15], $0x400, s16, s15, $0x38;
	[tilespmem:$0x17440] =	vst v63  }
0x179: {  	_ =	swait.ge [sflag:s1], $0x400  }
0x17a: {  	[sflag:s1] =	ssyncset.done $0x0  }
0x17b: {  	s21 =	sadd.s32 s20, s29;
	[sflag:s1] =	ssyncadd.s32 $0xFFFFFC00  }
0x17c: {  	[tilespmem:s16], [sflag:$0x2] =	stream.strided.gather [hbm4b:s21+s15], $0x400, s16, s15, $0x38;
	[tilespmem:$0x17440] =	vst v63  }
0x17d: {  	_ =	swait.ge [sflag:s0], $0x400  }
0x17e: {  	[sflag:s0] =	ssyncset.done $0x0  }
.Ltmp1:
0x17f: {  	s21 =	sadd.s32 s20, s28;
	[sflag:s0] =	ssyncadd.s32 $0xFFFFFC00;
	(pc) =	sbr.rel @p0 .LBB2_4-.Ltmp1, $4  }
0x180: {  	[tilespmem:s17], [sflag:$0x3] =	stream.strided.gather [hbm4b:s21+s15], $0x400, s16, s15, $0x38;
	[tilespmem:$0x17440] =	vst v63  }
0x181: {  	_ =	swait.ge [sflag:s3], $0x400  }
0x182: {  	[sflag:s3] =	ssyncset.done $0x0  }
0x183: {  	s8 =	sadd.s32 $0x8000, s8;
	s20 =	sadd.s32 s20, s26;
	[sflag:s3] =	ssyncadd.s32 $0xFFFFFC00  }
0x184: {  	[tilespmem:s18], [sflag:$0x4] =	stream.strided.gather [hbm4b:s20+s15], $0x400, s16, s15, $0x38;
	[tilespmem:$0x17440] =	vst v63  }
0x185: {  	_ =	swait.ge [sflag:s10], $0x400  }
0x186: {  	[sflag:s10] =	ssyncset.done $0x0  }
0x187: {  	s2 =	simm.s32 $0x0;
	[sflag:s10] =	ssyncadd.s32 $0xFFFFFC00  }
0x188: {  	[spmem:s4] =	stream.indirect.scatter.add.f32 [tilespmem:s12], [sflag:$0x5], $0x1, s2, s16, $0xb8;
	[tilespmem:$0x17440] =	vst v63  }
0x189: {  	_ =	swait.ge [sflag:s13], $0x400  }
0x18a: {  	[sflag:s13] =	ssyncset.done $0x0  }
0x18b: {  	[sflag:s13] =	ssyncadd.s32 $0xFFFFFC00  }
0x18c: {  	[spmem:s4] =	stream.indirect.scatter.add.f32 [tilespmem:s12], [sflag:$0x6], $0x1, s16, s16, $0xb8;
	[tilespmem:$0x17440] =	vst v63  }
0x18d: {  	_ =	swait.ge [sflag:s14], $0x400  }
0x18e: {  	[sflag:s14] =	ssyncset.done $0x0  }
0x18f: {  	[sflag:s14] =	ssyncadd.s32 $0xFFFFFC00  }
0x190: {  	[spmem:s4] =	stream.indirect.scatter.add.f32 [tilespmem:s12], [sflag:$0x7], $0x1, s17, s16, $0xb8;
	[tilespmem:$0x17440] =	vst v63  }
0x191: {  	_ =	swait.ge [sflag:s30], $0x400  }
0x192: {  	[sflag:s30] =	ssyncset.done $0x0  }
0x193: {  	[sflag:s30] =	ssyncadd.s32 $0xFFFFFC00  }
0x194: {  	[spmem:s4] =	stream.indirect.scatter.add.f32 [tilespmem:s12], [sflag:$0x8], $0x1, s18, s16, $0xb8;
	[tilespmem:$0x17440] =	vst v63  }
0x195: {  	_ =	swait.ge [sflag:s31], $0x400  }
0x196: {  	[sflag:s31] =	ssyncset.done $0x0  }
0x197: {  	[sflag:s31] =	ssyncadd.s32 $0xFFFFFC00  }
0x198: {  	_ =	swait.ge [sflag:s1], $0x400  }
0x199: {  	[sflag:s1] =	ssyncset.done $0x0  }
0x19a: {  	[sflag:s1] =	ssyncadd.s32 $0xFFFFFC00  }
0x19b: {  	_ =	swait.ge [sflag:s0], $0x400  }
0x19c: {  	[sflag:s0] =	ssyncset.done $0x0  }
0x19d: {  	[sflag:s0] =	ssyncadd.s32 $0xFFFFFC00  }
0x19e: {  	_ =	swait.ge [sflag:s3], $0x400  }
0x19f: {  	[sflag:s3] =	ssyncset.done $0x0  }
0x1a0: {  	[sflag:s3] =	ssyncadd.s32 $0xFFFFFC00  }
0x1a1: {  	[bflag:$0x0] =	sbarrier.arrive $0xFFFF  }
0x1a2: {  	s8 =	sld [smem:$0x7D6]  }
0x1a3: {  	s7 =	sld [smem:$0x7C4]  }
0x1a4: {  	s25 =	sld [smem:$0x7C5];
	_ =	sdelay $0x2  }
0x1a5: {  	[hbm:s8], [sflag:s7] =	dma.local [spmem:s25], $0x2800  }
0x1a6: {  	s7 =	simm.s32 $0x9  }
0x1a7: {  	_ =	swait.ge [sflag:s7], $0x2800  }
0x1a8: {  	[sflag:s7] =	ssyncset.done $0x0  }
0x1a9: {  	s20 =	simm.s32 $0x1400;
	s26 =	rddreg [dreg:$0x6];
	[sflag:s7] =	ssyncadd.s32 $0xFFFFD800  }
0x1aa: {  	[spmem:s26] =	stream.linear.scatter [tilespmem:s20], [sflag:$0x9], $0x2000, $0x38;
	[tilespmem:$0x17440] =	vst v63  }
0x1ab: {  	_ =	swait.ge [sflag:s7], $0x2000  }
0x1ac: {  	s28 =	sld [smem:$0x7DF]  }
0x1ad: {  	[sflag:s7] =	ssyncset.done $0x0  }
0x1ae: {  	[sflag:s7] =	ssyncadd.s32 $0xFFFFE000  }
0x1af: {  	[spmem:s28] =	stream.linear.scatter [tilespmem:s20], [sflag:$0x9], $0x2000, $0x38;
	[tilespmem:$0x17440] =	vst v63  }
0x1b0: {  	_ =	swait.ge [sflag:s7], $0x2000  }
0x1b1: {  	s19 =	sld [smem:$0x7E0]  }
0x1b2: {  	[sflag:s7] =	ssyncset.done $0x0  }
0x1b3: {  	[sflag:s7] =	ssyncadd.s32 $0xFFFFE000  }
0x1b4: {  	[spmem:s19] =	stream.linear.scatter [tilespmem:s20], [sflag:$0x9], $0x2000, $0x38;
	[tilespmem:$0x17440] =	vst v63  }
0x1b5: {  	_ =	swait.ge [sflag:s7], $0x2000  }
0x1b6: {  	s21 =	sld [smem:$0x7E1]  }
0x1b7: {  	[sflag:s7] =	ssyncset.done $0x0  }
0x1b8: {  	[sflag:s7] =	ssyncadd.s32 $0xFFFFE000  }
0x1b9: {  	[spmem:s21] =	stream.linear.scatter [tilespmem:s20], [sflag:$0x9], $0x2000, $0x38;
	[tilespmem:$0x17440] =	vst v63  }
0x1ba: {  	_ =	swait.ge [sflag:s7], $0x2000  }
0x1bb: {  	s22 =	sld [smem:$0x7E2]  }
0x1bc: {  	[sflag:s7] =	ssyncset.done $0x0  }
0x1bd: {  	[sflag:s7] =	ssyncadd.s32 $0xFFFFE000  }
0x1be: {  	[spmem:s22] =	stream.linear.scatter [tilespmem:s20], [sflag:$0x9], $0x2000, $0x38;
	[tilespmem:$0x17440] =	vst v63  }
0x1bf: {  	_ =	swait.ge [sflag:s7], $0x2000  }
0x1c0: {  	s23 =	sld [smem:$0x7E3]  }
0x1c1: {  	[sflag:s7] =	ssyncset.done $0x0  }
0x1c2: {  	[sflag:s7] =	ssyncadd.s32 $0xFFFFE000  }
0x1c3: {  	[spmem:s23] =	stream.linear.scatter [tilespmem:s20], [sflag:$0x9], $0x2000, $0x38;
	[tilespmem:$0x17440] =	vst v63  }
0x1c4: {  	_ =	swait.ge [sflag:s7], $0x2000  }
0x1c5: {  	s24 =	sld [smem:$0x7E4]  }
0x1c6: {  	[sflag:s7] =	ssyncset.done $0x0  }
0x1c7: {  	[sflag:s7] =	ssyncadd.s32 $0xFFFFE000  }
0x1c8: {  	[spmem:s24] =	stream.linear.scatter [tilespmem:s20], [sflag:$0x9], $0x2000, $0x38;
	[tilespmem:$0x17440] =	vst v63  }
0x1c9: {  	_ =	swait.ge [sflag:s7], $0x2000  }
0x1ca: {  	s25 =	sld [smem:$0x7E5]  }
0x1cb: {  	[sflag:s7] =	ssyncset.done $0x0  }
0x1cc: {  	[sflag:s7] =	ssyncadd.s32 $0xFFFFE000  }
0x1cd: {  	[spmem:s25] =	stream.linear.scatter [tilespmem:s20], [sflag:$0x9], $0x2000, $0x38;
	[tilespmem:$0x17440] =	vst v63  }
0x1ce: {  	_ =	swait.ge [sflag:s7], $0x2000  }
0x1cf: {  	s26 =	sld [smem:$0x7E6]  }
0x1d0: {  	[sflag:s7] =	ssyncset.done $0x0  }
0x1d1: {  	[sflag:s7] =	ssyncadd.s32 $0xFFFFE000  }
0x1d2: {  	[spmem:s26] =	stream.linear.scatter [tilespmem:s20], [sflag:$0x9], $0x2000, $0x38;
	[tilespmem:$0x17440] =	vst v63  }
0x1d3: {  	_ =	swait.ge [sflag:s7], $0x2000  }
0x1d4: {  	s28 =	sld [smem:$0x7E7]  }
0x1d5: {  	[sflag:s7] =	ssyncset.done $0x0  }
0x1d6: {  	[sflag:s7] =	ssyncadd.s32 $0xFFFFE000  }
0x1d7: {  	[spmem:s28] =	stream.linear.scatter [tilespmem:s20], [sflag:$0x9], $0x2000, $0x38;
	[tilespmem:$0x17440] =	vst v63  }
0x1d8: {  	_ =	swait.ge [sflag:s7], $0x2000  }
0x1d9: {  	[sflag:s7] =	ssyncset.done $0x0  }
0x1da: {  	[sflag:s7] =	ssyncadd.s32 $0xFFFFE000  }
0x1db: {  	[bflag:$0x0] =	sbarrier.arrive $0xFFFF  }
0x1dc: {  	s19 =	rddreg [dreg:$0xc]  }
0x1dd: {  	s20 =	rddreg [dreg:$0x18]  }
0x1de: {  	[tilespmem:s2], [sflag:$0x1] =	stream.strided.gather [hbm4b:s19+s15], $0x400, s16, s15, $0x38;
	[tilespmem:$0x17440] =	vst v63  }
0x1df: {  	s21 =	sld [smem:$0x7C7]  }
0x1e0: {  	[tilespmem:s16], [sflag:$0x2] =	stream.strided.gather [hbm4b:s20+s15], $0x400, s16, s15, $0x38;
	[tilespmem:$0x17440] =	vst v63  }
0x1e1: {  	s22 =	sld [smem:$0x7CF]  }
0x1e2: {  	[tilespmem:s17], [sflag:$0x3] =	stream.strided.gather [hbm4b:s21+s15], $0x400, s16, s15, $0x38;
	[tilespmem:$0x17440] =	vst v63  }
0x1e3: {  	_ = 	snop  }
0x1e4: {  	[tilespmem:s18], [sflag:$0x4] =	stream.strided.gather [hbm4b:s22+s15], $0x400, s16, s15, $0x38;
	[tilespmem:$0x17440] =	vst v63  }
0x1e5: {  	_ =	swait.ge [sflag:s10], $0x400  }
0x1e6: {  	[sflag:s10] =	ssyncset.done $0x0  }
0x1e7: {  	[sflag:s10] =	ssyncadd.s32 $0xFFFFFC00  }
0x1e8: {  	[spmem:s4] =	stream.indirect.scatter.add.f32 [tilespmem:s12], [sflag:$0x5], $0x1, s5, s16, $0xb8;
	[tilespmem:$0x17440] =	vst v63  }
0x1e9: {  	_ =	swait.ge [sflag:s13], $0x400  }
0x1ea: {  	[sflag:s13] =	ssyncset.done $0x0  }
0x1eb: {  	[sflag:s13] =	ssyncadd.s32 $0xFFFFFC00  }
0x1ec: {  	[spmem:s4] =	stream.indirect.scatter.add.f32 [tilespmem:s12], [sflag:$0x6], $0x1, s16, s16, $0xb8;
	[tilespmem:$0x17440] =	vst v63  }
0x1ed: {  	_ =	swait.ge [sflag:s14], $0x400  }
0x1ee: {  	[sflag:s14] =	ssyncset.done $0x0  }
0x1ef: {  	[sflag:s14] =	ssyncadd.s32 $0xFFFFFC00  }
0x1f0: {  	[spmem:s4] =	stream.indirect.scatter.add.f32 [tilespmem:s12], [sflag:$0x7], $0x1, s17, s16, $0xb8;
	[tilespmem:$0x17440] =	vst v63  }
0x1f1: {  	_ =	swait.ge [sflag:s30], $0x400  }
0x1f2: {  	[sflag:s30] =	ssyncset.done $0x0  }
0x1f3: {  	[sflag:s30] =	ssyncadd.s32 $0xFFFFFC00  }
0x1f4: {  	[spmem:s4] =	stream.indirect.scatter.add.f32 [tilespmem:s12], [sflag:$0x8], $0x1, s18, s16, $0xb8;
	[tilespmem:$0x17440] =	vst v63  }
0x1f5: {  	_ =	swait.ge [sflag:s31], $0x400  }
0x1f6: {  	s23 =	sld [smem:$0x7C6];
	_ =	sdelay $0x1  }
0x1f7: {  	[sflag:s31] =	ssyncset.done $0x0;
	s22 =	rddreg [dreg:$0xa]  }
0x1f8: {  	[sflag:s31] =	ssyncadd.s32 $0xFFFFFC00;
	s2 =	sadd.s32 s23, s22  }
0x1f9: {  	[tilespmem:s5], [sflag:$0x1] =	stream.strided.gather [hbm4b:s2+s15], $0x400, s16, s15, $0x38;
	[tilespmem:$0x17440] =	vst v63  }
0x1fa: {  	_ =	swait.ge [sflag:s1], $0x400  }
0x1fb: {  	s26 =	sld [smem:$0x7EC];
	_ =	sdelay $0x1  }
0x1fc: {  	[sflag:s1] =	ssyncset.done $0x0  }
0x1fd: {  	[sflag:s1] =	ssyncadd.s32 $0xFFFFFC00;
	s24 =	sadd.s32 $0x0, s26  }
0x1fe: {  	[tilespmem:s16], [sflag:$0x2] =	stream.strided.gather [hbm4b:s24+s15], $0x400, s16, s15, $0x38;
	[tilespmem:$0x17440] =	vst v63  }
0x1ff: {  	_ =	swait.ge [sflag:s0], $0x400  }
0x200: {  	s23 =	sld [smem:$0x7EB];
	_ =	sdelay $0x1  }
0x201: {  	[sflag:s0] =	ssyncset.done $0x0  }
0x202: {  	[sflag:s0] =	ssyncadd.s32 $0xFFFFFC00;
	s25 =	sadd.s32 $0x0, s23  }
0x203: {  	[tilespmem:s17], [sflag:$0x3] =	stream.strided.gather [hbm4b:s25+s15], $0x400, s16, s15, $0x38;
	[tilespmem:$0x17440] =	vst v63  }
0x204: {  	_ =	swait.ge [sflag:s3], $0x400  }
0x205: {  	s29 =	sld [smem:$0x7FA]  }
0x206: {  	s28 =	sld [smem:$0x7DE];
	_ =	sdelay $0x1  }
0x207: {  	s2 =	simm.s32 $0x1000;
	[sflag:s3] =	ssyncset.done $0x0  }
0x208: {  	[sflag:s3] =	ssyncadd.s32 $0xFFFFFC00;
	s20 =	sadd.s32 $0x0, s29;
	s8 =	sadd.s32 $0x8000, s28  }
.LBB2_6:
0x209: {  	[tilespmem:s18], [sflag:$0x4] =	stream.strided.gather [hbm4b:s20+s15], $0x400, s16, s15, $0x38;
	[tilespmem:$0x17440] =	vst v63  }
0x20a: {  	s20 =	smov.u32 s2  }
0x20b: {  	p0 =	sne.s32 s2, $0x3000;
	s2 =	sadd.s32 $0x1000, s2;
	_ =	swait.ge [sflag:s10], $0x400  }
0x20c: {  	[sflag:s10] =	ssyncset.done $0x0  }
0x20d: {  	[sflag:s10] =	ssyncadd.s32 $0xFFFFFC00  }
0x20e: {  	[spmem:s4] =	stream.indirect.scatter.add.f32 [tilespmem:s12], [sflag:$0x5], $0x1, s5, s16, $0xb8;
	[tilespmem:$0x17440] =	vst v63  }
0x20f: {  	_ =	swait.ge [sflag:s13], $0x400  }
0x210: {  	[sflag:s13] =	ssyncset.done $0x0  }
0x211: {  	[sflag:s13] =	ssyncadd.s32 $0xFFFFFC00  }
0x212: {  	[spmem:s4] =	stream.indirect.scatter.add.f32 [tilespmem:s12], [sflag:$0x6], $0x1, s16, s16, $0xb8;
	[tilespmem:$0x17440] =	vst v63  }
0x213: {  	_ =	swait.ge [sflag:s14], $0x400  }
0x214: {  	[sflag:s14] =	ssyncset.done $0x0  }
0x215: {  	[sflag:s14] =	ssyncadd.s32 $0xFFFFFC00  }
0x216: {  	[spmem:s4] =	stream.indirect.scatter.add.f32 [tilespmem:s12], [sflag:$0x7], $0x1, s17, s16, $0xb8;
	[tilespmem:$0x17440] =	vst v63  }
0x217: {  	_ =	swait.ge [sflag:s30], $0x400  }
0x218: {  	[sflag:s30] =	ssyncset.done $0x0  }
0x219: {  	[sflag:s30] =	ssyncadd.s32 $0xFFFFFC00  }
0x21a: {  	[spmem:s4] =	stream.indirect.scatter.add.f32 [tilespmem:s12], [sflag:$0x8], $0x1, s18, s16, $0xb8;
	[tilespmem:$0x17440] =	vst v63  }
0x21b: {  	_ =	swait.ge [sflag:s31], $0x400  }
0x21c: {  	s21 =	sshrl.u32 s8, $0x3;
	[sflag:s31] =	ssyncset.done $0x0  }
0x21d: {  	s21 =	sadd.s32 s21, s22;
	[sflag:s31] =	ssyncadd.s32 $0xFFFFFC00  }
0x21e: {  	[tilespmem:s5], [sflag:$0x1] =	stream.strided.gather [hbm4b:s21+s15], $0x400, s16, s15, $0x38;
	[tilespmem:$0x17440] =	vst v63  }
0x21f: {  	_ =	swait.ge [sflag:s1], $0x400  }
0x220: {  	[sflag:s1] =	ssyncset.done $0x0  }
0x221: {  	s21 =	sadd.s32 s20, s26;
	[sflag:s1] =	ssyncadd.s32 $0xFFFFFC00  }
0x222: {  	[tilespmem:s16], [sflag:$0x2] =	stream.strided.gather [hbm4b:s21+s15], $0x400, s16, s15, $0x38;
	[tilespmem:$0x17440] =	vst v63  }
0x223: {  	_ =	swait.ge [sflag:s0], $0x400  }
0x224: {  	[sflag:s0] =	ssyncset.done $0x0  }
.Ltmp2:
0x225: {  	s21 =	sadd.s32 s20, s23;
	[sflag:s0] =	ssyncadd.s32 $0xFFFFFC00;
	(pc) =	sbr.rel @p0 .LBB2_6-.Ltmp2, $4  }
0x226: {  	[tilespmem:s17], [sflag:$0x3] =	stream.strided.gather [hbm4b:s21+s15], $0x400, s16, s15, $0x38;
	[tilespmem:$0x17440] =	vst v63  }
0x227: {  	_ =	swait.ge [sflag:s3], $0x400  }
0x228: {  	[sflag:s3] =	ssyncset.done $0x0  }
0x229: {  	s8 =	sadd.s32 $0x8000, s8;
	s20 =	sadd.s32 s20, s29;
	[sflag:s3] =	ssyncadd.s32 $0xFFFFFC00  }
0x22a: {  	[tilespmem:s18], [sflag:$0x4] =	stream.strided.gather [hbm4b:s20+s15], $0x400, s16, s15, $0x38;
	[tilespmem:$0x17440] =	vst v63  }
0x22b: {  	_ =	swait.ge [sflag:s10], $0x400  }
0x22c: {  	[sflag:s10] =	ssyncset.done $0x0  }
0x22d: {  	s2 =	simm.s32 $0x0;
	[sflag:s10] =	ssyncadd.s32 $0xFFFFFC00  }
0x22e: {  	[spmem:s4] =	stream.indirect.scatter.add.f32 [tilespmem:s12], [sflag:$0x5], $0x1, s2, s16, $0xb8;
	[tilespmem:$0x17440] =	vst v63  }
0x22f: {  	_ =	swait.ge [sflag:s13], $0x400  }
0x230: {  	[sflag:s13] =	ssyncset.done $0x0  }
0x231: {  	[sflag:s13] =	ssyncadd.s32 $0xFFFFFC00  }
0x232: {  	[spmem:s4] =	stream.indirect.scatter.add.f32 [tilespmem:s12], [sflag:$0x6], $0x1, s16, s16, $0xb8;
	[tilespmem:$0x17440] =	vst v63  }
0x233: {  	_ =	swait.ge [sflag:s14], $0x400  }
0x234: {  	[sflag:s14] =	ssyncset.done $0x0  }
0x235: {  	[sflag:s14] =	ssyncadd.s32 $0xFFFFFC00  }
0x236: {  	[spmem:s4] =	stream.indirect.scatter.add.f32 [tilespmem:s12], [sflag:$0x7], $0x1, s17, s16, $0xb8;
	[tilespmem:$0x17440] =	vst v63  }
0x237: {  	_ =	swait.ge [sflag:s30], $0x400  }
0x238: {  	[sflag:s30] =	ssyncset.done $0x0  }
0x239: {  	[sflag:s30] =	ssyncadd.s32 $0xFFFFFC00  }
0x23a: {  	[spmem:s4] =	stream.indirect.scatter.add.f32 [tilespmem:s12], [sflag:$0x8], $0x1, s18, s16, $0xb8;
	[tilespmem:$0x17440] =	vst v63  }
0x23b: {  	_ =	swait.ge [sflag:s31], $0x400  }
0x23c: {  	[sflag:s31] =	ssyncset.done $0x0  }
0x23d: {  	[sflag:s31] =	ssyncadd.s32 $0xFFFFFC00  }
0x23e: {  	_ =	swait.ge [sflag:s1], $0x400  }
0x23f: {  	[sflag:s1] =	ssyncset.done $0x0  }
0x240: {  	[sflag:s1] =	ssyncadd.s32 $0xFFFFFC00  }
0x241: {  	_ =	swait.ge [sflag:s0], $0x400  }
0x242: {  	[sflag:s0] =	ssyncset.done $0x0  }
0x243: {  	[sflag:s0] =	ssyncadd.s32 $0xFFFFFC00  }
0x244: {  	_ =	swait.ge [sflag:s3], $0x400  }
0x245: {  	[sflag:s3] =	ssyncset.done $0x0  }
0x246: {  	[sflag:s3] =	ssyncadd.s32 $0xFFFFFC00  }
0x247: {  	[bflag:$0x0] =	sbarrier.arrive $0xFFFF  }
0x248: {  	s8 =	sld [smem:$0x7D7]  }
0x249: {  	s26 =	sld [smem:$0x7C4]  }
0x24a: {  	s21 =	sld [smem:$0x7C5];
	_ =	sdelay $0x2  }
0x24b: {  	[hbm:s8], [sflag:s26] =	dma.local [spmem:s21], $0x2800  }
0x24c: {  	_ =	swait.ge [sflag:s7], $0x2800  }
0x24d: {  	[sflag:s7] =	ssyncset.done $0x0  }
0x24e: {  	s20 =	simm.s32 $0x1400;
	s29 =	rddreg [dreg:$0x6];
	[sflag:s7] =	ssyncadd.s32 $0xFFFFD800  }
0x24f: {  	[spmem:s29] =	stream.linear.scatter [tilespmem:s20], [sflag:$0x9], $0x2000, $0x38;
	[tilespmem:$0x17440] =	vst v63  }
0x250: {  	_ =	swait.ge [sflag:s7], $0x2000  }
0x251: {  	s19 =	sld [smem:$0x7DF]  }
0x252: {  	[sflag:s7] =	ssyncset.done $0x0  }
0x253: {  	[sflag:s7] =	ssyncadd.s32 $0xFFFFE000  }
0x254: {  	[spmem:s19] =	stream.linear.scatter [tilespmem:s20], [sflag:$0x9], $0x2000, $0x38;
	[tilespmem:$0x17440] =	vst v63  }
0x255: {  	_ =	swait.ge [sflag:s7], $0x2000  }
0x256: {  	s21 =	sld [smem:$0x7E0]  }
0x257: {  	[sflag:s7] =	ssyncset.done $0x0  }
0x258: {  	[sflag:s7] =	ssyncadd.s32 $0xFFFFE000  }
0x259: {  	[spmem:s21] =	stream.linear.scatter [tilespmem:s20], [sflag:$0x9], $0x2000, $0x38;
	[tilespmem:$0x17440] =	vst v63  }
0x25a: {  	_ =	swait.ge [sflag:s7], $0x2000  }
0x25b: {  	s22 =	sld [smem:$0x7E1]  }
0x25c: {  	[sflag:s7] =	ssyncset.done $0x0  }
0x25d: {  	[sflag:s7] =	ssyncadd.s32 $0xFFFFE000  }
0x25e: {  	[spmem:s22] =	stream.linear.scatter [tilespmem:s20], [sflag:$0x9], $0x2000, $0x38;
	[tilespmem:$0x17440] =	vst v63  }
0x25f: {  	_ =	swait.ge [sflag:s7], $0x2000  }
0x260: {  	s23 =	sld [smem:$0x7E2]  }
0x261: {  	[sflag:s7] =	ssyncset.done $0x0  }
0x262: {  	[sflag:s7] =	ssyncadd.s32 $0xFFFFE000  }
0x263: {  	[spmem:s23] =	stream.linear.scatter [tilespmem:s20], [sflag:$0x9], $0x2000, $0x38;
	[tilespmem:$0x17440] =	vst v63  }
0x264: {  	_ =	swait.ge [sflag:s7], $0x2000  }
0x265: {  	s24 =	sld [smem:$0x7E3]  }
0x266: {  	[sflag:s7] =	ssyncset.done $0x0  }
0x267: {  	[sflag:s7] =	ssyncadd.s32 $0xFFFFE000  }
0x268: {  	[spmem:s24] =	stream.linear.scatter [tilespmem:s20], [sflag:$0x9], $0x2000, $0x38;
	[tilespmem:$0x17440] =	vst v63  }
0x269: {  	_ =	swait.ge [sflag:s7], $0x2000  }
0x26a: {  	s25 =	sld [smem:$0x7E4]  }
0x26b: {  	[sflag:s7] =	ssyncset.done $0x0  }
0x26c: {  	[sflag:s7] =	ssyncadd.s32 $0xFFFFE000  }
0x26d: {  	[spmem:s25] =	stream.linear.scatter [tilespmem:s20], [sflag:$0x9], $0x2000, $0x38;
	[tilespmem:$0x17440] =	vst v63  }
0x26e: {  	_ =	swait.ge [sflag:s7], $0x2000  }
0x26f: {  	s26 =	sld [smem:$0x7E5]  }
0x270: {  	[sflag:s7] =	ssyncset.done $0x0  }
0x271: {  	[sflag:s7] =	ssyncadd.s32 $0xFFFFE000  }
0x272: {  	[spmem:s26] =	stream.linear.scatter [tilespmem:s20], [sflag:$0x9], $0x2000, $0x38;
	[tilespmem:$0x17440] =	vst v63  }
0x273: {  	_ =	swait.ge [sflag:s7], $0x2000  }
0x274: {  	s29 =	sld [smem:$0x7E6]  }
0x275: {  	[sflag:s7] =	ssyncset.done $0x0  }
0x276: {  	[sflag:s7] =	ssyncadd.s32 $0xFFFFE000  }
0x277: {  	[spmem:s29] =	stream.linear.scatter [tilespmem:s20], [sflag:$0x9], $0x2000, $0x38;
	[tilespmem:$0x17440] =	vst v63  }
0x278: {  	_ =	swait.ge [sflag:s7], $0x2000  }
0x279: {  	s19 =	sld [smem:$0x7E7]  }
0x27a: {  	[sflag:s7] =	ssyncset.done $0x0  }
0x27b: {  	[sflag:s7] =	ssyncadd.s32 $0xFFFFE000  }
0x27c: {  	[spmem:s19] =	stream.linear.scatter [tilespmem:s20], [sflag:$0x9], $0x2000, $0x38;
	[tilespmem:$0x17440] =	vst v63  }
0x27d: {  	_ =	swait.ge [sflag:s7], $0x2000  }
0x27e: {  	[sflag:s7] =	ssyncset.done $0x0  }
0x27f: {  	[sflag:s7] =	ssyncadd.s32 $0xFFFFE000  }
0x280: {  	[bflag:$0x0] =	sbarrier.arrive $0xFFFF  }
0x281: {  	s20 =	rddreg [dreg:$0xd]  }
0x282: {  	s21 =	rddreg [dreg:$0x19]  }
0x283: {  	[tilespmem:s2], [sflag:$0x1] =	stream.strided.gather [hbm4b:s20+s15], $0x400, s16, s15, $0x38;
	[tilespmem:$0x17440] =	vst v63  }
0x284: {  	s22 =	sld [smem:$0x7C8]  }
0x285: {  	[tilespmem:s16], [sflag:$0x2] =	stream.strided.gather [hbm4b:s21+s15], $0x400, s16, s15, $0x38;
	[tilespmem:$0x17440] =	vst v63  }
0x286: {  	s23 =	sld [smem:$0x7D0]  }
0x287: {  	[tilespmem:s17], [sflag:$0x3] =	stream.strided.gather [hbm4b:s22+s15], $0x400, s16, s15, $0x38;
	[tilespmem:$0x17440] =	vst v63  }
0x288: {  	_ = 	snop  }
0x289: {  	[tilespmem:s18], [sflag:$0x4] =	stream.strided.gather [hbm4b:s23+s15], $0x400, s16, s15, $0x38;
	[tilespmem:$0x17440] =	vst v63  }
0x28a: {  	_ =	swait.ge [sflag:s10], $0x400  }
0x28b: {  	[sflag:s10] =	ssyncset.done $0x0  }
0x28c: {  	[sflag:s10] =	ssyncadd.s32 $0xFFFFFC00  }
0x28d: {  	[spmem:s4] =	stream.indirect.scatter.add.f32 [tilespmem:s12], [sflag:$0x5], $0x1, s5, s16, $0xb8;
	[tilespmem:$0x17440] =	vst v63  }
0x28e: {  	_ =	swait.ge [sflag:s13], $0x400  }
0x28f: {  	[sflag:s13] =	ssyncset.done $0x0  }
0x290: {  	[sflag:s13] =	ssyncadd.s32 $0xFFFFFC00  }
0x291: {  	[spmem:s4] =	stream.indirect.scatter.add.f32 [tilespmem:s12], [sflag:$0x6], $0x1, s16, s16, $0xb8;
	[tilespmem:$0x17440] =	vst v63  }
0x292: {  	_ =	swait.ge [sflag:s14], $0x400  }
0x293: {  	[sflag:s14] =	ssyncset.done $0x0  }
0x294: {  	[sflag:s14] =	ssyncadd.s32 $0xFFFFFC00  }
0x295: {  	[spmem:s4] =	stream.indirect.scatter.add.f32 [tilespmem:s12], [sflag:$0x7], $0x1, s17, s16, $0xb8;
	[tilespmem:$0x17440] =	vst v63  }
0x296: {  	_ =	swait.ge [sflag:s30], $0x400  }
0x297: {  	[sflag:s30] =	ssyncset.done $0x0  }
0x298: {  	[sflag:s30] =	ssyncadd.s32 $0xFFFFFC00  }
0x299: {  	[spmem:s4] =	stream.indirect.scatter.add.f32 [tilespmem:s12], [sflag:$0x8], $0x1, s18, s16, $0xb8;
	[tilespmem:$0x17440] =	vst v63  }
0x29a: {  	_ =	swait.ge [sflag:s31], $0x400  }
0x29b: {  	s24 =	sld [smem:$0x7C6];
	_ =	sdelay $0x1  }
0x29c: {  	[sflag:s31] =	ssyncset.done $0x0;
	s23 =	rddreg [dreg:$0xb]  }
0x29d: {  	[sflag:s31] =	ssyncadd.s32 $0xFFFFFC00;
	s2 =	sadd.s32 s24, s23  }
0x29e: {  	[tilespmem:s5], [sflag:$0x1] =	stream.strided.gather [hbm4b:s2+s15], $0x400, s16, s15, $0x38;
	[tilespmem:$0x17440] =	vst v63  }
0x29f: {  	_ =	swait.ge [sflag:s1], $0x400  }
0x2a0: {  	s7 =	sld [smem:$0x7EF];
	_ =	sdelay $0x1  }
0x2a1: {  	[sflag:s1] =	ssyncset.done $0x0  }
0x2a2: {  	[sflag:s1] =	ssyncadd.s32 $0xFFFFFC00;
	s25 =	sadd.s32 $0x0, s7  }
0x2a3: {  	[tilespmem:s16], [sflag:$0x2] =	stream.strided.gather [hbm4b:s25+s15], $0x400, s16, s15, $0x38;
	[tilespmem:$0x17440] =	vst v63  }
0x2a4: {  	_ =	swait.ge [sflag:s0], $0x400  }
0x2a5: {  	s28 =	sld [smem:$0x7EE];
	_ =	sdelay $0x1  }
0x2a6: {  	[sflag:s0] =	ssyncset.done $0x0  }
0x2a7: {  	[sflag:s0] =	ssyncadd.s32 $0xFFFFFC00;
	s26 =	sadd.s32 $0x0, s28  }
0x2a8: {  	[tilespmem:s17], [sflag:$0x3] =	stream.strided.gather [hbm4b:s26+s15], $0x400, s16, s15, $0x38;
	[tilespmem:$0x17440] =	vst v63  }
0x2a9: {  	_ =	swait.ge [sflag:s3], $0x400  }
0x2aa: {  	s26 =	sld [smem:$0x7ED]  }
0x2ab: {  	s29 =	sld [smem:$0x7DE];
	_ =	sdelay $0x1  }
0x2ac: {  	s2 =	simm.s32 $0x1000;
	[sflag:s3] =	ssyncset.done $0x0  }
0x2ad: {  	[sflag:s3] =	ssyncadd.s32 $0xFFFFFC00;
	s20 =	sadd.s32 $0x0, s26;
	s8 =	sadd.s32 $0x8000, s29  }
.LBB2_8:
0x2ae: {  	[tilespmem:s18], [sflag:$0x4] =	stream.strided.gather [hbm4b:s20+s15], $0x400, s16, s15, $0x38;
	[tilespmem:$0x17440] =	vst v63  }
0x2af: {  	s20 =	smov.u32 s2  }
0x2b0: {  	p0 =	sne.s32 s2, $0x3000;
	s2 =	sadd.s32 $0x1000, s2;
	_ =	swait.ge [sflag:s10], $0x400  }
0x2b1: {  	[sflag:s10] =	ssyncset.done $0x0  }
0x2b2: {  	[sflag:s10] =	ssyncadd.s32 $0xFFFFFC00  }
0x2b3: {  	[spmem:s4] =	stream.indirect.scatter.add.f32 [tilespmem:s12], [sflag:$0x5], $0x1, s5, s16, $0xb8;
	[tilespmem:$0x17440] =	vst v63  }
0x2b4: {  	_ =	swait.ge [sflag:s13], $0x400  }
0x2b5: {  	[sflag:s13] =	ssyncset.done $0x0  }
0x2b6: {  	[sflag:s13] =	ssyncadd.s32 $0xFFFFFC00  }
0x2b7: {  	[spmem:s4] =	stream.indirect.scatter.add.f32 [tilespmem:s12], [sflag:$0x6], $0x1, s16, s16, $0xb8;
	[tilespmem:$0x17440] =	vst v63  }
0x2b8: {  	_ =	swait.ge [sflag:s14], $0x400  }
0x2b9: {  	[sflag:s14] =	ssyncset.done $0x0  }
0x2ba: {  	[sflag:s14] =	ssyncadd.s32 $0xFFFFFC00  }
0x2bb: {  	[spmem:s4] =	stream.indirect.scatter.add.f32 [tilespmem:s12], [sflag:$0x7], $0x1, s17, s16, $0xb8;
	[tilespmem:$0x17440] =	vst v63  }
0x2bc: {  	_ =	swait.ge [sflag:s30], $0x400  }
0x2bd: {  	[sflag:s30] =	ssyncset.done $0x0  }
0x2be: {  	[sflag:s30] =	ssyncadd.s32 $0xFFFFFC00  }
0x2bf: {  	[spmem:s4] =	stream.indirect.scatter.add.f32 [tilespmem:s12], [sflag:$0x8], $0x1, s18, s16, $0xb8;
	[tilespmem:$0x17440] =	vst v63  }
0x2c0: {  	_ =	swait.ge [sflag:s31], $0x400  }
0x2c1: {  	s21 =	sshrl.u32 s8, $0x3;
	[sflag:s31] =	ssyncset.done $0x0  }
0x2c2: {  	s21 =	sadd.s32 s21, s23;
	[sflag:s31] =	ssyncadd.s32 $0xFFFFFC00  }
0x2c3: {  	[tilespmem:s5], [sflag:$0x1] =	stream.strided.gather [hbm4b:s21+s15], $0x400, s16, s15, $0x38;
	[tilespmem:$0x17440] =	vst v63  }
0x2c4: {  	_ =	swait.ge [sflag:s1], $0x400  }
0x2c5: {  	[sflag:s1] =	ssyncset.done $0x0  }
0x2c6: {  	s21 =	sadd.s32 s20, s7;
	[sflag:s1] =	ssyncadd.s32 $0xFFFFFC00  }
0x2c7: {  	[tilespmem:s16], [sflag:$0x2] =	stream.strided.gather [hbm4b:s21+s15], $0x400, s16, s15, $0x38;
	[tilespmem:$0x17440] =	vst v63  }
0x2c8: {  	_ =	swait.ge [sflag:s0], $0x400  }
0x2c9: {  	[sflag:s0] =	ssyncset.done $0x0  }
.Ltmp3:
0x2ca: {  	s21 =	sadd.s32 s20, s28;
	[sflag:s0] =	ssyncadd.s32 $0xFFFFFC00;
	(pc) =	sbr.rel @p0 .LBB2_8-.Ltmp3, $4  }
0x2cb: {  	[tilespmem:s17], [sflag:$0x3] =	stream.strided.gather [hbm4b:s21+s15], $0x400, s16, s15, $0x38;
	[tilespmem:$0x17440] =	vst v63  }
0x2cc: {  	_ =	swait.ge [sflag:s3], $0x400  }
0x2cd: {  	[sflag:s3] =	ssyncset.done $0x0  }
0x2ce: {  	s8 =	sadd.s32 $0x8000, s8;
	s20 =	sadd.s32 s20, s26;
	[sflag:s3] =	ssyncadd.s32 $0xFFFFFC00  }
0x2cf: {  	[tilespmem:s18], [sflag:$0x4] =	stream.strided.gather [hbm4b:s20+s15], $0x400, s16, s15, $0x38;
	[tilespmem:$0x17440] =	vst v63  }
0x2d0: {  	_ =	swait.ge [sflag:s10], $0x400  }
0x2d1: {  	[sflag:s10] =	ssyncset.done $0x0  }
0x2d2: {  	s2 =	simm.s32 $0x0;
	[sflag:s10] =	ssyncadd.s32 $0xFFFFFC00  }
0x2d3: {  	[spmem:s4] =	stream.indirect.scatter.add.f32 [tilespmem:s12], [sflag:$0x5], $0x1, s2, s16, $0xb8;
	[tilespmem:$0x17440] =	vst v63  }
0x2d4: {  	_ =	swait.ge [sflag:s13], $0x400  }
0x2d5: {  	[sflag:s13] =	ssyncset.done $0x0  }
0x2d6: {  	[sflag:s13] =	ssyncadd.s32 $0xFFFFFC00  }
0x2d7: {  	[spmem:s4] =	stream.indirect.scatter.add.f32 [tilespmem:s12], [sflag:$0x6], $0x1, s16, s16, $0xb8;
	[tilespmem:$0x17440] =	vst v63  }
0x2d8: {  	_ =	swait.ge [sflag:s14], $0x400  }
0x2d9: {  	[sflag:s14] =	ssyncset.done $0x0  }
0x2da: {  	[sflag:s14] =	ssyncadd.s32 $0xFFFFFC00  }
0x2db: {  	[spmem:s4] =	stream.indirect.scatter.add.f32 [tilespmem:s12], [sflag:$0x7], $0x1, s17, s16, $0xb8;
	[tilespmem:$0x17440] =	vst v63  }
0x2dc: {  	_ =	swait.ge [sflag:s30], $0x400  }
0x2dd: {  	[sflag:s30] =	ssyncset.done $0x0  }
0x2de: {  	[sflag:s30] =	ssyncadd.s32 $0xFFFFFC00  }
0x2df: {  	[spmem:s4] =	stream.indirect.scatter.add.f32 [tilespmem:s12], [sflag:$0x8], $0x1, s18, s16, $0xb8;
	[tilespmem:$0x17440] =	vst v63  }
0x2e0: {  	_ =	swait.ge [sflag:s31], $0x400  }
0x2e1: {  	[sflag:s31] =	ssyncset.done $0x0  }
0x2e2: {  	[sflag:s31] =	ssyncadd.s32 $0xFFFFFC00  }
0x2e3: {  	_ =	swait.ge [sflag:s1], $0x400  }
0x2e4: {  	[sflag:s1] =	ssyncset.done $0x0  }
0x2e5: {  	[sflag:s1] =	ssyncadd.s32 $0xFFFFFC00  }
0x2e6: {  	_ =	swait.ge [sflag:s0], $0x400  }
0x2e7: {  	[sflag:s0] =	ssyncset.done $0x0  }
0x2e8: {  	[sflag:s0] =	ssyncadd.s32 $0xFFFFFC00  }
0x2e9: {  	_ =	swait.ge [sflag:s3], $0x400  }
0x2ea: {  	[sflag:s3] =	ssyncset.done $0x0  }
0x2eb: {  	[sflag:s3] =	ssyncadd.s32 $0xFFFFFC00  }
0x2ec: {  	[bflag:$0x0] =	sbarrier.arrive $0xFFFF  }
0x2ed: {  	s8 =	sld [smem:$0x7D8]  }
0x2ee: {  	s7 =	sld [smem:$0x7C4]  }
0x2ef: {  	s19 =	sld [smem:$0x7C5];
	_ =	sdelay $0x2  }
0x2f0: {  	[hbm:s8], [sflag:s7] =	dma.local [spmem:s19], $0x2800  }
0x2f1: {  	s19 =	simm.s32 $0x9  }
0x2f2: {  	_ =	swait.ge [sflag:s19], $0x2800  }
0x2f3: {  	[sflag:s19] =	ssyncset.done $0x0  }
0x2f4: {  	s7 =	simm.s32 $0x1400;
	s29 =	rddreg [dreg:$0x6];
	[sflag:s19] =	ssyncadd.s32 $0xFFFFD800  }
0x2f5: {  	[spmem:s29] =	stream.linear.scatter [tilespmem:s7], [sflag:$0x9], $0x2000, $0x38;
	[tilespmem:$0x17440] =	vst v63  }
0x2f6: {  	_ =	swait.ge [sflag:s19], $0x2000  }
0x2f7: {  	s20 =	sld [smem:$0x7DF]  }
0x2f8: {  	[sflag:s19] =	ssyncset.done $0x0  }
0x2f9: {  	[sflag:s19] =	ssyncadd.s32 $0xFFFFE000  }
0x2fa: {  	[spmem:s20] =	stream.linear.scatter [tilespmem:s7], [sflag:$0x9], $0x2000, $0x38;
	[tilespmem:$0x17440] =	vst v63  }
0x2fb: {  	_ =	swait.ge [sflag:s19], $0x2000  }
0x2fc: {  	s21 =	sld [smem:$0x7E0]  }
0x2fd: {  	[sflag:s19] =	ssyncset.done $0x0  }
0x2fe: {  	[sflag:s19] =	ssyncadd.s32 $0xFFFFE000  }
0x2ff: {  	[spmem:s21] =	stream.linear.scatter [tilespmem:s7], [sflag:$0x9], $0x2000, $0x38;
	[tilespmem:$0x17440] =	vst v63  }
0x300: {  	_ =	swait.ge [sflag:s19], $0x2000  }
0x301: {  	s22 =	sld [smem:$0x7E1]  }
0x302: {  	[sflag:s19] =	ssyncset.done $0x0  }
0x303: {  	[sflag:s19] =	ssyncadd.s32 $0xFFFFE000  }
0x304: {  	[spmem:s22] =	stream.linear.scatter [tilespmem:s7], [sflag:$0x9], $0x2000, $0x38;
	[tilespmem:$0x17440] =	vst v63  }
0x305: {  	_ =	swait.ge [sflag:s19], $0x2000  }
0x306: {  	s23 =	sld [smem:$0x7E2]  }
0x307: {  	[sflag:s19] =	ssyncset.done $0x0  }
0x308: {  	[sflag:s19] =	ssyncadd.s32 $0xFFFFE000  }
0x309: {  	[spmem:s23] =	stream.linear.scatter [tilespmem:s7], [sflag:$0x9], $0x2000, $0x38;
	[tilespmem:$0x17440] =	vst v63  }
0x30a: {  	_ =	swait.ge [sflag:s19], $0x2000  }
0x30b: {  	s24 =	sld [smem:$0x7E3]  }
0x30c: {  	[sflag:s19] =	ssyncset.done $0x0  }
0x30d: {  	[sflag:s19] =	ssyncadd.s32 $0xFFFFE000  }
0x30e: {  	[spmem:s24] =	stream.linear.scatter [tilespmem:s7], [sflag:$0x9], $0x2000, $0x38;
	[tilespmem:$0x17440] =	vst v63  }
0x30f: {  	_ =	swait.ge [sflag:s19], $0x2000  }
0x310: {  	s25 =	sld [smem:$0x7E4]  }
0x311: {  	[sflag:s19] =	ssyncset.done $0x0  }
0x312: {  	[sflag:s19] =	ssyncadd.s32 $0xFFFFE000  }
0x313: {  	[spmem:s25] =	stream.linear.scatter [tilespmem:s7], [sflag:$0x9], $0x2000, $0x38;
	[tilespmem:$0x17440] =	vst v63  }
0x314: {  	_ =	swait.ge [sflag:s19], $0x2000  }
0x315: {  	s26 =	sld [smem:$0x7E5]  }
0x316: {  	[sflag:s19] =	ssyncset.done $0x0  }
0x317: {  	[sflag:s19] =	ssyncadd.s32 $0xFFFFE000  }
0x318: {  	[spmem:s26] =	stream.linear.scatter [tilespmem:s7], [sflag:$0x9], $0x2000, $0x38;
	[tilespmem:$0x17440] =	vst v63  }
0x319: {  	_ =	swait.ge [sflag:s19], $0x2000  }
0x31a: {  	s28 =	sld [smem:$0x7E6]  }
0x31b: {  	[sflag:s19] =	ssyncset.done $0x0  }
0x31c: {  	[sflag:s19] =	ssyncadd.s32 $0xFFFFE000  }
0x31d: {  	[spmem:s28] =	stream.linear.scatter [tilespmem:s7], [sflag:$0x9], $0x2000, $0x38;
	[tilespmem:$0x17440] =	vst v63  }
0x31e: {  	_ =	swait.ge [sflag:s19], $0x2000  }
0x31f: {  	s29 =	sld [smem:$0x7E7]  }
0x320: {  	[sflag:s19] =	ssyncset.done $0x0  }
0x321: {  	[sflag:s19] =	ssyncadd.s32 $0xFFFFE000  }
0x322: {  	[spmem:s29] =	stream.linear.scatter [tilespmem:s7], [sflag:$0x9], $0x2000, $0x38;
	[tilespmem:$0x17440] =	vst v63  }
0x323: {  	_ =	swait.ge [sflag:s19], $0x2000  }
0x324: {  	[sflag:s19] =	ssyncset.done $0x0  }
0x325: {  	[sflag:s19] =	ssyncadd.s32 $0xFFFFE000  }
0x326: {  	[bflag:$0x0] =	sbarrier.arrive $0xFFFF  }
0x327: {  	s20 =	rddreg [dreg:$0x12]  }
0x328: {  	s21 =	rddreg [dreg:$0x1a]  }
0x329: {  	[tilespmem:s2], [sflag:$0x1] =	stream.strided.gather [hbm4b:s20+s15], $0x400, s16, s15, $0x38;
	[tilespmem:$0x17440] =	vst v63  }
0x32a: {  	s22 =	sld [smem:$0x7C9]  }
0x32b: {  	[tilespmem:s16], [sflag:$0x2] =	stream.strided.gather [hbm4b:s21+s15], $0x400, s16, s15, $0x38;
	[tilespmem:$0x17440] =	vst v63  }
0x32c: {  	s23 =	sld [smem:$0x7D1]  }
0x32d: {  	[tilespmem:s17], [sflag:$0x3] =	stream.strided.gather [hbm4b:s22+s15], $0x400, s16, s15, $0x38;
	[tilespmem:$0x17440] =	vst v63  }
0x32e: {  	_ = 	snop  }
0x32f: {  	[tilespmem:s18], [sflag:$0x4] =	stream.strided.gather [hbm4b:s23+s15], $0x400, s16, s15, $0x38;
	[tilespmem:$0x17440] =	vst v63  }
0x330: {  	_ =	swait.ge [sflag:s10], $0x400  }
0x331: {  	[sflag:s10] =	ssyncset.done $0x0  }
0x332: {  	[sflag:s10] =	ssyncadd.s32 $0xFFFFFC00  }
0x333: {  	[spmem:s4] =	stream.indirect.scatter.add.f32 [tilespmem:s12], [sflag:$0x5], $0x1, s5, s16, $0xb8;
	[tilespmem:$0x17440] =	vst v63  }
0x334: {  	_ =	swait.ge [sflag:s13], $0x400  }
0x335: {  	[sflag:s13] =	ssyncset.done $0x0  }
0x336: {  	[sflag:s13] =	ssyncadd.s32 $0xFFFFFC00  }
0x337: {  	[spmem:s4] =	stream.indirect.scatter.add.f32 [tilespmem:s12], [sflag:$0x6], $0x1, s16, s16, $0xb8;
	[tilespmem:$0x17440] =	vst v63  }
0x338: {  	_ =	swait.ge [sflag:s14], $0x400  }
0x339: {  	[sflag:s14] =	ssyncset.done $0x0  }
0x33a: {  	[sflag:s14] =	ssyncadd.s32 $0xFFFFFC00  }
0x33b: {  	[spmem:s4] =	stream.indirect.scatter.add.f32 [tilespmem:s12], [sflag:$0x7], $0x1, s17, s16, $0xb8;
	[tilespmem:$0x17440] =	vst v63  }
0x33c: {  	_ =	swait.ge [sflag:s30], $0x400  }
0x33d: {  	[sflag:s30] =	ssyncset.done $0x0  }
0x33e: {  	[sflag:s30] =	ssyncadd.s32 $0xFFFFFC00  }
0x33f: {  	[spmem:s4] =	stream.indirect.scatter.add.f32 [tilespmem:s12], [sflag:$0x8], $0x1, s18, s16, $0xb8;
	[tilespmem:$0x17440] =	vst v63  }
0x340: {  	_ =	swait.ge [sflag:s31], $0x400  }
0x341: {  	s24 =	sld [smem:$0x7C6];
	_ =	sdelay $0x1  }
0x342: {  	[sflag:s31] =	ssyncset.done $0x0;
	s23 =	rddreg [dreg:$0xe]  }
0x343: {  	[sflag:s31] =	ssyncadd.s32 $0xFFFFFC00;
	s2 =	sadd.s32 s24, s23  }
0x344: {  	[tilespmem:s5], [sflag:$0x1] =	stream.strided.gather [hbm4b:s2+s15], $0x400, s16, s15, $0x38;
	[tilespmem:$0x17440] =	vst v63  }
0x345: {  	_ =	swait.ge [sflag:s1], $0x400  }
0x346: {  	s26 =	sld [smem:$0x7F1];
	_ =	sdelay $0x1  }
0x347: {  	[sflag:s1] =	ssyncset.done $0x0  }
0x348: {  	[sflag:s1] =	ssyncadd.s32 $0xFFFFFC00;
	s25 =	sadd.s32 $0x0, s26  }
0x349: {  	[tilespmem:s16], [sflag:$0x2] =	stream.strided.gather [hbm4b:s25+s15], $0x400, s16, s15, $0x38;
	[tilespmem:$0x17440] =	vst v63  }
0x34a: {  	_ =	swait.ge [sflag:s0], $0x400  }
0x34b: {  	s24 =	sld [smem:$0x7F0];
	_ =	sdelay $0x1  }
0x34c: {  	[sflag:s0] =	ssyncset.done $0x0  }
0x34d: {  	[sflag:s0] =	ssyncadd.s32 $0xFFFFFC00;
	s28 =	sadd.s32 $0x0, s24  }
0x34e: {  	[tilespmem:s17], [sflag:$0x3] =	stream.strided.gather [hbm4b:s28+s15], $0x400, s16, s15, $0x38;
	[tilespmem:$0x17440] =	vst v63  }
0x34f: {  	_ =	swait.ge [sflag:s3], $0x400  }
0x350: {  	s7 =	sld [smem:$0x7FB]  }
0x351: {  	s29 =	sld [smem:$0x7DE];
	_ =	sdelay $0x1  }
0x352: {  	s2 =	simm.s32 $0x1000;
	[sflag:s3] =	ssyncset.done $0x0  }
0x353: {  	[sflag:s3] =	ssyncadd.s32 $0xFFFFFC00;
	s20 =	sadd.s32 $0x0, s7;
	s8 =	sadd.s32 $0x8000, s29  }
.LBB2_10:
0x354: {  	[tilespmem:s18], [sflag:$0x4] =	stream.strided.gather [hbm4b:s20+s15], $0x400, s16, s15, $0x38;
	[tilespmem:$0x17440] =	vst v63  }
0x355: {  	s20 =	smov.u32 s2  }
0x356: {  	p0 =	sne.s32 s2, $0x3000;
	s2 =	sadd.s32 $0x1000, s2;
	_ =	swait.ge [sflag:s10], $0x400  }
0x357: {  	[sflag:s10] =	ssyncset.done $0x0  }
0x358: {  	[sflag:s10] =	ssyncadd.s32 $0xFFFFFC00  }
0x359: {  	[spmem:s4] =	stream.indirect.scatter.add.f32 [tilespmem:s12], [sflag:$0x5], $0x1, s5, s16, $0xb8;
	[tilespmem:$0x17440] =	vst v63  }
0x35a: {  	_ =	swait.ge [sflag:s13], $0x400  }
0x35b: {  	[sflag:s13] =	ssyncset.done $0x0  }
0x35c: {  	[sflag:s13] =	ssyncadd.s32 $0xFFFFFC00  }
0x35d: {  	[spmem:s4] =	stream.indirect.scatter.add.f32 [tilespmem:s12], [sflag:$0x6], $0x1, s16, s16, $0xb8;
	[tilespmem:$0x17440] =	vst v63  }
0x35e: {  	_ =	swait.ge [sflag:s14], $0x400  }
0x35f: {  	[sflag:s14] =	ssyncset.done $0x0  }
0x360: {  	[sflag:s14] =	ssyncadd.s32 $0xFFFFFC00  }
0x361: {  	[spmem:s4] =	stream.indirect.scatter.add.f32 [tilespmem:s12], [sflag:$0x7], $0x1, s17, s16, $0xb8;
	[tilespmem:$0x17440] =	vst v63  }
0x362: {  	_ =	swait.ge [sflag:s30], $0x400  }
0x363: {  	[sflag:s30] =	ssyncset.done $0x0  }
0x364: {  	[sflag:s30] =	ssyncadd.s32 $0xFFFFFC00  }
0x365: {  	[spmem:s4] =	stream.indirect.scatter.add.f32 [tilespmem:s12], [sflag:$0x8], $0x1, s18, s16, $0xb8;
	[tilespmem:$0x17440] =	vst v63  }
0x366: {  	_ =	swait.ge [sflag:s31], $0x400  }
0x367: {  	s21 =	sshrl.u32 s8, $0x3;
	[sflag:s31] =	ssyncset.done $0x0  }
0x368: {  	s21 =	sadd.s32 s21, s23;
	[sflag:s31] =	ssyncadd.s32 $0xFFFFFC00  }
0x369: {  	[tilespmem:s5], [sflag:$0x1] =	stream.strided.gather [hbm4b:s21+s15], $0x400, s16, s15, $0x38;
	[tilespmem:$0x17440] =	vst v63  }
0x36a: {  	_ =	swait.ge [sflag:s1], $0x400  }
0x36b: {  	[sflag:s1] =	ssyncset.done $0x0  }
0x36c: {  	s21 =	sadd.s32 s20, s26;
	[sflag:s1] =	ssyncadd.s32 $0xFFFFFC00  }
0x36d: {  	[tilespmem:s16], [sflag:$0x2] =	stream.strided.gather [hbm4b:s21+s15], $0x400, s16, s15, $0x38;
	[tilespmem:$0x17440] =	vst v63  }
0x36e: {  	_ =	swait.ge [sflag:s0], $0x400  }
0x36f: {  	[sflag:s0] =	ssyncset.done $0x0  }
.Ltmp4:
0x370: {  	s21 =	sadd.s32 s20, s24;
	[sflag:s0] =	ssyncadd.s32 $0xFFFFFC00;
	(pc) =	sbr.rel @p0 .LBB2_10-.Ltmp4, $4  }
0x371: {  	[tilespmem:s17], [sflag:$0x3] =	stream.strided.gather [hbm4b:s21+s15], $0x400, s16, s15, $0x38;
	[tilespmem:$0x17440] =	vst v63  }
0x372: {  	_ =	swait.ge [sflag:s3], $0x400  }
0x373: {  	[sflag:s3] =	ssyncset.done $0x0  }
0x374: {  	s8 =	sadd.s32 $0x8000, s8;
	s20 =	sadd.s32 s20, s7;
	[sflag:s3] =	ssyncadd.s32 $0xFFFFFC00  }
0x375: {  	[tilespmem:s18], [sflag:$0x4] =	stream.strided.gather [hbm4b:s20+s15], $0x400, s16, s15, $0x38;
	[tilespmem:$0x17440] =	vst v63  }
0x376: {  	_ =	swait.ge [sflag:s10], $0x400  }
0x377: {  	[sflag:s10] =	ssyncset.done $0x0  }
0x378: {  	s2 =	simm.s32 $0x0;
	[sflag:s10] =	ssyncadd.s32 $0xFFFFFC00  }
0x379: {  	[spmem:s4] =	stream.indirect.scatter.add.f32 [tilespmem:s12], [sflag:$0x5], $0x1, s2, s16, $0xb8;
	[tilespmem:$0x17440] =	vst v63  }
0x37a: {  	_ =	swait.ge [sflag:s13], $0x400  }
0x37b: {  	[sflag:s13] =	ssyncset.done $0x0  }
0x37c: {  	[sflag:s13] =	ssyncadd.s32 $0xFFFFFC00  }
0x37d: {  	[spmem:s4] =	stream.indirect.scatter.add.f32 [tilespmem:s12], [sflag:$0x6], $0x1, s16, s16, $0xb8;
	[tilespmem:$0x17440] =	vst v63  }
0x37e: {  	_ =	swait.ge [sflag:s14], $0x400  }
0x37f: {  	[sflag:s14] =	ssyncset.done $0x0  }
0x380: {  	[sflag:s14] =	ssyncadd.s32 $0xFFFFFC00  }
0x381: {  	[spmem:s4] =	stream.indirect.scatter.add.f32 [tilespmem:s12], [sflag:$0x7], $0x1, s17, s16, $0xb8;
	[tilespmem:$0x17440] =	vst v63  }
0x382: {  	_ =	swait.ge [sflag:s30], $0x400  }
0x383: {  	[sflag:s30] =	ssyncset.done $0x0  }
0x384: {  	[sflag:s30] =	ssyncadd.s32 $0xFFFFFC00  }
0x385: {  	[spmem:s4] =	stream.indirect.scatter.add.f32 [tilespmem:s12], [sflag:$0x8], $0x1, s18, s16, $0xb8;
	[tilespmem:$0x17440] =	vst v63  }
0x386: {  	_ =	swait.ge [sflag:s31], $0x400  }
0x387: {  	[sflag:s31] =	ssyncset.done $0x0  }
0x388: {  	[sflag:s31] =	ssyncadd.s32 $0xFFFFFC00  }
0x389: {  	_ =	swait.ge [sflag:s1], $0x400  }
0x38a: {  	[sflag:s1] =	ssyncset.done $0x0  }
0x38b: {  	[sflag:s1] =	ssyncadd.s32 $0xFFFFFC00  }
0x38c: {  	_ =	swait.ge [sflag:s0], $0x400  }
0x38d: {  	[sflag:s0] =	ssyncset.done $0x0  }
0x38e: {  	[sflag:s0] =	ssyncadd.s32 $0xFFFFFC00  }
0x38f: {  	_ =	swait.ge [sflag:s3], $0x400  }
0x390: {  	[sflag:s3] =	ssyncset.done $0x0  }
0x391: {  	[sflag:s3] =	ssyncadd.s32 $0xFFFFFC00  }
0x392: {  	[bflag:$0x0] =	sbarrier.arrive $0xFFFF  }
0x393: {  	s8 =	sld [smem:$0x7D9]  }
0x394: {  	s26 =	sld [smem:$0x7C4]  }
0x395: {  	s21 =	sld [smem:$0x7C5];
	_ =	sdelay $0x2  }
0x396: {  	[hbm:s8], [sflag:s26] =	dma.local [spmem:s21], $0x2800  }
0x397: {  	_ =	swait.ge [sflag:s19], $0x2800  }
0x398: {  	[sflag:s19] =	ssyncset.done $0x0  }
0x399: {  	s20 =	simm.s32 $0x1400;
	s29 =	rddreg [dreg:$0x6];
	[sflag:s19] =	ssyncadd.s32 $0xFFFFD800  }
0x39a: {  	[spmem:s29] =	stream.linear.scatter [tilespmem:s20], [sflag:$0x9], $0x2000, $0x38;
	[tilespmem:$0x17440] =	vst v63  }
0x39b: {  	_ =	swait.ge [sflag:s19], $0x2000  }
0x39c: {  	s7 =	sld [smem:$0x7DF]  }
0x39d: {  	[sflag:s19] =	ssyncset.done $0x0  }
0x39e: {  	[sflag:s19] =	ssyncadd.s32 $0xFFFFE000  }
0x39f: {  	[spmem:s7] =	stream.linear.scatter [tilespmem:s20], [sflag:$0x9], $0x2000, $0x38;
	[tilespmem:$0x17440] =	vst v63  }
0x3a0: {  	_ =	swait.ge [sflag:s19], $0x2000  }
0x3a1: {  	s21 =	sld [smem:$0x7E0]  }
0x3a2: {  	[sflag:s19] =	ssyncset.done $0x0  }
0x3a3: {  	[sflag:s19] =	ssyncadd.s32 $0xFFFFE000  }
0x3a4: {  	[spmem:s21] =	stream.linear.scatter [tilespmem:s20], [sflag:$0x9], $0x2000, $0x38;
	[tilespmem:$0x17440] =	vst v63  }
0x3a5: {  	_ =	swait.ge [sflag:s19], $0x2000  }
0x3a6: {  	s22 =	sld [smem:$0x7E1]  }
0x3a7: {  	[sflag:s19] =	ssyncset.done $0x0  }
0x3a8: {  	[sflag:s19] =	ssyncadd.s32 $0xFFFFE000  }
0x3a9: {  	[spmem:s22] =	stream.linear.scatter [tilespmem:s20], [sflag:$0x9], $0x2000, $0x38;
	[tilespmem:$0x17440] =	vst v63  }
0x3aa: {  	_ =	swait.ge [sflag:s19], $0x2000  }
0x3ab: {  	s23 =	sld [smem:$0x7E2]  }
0x3ac: {  	[sflag:s19] =	ssyncset.done $0x0  }
0x3ad: {  	[sflag:s19] =	ssyncadd.s32 $0xFFFFE000  }
0x3ae: {  	[spmem:s23] =	stream.linear.scatter [tilespmem:s20], [sflag:$0x9], $0x2000, $0x38;
	[tilespmem:$0x17440] =	vst v63  }
0x3af: {  	_ =	swait.ge [sflag:s19], $0x2000  }
0x3b0: {  	s24 =	sld [smem:$0x7E3]  }
0x3b1: {  	[sflag:s19] =	ssyncset.done $0x0  }
0x3b2: {  	[sflag:s19] =	ssyncadd.s32 $0xFFFFE000  }
0x3b3: {  	[spmem:s24] =	stream.linear.scatter [tilespmem:s20], [sflag:$0x9], $0x2000, $0x38;
	[tilespmem:$0x17440] =	vst v63  }
0x3b4: {  	_ =	swait.ge [sflag:s19], $0x2000  }
0x3b5: {  	s25 =	sld [smem:$0x7E4]  }
0x3b6: {  	[sflag:s19] =	ssyncset.done $0x0  }
0x3b7: {  	[sflag:s19] =	ssyncadd.s32 $0xFFFFE000  }
0x3b8: {  	[spmem:s25] =	stream.linear.scatter [tilespmem:s20], [sflag:$0x9], $0x2000, $0x38;
	[tilespmem:$0x17440] =	vst v63  }
0x3b9: {  	_ =	swait.ge [sflag:s19], $0x2000  }
0x3ba: {  	s26 =	sld [smem:$0x7E5]  }
0x3bb: {  	[sflag:s19] =	ssyncset.done $0x0  }
0x3bc: {  	[sflag:s19] =	ssyncadd.s32 $0xFFFFE000  }
0x3bd: {  	[spmem:s26] =	stream.linear.scatter [tilespmem:s20], [sflag:$0x9], $0x2000, $0x38;
	[tilespmem:$0x17440] =	vst v63  }
0x3be: {  	_ =	swait.ge [sflag:s19], $0x2000  }
0x3bf: {  	s29 =	sld [smem:$0x7E6]  }
0x3c0: {  	[sflag:s19] =	ssyncset.done $0x0  }
0x3c1: {  	[sflag:s19] =	ssyncadd.s32 $0xFFFFE000  }
0x3c2: {  	[spmem:s29] =	stream.linear.scatter [tilespmem:s20], [sflag:$0x9], $0x2000, $0x38;
	[tilespmem:$0x17440] =	vst v63  }
0x3c3: {  	_ =	swait.ge [sflag:s19], $0x2000  }
0x3c4: {  	s7 =	sld [smem:$0x7E7]  }
0x3c5: {  	[sflag:s19] =	ssyncset.done $0x0  }
0x3c6: {  	[sflag:s19] =	ssyncadd.s32 $0xFFFFE000  }
0x3c7: {  	[spmem:s7] =	stream.linear.scatter [tilespmem:s20], [sflag:$0x9], $0x2000, $0x38;
	[tilespmem:$0x17440] =	vst v63  }
0x3c8: {  	_ =	swait.ge [sflag:s19], $0x2000  }
0x3c9: {  	[sflag:s19] =	ssyncset.done $0x0  }
0x3ca: {  	[sflag:s19] =	ssyncadd.s32 $0xFFFFE000  }
0x3cb: {  	[bflag:$0x0] =	sbarrier.arrive $0xFFFF  }
0x3cc: {  	s19 =	rddreg [dreg:$0x13]  }
0x3cd: {  	s20 =	rddreg [dreg:$0x1b]  }
0x3ce: {  	[tilespmem:s2], [sflag:$0x1] =	stream.strided.gather [hbm4b:s19+s15], $0x400, s16, s15, $0x38;
	[tilespmem:$0x17440] =	vst v63  }
0x3cf: {  	s21 =	sld [smem:$0x7CA]  }
0x3d0: {  	[tilespmem:s16], [sflag:$0x2] =	stream.strided.gather [hbm4b:s20+s15], $0x400, s16, s15, $0x38;
	[tilespmem:$0x17440] =	vst v63  }
0x3d1: {  	s22 =	sld [smem:$0x7D2]  }
0x3d2: {  	[tilespmem:s17], [sflag:$0x3] =	stream.strided.gather [hbm4b:s21+s15], $0x400, s16, s15, $0x38;
	[tilespmem:$0x17440] =	vst v63  }
0x3d3: {  	_ = 	snop  }
0x3d4: {  	[tilespmem:s18], [sflag:$0x4] =	stream.strided.gather [hbm4b:s22+s15], $0x400, s16, s15, $0x38;
	[tilespmem:$0x17440] =	vst v63  }
0x3d5: {  	_ =	swait.ge [sflag:s10], $0x400  }
0x3d6: {  	[sflag:s10] =	ssyncset.done $0x0  }
0x3d7: {  	[sflag:s10] =	ssyncadd.s32 $0xFFFFFC00  }
0x3d8: {  	[spmem:s4] =	stream.indirect.scatter.add.f32 [tilespmem:s12], [sflag:$0x5], $0x1, s5, s16, $0xb8;
	[tilespmem:$0x17440] =	vst v63  }
0x3d9: {  	_ =	swait.ge [sflag:s13], $0x400  }
0x3da: {  	[sflag:s13] =	ssyncset.done $0x0  }
0x3db: {  	[sflag:s13] =	ssyncadd.s32 $0xFFFFFC00  }
0x3dc: {  	[spmem:s4] =	stream.indirect.scatter.add.f32 [tilespmem:s12], [sflag:$0x6], $0x1, s16, s16, $0xb8;
	[tilespmem:$0x17440] =	vst v63  }
0x3dd: {  	_ =	swait.ge [sflag:s14], $0x400  }
0x3de: {  	[sflag:s14] =	ssyncset.done $0x0  }
0x3df: {  	[sflag:s14] =	ssyncadd.s32 $0xFFFFFC00  }
0x3e0: {  	[spmem:s4] =	stream.indirect.scatter.add.f32 [tilespmem:s12], [sflag:$0x7], $0x1, s17, s16, $0xb8;
	[tilespmem:$0x17440] =	vst v63  }
0x3e1: {  	_ =	swait.ge [sflag:s30], $0x400  }
0x3e2: {  	[sflag:s30] =	ssyncset.done $0x0  }
0x3e3: {  	[sflag:s30] =	ssyncadd.s32 $0xFFFFFC00  }
0x3e4: {  	[spmem:s4] =	stream.indirect.scatter.add.f32 [tilespmem:s12], [sflag:$0x8], $0x1, s18, s16, $0xb8;
	[tilespmem:$0x17440] =	vst v63  }
0x3e5: {  	_ =	swait.ge [sflag:s31], $0x400  }
0x3e6: {  	s23 =	sld [smem:$0x7C6];
	_ =	sdelay $0x1  }
0x3e7: {  	[sflag:s31] =	ssyncset.done $0x0;
	s24 =	rddreg [dreg:$0xf]  }
0x3e8: {  	[sflag:s31] =	ssyncadd.s32 $0xFFFFFC00;
	s2 =	sadd.s32 s23, s24  }
0x3e9: {  	[tilespmem:s5], [sflag:$0x1] =	stream.strided.gather [hbm4b:s2+s15], $0x400, s16, s15, $0x38;
	[tilespmem:$0x17440] =	vst v63  }
0x3ea: {  	_ =	swait.ge [sflag:s1], $0x400  }
0x3eb: {  	s19 =	sld [smem:$0x7FC];
	_ =	sdelay $0x1  }
0x3ec: {  	[sflag:s1] =	ssyncset.done $0x0  }
0x3ed: {  	[sflag:s1] =	ssyncadd.s32 $0xFFFFFC00;
	s25 =	sadd.s32 $0x0, s19  }
0x3ee: {  	[tilespmem:s16], [sflag:$0x2] =	stream.strided.gather [hbm4b:s25+s15], $0x400, s16, s15, $0x38;
	[tilespmem:$0x17440] =	vst v63  }
0x3ef: {  	_ =	swait.ge [sflag:s0], $0x400  }
0x3f0: {  	s28 =	sld [smem:$0x7F3];
	_ =	sdelay $0x1  }
0x3f1: {  	[sflag:s0] =	ssyncset.done $0x0  }
0x3f2: {  	[sflag:s0] =	ssyncadd.s32 $0xFFFFFC00;
	s26 =	sadd.s32 $0x0, s28  }
0x3f3: {  	[tilespmem:s17], [sflag:$0x3] =	stream.strided.gather [hbm4b:s26+s15], $0x400, s16, s15, $0x38;
	[tilespmem:$0x17440] =	vst v63  }
0x3f4: {  	_ =	swait.ge [sflag:s3], $0x400  }
0x3f5: {  	s26 =	sld [smem:$0x7F2]  }
0x3f6: {  	s29 =	sld [smem:$0x7DE];
	_ =	sdelay $0x1  }
0x3f7: {  	s2 =	simm.s32 $0x1000;
	[sflag:s3] =	ssyncset.done $0x0  }
0x3f8: {  	[sflag:s3] =	ssyncadd.s32 $0xFFFFFC00;
	s20 =	sadd.s32 $0x0, s26;
	s8 =	sadd.s32 $0x8000, s29  }
.LBB2_12:
0x3f9: {  	[tilespmem:s18], [sflag:$0x4] =	stream.strided.gather [hbm4b:s20+s15], $0x400, s16, s15, $0x38;
	[tilespmem:$0x17440] =	vst v63  }
0x3fa: {  	s20 =	smov.u32 s2  }
0x3fb: {  	p0 =	sne.s32 s2, $0x3000;
	s2 =	sadd.s32 $0x1000, s2;
	_ =	swait.ge [sflag:s10], $0x400  }
0x3fc: {  	[sflag:s10] =	ssyncset.done $0x0  }
0x3fd: {  	[sflag:s10] =	ssyncadd.s32 $0xFFFFFC00  }
0x3fe: {  	[spmem:s4] =	stream.indirect.scatter.add.f32 [tilespmem:s12], [sflag:$0x5], $0x1, s5, s16, $0xb8;
	[tilespmem:$0x17440] =	vst v63  }
0x3ff: {  	_ =	swait.ge [sflag:s13], $0x400  }
0x400: {  	[sflag:s13] =	ssyncset.done $0x0  }
0x401: {  	[sflag:s13] =	ssyncadd.s32 $0xFFFFFC00  }
0x402: {  	[spmem:s4] =	stream.indirect.scatter.add.f32 [tilespmem:s12], [sflag:$0x6], $0x1, s16, s16, $0xb8;
	[tilespmem:$0x17440] =	vst v63  }
0x403: {  	_ =	swait.ge [sflag:s14], $0x400  }
0x404: {  	[sflag:s14] =	ssyncset.done $0x0  }
0x405: {  	[sflag:s14] =	ssyncadd.s32 $0xFFFFFC00  }
0x406: {  	[spmem:s4] =	stream.indirect.scatter.add.f32 [tilespmem:s12], [sflag:$0x7], $0x1, s17, s16, $0xb8;
	[tilespmem:$0x17440] =	vst v63  }
0x407: {  	_ =	swait.ge [sflag:s30], $0x400  }
0x408: {  	[sflag:s30] =	ssyncset.done $0x0  }
0x409: {  	[sflag:s30] =	ssyncadd.s32 $0xFFFFFC00  }
0x40a: {  	[spmem:s4] =	stream.indirect.scatter.add.f32 [tilespmem:s12], [sflag:$0x8], $0x1, s18, s16, $0xb8;
	[tilespmem:$0x17440] =	vst v63  }
0x40b: {  	_ =	swait.ge [sflag:s31], $0x400  }
0x40c: {  	s21 =	sshrl.u32 s8, $0x3;
	[sflag:s31] =	ssyncset.done $0x0  }
0x40d: {  	s21 =	sadd.s32 s21, s24;
	[sflag:s31] =	ssyncadd.s32 $0xFFFFFC00  }
0x40e: {  	[tilespmem:s5], [sflag:$0x1] =	stream.strided.gather [hbm4b:s21+s15], $0x400, s16, s15, $0x38;
	[tilespmem:$0x17440] =	vst v63  }
0x40f: {  	_ =	swait.ge [sflag:s1], $0x400  }
0x410: {  	[sflag:s1] =	ssyncset.done $0x0  }
0x411: {  	s21 =	sadd.s32 s20, s19;
	[sflag:s1] =	ssyncadd.s32 $0xFFFFFC00  }
0x412: {  	[tilespmem:s16], [sflag:$0x2] =	stream.strided.gather [hbm4b:s21+s15], $0x400, s16, s15, $0x38;
	[tilespmem:$0x17440] =	vst v63  }
0x413: {  	_ =	swait.ge [sflag:s0], $0x400  }
0x414: {  	[sflag:s0] =	ssyncset.done $0x0  }
.Ltmp5:
0x415: {  	s21 =	sadd.s32 s20, s28;
	[sflag:s0] =	ssyncadd.s32 $0xFFFFFC00;
	(pc) =	sbr.rel @p0 .LBB2_12-.Ltmp5, $4  }
0x416: {  	[tilespmem:s17], [sflag:$0x3] =	stream.strided.gather [hbm4b:s21+s15], $0x400, s16, s15, $0x38;
	[tilespmem:$0x17440] =	vst v63  }
0x417: {  	_ =	swait.ge [sflag:s3], $0x400  }
0x418: {  	[sflag:s3] =	ssyncset.done $0x0  }
0x419: {  	s8 =	sadd.s32 $0x8000, s8;
	s20 =	sadd.s32 s20, s26;
	[sflag:s3] =	ssyncadd.s32 $0xFFFFFC00  }
0x41a: {  	[tilespmem:s18], [sflag:$0x4] =	stream.strided.gather [hbm4b:s20+s15], $0x400, s16, s15, $0x38;
	[tilespmem:$0x17440] =	vst v63  }
0x41b: {  	_ =	swait.ge [sflag:s10], $0x400  }
0x41c: {  	[sflag:s10] =	ssyncset.done $0x0  }
0x41d: {  	s2 =	simm.s32 $0x0;
	[sflag:s10] =	ssyncadd.s32 $0xFFFFFC00  }
0x41e: {  	[spmem:s4] =	stream.indirect.scatter.add.f32 [tilespmem:s12], [sflag:$0x5], $0x1, s2, s16, $0xb8;
	[tilespmem:$0x17440] =	vst v63  }
0x41f: {  	_ =	swait.ge [sflag:s13], $0x400  }
0x420: {  	[sflag:s13] =	ssyncset.done $0x0  }
0x421: {  	[sflag:s13] =	ssyncadd.s32 $0xFFFFFC00  }
0x422: {  	[spmem:s4] =	stream.indirect.scatter.add.f32 [tilespmem:s12], [sflag:$0x6], $0x1, s16, s16, $0xb8;
	[tilespmem:$0x17440] =	vst v63  }
0x423: {  	_ =	swait.ge [sflag:s14], $0x400  }
0x424: {  	[sflag:s14] =	ssyncset.done $0x0  }
0x425: {  	[sflag:s14] =	ssyncadd.s32 $0xFFFFFC00  }
0x426: {  	[spmem:s4] =	stream.indirect.scatter.add.f32 [tilespmem:s12], [sflag:$0x7], $0x1, s17, s16, $0xb8;
	[tilespmem:$0x17440] =	vst v63  }
0x427: {  	_ =	swait.ge [sflag:s30], $0x400  }
0x428: {  	[sflag:s30] =	ssyncset.done $0x0  }
0x429: {  	[sflag:s30] =	ssyncadd.s32 $0xFFFFFC00  }
0x42a: {  	[spmem:s4] =	stream.indirect.scatter.add.f32 [tilespmem:s12], [sflag:$0x8], $0x1, s18, s16, $0xb8;
	[tilespmem:$0x17440] =	vst v63  }
0x42b: {  	_ =	swait.ge [sflag:s31], $0x400  }
0x42c: {  	[sflag:s31] =	ssyncset.done $0x0  }
0x42d: {  	[sflag:s31] =	ssyncadd.s32 $0xFFFFFC00  }
0x42e: {  	_ =	swait.ge [sflag:s1], $0x400  }
0x42f: {  	[sflag:s1] =	ssyncset.done $0x0  }
0x430: {  	[sflag:s1] =	ssyncadd.s32 $0xFFFFFC00  }
0x431: {  	_ =	swait.ge [sflag:s0], $0x400  }
0x432: {  	[sflag:s0] =	ssyncset.done $0x0  }
0x433: {  	[sflag:s0] =	ssyncadd.s32 $0xFFFFFC00  }
0x434: {  	_ =	swait.ge [sflag:s3], $0x400  }
0x435: {  	[sflag:s3] =	ssyncset.done $0x0  }
0x436: {  	[sflag:s3] =	ssyncadd.s32 $0xFFFFFC00  }
0x437: {  	[bflag:$0x0] =	sbarrier.arrive $0xFFFF  }
0x438: {  	s8 =	sld [smem:$0x7DA]  }
0x439: {  	s19 =	sld [smem:$0x7C4]  }
0x43a: {  	s26 =	sld [smem:$0x7C5];
	_ =	sdelay $0x1  }
0x43b: {  	s28 =	simm.s32 $0x9  }
0x43c: {  	[hbm:s8], [sflag:s19] =	dma.local [spmem:s26], $0x2800  }
0x43d: {  	_ =	swait.ge [sflag:s28], $0x2800  }
0x43e: {  	[sflag:s28] =	ssyncset.done $0x0  }
0x43f: {  	s19 =	simm.s32 $0x1400;
	s29 =	rddreg [dreg:$0x6];
	[sflag:s28] =	ssyncadd.s32 $0xFFFFD800  }
0x440: {  	[spmem:s29] =	stream.linear.scatter [tilespmem:s19], [sflag:$0x9], $0x2000, $0x38;
	[tilespmem:$0x17440] =	vst v63  }
0x441: {  	_ =	swait.ge [sflag:s28], $0x2000  }
0x442: {  	s7 =	sld [smem:$0x7DF]  }
0x443: {  	[sflag:s28] =	ssyncset.done $0x0  }
0x444: {  	[sflag:s28] =	ssyncadd.s32 $0xFFFFE000  }
0x445: {  	[spmem:s7] =	stream.linear.scatter [tilespmem:s19], [sflag:$0x9], $0x2000, $0x38;
	[tilespmem:$0x17440] =	vst v63  }
0x446: {  	_ =	swait.ge [sflag:s28], $0x2000  }
0x447: {  	s20 =	sld [smem:$0x7E0]  }
0x448: {  	[sflag:s28] =	ssyncset.done $0x0  }
0x449: {  	[sflag:s28] =	ssyncadd.s32 $0xFFFFE000  }
0x44a: {  	[spmem:s20] =	stream.linear.scatter [tilespmem:s19], [sflag:$0x9], $0x2000, $0x38;
	[tilespmem:$0x17440] =	vst v63  }
0x44b: {  	_ =	swait.ge [sflag:s28], $0x2000  }
0x44c: {  	s21 =	sld [smem:$0x7E1]  }
0x44d: {  	[sflag:s28] =	ssyncset.done $0x0  }
0x44e: {  	[sflag:s28] =	ssyncadd.s32 $0xFFFFE000  }
0x44f: {  	[spmem:s21] =	stream.linear.scatter [tilespmem:s19], [sflag:$0x9], $0x2000, $0x38;
	[tilespmem:$0x17440] =	vst v63  }
0x450: {  	_ =	swait.ge [sflag:s28], $0x2000  }
0x451: {  	s22 =	sld [smem:$0x7E2]  }
0x452: {  	[sflag:s28] =	ssyncset.done $0x0  }
0x453: {  	[sflag:s28] =	ssyncadd.s32 $0xFFFFE000  }
0x454: {  	[spmem:s22] =	stream.linear.scatter [tilespmem:s19], [sflag:$0x9], $0x2000, $0x38;
	[tilespmem:$0x17440] =	vst v63  }
0x455: {  	_ =	swait.ge [sflag:s28], $0x2000  }
0x456: {  	s23 =	sld [smem:$0x7E3]  }
0x457: {  	[sflag:s28] =	ssyncset.done $0x0  }
0x458: {  	[sflag:s28] =	ssyncadd.s32 $0xFFFFE000  }
0x459: {  	[spmem:s23] =	stream.linear.scatter [tilespmem:s19], [sflag:$0x9], $0x2000, $0x38;
	[tilespmem:$0x17440] =	vst v63  }
0x45a: {  	_ =	swait.ge [sflag:s28], $0x2000  }
0x45b: {  	s24 =	sld [smem:$0x7E4]  }
0x45c: {  	[sflag:s28] =	ssyncset.done $0x0  }
0x45d: {  	[sflag:s28] =	ssyncadd.s32 $0xFFFFE000  }
0x45e: {  	[spmem:s24] =	stream.linear.scatter [tilespmem:s19], [sflag:$0x9], $0x2000, $0x38;
	[tilespmem:$0x17440] =	vst v63  }
0x45f: {  	_ =	swait.ge [sflag:s28], $0x2000  }
0x460: {  	s25 =	sld [smem:$0x7E5]  }
0x461: {  	[sflag:s28] =	ssyncset.done $0x0  }
0x462: {  	[sflag:s28] =	ssyncadd.s32 $0xFFFFE000  }
0x463: {  	[spmem:s25] =	stream.linear.scatter [tilespmem:s19], [sflag:$0x9], $0x2000, $0x38;
	[tilespmem:$0x17440] =	vst v63  }
0x464: {  	_ =	swait.ge [sflag:s28], $0x2000  }
0x465: {  	s26 =	sld [smem:$0x7E6]  }
0x466: {  	[sflag:s28] =	ssyncset.done $0x0  }
0x467: {  	[sflag:s28] =	ssyncadd.s32 $0xFFFFE000  }
0x468: {  	[spmem:s26] =	stream.linear.scatter [tilespmem:s19], [sflag:$0x9], $0x2000, $0x38;
	[tilespmem:$0x17440] =	vst v63  }
0x469: {  	_ =	swait.ge [sflag:s28], $0x2000  }
0x46a: {  	s29 =	sld [smem:$0x7E7]  }
0x46b: {  	[sflag:s28] =	ssyncset.done $0x0  }
0x46c: {  	[sflag:s28] =	ssyncadd.s32 $0xFFFFE000  }
0x46d: {  	[spmem:s29] =	stream.linear.scatter [tilespmem:s19], [sflag:$0x9], $0x2000, $0x38;
	[tilespmem:$0x17440] =	vst v63  }
0x46e: {  	_ =	swait.ge [sflag:s28], $0x2000  }
0x46f: {  	[sflag:s28] =	ssyncset.done $0x0  }
0x470: {  	[sflag:s28] =	ssyncadd.s32 $0xFFFFE000  }
0x471: {  	[bflag:$0x0] =	sbarrier.arrive $0xFFFF  }
0x472: {  	s7 =	rddreg [dreg:$0x14]  }
0x473: {  	s8 =	rddreg [dreg:$0x1c]  }
0x474: {  	[tilespmem:s2], [sflag:$0x1] =	stream.strided.gather [hbm4b:s7+s15], $0x400, s16, s15, $0x38;
	[tilespmem:$0x17440] =	vst v63  }
0x475: {  	s19 =	sld [smem:$0x7CB]  }
0x476: {  	[tilespmem:s16], [sflag:$0x2] =	stream.strided.gather [hbm4b:s8+s15], $0x400, s16, s15, $0x38;
	[tilespmem:$0x17440] =	vst v63  }
0x477: {  	s20 =	sld [smem:$0x7D3]  }
0x478: {  	[tilespmem:s17], [sflag:$0x3] =	stream.strided.gather [hbm4b:s19+s15], $0x400, s16, s15, $0x38;
	[tilespmem:$0x17440] =	vst v63  }
0x479: {  	_ = 	snop  }
0x47a: {  	[tilespmem:s18], [sflag:$0x4] =	stream.strided.gather [hbm4b:s20+s15], $0x400, s16, s15, $0x38;
	[tilespmem:$0x17440] =	vst v63  }
0x47b: {  	_ =	swait.ge [sflag:s10], $0x400  }
0x47c: {  	[sflag:s10] =	ssyncset.done $0x0  }
0x47d: {  	[sflag:s10] =	ssyncadd.s32 $0xFFFFFC00  }
0x47e: {  	[spmem:s4] =	stream.indirect.scatter.add.f32 [tilespmem:s12], [sflag:$0x5], $0x1, s5, s16, $0xb8;
	[tilespmem:$0x17440] =	vst v63  }
0x47f: {  	_ =	swait.ge [sflag:s13], $0x400  }
0x480: {  	[sflag:s13] =	ssyncset.done $0x0  }
0x481: {  	[sflag:s13] =	ssyncadd.s32 $0xFFFFFC00  }
0x482: {  	[spmem:s4] =	stream.indirect.scatter.add.f32 [tilespmem:s12], [sflag:$0x6], $0x1, s16, s16, $0xb8;
	[tilespmem:$0x17440] =	vst v63  }
0x483: {  	_ =	swait.ge [sflag:s14], $0x400  }
0x484: {  	[sflag:s14] =	ssyncset.done $0x0  }
0x485: {  	[sflag:s14] =	ssyncadd.s32 $0xFFFFFC00  }
0x486: {  	[spmem:s4] =	stream.indirect.scatter.add.f32 [tilespmem:s12], [sflag:$0x7], $0x1, s17, s16, $0xb8;
	[tilespmem:$0x17440] =	vst v63  }
0x487: {  	_ =	swait.ge [sflag:s30], $0x400  }
0x488: {  	[sflag:s30] =	ssyncset.done $0x0  }
0x489: {  	[sflag:s30] =	ssyncadd.s32 $0xFFFFFC00  }
0x48a: {  	[spmem:s4] =	stream.indirect.scatter.add.f32 [tilespmem:s12], [sflag:$0x8], $0x1, s18, s16, $0xb8;
	[tilespmem:$0x17440] =	vst v63  }
0x48b: {  	_ =	swait.ge [sflag:s31], $0x400  }
0x48c: {  	s21 =	sld [smem:$0x7C6];
	_ =	sdelay $0x1  }
0x48d: {  	[sflag:s31] =	ssyncset.done $0x0;
	s24 =	rddreg [dreg:$0x10]  }
0x48e: {  	[sflag:s31] =	ssyncadd.s32 $0xFFFFFC00;
	s2 =	sadd.s32 s21, s24  }
0x48f: {  	[tilespmem:s5], [sflag:$0x1] =	stream.strided.gather [hbm4b:s2+s15], $0x400, s16, s15, $0x38;
	[tilespmem:$0x17440] =	vst v63  }
0x490: {  	_ =	swait.ge [sflag:s1], $0x400  }
0x491: {  	s26 =	sld [smem:$0x7F5];
	_ =	sdelay $0x1  }
0x492: {  	[sflag:s1] =	ssyncset.done $0x0  }
0x493: {  	[sflag:s1] =	ssyncadd.s32 $0xFFFFFC00;
	s22 =	sadd.s32 $0x0, s26  }
0x494: {  	[tilespmem:s16], [sflag:$0x2] =	stream.strided.gather [hbm4b:s22+s15], $0x400, s16, s15, $0x38;
	[tilespmem:$0x17440] =	vst v63  }
0x495: {  	_ =	swait.ge [sflag:s0], $0x400  }
0x496: {  	s25 =	sld [smem:$0x7F4];
	_ =	sdelay $0x1  }
0x497: {  	[sflag:s0] =	ssyncset.done $0x0  }
0x498: {  	[sflag:s0] =	ssyncadd.s32 $0xFFFFFC00;
	s23 =	sadd.s32 $0x0, s25  }
0x499: {  	[tilespmem:s17], [sflag:$0x3] =	stream.strided.gather [hbm4b:s23+s15], $0x400, s16, s15, $0x38;
	[tilespmem:$0x17440] =	vst v63  }
0x49a: {  	_ =	swait.ge [sflag:s3], $0x400  }
0x49b: {  	s19 =	sld [smem:$0x7FD]  }
0x49c: {  	s29 =	sld [smem:$0x7DE];
	_ =	sdelay $0x1  }
0x49d: {  	s2 =	simm.s32 $0x1000;
	[sflag:s3] =	ssyncset.done $0x0  }
0x49e: {  	[sflag:s3] =	ssyncadd.s32 $0xFFFFFC00;
	s20 =	sadd.s32 $0x0, s19;
	s8 =	sadd.s32 $0x8000, s29  }
.LBB2_14:
0x49f: {  	[tilespmem:s18], [sflag:$0x4] =	stream.strided.gather [hbm4b:s20+s15], $0x400, s16, s15, $0x38;
	[tilespmem:$0x17440] =	vst v63  }
0x4a0: {  	s20 =	smov.u32 s2  }
0x4a1: {  	p0 =	sne.s32 s2, $0x3000;
	s2 =	sadd.s32 $0x1000, s2;
	_ =	swait.ge [sflag:s10], $0x400  }
0x4a2: {  	[sflag:s10] =	ssyncset.done $0x0  }
0x4a3: {  	[sflag:s10] =	ssyncadd.s32 $0xFFFFFC00  }
0x4a4: {  	[spmem:s4] =	stream.indirect.scatter.add.f32 [tilespmem:s12], [sflag:$0x5], $0x1, s5, s16, $0xb8;
	[tilespmem:$0x17440] =	vst v63  }
0x4a5: {  	_ =	swait.ge [sflag:s13], $0x400  }
0x4a6: {  	[sflag:s13] =	ssyncset.done $0x0  }
0x4a7: {  	[sflag:s13] =	ssyncadd.s32 $0xFFFFFC00  }
0x4a8: {  	[spmem:s4] =	stream.indirect.scatter.add.f32 [tilespmem:s12], [sflag:$0x6], $0x1, s16, s16, $0xb8;
	[tilespmem:$0x17440] =	vst v63  }
0x4a9: {  	_ =	swait.ge [sflag:s14], $0x400  }
0x4aa: {  	[sflag:s14] =	ssyncset.done $0x0  }
0x4ab: {  	[sflag:s14] =	ssyncadd.s32 $0xFFFFFC00  }
0x4ac: {  	[spmem:s4] =	stream.indirect.scatter.add.f32 [tilespmem:s12], [sflag:$0x7], $0x1, s17, s16, $0xb8;
	[tilespmem:$0x17440] =	vst v63  }
0x4ad: {  	_ =	swait.ge [sflag:s30], $0x400  }
0x4ae: {  	[sflag:s30] =	ssyncset.done $0x0  }
0x4af: {  	[sflag:s30] =	ssyncadd.s32 $0xFFFFFC00  }
0x4b0: {  	[spmem:s4] =	stream.indirect.scatter.add.f32 [tilespmem:s12], [sflag:$0x8], $0x1, s18, s16, $0xb8;
	[tilespmem:$0x17440] =	vst v63  }
0x4b1: {  	_ =	swait.ge [sflag:s31], $0x400  }
0x4b2: {  	s21 =	sshrl.u32 s8, $0x3;
	[sflag:s31] =	ssyncset.done $0x0  }
0x4b3: {  	s21 =	sadd.s32 s21, s24;
	[sflag:s31] =	ssyncadd.s32 $0xFFFFFC00  }
0x4b4: {  	[tilespmem:s5], [sflag:$0x1] =	stream.strided.gather [hbm4b:s21+s15], $0x400, s16, s15, $0x38;
	[tilespmem:$0x17440] =	vst v63  }
0x4b5: {  	_ =	swait.ge [sflag:s1], $0x400  }
0x4b6: {  	[sflag:s1] =	ssyncset.done $0x0  }
0x4b7: {  	s21 =	sadd.s32 s20, s26;
	[sflag:s1] =	ssyncadd.s32 $0xFFFFFC00  }
0x4b8: {  	[tilespmem:s16], [sflag:$0x2] =	stream.strided.gather [hbm4b:s21+s15], $0x400, s16, s15, $0x38;
	[tilespmem:$0x17440] =	vst v63  }
0x4b9: {  	_ =	swait.ge [sflag:s0], $0x400  }
0x4ba: {  	[sflag:s0] =	ssyncset.done $0x0  }
.Ltmp6:
0x4bb: {  	s21 =	sadd.s32 s20, s25;
	[sflag:s0] =	ssyncadd.s32 $0xFFFFFC00;
	(pc) =	sbr.rel @p0 .LBB2_14-.Ltmp6, $4  }
0x4bc: {  	[tilespmem:s17], [sflag:$0x3] =	stream.strided.gather [hbm4b:s21+s15], $0x400, s16, s15, $0x38;
	[tilespmem:$0x17440] =	vst v63  }
0x4bd: {  	_ =	swait.ge [sflag:s3], $0x400  }
0x4be: {  	[sflag:s3] =	ssyncset.done $0x0  }
0x4bf: {  	s8 =	sadd.s32 $0x8000, s8;
	s20 =	sadd.s32 s20, s19;
	[sflag:s3] =	ssyncadd.s32 $0xFFFFFC00  }
0x4c0: {  	[tilespmem:s18], [sflag:$0x4] =	stream.strided.gather [hbm4b:s20+s15], $0x400, s16, s15, $0x38;
	[tilespmem:$0x17440] =	vst v63  }
0x4c1: {  	_ =	swait.ge [sflag:s10], $0x400  }
0x4c2: {  	[sflag:s10] =	ssyncset.done $0x0  }
0x4c3: {  	s2 =	simm.s32 $0x0;
	[sflag:s10] =	ssyncadd.s32 $0xFFFFFC00  }
0x4c4: {  	[spmem:s4] =	stream.indirect.scatter.add.f32 [tilespmem:s12], [sflag:$0x5], $0x1, s2, s16, $0xb8;
	[tilespmem:$0x17440] =	vst v63  }
0x4c5: {  	_ =	swait.ge [sflag:s13], $0x400  }
0x4c6: {  	[sflag:s13] =	ssyncset.done $0x0  }
0x4c7: {  	[sflag:s13] =	ssyncadd.s32 $0xFFFFFC00  }
0x4c8: {  	[spmem:s4] =	stream.indirect.scatter.add.f32 [tilespmem:s12], [sflag:$0x6], $0x1, s16, s16, $0xb8;
	[tilespmem:$0x17440] =	vst v63  }
0x4c9: {  	_ =	swait.ge [sflag:s14], $0x400  }
0x4ca: {  	[sflag:s14] =	ssyncset.done $0x0  }
0x4cb: {  	[sflag:s14] =	ssyncadd.s32 $0xFFFFFC00  }
0x4cc: {  	[spmem:s4] =	stream.indirect.scatter.add.f32 [tilespmem:s12], [sflag:$0x7], $0x1, s17, s16, $0xb8;
	[tilespmem:$0x17440] =	vst v63  }
0x4cd: {  	_ =	swait.ge [sflag:s30], $0x400  }
0x4ce: {  	[sflag:s30] =	ssyncset.done $0x0  }
0x4cf: {  	[sflag:s30] =	ssyncadd.s32 $0xFFFFFC00  }
0x4d0: {  	[spmem:s4] =	stream.indirect.scatter.add.f32 [tilespmem:s12], [sflag:$0x8], $0x1, s18, s16, $0xb8;
	[tilespmem:$0x17440] =	vst v63  }
0x4d1: {  	_ =	swait.ge [sflag:s31], $0x400  }
0x4d2: {  	[sflag:s31] =	ssyncset.done $0x0  }
0x4d3: {  	[sflag:s31] =	ssyncadd.s32 $0xFFFFFC00  }
0x4d4: {  	_ =	swait.ge [sflag:s1], $0x400  }
0x4d5: {  	[sflag:s1] =	ssyncset.done $0x0  }
0x4d6: {  	[sflag:s1] =	ssyncadd.s32 $0xFFFFFC00  }
0x4d7: {  	_ =	swait.ge [sflag:s0], $0x400  }
0x4d8: {  	[sflag:s0] =	ssyncset.done $0x0  }
0x4d9: {  	[sflag:s0] =	ssyncadd.s32 $0xFFFFFC00  }
0x4da: {  	_ =	swait.ge [sflag:s3], $0x400  }
0x4db: {  	[sflag:s3] =	ssyncset.done $0x0  }
0x4dc: {  	[sflag:s3] =	ssyncadd.s32 $0xFFFFFC00  }
0x4dd: {  	[bflag:$0x0] =	sbarrier.arrive $0xFFFF  }
0x4de: {  	s8 =	sld [smem:$0x7DB]  }
0x4df: {  	s7 =	sld [smem:$0x7C4]  }
0x4e0: {  	s21 =	sld [smem:$0x7C5];
	_ =	sdelay $0x2  }
0x4e1: {  	[hbm:s8], [sflag:s7] =	dma.local [spmem:s21], $0x2800  }
0x4e2: {  	_ =	swait.ge [sflag:s28], $0x2800  }
0x4e3: {  	[sflag:s28] =	ssyncset.done $0x0  }
0x4e4: {  	s20 =	simm.s32 $0x1400;
	s19 =	rddreg [dreg:$0x6];
	[sflag:s28] =	ssyncadd.s32 $0xFFFFD800  }
0x4e5: {  	[spmem:s19] =	stream.linear.scatter [tilespmem:s20], [sflag:$0x9], $0x2000, $0x38;
	[tilespmem:$0x17440] =	vst v63  }
0x4e6: {  	_ =	swait.ge [sflag:s28], $0x2000  }
0x4e7: {  	s21 =	sld [smem:$0x7DF]  }
0x4e8: {  	[sflag:s28] =	ssyncset.done $0x0  }
0x4e9: {  	[sflag:s28] =	ssyncadd.s32 $0xFFFFE000  }
0x4ea: {  	[spmem:s21] =	stream.linear.scatter [tilespmem:s20], [sflag:$0x9], $0x2000, $0x38;
	[tilespmem:$0x17440] =	vst v63  }
0x4eb: {  	_ =	swait.ge [sflag:s28], $0x2000  }
0x4ec: {  	s22 =	sld [smem:$0x7E0]  }
0x4ed: {  	[sflag:s28] =	ssyncset.done $0x0  }
0x4ee: {  	[sflag:s28] =	ssyncadd.s32 $0xFFFFE000  }
0x4ef: {  	[spmem:s22] =	stream.linear.scatter [tilespmem:s20], [sflag:$0x9], $0x2000, $0x38;
	[tilespmem:$0x17440] =	vst v63  }
0x4f0: {  	_ =	swait.ge [sflag:s28], $0x2000  }
0x4f1: {  	s23 =	sld [smem:$0x7E1]  }
0x4f2: {  	[sflag:s28] =	ssyncset.done $0x0  }
0x4f3: {  	[sflag:s28] =	ssyncadd.s32 $0xFFFFE000  }
0x4f4: {  	[spmem:s23] =	stream.linear.scatter [tilespmem:s20], [sflag:$0x9], $0x2000, $0x38;
	[tilespmem:$0x17440] =	vst v63  }
0x4f5: {  	_ =	swait.ge [sflag:s28], $0x2000  }
0x4f6: {  	s24 =	sld [smem:$0x7E2]  }
0x4f7: {  	[sflag:s28] =	ssyncset.done $0x0  }
0x4f8: {  	[sflag:s28] =	ssyncadd.s32 $0xFFFFE000  }
0x4f9: {  	[spmem:s24] =	stream.linear.scatter [tilespmem:s20], [sflag:$0x9], $0x2000, $0x38;
	[tilespmem:$0x17440] =	vst v63  }
0x4fa: {  	_ =	swait.ge [sflag:s28], $0x2000  }
0x4fb: {  	s25 =	sld [smem:$0x7E3]  }
0x4fc: {  	[sflag:s28] =	ssyncset.done $0x0  }
0x4fd: {  	[sflag:s28] =	ssyncadd.s32 $0xFFFFE000  }
0x4fe: {  	[spmem:s25] =	stream.linear.scatter [tilespmem:s20], [sflag:$0x9], $0x2000, $0x38;
	[tilespmem:$0x17440] =	vst v63  }
0x4ff: {  	_ =	swait.ge [sflag:s28], $0x2000  }
0x500: {  	s26 =	sld [smem:$0x7E4]  }
0x501: {  	[sflag:s28] =	ssyncset.done $0x0  }
0x502: {  	[sflag:s28] =	ssyncadd.s32 $0xFFFFE000  }
0x503: {  	[spmem:s26] =	stream.linear.scatter [tilespmem:s20], [sflag:$0x9], $0x2000, $0x38;
	[tilespmem:$0x17440] =	vst v63  }
0x504: {  	_ =	swait.ge [sflag:s28], $0x2000  }
0x505: {  	s29 =	sld [smem:$0x7E5]  }
0x506: {  	[sflag:s28] =	ssyncset.done $0x0  }
0x507: {  	[sflag:s28] =	ssyncadd.s32 $0xFFFFE000  }
0x508: {  	[spmem:s29] =	stream.linear.scatter [tilespmem:s20], [sflag:$0x9], $0x2000, $0x38;
	[tilespmem:$0x17440] =	vst v63  }
0x509: {  	_ =	swait.ge [sflag:s28], $0x2000  }
0x50a: {  	s7 =	sld [smem:$0x7E6]  }
0x50b: {  	[sflag:s28] =	ssyncset.done $0x0  }
0x50c: {  	[sflag:s28] =	ssyncadd.s32 $0xFFFFE000  }
0x50d: {  	[spmem:s7] =	stream.linear.scatter [tilespmem:s20], [sflag:$0x9], $0x2000, $0x38;
	[tilespmem:$0x17440] =	vst v63  }
0x50e: {  	_ =	swait.ge [sflag:s28], $0x2000  }
0x50f: {  	s19 =	sld [smem:$0x7E7]  }
0x510: {  	[sflag:s28] =	ssyncset.done $0x0  }
0x511: {  	[sflag:s28] =	ssyncadd.s32 $0xFFFFE000  }
0x512: {  	[spmem:s19] =	stream.linear.scatter [tilespmem:s20], [sflag:$0x9], $0x2000, $0x38;
	[tilespmem:$0x17440] =	vst v63  }
0x513: {  	_ =	swait.ge [sflag:s28], $0x2000  }
0x514: {  	[sflag:s28] =	ssyncset.done $0x0  }
0x515: {  	[sflag:s28] =	ssyncadd.s32 $0xFFFFE000  }
0x516: {  	[bflag:$0x0] =	sbarrier.arrive $0xFFFF  }
0x517: {  	s20 =	rddreg [dreg:$0x15]  }
0x518: {  	s21 =	rddreg [dreg:$0x1d]  }
0x519: {  	[tilespmem:s2], [sflag:$0x1] =	stream.strided.gather [hbm4b:s20+s15], $0x400, s16, s15, $0x38;
	[tilespmem:$0x17440] =	vst v63  }
0x51a: {  	s22 =	sld [smem:$0x7CC]  }
0x51b: {  	[tilespmem:s16], [sflag:$0x2] =	stream.strided.gather [hbm4b:s21+s15], $0x400, s16, s15, $0x38;
	[tilespmem:$0x17440] =	vst v63  }
0x51c: {  	s23 =	sld [smem:$0x7D4]  }
0x51d: {  	[tilespmem:s17], [sflag:$0x3] =	stream.strided.gather [hbm4b:s22+s15], $0x400, s16, s15, $0x38;
	[tilespmem:$0x17440] =	vst v63  }
0x51e: {  	_ = 	snop  }
0x51f: {  	[tilespmem:s18], [sflag:$0x4] =	stream.strided.gather [hbm4b:s23+s15], $0x400, s16, s15, $0x38;
	[tilespmem:$0x17440] =	vst v63  }
0x520: {  	_ =	swait.ge [sflag:s10], $0x400  }
0x521: {  	[sflag:s10] =	ssyncset.done $0x0  }
0x522: {  	[sflag:s10] =	ssyncadd.s32 $0xFFFFFC00  }
0x523: {  	[spmem:s4] =	stream.indirect.scatter.add.f32 [tilespmem:s12], [sflag:$0x5], $0x1, s5, s16, $0xb8;
	[tilespmem:$0x17440] =	vst v63  }
0x524: {  	_ =	swait.ge [sflag:s13], $0x400  }
0x525: {  	[sflag:s13] =	ssyncset.done $0x0  }
0x526: {  	[sflag:s13] =	ssyncadd.s32 $0xFFFFFC00  }
0x527: {  	[spmem:s4] =	stream.indirect.scatter.add.f32 [tilespmem:s12], [sflag:$0x6], $0x1, s16, s16, $0xb8;
	[tilespmem:$0x17440] =	vst v63  }
0x528: {  	_ =	swait.ge [sflag:s14], $0x400  }
0x529: {  	[sflag:s14] =	ssyncset.done $0x0  }
0x52a: {  	[sflag:s14] =	ssyncadd.s32 $0xFFFFFC00  }
0x52b: {  	[spmem:s4] =	stream.indirect.scatter.add.f32 [tilespmem:s12], [sflag:$0x7], $0x1, s17, s16, $0xb8;
	[tilespmem:$0x17440] =	vst v63  }
0x52c: {  	_ =	swait.ge [sflag:s30], $0x400  }
0x52d: {  	[sflag:s30] =	ssyncset.done $0x0  }
0x52e: {  	[sflag:s30] =	ssyncadd.s32 $0xFFFFFC00  }
0x52f: {  	[spmem:s4] =	stream.indirect.scatter.add.f32 [tilespmem:s12], [sflag:$0x8], $0x1, s18, s16, $0xb8;
	[tilespmem:$0x17440] =	vst v63  }
0x530: {  	_ =	swait.ge [sflag:s31], $0x400  }
0x531: {  	s24 =	sld [smem:$0x7C6];
	_ =	sdelay $0x1  }
0x532: {  	[sflag:s31] =	ssyncset.done $0x0;
	s25 =	rddreg [dreg:$0x11]  }
0x533: {  	[sflag:s31] =	ssyncadd.s32 $0xFFFFFC00;
	s2 =	sadd.s32 s24, s25  }
0x534: {  	[tilespmem:s5], [sflag:$0x1] =	stream.strided.gather [hbm4b:s2+s15], $0x400, s16, s15, $0x38;
	[tilespmem:$0x17440] =	vst v63  }
0x535: {  	_ =	swait.ge [sflag:s1], $0x400  }
0x536: {  	[sflag:s1] =	ssyncset.done $0x0  }
0x537: {  	s26 =	sadd.s32 $0x0, s11;
	[sflag:s1] =	ssyncadd.s32 $0xFFFFFC00  }
0x538: {  	[tilespmem:s16], [sflag:$0x2] =	stream.strided.gather [hbm4b:s26+s15], $0x400, s16, s15, $0x38;
	[tilespmem:$0x17440] =	vst v63  }
0x539: {  	_ =	swait.ge [sflag:s0], $0x400  }
0x53a: {  	[sflag:s0] =	ssyncset.done $0x0  }
0x53b: {  	s28 =	sadd.s32 $0x0, s9;
	[sflag:s0] =	ssyncadd.s32 $0xFFFFFC00  }
0x53c: {  	[tilespmem:s17], [sflag:$0x3] =	stream.strided.gather [hbm4b:s28+s15], $0x400, s16, s15, $0x38;
	[tilespmem:$0x17440] =	vst v63  }
0x53d: {  	_ =	swait.ge [sflag:s3], $0x400  }
0x53e: {  	s29 =	sld [smem:$0x7DE];
	_ =	sdelay $0x1  }
0x53f: {  	s20 =	sadd.s32 $0x0, s6;
	[sflag:s3] =	ssyncset.done $0x0  }
0x540: {  	s2 =	simm.s32 $0x1000;
	[sflag:s3] =	ssyncadd.s32 $0xFFFFFC00;
	s8 =	sadd.s32 $0x8000, s29  }
.LBB2_16:
0x541: {  	[tilespmem:s18], [sflag:$0x4] =	stream.strided.gather [hbm4b:s20+s15], $0x400, s16, s15, $0x38;
	[tilespmem:$0x17440] =	vst v63  }
0x542: {  	s20 =	smov.u32 s2  }
0x543: {  	p0 =	sne.s32 s2, $0x3000;
	s2 =	sadd.s32 $0x1000, s2;
	_ =	swait.ge [sflag:s10], $0x400  }
0x544: {  	[sflag:s10] =	ssyncset.done $0x0  }
0x545: {  	[sflag:s10] =	ssyncadd.s32 $0xFFFFFC00  }
0x546: {  	[spmem:s4] =	stream.indirect.scatter.add.f32 [tilespmem:s12], [sflag:$0x5], $0x1, s5, s16, $0xb8;
	[tilespmem:$0x17440] =	vst v63  }
0x547: {  	_ =	swait.ge [sflag:s13], $0x400  }
0x548: {  	[sflag:s13] =	ssyncset.done $0x0  }
0x549: {  	[sflag:s13] =	ssyncadd.s32 $0xFFFFFC00  }
0x54a: {  	[spmem:s4] =	stream.indirect.scatter.add.f32 [tilespmem:s12], [sflag:$0x6], $0x1, s16, s16, $0xb8;
	[tilespmem:$0x17440] =	vst v63  }
0x54b: {  	_ =	swait.ge [sflag:s14], $0x400  }
0x54c: {  	[sflag:s14] =	ssyncset.done $0x0  }
0x54d: {  	[sflag:s14] =	ssyncadd.s32 $0xFFFFFC00  }
0x54e: {  	[spmem:s4] =	stream.indirect.scatter.add.f32 [tilespmem:s12], [sflag:$0x7], $0x1, s17, s16, $0xb8;
	[tilespmem:$0x17440] =	vst v63  }
0x54f: {  	_ =	swait.ge [sflag:s30], $0x400  }
0x550: {  	[sflag:s30] =	ssyncset.done $0x0  }
0x551: {  	[sflag:s30] =	ssyncadd.s32 $0xFFFFFC00  }
0x552: {  	[spmem:s4] =	stream.indirect.scatter.add.f32 [tilespmem:s12], [sflag:$0x8], $0x1, s18, s16, $0xb8;
	[tilespmem:$0x17440] =	vst v63  }
0x553: {  	_ =	swait.ge [sflag:s31], $0x400  }
0x554: {  	s21 =	sshrl.u32 s8, $0x3;
	[sflag:s31] =	ssyncset.done $0x0  }
0x555: {  	s21 =	sadd.s32 s21, s25;
	[sflag:s31] =	ssyncadd.s32 $0xFFFFFC00  }
0x556: {  	[tilespmem:s5], [sflag:$0x1] =	stream.strided.gather [hbm4b:s21+s15], $0x400, s16, s15, $0x38;
	[tilespmem:$0x17440] =	vst v63  }
0x557: {  	_ =	swait.ge [sflag:s1], $0x400  }
0x558: {  	[sflag:s1] =	ssyncset.done $0x0  }
0x559: {  	s21 =	sadd.s32 s20, s11;
	[sflag:s1] =	ssyncadd.s32 $0xFFFFFC00  }
0x55a: {  	[tilespmem:s16], [sflag:$0x2] =	stream.strided.gather [hbm4b:s21+s15], $0x400, s16, s15, $0x38;
	[tilespmem:$0x17440] =	vst v63  }
0x55b: {  	_ =	swait.ge [sflag:s0], $0x400  }
0x55c: {  	[sflag:s0] =	ssyncset.done $0x0  }
.Ltmp7:
0x55d: {  	s21 =	sadd.s32 s20, s9;
	[sflag:s0] =	ssyncadd.s32 $0xFFFFFC00;
	(pc) =	sbr.rel @p0 .LBB2_16-.Ltmp7, $4  }
0x55e: {  	[tilespmem:s17], [sflag:$0x3] =	stream.strided.gather [hbm4b:s21+s15], $0x400, s16, s15, $0x38;
	[tilespmem:$0x17440] =	vst v63  }
0x55f: {  	_ =	swait.ge [sflag:s3], $0x400  }
0x560: {  	[sflag:s3] =	ssyncset.done $0x0  }
0x561: {  	s8 =	sadd.s32 $0x8000, s8;
	s20 =	sadd.s32 s20, s6;
	[sflag:s3] =	ssyncadd.s32 $0xFFFFFC00  }
0x562: {  	[tilespmem:s18], [sflag:$0x4] =	stream.strided.gather [hbm4b:s20+s15], $0x400, s16, s15, $0x38;
	[tilespmem:$0x17440] =	vst v63  }
0x563: {  	_ =	swait.ge [sflag:s10], $0x400  }
0x564: {  	[sflag:s10] =	ssyncset.done $0x0  }
0x565: {  	[sflag:s10] =	ssyncadd.s32 $0xFFFFFC00  }
0x566: {  	[spmem:s4] =	stream.indirect.scatter.add.f32 [tilespmem:s12], [sflag:$0x5], $0x1, s5, s16, $0xb8;
	[tilespmem:$0x17440] =	vst v63  }
0x567: {  	_ =	swait.ge [sflag:s13], $0x400  }
0x568: {  	[sflag:s13] =	ssyncset.done $0x0  }
0x569: {  	[sflag:s13] =	ssyncadd.s32 $0xFFFFFC00  }
0x56a: {  	[spmem:s4] =	stream.indirect.scatter.add.f32 [tilespmem:s12], [sflag:$0x6], $0x1, s16, s16, $0xb8;
	[tilespmem:$0x17440] =	vst v63  }
0x56b: {  	_ =	swait.ge [sflag:s14], $0x400  }
0x56c: {  	[sflag:s14] =	ssyncset.done $0x0  }
0x56d: {  	[sflag:s14] =	ssyncadd.s32 $0xFFFFFC00  }
0x56e: {  	[spmem:s4] =	stream.indirect.scatter.add.f32 [tilespmem:s12], [sflag:$0x7], $0x1, s17, s16, $0xb8;
	[tilespmem:$0x17440] =	vst v63  }
0x56f: {  	_ =	swait.ge [sflag:s30], $0x400  }
0x570: {  	[sflag:s30] =	ssyncset.done $0x0  }
0x571: {  	[sflag:s30] =	ssyncadd.s32 $0xFFFFFC00  }
0x572: {  	[spmem:s4] =	stream.indirect.scatter.add.f32 [tilespmem:s12], [sflag:$0x8], $0x1, s18, s16, $0xb8;
	[tilespmem:$0x17440] =	vst v63  }
0x573: {  	_ =	swait.ge [sflag:s31], $0x400  }
0x574: {  	[sflag:s31] =	ssyncset.done $0x0  }
0x575: {  	[sflag:s31] =	ssyncadd.s32 $0xFFFFFC00  }
0x576: {  	_ =	swait.ge [sflag:s1], $0x400  }
0x577: {  	[sflag:s1] =	ssyncset.done $0x0  }
0x578: {  	[sflag:s1] =	ssyncadd.s32 $0xFFFFFC00  }
0x579: {  	_ =	swait.ge [sflag:s0], $0x400  }
0x57a: {  	[sflag:s0] =	ssyncset.done $0x0  }
0x57b: {  	[sflag:s0] =	ssyncadd.s32 $0xFFFFFC00  }
0x57c: {  	_ =	swait.ge [sflag:s3], $0x400  }
0x57d: {  	[sflag:s3] =	ssyncset.done $0x0  }
0x57e: {  	[sflag:s3] =	ssyncadd.s32 $0xFFFFFC00  }
0x57f: {  	[bflag:$0x0] =	sbarrier.arrive $0xFFFF  }
0x580: {  	s2 =	sld [smem:$0x7DC]  }
0x581: {  	s8 =	sld [smem:$0x7C4]  }
0x582: {  	s26 =	sld [smem:$0x7C5];
	_ =	sdelay $0x2  }
0x583: {  	[hbm:s2], [sflag:s8] =	dma.local [spmem:s26], $0x2800  }
0x584: {  	s26 =	simm.s32 $0x9  }
0x585: {  	_ =	swait.ge [sflag:s26], $0x2800  }
0x586: {  	s28 =	sld [smem:$0x7F6]  }
0x587: {  	s29 =	sld [smem:$0x7DD];
	_ =	sdelay $0x1  }
0x588: {  	s8 =	sadd.s32 $0x1, s28  }
0x589: {  	p0 =	sne.s32 s8, s29  }
.Ltmp8:
0x58a: {  	s20 =	rddreg [dreg:$0x5];
	(pc) =	sbr.rel @p0 .LBB2_1-.Ltmp8, $4  }
0x58b: {  	s25 =	sld [smem:$0x7F7]  }
0x58c: {  	s21 =	sld [smem:$0x7F9]  }
0x58d: {  	[sflag:s26] =	ssyncset.done $0x0;
	[smem:$0x7F6] =	sst s8  }
0x58e: {  	[sflag:s26] =	ssyncadd.s32 $0xFFFFD800;
	s8 =	sld [smem:$0x7F8]  }
0x58f: {  	_ =	sfence.sel $0x180000  }
0x590: {  	[bflag:$0x0] =	sbarrier.arrive $0xFFFF  }
0x591: {  	_ =	strace $0x90000047  }
0x592: {  	s0 =	stileid.u32;
	[bflag:$0x2] =	sbarrier.arrive $0xFFFF  }
0x593: {  	p0 =	sne.s32 s0, $0x0;
	s0 =	rddreg [dreg:$0x4]  }
0x594: {  	s0 =	sadd.s32 @!p0 $0x100000, s0  }
0x595: {  	[sflag:s0] =	ssyncadd.tile.s32 @!p0 $0x1;
	_ =	shalt  }
.Lfunc_end2:
_tile_overlayer_lowered:
.L_overlay_start_2:
0x596: {  	(tag) =	ssettag $0x2  }
0x597: {  	s0 =	rddreg [dreg:$0x0];
	s2 =	stileid.u32  }
0x598: {  	s1 =	rddreg [dreg:$0x1];
	p0 =	sne.s32 s2, $0x0  }
0x599: {  	s3 =	rddreg [dreg:$0x2];
	[bflag:$0x3] =	sbarrier.arrive $0xFFFF;
	s2 =	simm.s32 @!p0 $0x1C09  }
0x59a: {  	[timem:s3], [sflag:s2] =	dma.local @!p0 [hbm:s0], s1  }
0x59b: {  	s0 =	simm.s32 @!p0 $0x9  }
0x59c: {  	_ =	swait.ge @!p0 [sflag:s0], s1  }
0x59d: {  	s1 =	ssub.s32 @!p0 $0x0, s1;
	[sflag:s0] =	ssyncset.done @!p0 $0x0  }
0x59e: {  	[sflag:s0] =	ssyncadd.s32 @!p0 s1  }
0x59f: {  	[bflag:$0x3] =	sbarrier.arrive $0xFFFF  }
0x5a0: {  	_ =	shalt  }

</sc_bundles>
